<compile_context>
chip_gen: v7x
topology: tpu7x:2x2x1
jax: 0.10.2.dev20260603
libtpu: 0.0.44.dev20260713+nightly
codegen_flags: <defaults>
</compile_context>

<pallas_src>
import functools

import jax
import jax.numpy as jnp
from jax import lax
from jax.experimental import pallas as pl
from jax.experimental.pallas import tpu as pltpu
from jax.experimental.pallas import tpu_sc as plsc

B = 16384
D = 32
NC = 2
NS = 16
NW = NC * NS
BPW = B // NW
NIDX = BPW // 128
RING = 12
LOOK = 10


def _permute16(x, idx):
    dnums = lax.GatherDimensionNumbers(
        offset_dims=(), collapsed_slice_dims=(0,), start_index_map=(0,))
    return lax.gather(x, idx[:, None], dnums, (1,),
                      mode=lax.GatherScatterMode.PROMISE_IN_BOUNDS)


def _sc_body(uid_hbm, iid_hbm, pos_hbm, users_hbm, items_hbm, ub_hbm, ib_hbm,
             out_hbm, uid_v, iid_v, pos_v, ubuf, vbuf, ub_r, ib_r, out_v,
             usem, vsem, bsem):
    wid = lax.axis_index("s") * NC + lax.axis_index("c")

    pltpu.sync_copy(uid_hbm.at[pl.ds(wid * NIDX, NIDX)], uid_v)
    pltpu.sync_copy(iid_hbm.at[pl.ds(wid * NIDX, NIDX)], iid_v)
    pltpu.sync_copy(pos_hbm.at[pl.ds(wid * NIDX, NIDX)], pos_v)

    bias_copies = []
    for j in range(NIDX):
        dst = pl.ds(j * 128, 128)
        bias_copies.append(pltpu.async_copy(
            ub_hbm.at[uid_v.at[j]], ub_r.at[dst], bsem))
        bias_copies.append(pltpu.async_copy(
            ib_hbm.at[iid_v.at[j]], ib_r.at[dst], bsem))

    lane = lax.broadcasted_iota(jnp.int32, (16,), 0)

    def idx_scalar(vec_ref, i):
        v16 = vec_ref[i >> 7, pl.ds(((i >> 4) & 7) * 16, 16)]
        return _permute16(v16, jnp.full((16,), i & 15, jnp.int32))[0]

    def enqueue(i, pcol, nf):
        u_s = idx_scalar(uid_v, i)
        i_s = idx_scalar(iid_v, i)
        ucol = u_s >> 7
        new = ucol != pcol

        @pl.when(new)
        def _():
            off = pl.multiple_of(ucol * 128, 128)
            pltpu.async_copy(users_hbm.at[:, pl.ds(off, 128)],
                             ubuf.at[lax.rem(nf, RING)], usem)

        icol = pl.multiple_of((i_s >> 7) * 128, 128)
        pltpu.async_copy(items_hbm.at[:, pl.ds(icol, 128)],
                         vbuf.at[lax.rem(i, RING)], vsem)
        return ucol, nf + jnp.where(new, 1, 0).astype(jnp.int32)

    def compute(i, acc, pcol, nf):
        u_s = idx_scalar(uid_v, i)
        i_s = idx_scalar(iid_v, i)
        ucol = u_s >> 7
        new = ucol != pcol

        @pl.when(new)
        def _():
            pltpu.make_async_copy(users_hbm.at[:, pl.ds(0, 128)],
                                  ubuf.at[0], usem).wait()

        nf = nf + jnp.where(new, 1, 0).astype(jnp.int32)
        uslot = lax.rem(nf - 1, RING)
        vslot = lax.rem(i, RING)
        pltpu.make_async_copy(items_hbm.at[:, pl.ds(0, 128)],
                              vbuf.at[0], vsem).wait()
        ul = jnp.full((16,), u_s & 127, jnp.int32)
        il = jnp.full((16,), i_s & 127, jnp.int32)
        usl = jnp.full((16,), uslot, jnp.int32)
        vsl = jnp.full((16,), vslot, jnp.int32)
        u0 = plsc.load_gather(ubuf, [usl, lane, ul])
        u1 = plsc.load_gather(ubuf, [usl, lane + 16, ul])
        v0 = plsc.load_gather(vbuf, [vsl, lane, il])
        v1 = plsc.load_gather(vbuf, [vsl, lane + 16, il])
        s = u0 * v0 + u1 * v1
        for sh in (8, 4, 2, 1):
            s = s + _permute16(s, lane ^ sh)
        r = i & 15
        acc = acc + jnp.where(lane == r, s, 0.0)
        @pl.when(r == 15)
        def _():
            out_v[pl.ds((i >> 4) * 16, 16)] = acc
        return jnp.where(r == 15, 0.0, acc), ucol, nf

    pcol_e = jnp.int32(-1)
    nf_e = jnp.int32(0)
    for i in range(LOOK):
        pcol_e, nf_e = enqueue(jnp.int32(i), pcol_e, nf_e)

    def step(i, carry):
        acc, pcol_e, nf_e, pcol_c, nf_c = carry
        pcol_e, nf_e = enqueue(i + LOOK, pcol_e, nf_e)
        acc, pcol_c, nf_c = compute(i, acc, pcol_c, nf_c)
        return acc, pcol_e, nf_e, pcol_c, nf_c

    carry = (jnp.zeros((16,), jnp.float32), pcol_e, nf_e,
             jnp.int32(-1), jnp.int32(0))
    carry = lax.fori_loop(0, BPW - LOOK, step, carry)
    acc, _, _, pcol_c, nf_c = carry
    for t in range(BPW - LOOK, BPW):
        acc, pcol_c, nf_c = compute(jnp.int32(t), acc, pcol_c, nf_c)

    for cpy in bias_copies:
        cpy.wait()

    def finish(c, _):
        s16 = pl.ds(c * 16, 16)
        x = out_v[s16] + ub_r[s16] + ib_r[s16]
        out_v[s16] = 1.0 / (1.0 + jnp.exp(-x))
        return 0

    lax.fori_loop(0, BPW // 16, finish, 0)

    scat = []
    for j in range(NIDX):
        scat.append(pltpu.async_copy(
            out_v.at[pl.ds(j * 128, 128)], out_hbm.at[pos_v.at[j]], bsem))
    for cpy in scat:
        cpy.wait()


@jax.jit
def _mf_sc(uid2d, iid2d, pos2d, users_t, items_t, ub_w, ib_w):
    mesh = plsc.VectorSubcoreMesh(core_axis_name="c", subcore_axis_name="s")
    run = functools.partial(
        pl.kernel,
        mesh=mesh,
        compiler_params=pltpu.CompilerParams(
            needs_layout_passes=False, use_tc_tiling_on_sc=True),
        out_type=jax.ShapeDtypeStruct((B,), jnp.float32),
        scratch_types=[
            pltpu.VMEM((NIDX, 128), jnp.int32),
            pltpu.VMEM((NIDX, 128), jnp.int32),
            pltpu.VMEM((NIDX, 128), jnp.int32),
            pltpu.VMEM((RING, D, 128), jnp.float32),
            pltpu.VMEM((RING, D, 128), jnp.float32),
            pltpu.VMEM((BPW,), jnp.float32),
            pltpu.VMEM((BPW,), jnp.float32),
            pltpu.VMEM((BPW,), jnp.float32),
            pltpu.SemaphoreType.DMA,
            pltpu.SemaphoreType.DMA,
            pltpu.SemaphoreType.DMA,
        ],
    )(_sc_body)
    return run(uid2d, iid2d, pos2d, users_t, items_t, ub_w, ib_w)


def kernel(user_id, item_id, users_w, items_w, ub_w, ib_w):
    uid = user_id.astype(jnp.int32)
    iid = item_id.astype(jnp.int32)
    p = jnp.argsort(uid).astype(jnp.int32)
    uid2d = uid[p].reshape(B // 128, 128)
    iid2d = iid[p].reshape(B // 128, 128)
    pos2d = p.reshape(B // 128, 128)
    return _mf_sc(uid2d, iid2d, pos2d, users_w.T, items_w.T,
                  ub_w.reshape(-1), ib_w.reshape(-1))

# --- scband reference (transcript-rebuilt; emitter-appended) ---
"""Pipeline reference for scband-mfextended-40492951666695 (READ-ONLY COPY).

The authoritative reference and input builder live on the scoring server;
editing this copy changes nothing except your own understanding.
"""

import jax, jax.numpy as jnp
import numpy as np

B = 16384
U = 1000000
I = 1000000
D = 32

def setup_inputs(seed: int = 0) -> dict:
    key = jax.random.key(seed)
    k1, k2, k3, k4, k5, k6 = jax.random.split(key, 6)
    return {
        "user_id": jax.random.randint(k1, (B,), 0, U, dtype=jnp.int64) if jax.config.jax_enable_x64 else jax.random.randint(k1, (B,), 0, U).astype(jnp.int32),
        "item_id": jax.random.randint(k2, (B,), 0, I, dtype=jnp.int64) if jax.config.jax_enable_x64 else jax.random.randint(k2, (B,), 0, I).astype(jnp.int32),
        "users_w": jax.random.normal(k3, (U, D), dtype=jnp.float32) * 0.01,
        "items_w": jax.random.normal(k4, (I, D), dtype=jnp.float32) * 0.01,
        "ub_w": jax.random.normal(k5, (U, 1), dtype=jnp.float32) * 0.01,
        "ib_w": jax.random.normal(k6, (I, 1), dtype=jnp.float32) * 0.01,
    }

def reference(user_id, item_id, users_w, items_w, ub_w, ib_w):
    # pred = ub(user_id) + ib(item_id)  -> [B, 1]
    pred = jnp.take(ub_w, user_id, axis=0) + jnp.take(ib_w, item_id, axis=0)
    # pred += (users(user_id) * items(item_id)).sum(1, keepdim=True)
    u = jnp.take(users_w, user_id, axis=0)
    v = jnp.take(items_w, item_id, axis=0)
    pred = pred + jnp.sum(u * v, axis=1, keepdims=True)
    # sigmoid(pred.squeeze())
    return jax.nn.sigmoid(jnp.squeeze(pred, axis=1))

if __name__ == "__main__":
    import jax
    _d = setup_inputs()
    print(jax.jit(kernel)(*tuple(_d.values())))

</pallas_src>

<mosaic_0001>
#map = affine_map<(d0, d1) -> (0, 0)>
#map1 = affine_map<(d0, d1) -> (0)>
module attributes {stable_mosaic.version = 14 : i64} {
  func.func @_sc_body(%arg0: i32, %arg1: i32, %arg2: memref<128x128xi32, #tpu.memory_space<hbm>>, %arg3: memref<128x128xi32, #tpu.memory_space<hbm>>, %arg4: memref<128x128xi32, #tpu.memory_space<hbm>>, %arg5: memref<32x1000000xf32, #tpu.memory_space<hbm>>, %arg6: memref<32x1000000xf32, #tpu.memory_space<hbm>>, %arg7: memref<1000000xf32, #tpu.memory_space<hbm>>, %arg8: memref<1000000xf32, #tpu.memory_space<hbm>>, %arg9: memref<16384xf32, #tpu.memory_space<hbm>>, %arg10: memref<4x128xi32, #tpu.memory_space<vmem>>, %arg11: memref<4x128xi32, #tpu.memory_space<vmem>>, %arg12: memref<4x128xi32, #tpu.memory_space<vmem>>, %arg13: memref<12x32x128xf32, #tpu.memory_space<vmem>>, %arg14: memref<12x32x128xf32, #tpu.memory_space<vmem>>, %arg15: memref<512xf32, #tpu.memory_space<vmem>>, %arg16: memref<512xf32, #tpu.memory_space<vmem>>, %arg17: memref<512xf32, #tpu.memory_space<vmem>>, %arg18: memref<!tpu.dma_semaphore, #tpu.memory_space<semaphore_mem>>, %arg19: memref<!tpu.dma_semaphore, #tpu.memory_space<semaphore_mem>>, %arg20: memref<!tpu.dma_semaphore, #tpu.memory_space<semaphore_mem>>) attributes {dimension_semantics = [#tpu.dimension_semantics<core_parallel>, #tpu.dimension_semantics<subcore_parallel>], iteration_bounds = array<i64: 2, 16>, scalar_prefetch = 0 : i64, scratch_operands = 11 : i64, tpu.core_type = #tpu.core_type<sc_vector_subcore>, window_params = [{transform_indices = #map}, {transform_indices = #map}, {transform_indices = #map}, {transform_indices = #map}, {transform_indices = #map}, {transform_indices = #map1}, {transform_indices = #map1}, {transform_indices = #map1}]} {
    %mul3A = arith.constant 2 : i32
    %mul3A_0 = arith.muli %arg1, %mul3A : i32
    %add3A = arith.addi %mul3A_0, %arg0 : i32
    %mul3A_1 = arith.constant 4 : i32
    %mul3A_2 = arith.muli %add3A, %mul3A_1 : i32
    "tpu.region"() ({
      %run_scoped3A = tpu.sem_alloc : memref<!tpu.dma_semaphore, #tpu.memory_space<semaphore_mem>>
      %dma_start3A_2389 = arith.constant 0 : i32
      %dma_start3A_2390 = tpu.memref_slice %arg2[%mul3A_2, %dma_start3A_2389] : memref<128x128xi32, #tpu.memory_space<hbm>> -> memref<4x128xi32, #tpu.memory_space<hbm>>
      %dma_start3A_2391 = arith.constant 0 : i32
      %dma_start3A_2392 = tpu.memref_slice %arg2[%mul3A_2, %dma_start3A_2391] : memref<128x128xi32, #tpu.memory_space<hbm>> -> memref<4x128xi32, #tpu.memory_space<hbm>>
      tpu.enqueue_dma source(%dma_start3A_2392 : memref<4x128xi32, #tpu.memory_space<hbm>>) target(%arg10 : memref<4x128xi32, #tpu.memory_space<vmem>>) target_semaphore(%run_scoped3A : memref<!tpu.dma_semaphore, #tpu.memory_space<semaphore_mem>>)
      %dma_wait3A_2393 = arith.constant 0 : i32
      %dma_wait3A_2394 = tpu.memref_slice %arg2[%mul3A_2, %dma_wait3A_2393] : memref<128x128xi32, #tpu.memory_space<hbm>> -> memref<4x128xi32, #tpu.memory_space<hbm>>
      %dma_wait3A_2395 = arith.constant 0 : i32
      %dma_wait3A_2396 = tpu.memref_slice %arg2[%mul3A_2, %dma_wait3A_2395] : memref<128x128xi32, #tpu.memory_space<hbm>> -> memref<4x128xi32, #tpu.memory_space<hbm>>
      tpu.wait_dma2 semaphore(%run_scoped3A : memref<!tpu.dma_semaphore, #tpu.memory_space<semaphore_mem>>) src(%dma_wait3A_2396 : memref<4x128xi32, #tpu.memory_space<hbm>>) dst(%arg10 : memref<4x128xi32, #tpu.memory_space<vmem>>)
      tpu.yield
    }) : () -> ()
    %mul3A_3 = arith.constant 4 : i32
    %mul3A_4 = arith.muli %add3A, %mul3A_3 : i32
    "tpu.region"() ({
      %run_scoped3A = tpu.sem_alloc : memref<!tpu.dma_semaphore, #tpu.memory_space<semaphore_mem>>
      %dma_start3A_2389 = arith.constant 0 : i32
      %dma_start3A_2390 = tpu.memref_slice %arg3[%mul3A_4, %dma_start3A_2389] : memref<128x128xi32, #tpu.memory_space<hbm>> -> memref<4x128xi32, #tpu.memory_space<hbm>>
      %dma_start3A_2391 = arith.constant 0 : i32
      %dma_start3A_2392 = tpu.memref_slice %arg3[%mul3A_4, %dma_start3A_2391] : memref<128x128xi32, #tpu.memory_space<hbm>> -> memref<4x128xi32, #tpu.memory_space<hbm>>
      tpu.enqueue_dma source(%dma_start3A_2392 : memref<4x128xi32, #tpu.memory_space<hbm>>) target(%arg11 : memref<4x128xi32, #tpu.memory_space<vmem>>) target_semaphore(%run_scoped3A : memref<!tpu.dma_semaphore, #tpu.memory_space<semaphore_mem>>)
      %dma_wait3A_2393 = arith.constant 0 : i32
      %dma_wait3A_2394 = tpu.memref_slice %arg3[%mul3A_4, %dma_wait3A_2393] : memref<128x128xi32, #tpu.memory_space<hbm>> -> memref<4x128xi32, #tpu.memory_space<hbm>>
      %dma_wait3A_2395 = arith.constant 0 : i32
      %dma_wait3A_2396 = tpu.memref_slice %arg3[%mul3A_4, %dma_wait3A_2395] : memref<128x128xi32, #tpu.memory_space<hbm>> -> memref<4x128xi32, #tpu.memory_space<hbm>>
      tpu.wait_dma2 semaphore(%run_scoped3A : memref<!tpu.dma_semaphore, #tpu.memory_space<semaphore_mem>>) src(%dma_wait3A_2396 : memref<4x128xi32, #tpu.memory_space<hbm>>) dst(%arg11 : memref<4x128xi32, #tpu.memory_space<vmem>>)
      tpu.yield
    }) : () -> ()
    %mul3A_5 = arith.constant 4 : i32
    %mul3A_6 = arith.muli %add3A, %mul3A_5 : i32
    "tpu.region"() ({
      %run_scoped3A = tpu.sem_alloc : memref<!tpu.dma_semaphore, #tpu.memory_space<semaphore_mem>>
      %dma_start3A_2389 = arith.constant 0 : i32
      %dma_start3A_2390 = tpu.memref_slice %arg4[%mul3A_6, %dma_start3A_2389] : memref<128x128xi32, #tpu.memory_space<hbm>> -> memref<4x128xi32, #tpu.memory_space<hbm>>
      %dma_start3A_2391 = arith.constant 0 : i32
      %dma_start3A_2392 = tpu.memref_slice %arg4[%mul3A_6, %dma_start3A_2391] : memref<128x128xi32, #tpu.memory_space<hbm>> -> memref<4x128xi32, #tpu.memory_space<hbm>>
      tpu.enqueue_dma source(%dma_start3A_2392 : memref<4x128xi32, #tpu.memory_space<hbm>>) target(%arg12 : memref<4x128xi32, #tpu.memory_space<vmem>>) target_semaphore(%run_scoped3A : memref<!tpu.dma_semaphore, #tpu.memory_space<semaphore_mem>>)
      %dma_wait3A_2393 = arith.constant 0 : i32
      %dma_wait3A_2394 = tpu.memref_slice %arg4[%mul3A_6, %dma_wait3A_2393] : memref<128x128xi32, #tpu.memory_space<hbm>> -> memref<4x128xi32, #tpu.memory_space<hbm>>
      %dma_wait3A_2395 = arith.constant 0 : i32
      %dma_wait3A_2396 = tpu.memref_slice %arg4[%mul3A_6, %dma_wait3A_2395] : memref<128x128xi32, #tpu.memory_space<hbm>> -> memref<4x128xi32, #tpu.memory_space<hbm>>
      tpu.wait_dma2 semaphore(%run_scoped3A : memref<!tpu.dma_semaphore, #tpu.memory_space<semaphore_mem>>) src(%dma_wait3A_2396 : memref<4x128xi32, #tpu.memory_space<hbm>>) dst(%arg12 : memref<4x128xi32, #tpu.memory_space<vmem>>)
      tpu.yield
    }) : () -> ()
    %dma_start3A = arith.constant 0 : i32
    %dma_start3A_7 = arith.constant 0 : i32
    %dma_start3A_8 = tpu.memref_slice %arg15[%dma_start3A_7] : memref<512xf32, #tpu.memory_space<vmem>> -> memref<128xf32, #tpu.memory_space<vmem>>
    %dma_start3A_9 = arith.constant 0 : i32
    %dma_start3A_10 = tpu.memref_slice %arg10[%dma_start3A, %dma_start3A_9] : memref<4x128xi32, #tpu.memory_space<vmem>> -> memref<1x128xi32, #tpu.memory_space<vmem>>
    %dma_start3A_11 = tpu.memref_squeeze %dma_start3A_10 : memref<1x128xi32, #tpu.memory_space<vmem>> -> memref<128xi32, #tpu.memory_space<vmem>>
    %dma_start3A_12 = arith.constant 0 : i32
    %dma_start3A_13 = tpu.memref_slice %arg7[%dma_start3A_12] : memref<1000000xf32, #tpu.memory_space<hbm>> -> memref<1000000xf32, #tpu.memory_space<hbm>>
    tpu.enqueue_indirect_dma source(%dma_start3A_13 : memref<1000000xf32, #tpu.memory_space<hbm>>) target(%dma_start3A_8 : memref<128xf32, #tpu.memory_space<vmem>>) offsets(%dma_start3A_11 : memref<128xi32, #tpu.memory_space<vmem>>) semaphore(%arg20 : memref<!tpu.dma_semaphore, #tpu.memory_space<semaphore_mem>>)
    %dma_start3A_14 = arith.constant 0 : i32
    %dma_start3A_15 = arith.constant 0 : i32
    %dma_start3A_16 = tpu.memref_slice %arg16[%dma_start3A_15] : memref<512xf32, #tpu.memory_space<vmem>> -> memref<128xf32, #tpu.memory_space<vmem>>
    %dma_start3A_17 = arith.constant 0 : i32
    %dma_start3A_18 = tpu.memref_slice %arg11[%dma_start3A_14, %dma_start3A_17] : memref<4x128xi32, #tpu.memory_space<vmem>> -> memref<1x128xi32, #tpu.memory_space<vmem>>
    %dma_start3A_19 = tpu.memref_squeeze %dma_start3A_18 : memref<1x128xi32, #tpu.memory_space<vmem>> -> memref<128xi32, #tpu.memory_space<vmem>>
    %dma_start3A_20 = arith.constant 0 : i32
    %dma_start3A_21 = tpu.memref_slice %arg8[%dma_start3A_20] : memref<1000000xf32, #tpu.memory_space<hbm>> -> memref<1000000xf32, #tpu.memory_space<hbm>>
    tpu.enqueue_indirect_dma source(%dma_start3A_21 : memref<1000000xf32, #tpu.memory_space<hbm>>) target(%dma_start3A_16 : memref<128xf32, #tpu.memory_space<vmem>>) offsets(%dma_start3A_19 : memref<128xi32, #tpu.memory_space<vmem>>) semaphore(%arg20 : memref<!tpu.dma_semaphore, #tpu.memory_space<semaphore_mem>>)
    %dma_start3A_22 = arith.constant 1 : i32
    %dma_start3A_23 = arith.constant 128 : i32
    %dma_start3A_24 = tpu.memref_slice %arg15[%dma_start3A_23] : memref<512xf32, #tpu.memory_space<vmem>> -> memref<128xf32, #tpu.memory_space<vmem>>
    %dma_start3A_25 = arith.constant 0 : i32
    %dma_start3A_26 = tpu.memref_slice %arg10[%dma_start3A_22, %dma_start3A_25] : memref<4x128xi32, #tpu.memory_space<vmem>> -> memref<1x128xi32, #tpu.memory_space<vmem>>
    %dma_start3A_27 = tpu.memref_squeeze %dma_start3A_26 : memref<1x128xi32, #tpu.memory_space<vmem>> -> memref<128xi32, #tpu.memory_space<vmem>>
    %dma_start3A_28 = arith.constant 0 : i32
    %dma_start3A_29 = tpu.memref_slice %arg7[%dma_start3A_28] : memref<1000000xf32, #tpu.memory_space<hbm>> -> memref<1000000xf32, #tpu.memory_space<hbm>>
    tpu.enqueue_indirect_dma source(%dma_start3A_29 : memref<1000000xf32, #tpu.memory_space<hbm>>) target(%dma_start3A_24 : memref<128xf32, #tpu.memory_space<vmem>>) offsets(%dma_start3A_27 : memref<128xi32, #tpu.memory_space<vmem>>) semaphore(%arg20 : memref<!tpu.dma_semaphore, #tpu.memory_space<semaphore_mem>>)
    %dma_start3A_30 = arith.constant 1 : i32
    %dma_start3A_31 = arith.constant 128 : i32
    %dma_start3A_32 = tpu.memref_slice %arg16[%dma_start3A_31] : memref<512xf32, #tpu.memory_space<vmem>> -> memref<128xf32, #tpu.memory_space<vmem>>
    %dma_start3A_33 = arith.constant 0 : i32
    %dma_start3A_34 = tpu.memref_slice %arg11[%dma_start3A_30, %dma_start3A_33] : memref<4x128xi32, #tpu.memory_space<vmem>> -> memref<1x128xi32, #tpu.memory_space<vmem>>
    %dma_start3A_35 = tpu.memref_squeeze %dma_start3A_34 : memref<1x128xi32, #tpu.memory_space<vmem>> -> memref<128xi32, #tpu.memory_space<vmem>>
    %dma_start3A_36 = arith.constant 0 : i32
    %dma_start3A_37 = tpu.memref_slice %arg8[%dma_start3A_36] : memref<1000000xf32, #tpu.memory_space<hbm>> -> memref<1000000xf32, #tpu.memory_space<hbm>>
    tpu.enqueue_indirect_dma source(%dma_start3A_37 : memref<1000000xf32, #tpu.memory_space<hbm>>) target(%dma_start3A_32 : memref<128xf32, #tpu.memory_space<vmem>>) offsets(%dma_start3A_35 : memref<128xi32, #tpu.memory_space<vmem>>) semaphore(%arg20 : memref<!tpu.dma_semaphore, #tpu.memory_space<semaphore_mem>>)
    %dma_start3A_38 = arith.constant 2 : i32
    %dma_start3A_39 = arith.constant 256 : i32
    %dma_start3A_40 = tpu.memref_slice %arg15[%dma_start3A_39] : memref<512xf32, #tpu.memory_space<vmem>> -> memref<128xf32, #tpu.memory_space<vmem>>
    %dma_start3A_41 = arith.constant 0 : i32
    %dma_start3A_42 = tpu.memref_slice %arg10[%dma_start3A_38, %dma_start3A_41] : memref<4x128xi32, #tpu.memory_space<vmem>> -> memref<1x128xi32, #tpu.memory_space<vmem>>
    %dma_start3A_43 = tpu.memref_squeeze %dma_start3A_42 : memref<1x128xi32, #tpu.memory_space<vmem>> -> memref<128xi32, #tpu.memory_space<vmem>>
    %dma_start3A_44 = arith.constant 0 : i32
    %dma_start3A_45 = tpu.memref_slice %arg7[%dma_start3A_44] : memref<1000000xf32, #tpu.memory_space<hbm>> -> memref<1000000xf32, #tpu.memory_space<hbm>>
    tpu.enqueue_indirect_dma source(%dma_start3A_45 : memref<1000000xf32, #tpu.memory_space<hbm>>) target(%dma_start3A_40 : memref<128xf32, #tpu.memory_space<vmem>>) offsets(%dma_start3A_43 : memref<128xi32, #tpu.memory_space<vmem>>) semaphore(%arg20 : memref<!tpu.dma_semaphore, #tpu.memory_space<semaphore_mem>>)
    %dma_start3A_46 = arith.constant 2 : i32
    %dma_start3A_47 = arith.constant 256 : i32
    %dma_start3A_48 = tpu.memref_slice %arg16[%dma_start3A_47] : memref<512xf32, #tpu.memory_space<vmem>> -> memref<128xf32, #tpu.memory_space<vmem>>
    %dma_start3A_49 = arith.constant 0 : i32
    %dma_start3A_50 = tpu.memref_slice %arg11[%dma_start3A_46, %dma_start3A_49] : memref<4x128xi32, #tpu.memory_space<vmem>> -> memref<1x128xi32, #tpu.memory_space<vmem>>
    %dma_start3A_51 = tpu.memref_squeeze %dma_start3A_50 : memref<1x128xi32, #tpu.memory_space<vmem>> -> memref<128xi32, #tpu.memory_space<vmem>>
    %dma_start3A_52 = arith.constant 0 : i32
    %dma_start3A_53 = tpu.memref_slice %arg8[%dma_start3A_52] : memref<1000000xf32, #tpu.memory_space<hbm>> -> memref<1000000xf32, #tpu.memory_space<hbm>>
    tpu.enqueue_indirect_dma source(%dma_start3A_53 : memref<1000000xf32, #tpu.memory_space<hbm>>) target(%dma_start3A_48 : memref<128xf32, #tpu.memory_space<vmem>>) offsets(%dma_start3A_51 : memref<128xi32, #tpu.memory_space<vmem>>) semaphore(%arg20 : memref<!tpu.dma_semaphore, #tpu.memory_space<semaphore_mem>>)
    %dma_start3A_54 = arith.constant 3 : i32
    %dma_start3A_55 = arith.constant 384 : i32
    %dma_start3A_56 = tpu.memref_slice %arg15[%dma_start3A_55] : memref<512xf32, #tpu.memory_space<vmem>> -> memref<128xf32, #tpu.memory_space<vmem>>
    %dma_start3A_57 = arith.constant 0 : i32
    %dma_start3A_58 = tpu.memref_slice %arg10[%dma_start3A_54, %dma_start3A_57] : memref<4x128xi32, #tpu.memory_space<vmem>> -> memref<1x128xi32, #tpu.memory_space<vmem>>
    %dma_start3A_59 = tpu.memref_squeeze %dma_start3A_58 : memref<1x128xi32, #tpu.memory_space<vmem>> -> memref<128xi32, #tpu.memory_space<vmem>>
    %dma_start3A_60 = arith.constant 0 : i32
    %dma_start3A_61 = tpu.memref_slice %arg7[%dma_start3A_60] : memref<1000000xf32, #tpu.memory_space<hbm>> -> memref<1000000xf32, #tpu.memory_space<hbm>>
    tpu.enqueue_indirect_dma source(%dma_start3A_61 : memref<1000000xf32, #tpu.memory_space<hbm>>) target(%dma_start3A_56 : memref<128xf32, #tpu.memory_space<vmem>>) offsets(%dma_start3A_59 : memref<128xi32, #tpu.memory_space<vmem>>) semaphore(%arg20 : memref<!tpu.dma_semaphore, #tpu.memory_space<semaphore_mem>>)
    %dma_start3A_62 = arith.constant 3 : i32
    %dma_start3A_63 = arith.constant 384 : i32
    %dma_start3A_64 = tpu.memref_slice %arg16[%dma_start3A_63] : memref<512xf32, #tpu.memory_space<vmem>> -> memref<128xf32, #tpu.memory_space<vmem>>
    %dma_start3A_65 = arith.constant 0 : i32
    %dma_start3A_66 = tpu.memref_slice %arg11[%dma_start3A_62, %dma_start3A_65] : memref<4x128xi32, #tpu.memory_space<vmem>> -> memref<1x128xi32, #tpu.memory_space<vmem>>
    %dma_start3A_67 = tpu.memref_squeeze %dma_start3A_66 : memref<1x128xi32, #tpu.memory_space<vmem>> -> memref<128xi32, #tpu.memory_space<vmem>>
    %dma_start3A_68 = arith.constant 0 : i32
    %dma_start3A_69 = tpu.memref_slice %arg8[%dma_start3A_68] : memref<1000000xf32, #tpu.memory_space<hbm>> -> memref<1000000xf32, #tpu.memory_space<hbm>>
    tpu.enqueue_indirect_dma source(%dma_start3A_69 : memref<1000000xf32, #tpu.memory_space<hbm>>) target(%dma_start3A_64 : memref<128xf32, #tpu.memory_space<vmem>>) offsets(%dma_start3A_67 : memref<128xi32, #tpu.memory_space<vmem>>) semaphore(%arg20 : memref<!tpu.dma_semaphore, #tpu.memory_space<semaphore_mem>>)
    %iota3A = tpu.iota {dimensions = array<i32: 0>} : vector<16xi32>
    %shift_right_arithmetic3A = arith.constant 0 : i32
    %shift_right_arithmetic3A_70 = arith.constant 7 : i32
    %shift_right_arithmetic3A_71 = arith.shrsi %shift_right_arithmetic3A, %shift_right_arithmetic3A_70 : i32
    %shift_right_arithmetic3A_72 = arith.constant 0 : i32
    %shift_right_arithmetic3A_73 = arith.constant 4 : i32
    %shift_right_arithmetic3A_74 = arith.shrsi %shift_right_arithmetic3A_72, %shift_right_arithmetic3A_73 : i32
    %and3A = arith.constant 7 : i32
    %and3A_75 = arith.andi %shift_right_arithmetic3A_74, %and3A : i32
    %mul3A_76 = arith.constant 16 : i32
    %mul3A_77 = arith.muli %and3A_75, %mul3A_76 : i32
    %get3A = arith.index_cast %shift_right_arithmetic3A_71 : i32 to index
    %get3A_78 = arith.index_cast %mul3A_77 : i32 to index
    %get3A_79 = tpu.vector_load %arg10[%get3A, %get3A_78] {strides = array<i32>} : memref<4x128xi32, #tpu.memory_space<vmem>>, vector<16xi32>,
    %and3A_80 = arith.constant 0 : i32
    %and3A_81 = arith.constant 15 : i32
    %and3A_82 = arith.andi %and3A_80, %and3A_81 : i32
    %broadcast_in_dim3A = vector.broadcast %and3A_82 : i32 to vector<16xi32>
    %broadcast_in_dim3A_83 = vector.shape_cast %broadcast_in_dim3A : vector<16xi32> to vector<16x1xi32>
    %gather3A = vector.shape_cast %broadcast_in_dim3A_83 : vector<16x1xi32> to vector<16xi32>
    %gather3A_84 = tpu.dynamic_gather %get3A_79[%gather3A] in [0] : vector<16xi32>, vector<16xi32> -> vector<16xi32>
    %slice3A = vector.extract_strided_slice %gather3A_84 {offsets = [0], sizes = [1], strides = [1]} : vector<16xi32> to vector<1xi32>
    %squeeze3A = vector.extract %slice3A[0] : i32 from vector<1xi32>
    %shift_right_arithmetic3A_85 = arith.constant 0 : i32
    %shift_right_arithmetic3A_86 = arith.constant 7 : i32
    %shift_right_arithmetic3A_87 = arith.shrsi %shift_right_arithmetic3A_85, %shift_right_arithmetic3A_86 : i32
    %shift_right_arithmetic3A_88 = arith.constant 0 : i32
    %shift_right_arithmetic3A_89 = arith.constant 4 : i32
    %shift_right_arithmetic3A_90 = arith.shrsi %shift_right_arithmetic3A_88, %shift_right_arithmetic3A_89 : i32
    %and3A_91 = arith.constant 7 : i32
    %and3A_92 = arith.andi %shift_right_arithmetic3A_90, %and3A_91 : i32
    %mul3A_93 = arith.constant 16 : i32
    %mul3A_94 = arith.muli %and3A_92, %mul3A_93 : i32
    %get3A_95 = arith.index_cast %shift_right_arithmetic3A_87 : i32 to index
    %get3A_96 = arith.index_cast %mul3A_94 : i32 to index
    %get3A_97 = tpu.vector_load %arg11[%get3A_95, %get3A_96] {strides = array<i32>} : memref<4x128xi32, #tpu.memory_space<vmem>>, vector<16xi32>,
    %and3A_98 = arith.constant 0 : i32
    %and3A_99 = arith.constant 15 : i32
    %and3A_100 = arith.andi %and3A_98, %and3A_99 : i32
    %broadcast_in_dim3A_101 = vector.broadcast %and3A_100 : i32 to vector<16xi32>
    %broadcast_in_dim3A_102 = vector.shape_cast %broadcast_in_dim3A_101 : vector<16xi32> to vector<16x1xi32>
    %gather3A_103 = vector.shape_cast %broadcast_in_dim3A_102 : vector<16x1xi32> to vector<16xi32>
    %gather3A_104 = tpu.dynamic_gather %get3A_97[%gather3A_103] in [0] : vector<16xi32>, vector<16xi32> -> vector<16xi32>
    %slice3A_105 = vector.extract_strided_slice %gather3A_104 {offsets = [0], sizes = [1], strides = [1]} : vector<16xi32> to vector<1xi32>
    %squeeze3A_106 = vector.extract %slice3A_105[0] : i32 from vector<1xi32>
    %shift_right_arithmetic3A_107 = arith.constant 7 : i32
    %shift_right_arithmetic3A_108 = arith.shrsi %squeeze3A, %shift_right_arithmetic3A_107 : i32
    %ne3A = arith.constant -1 : i32
    %ne3A_109 = arith.cmpi ne, %shift_right_arithmetic3A_108, %ne3A : i32
    %convert_element_type3A = arith.extui %ne3A_109 : i1 to i32
    %cond3A = arith.constant 0 : i32
    %cond3A_110 = arith.constant 0 : i32
    %cond3A_111 = arith.cmpi ne, %convert_element_type3A, %cond3A_110 : i32
    scf.if %cond3A_111 {
      %mul3A_2389 = arith.constant 128 : i32
      %mul3A_2390 = arith.muli %shift_right_arithmetic3A_108, %mul3A_2389 : i32
      %multiple_of3A_2391 = tpu.assume_multiple %mul3A_2390, 128 : i32
      %rem3A_2392 = arith.constant 12 : i32
      %rem3A_2393 = arith.remsi %cond3A, %rem3A_2392 : i32
      %dma_start3A_2394 = arith.constant 0 : i32
      %dma_start3A_2395 = arith.constant 0 : i32
      %dma_start3A_2396 = tpu.memref_slice %arg13[%rem3A_2393, %dma_start3A_2394, %dma_start3A_2395] : memref<12x32x128xf32, #tpu.memory_space<vmem>> -> memref<1x32x128xf32, #tpu.memory_space<vmem>>
      %dma_start3A_2397 = tpu.memref_squeeze %dma_start3A_2396 : memref<1x32x128xf32, #tpu.memory_space<vmem>> -> memref<32x128xf32, #tpu.memory_space<vmem>>
      %dma_start3A_2398 = arith.constant 0 : i32
      %dma_start3A_2399 = tpu.memref_slice %arg5[%dma_start3A_2398, %multiple_of3A_2391] : memref<32x1000000xf32, #tpu.memory_space<hbm>> -> memref<32x128xf32, #tpu.memory_space<hbm>>
      %dma_start3A_2400 = arith.constant 0 : i32
      %dma_start3A_2401 = arith.constant 0 : i32
      %dma_start3A_2402 = tpu.memref_slice %arg13[%rem3A_2393, %dma_start3A_2400, %dma_start3A_2401] : memref<12x32x128xf32, #tpu.memory_space<vmem>> -> memref<1x32x128xf32, #tpu.memory_space<vmem>>
      %dma_start3A_2403 = tpu.memref_squeeze %dma_start3A_2402 : memref<1x32x128xf32, #tpu.memory_space<vmem>> -> memref<32x128xf32, #tpu.memory_space<vmem>>
      %dma_start3A_2404 = arith.constant 0 : i32
      %dma_start3A_2405 = tpu.memref_slice %arg5[%dma_start3A_2404, %multiple_of3A_2391] : memref<32x1000000xf32, #tpu.memory_space<hbm>> -> memref<32x128xf32, #tpu.memory_space<hbm>>
      tpu.enqueue_dma source(%dma_start3A_2405 : memref<32x128xf32, #tpu.memory_space<hbm>>) target(%dma_start3A_2403 : memref<32x128xf32, #tpu.memory_space<vmem>>) target_semaphore(%arg18 : memref<!tpu.dma_semaphore, #tpu.memory_space<semaphore_mem>>)
    } else {
    }
    %shift_right_arithmetic3A_112 = arith.constant 7 : i32
    %shift_right_arithmetic3A_113 = arith.shrsi %squeeze3A_106, %shift_right_arithmetic3A_112 : i32
    %mul3A_114 = arith.constant 128 : i32
    %mul3A_115 = arith.muli %shift_right_arithmetic3A_113, %mul3A_114 : i32
    %multiple_of3A = tpu.assume_multiple %mul3A_115, 128 : i32
    %rem3A = arith.constant 0 : i32
    %rem3A_116 = arith.constant 12 : i32
    %rem3A_117 = arith.remsi %rem3A, %rem3A_116 : i32
    %dma_start3A_118 = arith.constant 0 : i32
    %dma_start3A_119 = arith.constant 0 : i32
    %dma_start3A_120 = tpu.memref_slice %arg14[%rem3A_117, %dma_start3A_118, %dma_start3A_119] : memref<12x32x128xf32, #tpu.memory_space<vmem>> -> memref<1x32x128xf32, #tpu.memory_space<vmem>>
    %dma_start3A_121 = tpu.memref_squeeze %dma_start3A_120 : memref<1x32x128xf32, #tpu.memory_space<vmem>> -> memref<32x128xf32, #tpu.memory_space<vmem>>
    %dma_start3A_122 = arith.constant 0 : i32
    %dma_start3A_123 = tpu.memref_slice %arg6[%dma_start3A_122, %multiple_of3A] : memref<32x1000000xf32, #tpu.memory_space<hbm>> -> memref<32x128xf32, #tpu.memory_space<hbm>>
    %dma_start3A_124 = arith.constant 0 : i32
    %dma_start3A_125 = arith.constant 0 : i32
    %dma_start3A_126 = tpu.memref_slice %arg14[%rem3A_117, %dma_start3A_124, %dma_start3A_125] : memref<12x32x128xf32, #tpu.memory_space<vmem>> -> memref<1x32x128xf32, #tpu.memory_space<vmem>>
    %dma_start3A_127 = tpu.memref_squeeze %dma_start3A_126 : memref<1x32x128xf32, #tpu.memory_space<vmem>> -> memref<32x128xf32, #tpu.memory_space<vmem>>
    %dma_start3A_128 = arith.constant 0 : i32
    %dma_start3A_129 = tpu.memref_slice %arg6[%dma_start3A_128, %multiple_of3A] : memref<32x1000000xf32, #tpu.memory_space<hbm>> -> memref<32x128xf32, #tpu.memory_space<hbm>>
    tpu.enqueue_dma source(%dma_start3A_129 : memref<32x128xf32, #tpu.memory_space<hbm>>) target(%dma_start3A_127 : memref<32x128xf32, #tpu.memory_space<vmem>>) target_semaphore(%arg19 : memref<!tpu.dma_semaphore, #tpu.memory_space<semaphore_mem>>)
    %jit3A = arith.constant 1 : i32
    %jit3A_130 = arith.constant 0 : i32
    %select_n3A = arith.select %ne3A_109, %jit3A, %jit3A_130 : i32
    %add3A_131 = arith.constant 0 : i32
    %add3A_132 = arith.addi %add3A_131, %select_n3A : i32
    %shift_right_arithmetic3A_133 = arith.constant 1 : i32
    %shift_right_arithmetic3A_134 = arith.constant 7 : i32
    %shift_right_arithmetic3A_135 = arith.shrsi %shift_right_arithmetic3A_133, %shift_right_arithmetic3A_134 : i32
    %shift_right_arithmetic3A_136 = arith.constant 1 : i32
    %shift_right_arithmetic3A_137 = arith.constant 4 : i32
    %shift_right_arithmetic3A_138 = arith.shrsi %shift_right_arithmetic3A_136, %shift_right_arithmetic3A_137 : i32
    %and3A_139 = arith.constant 7 : i32
    %and3A_140 = arith.andi %shift_right_arithmetic3A_138, %and3A_139 : i32
    %mul3A_141 = arith.constant 16 : i32
    %mul3A_142 = arith.muli %and3A_140, %mul3A_141 : i32
    %get3A_143 = arith.index_cast %shift_right_arithmetic3A_135 : i32 to index
    %get3A_144 = arith.index_cast %mul3A_142 : i32 to index
    %get3A_145 = tpu.vector_load %arg10[%get3A_143, %get3A_144] {strides = array<i32>} : memref<4x128xi32, #tpu.memory_space<vmem>>, vector<16xi32>,
    %and3A_146 = arith.constant 1 : i32
    %and3A_147 = arith.constant 15 : i32
    %and3A_148 = arith.andi %and3A_146, %and3A_147 : i32
    %broadcast_in_dim3A_149 = vector.broadcast %and3A_148 : i32 to vector<16xi32>
    %broadcast_in_dim3A_150 = vector.shape_cast %broadcast_in_dim3A_149 : vector<16xi32> to vector<16x1xi32>
    %gather3A_151 = vector.shape_cast %broadcast_in_dim3A_150 : vector<16x1xi32> to vector<16xi32>
    %gather3A_152 = tpu.dynamic_gather %get3A_145[%gather3A_151] in [0] : vector<16xi32>, vector<16xi32> -> vector<16xi32>
    %slice3A_153 = vector.extract_strided_slice %gather3A_152 {offsets = [0], sizes = [1], strides = [1]} : vector<16xi32> to vector<1xi32>
    %squeeze3A_154 = vector.extract %slice3A_153[0] : i32 from vector<1xi32>
    %shift_right_arithmetic3A_155 = arith.constant 1 : i32
    %shift_right_arithmetic3A_156 = arith.constant 7 : i32
    %shift_right_arithmetic3A_157 = arith.shrsi %shift_right_arithmetic3A_155, %shift_right_arithmetic3A_156 : i32
    %shift_right_arithmetic3A_158 = arith.constant 1 : i32
    %shift_right_arithmetic3A_159 = arith.constant 4 : i32
    %shift_right_arithmetic3A_160 = arith.shrsi %shift_right_arithmetic3A_158, %shift_right_arithmetic3A_159 : i32
    %and3A_161 = arith.constant 7 : i32
    %and3A_162 = arith.andi %shift_right_arithmetic3A_160, %and3A_161 : i32
    %mul3A_163 = arith.constant 16 : i32
    %mul3A_164 = arith.muli %and3A_162, %mul3A_163 : i32
    %get3A_165 = arith.index_cast %shift_right_arithmetic3A_157 : i32 to index
    %get3A_166 = arith.index_cast %mul3A_164 : i32 to index
    %get3A_167 = tpu.vector_load %arg11[%get3A_165, %get3A_166] {strides = array<i32>} : memref<4x128xi32, #tpu.memory_space<vmem>>, vector<16xi32>,
    %and3A_168 = arith.constant 1 : i32
    %and3A_169 = arith.constant 15 : i32
    %and3A_170 = arith.andi %and3A_168, %and3A_169 : i32
    %broadcast_in_dim3A_171 = vector.broadcast %and3A_170 : i32 to vector<16xi32>
    %broadcast_in_dim3A_172 = vector.shape_cast %broadcast_in_dim3A_171 : vector<16xi32> to vector<16x1xi32>
    %gather3A_173 = vector.shape_cast %broadcast_in_dim3A_172 : vector<16x1xi32> to vector<16xi32>
    %gather3A_174 = tpu.dynamic_gather %get3A_167[%gather3A_173] in [0] : vector<16xi32>, vector<16xi32> -> vector<16xi32>
    %slice3A_175 = vector.extract_strided_slice %gather3A_174 {offsets = [0], sizes = [1], strides = [1]} : vector<16xi32> to vector<1xi32>
    %squeeze3A_176 = vector.extract %slice3A_175[0] : i32 from vector<1xi32>
    %shift_right_arithmetic3A_177 = arith.constant 7 : i32
    %shift_right_arithmetic3A_178 = arith.shrsi %squeeze3A_154, %shift_right_arithmetic3A_177 : i32
    %ne3A_179 = arith.cmpi ne, %shift_right_arithmetic3A_178, %shift_right_arithmetic3A_108 : i32
    %convert_element_type3A_180 = arith.extui %ne3A_179 : i1 to i32
    %cond3A_181 = arith.constant 0 : i32
    %cond3A_182 = arith.cmpi ne, %convert_element_type3A_180, %cond3A_181 : i32
    scf.if %cond3A_182 {
      %mul3A_2389 = arith.constant 128 : i32
      %mul3A_2390 = arith.muli %shift_right_arithmetic3A_178, %mul3A_2389 : i32
      %multiple_of3A_2391 = tpu.assume_multiple %mul3A_2390, 128 : i32
      %rem3A_2392 = arith.constant 12 : i32
      %rem3A_2393 = arith.remsi %add3A_132, %rem3A_2392 : i32
      %dma_start3A_2394 = arith.constant 0 : i32
      %dma_start3A_2395 = arith.constant 0 : i32
      %dma_start3A_2396 = tpu.memref_slice %arg13[%rem3A_2393, %dma_start3A_2394, %dma_start3A_2395] : memref<12x32x128xf32, #tpu.memory_space<vmem>> -> memref<1x32x128xf32, #tpu.memory_space<vmem>>
      %dma_start3A_2397 = tpu.memref_squeeze %dma_start3A_2396 : memref<1x32x128xf32, #tpu.memory_space<vmem>> -> memref<32x128xf32, #tpu.memory_space<vmem>>
      %dma_start3A_2398 = arith.constant 0 : i32
      %dma_start3A_2399 = tpu.memref_slice %arg5[%dma_start3A_2398, %multiple_of3A_2391] : memref<32x1000000xf32, #tpu.memory_space<hbm>> -> memref<32x128xf32, #tpu.memory_space<hbm>>
      %dma_start3A_2400 = arith.constant 0 : i32
      %dma_start3A_2401 = arith.constant 0 : i32
      %dma_start3A_2402 = tpu.memref_slice %arg13[%rem3A_2393, %dma_start3A_2400, %dma_start3A_2401] : memref<12x32x128xf32, #tpu.memory_space<vmem>> -> memref<1x32x128xf32, #tpu.memory_space<vmem>>
      %dma_start3A_2403 = tpu.memref_squeeze %dma_start3A_2402 : memref<1x32x128xf32, #tpu.memory_space<vmem>> -> memref<32x128xf32, #tpu.memory_space<vmem>>
      %dma_start3A_2404 = arith.constant 0 : i32
      %dma_start3A_2405 = tpu.memref_slice %arg5[%dma_start3A_2404, %multiple_of3A_2391] : memref<32x1000000xf32, #tpu.memory_space<hbm>> -> memref<32x128xf32, #tpu.memory_space<hbm>>
      tpu.enqueue_dma source(%dma_start3A_2405 : memref<32x128xf32, #tpu.memory_space<hbm>>) target(%dma_start3A_2403 : memref<32x128xf32, #tpu.memory_space<vmem>>) target_semaphore(%arg18 : memref<!tpu.dma_semaphore, #tpu.memory_space<semaphore_mem>>)
    } else {
    }
    %shift_right_arithmetic3A_183 = arith.constant 7 : i32
    %shift_right_arithmetic3A_184 = arith.shrsi %squeeze3A_176, %shift_right_arithmetic3A_183 : i32
    %mul3A_185 = arith.constant 128 : i32
    %mul3A_186 = arith.muli %shift_right_arithmetic3A_184, %mul3A_185 : i32
    %multiple_of3A_187 = tpu.assume_multiple %mul3A_186, 128 : i32
    %rem3A_188 = arith.constant 1 : i32
    %rem3A_189 = arith.constant 12 : i32
    %rem3A_190 = arith.remsi %rem3A_188, %rem3A_189 : i32
    %dma_start3A_191 = arith.constant 0 : i32
    %dma_start3A_192 = arith.constant 0 : i32
    %dma_start3A_193 = tpu.memref_slice %arg14[%rem3A_190, %dma_start3A_191, %dma_start3A_192] : memref<12x32x128xf32, #tpu.memory_space<vmem>> -> memref<1x32x128xf32, #tpu.memory_space<vmem>>
    %dma_start3A_194 = tpu.memref_squeeze %dma_start3A_193 : memref<1x32x128xf32, #tpu.memory_space<vmem>> -> memref<32x128xf32, #tpu.memory_space<vmem>>
    %dma_start3A_195 = arith.constant 0 : i32
    %dma_start3A_196 = tpu.memref_slice %arg6[%dma_start3A_195, %multiple_of3A_187] : memref<32x1000000xf32, #tpu.memory_space<hbm>> -> memref<32x128xf32, #tpu.memory_space<hbm>>
    %dma_start3A_197 = arith.constant 0 : i32
    %dma_start3A_198 = arith.constant 0 : i32
    %dma_start3A_199 = tpu.memref_slice %arg14[%rem3A_190, %dma_start3A_197, %dma_start3A_198] : memref<12x32x128xf32, #tpu.memory_space<vmem>> -> memref<1x32x128xf32, #tpu.memory_space<vmem>>
    %dma_start3A_200 = tpu.memref_squeeze %dma_start3A_199 : memref<1x32x128xf32, #tpu.memory_space<vmem>> -> memref<32x128xf32, #tpu.memory_space<vmem>>
    %dma_start3A_201 = arith.constant 0 : i32
    %dma_start3A_202 = tpu.memref_slice %arg6[%dma_start3A_201, %multiple_of3A_187] : memref<32x1000000xf32, #tpu.memory_space<hbm>> -> memref<32x128xf32, #tpu.memory_space<hbm>>
    tpu.enqueue_dma source(%dma_start3A_202 : memref<32x128xf32, #tpu.memory_space<hbm>>) target(%dma_start3A_200 : memref<32x128xf32, #tpu.memory_space<vmem>>) target_semaphore(%arg19 : memref<!tpu.dma_semaphore, #tpu.memory_space<semaphore_mem>>)
    %jit3A_203 = arith.constant 1 : i32
    %jit3A_204 = arith.constant 0 : i32
    %select_n3A_205 = arith.select %ne3A_179, %jit3A_203, %jit3A_204 : i32
    %add3A_206 = arith.addi %add3A_132, %select_n3A_205 : i32
    %shift_right_arithmetic3A_207 = arith.constant 2 : i32
    %shift_right_arithmetic3A_208 = arith.constant 7 : i32
    %shift_right_arithmetic3A_209 = arith.shrsi %shift_right_arithmetic3A_207, %shift_right_arithmetic3A_208 : i32
    %shift_right_arithmetic3A_210 = arith.constant 2 : i32
    %shift_right_arithmetic3A_211 = arith.constant 4 : i32
    %shift_right_arithmetic3A_212 = arith.shrsi %shift_right_arithmetic3A_210, %shift_right_arithmetic3A_211 : i32
    %and3A_213 = arith.constant 7 : i32
    %and3A_214 = arith.andi %shift_right_arithmetic3A_212, %and3A_213 : i32
    %mul3A_215 = arith.constant 16 : i32
    %mul3A_216 = arith.muli %and3A_214, %mul3A_215 : i32
    %get3A_217 = arith.index_cast %shift_right_arithmetic3A_209 : i32 to index
    %get3A_218 = arith.index_cast %mul3A_216 : i32 to index
    %get3A_219 = tpu.vector_load %arg10[%get3A_217, %get3A_218] {strides = array<i32>} : memref<4x128xi32, #tpu.memory_space<vmem>>, vector<16xi32>,
    %and3A_220 = arith.constant 2 : i32
    %and3A_221 = arith.constant 15 : i32
    %and3A_222 = arith.andi %and3A_220, %and3A_221 : i32
    %broadcast_in_dim3A_223 = vector.broadcast %and3A_222 : i32 to vector<16xi32>
    %broadcast_in_dim3A_224 = vector.shape_cast %broadcast_in_dim3A_223 : vector<16xi32> to vector<16x1xi32>
    %gather3A_225 = vector.shape_cast %broadcast_in_dim3A_224 : vector<16x1xi32> to vector<16xi32>
    %gather3A_226 = tpu.dynamic_gather %get3A_219[%gather3A_225] in [0] : vector<16xi32>, vector<16xi32> -> vector<16xi32>
    %slice3A_227 = vector.extract_strided_slice %gather3A_226 {offsets = [0], sizes = [1], strides = [1]} : vector<16xi32> to vector<1xi32>
    %squeeze3A_228 = vector.extract %slice3A_227[0] : i32 from vector<1xi32>
    %shift_right_arithmetic3A_229 = arith.constant 2 : i32
    %shift_right_arithmetic3A_230 = arith.constant 7 : i32
    %shift_right_arithmetic3A_231 = arith.shrsi %shift_right_arithmetic3A_229, %shift_right_arithmetic3A_230 : i32
    %shift_right_arithmetic3A_232 = arith.constant 2 : i32
    %shift_right_arithmetic3A_233 = arith.constant 4 : i32
    %shift_right_arithmetic3A_234 = arith.shrsi %shift_right_arithmetic3A_232, %shift_right_arithmetic3A_233 : i32
    %and3A_235 = arith.constant 7 : i32
    %and3A_236 = arith.andi %shift_right_arithmetic3A_234, %and3A_235 : i32
    %mul3A_237 = arith.constant 16 : i32
    %mul3A_238 = arith.muli %and3A_236, %mul3A_237 : i32
    %get3A_239 = arith.index_cast %shift_right_arithmetic3A_231 : i32 to index
    %get3A_240 = arith.index_cast %mul3A_238 : i32 to index
    %get3A_241 = tpu.vector_load %arg11[%get3A_239, %get3A_240] {strides = array<i32>} : memref<4x128xi32, #tpu.memory_space<vmem>>, vector<16xi32>,
    %and3A_242 = arith.constant 2 : i32
    %and3A_243 = arith.constant 15 : i32
    %and3A_244 = arith.andi %and3A_242, %and3A_243 : i32
    %broadcast_in_dim3A_245 = vector.broadcast %and3A_244 : i32 to vector<16xi32>
    %broadcast_in_dim3A_246 = vector.shape_cast %broadcast_in_dim3A_245 : vector<16xi32> to vector<16x1xi32>
    %gather3A_247 = vector.shape_cast %broadcast_in_dim3A_246 : vector<16x1xi32> to vector<16xi32>
    %gather3A_248 = tpu.dynamic_gather %get3A_241[%gather3A_247] in [0] : vector<16xi32>, vector<16xi32> -> vector<16xi32>
    %slice3A_249 = vector.extract_strided_slice %gather3A_248 {offsets = [0], sizes = [1], strides = [1]} : vector<16xi32> to vector<1xi32>
    %squeeze3A_250 = vector.extract %slice3A_249[0] : i32 from vector<1xi32>
    %shift_right_arithmetic3A_251 = arith.constant 7 : i32
    %shift_right_arithmetic3A_252 = arith.shrsi %squeeze3A_228, %shift_right_arithmetic3A_251 : i32
    %ne3A_253 = arith.cmpi ne, %shift_right_arithmetic3A_252, %shift_right_arithmetic3A_178 : i32
    %convert_element_type3A_254 = arith.extui %ne3A_253 : i1 to i32
    %cond3A_255 = arith.constant 0 : i32
    %cond3A_256 = arith.cmpi ne, %convert_element_type3A_254, %cond3A_255 : i32
    scf.if %cond3A_256 {
      %mul3A_2389 = arith.constant 128 : i32
      %mul3A_2390 = arith.muli %shift_right_arithmetic3A_252, %mul3A_2389 : i32
      %multiple_of3A_2391 = tpu.assume_multiple %mul3A_2390, 128 : i32
      %rem3A_2392 = arith.constant 12 : i32
      %rem3A_2393 = arith.remsi %add3A_206, %rem3A_2392 : i32
      %dma_start3A_2394 = arith.constant 0 : i32
      %dma_start3A_2395 = arith.constant 0 : i32
      %dma_start3A_2396 = tpu.memref_slice %arg13[%rem3A_2393, %dma_start3A_2394, %dma_start3A_2395] : memref<12x32x128xf32, #tpu.memory_space<vmem>> -> memref<1x32x128xf32, #tpu.memory_space<vmem>>
      %dma_start3A_2397 = tpu.memref_squeeze %dma_start3A_2396 : memref<1x32x128xf32, #tpu.memory_space<vmem>> -> memref<32x128xf32, #tpu.memory_space<vmem>>
      %dma_start3A_2398 = arith.constant 0 : i32
      %dma_start3A_2399 = tpu.memref_slice %arg5[%dma_start3A_2398, %multiple_of3A_2391] : memref<32x1000000xf32, #tpu.memory_space<hbm>> -> memref<32x128xf32, #tpu.memory_space<hbm>>
      %dma_start3A_2400 = arith.constant 0 : i32
      %dma_start3A_2401 = arith.constant 0 : i32
      %dma_start3A_2402 = tpu.memref_slice %arg13[%rem3A_2393, %dma_start3A_2400, %dma_start3A_2401] : memref<12x32x128xf32, #tpu.memory_space<vmem>> -> memref<1x32x128xf32, #tpu.memory_space<vmem>>
      %dma_start3A_2403 = tpu.memref_squeeze %dma_start3A_2402 : memref<1x32x128xf32, #tpu.memory_space<vmem>> -> memref<32x128xf32, #tpu.memory_space<vmem>>
      %dma_start3A_2404 = arith.constant 0 : i32
      %dma_start3A_2405 = tpu.memref_slice %arg5[%dma_start3A_2404, %multiple_of3A_2391] : memref<32x1000000xf32, #tpu.memory_space<hbm>> -> memref<32x128xf32, #tpu.memory_space<hbm>>
      tpu.enqueue_dma source(%dma_start3A_2405 : memref<32x128xf32, #tpu.memory_space<hbm>>) target(%dma_start3A_2403 : memref<32x128xf32, #tpu.memory_space<vmem>>) target_semaphore(%arg18 : memref<!tpu.dma_semaphore, #tpu.memory_space<semaphore_mem>>)
    } else {
    }
    %shift_right_arithmetic3A_257 = arith.constant 7 : i32
    %shift_right_arithmetic3A_258 = arith.shrsi %squeeze3A_250, %shift_right_arithmetic3A_257 : i32
    %mul3A_259 = arith.constant 128 : i32
    %mul3A_260 = arith.muli %shift_right_arithmetic3A_258, %mul3A_259 : i32
    %multiple_of3A_261 = tpu.assume_multiple %mul3A_260, 128 : i32
    %rem3A_262 = arith.constant 2 : i32
    %rem3A_263 = arith.constant 12 : i32
    %rem3A_264 = arith.remsi %rem3A_262, %rem3A_263 : i32
    %dma_start3A_265 = arith.constant 0 : i32
    %dma_start3A_266 = arith.constant 0 : i32
    %dma_start3A_267 = tpu.memref_slice %arg14[%rem3A_264, %dma_start3A_265, %dma_start3A_266] : memref<12x32x128xf32, #tpu.memory_space<vmem>> -> memref<1x32x128xf32, #tpu.memory_space<vmem>>
    %dma_start3A_268 = tpu.memref_squeeze %dma_start3A_267 : memref<1x32x128xf32, #tpu.memory_space<vmem>> -> memref<32x128xf32, #tpu.memory_space<vmem>>
    %dma_start3A_269 = arith.constant 0 : i32
    %dma_start3A_270 = tpu.memref_slice %arg6[%dma_start3A_269, %multiple_of3A_261] : memref<32x1000000xf32, #tpu.memory_space<hbm>> -> memref<32x128xf32, #tpu.memory_space<hbm>>
    %dma_start3A_271 = arith.constant 0 : i32
    %dma_start3A_272 = arith.constant 0 : i32
    %dma_start3A_273 = tpu.memref_slice %arg14[%rem3A_264, %dma_start3A_271, %dma_start3A_272] : memref<12x32x128xf32, #tpu.memory_space<vmem>> -> memref<1x32x128xf32, #tpu.memory_space<vmem>>
    %dma_start3A_274 = tpu.memref_squeeze %dma_start3A_273 : memref<1x32x128xf32, #tpu.memory_space<vmem>> -> memref<32x128xf32, #tpu.memory_space<vmem>>
    %dma_start3A_275 = arith.constant 0 : i32
    %dma_start3A_276 = tpu.memref_slice %arg6[%dma_start3A_275, %multiple_of3A_261] : memref<32x1000000xf32, #tpu.memory_space<hbm>> -> memref<32x128xf32, #tpu.memory_space<hbm>>
    tpu.enqueue_dma source(%dma_start3A_276 : memref<32x128xf32, #tpu.memory_space<hbm>>) target(%dma_start3A_274 : memref<32x128xf32, #tpu.memory_space<vmem>>) target_semaphore(%arg19 : memref<!tpu.dma_semaphore, #tpu.memory_space<semaphore_mem>>)
    %jit3A_277 = arith.constant 1 : i32
    %jit3A_278 = arith.constant 0 : i32
    %select_n3A_279 = arith.select %ne3A_253, %jit3A_277, %jit3A_278 : i32
    %add3A_280 = arith.addi %add3A_206, %select_n3A_279 : i32
    %shift_right_arithmetic3A_281 = arith.constant 3 : i32
    %shift_right_arithmetic3A_282 = arith.constant 7 : i32
    %shift_right_arithmetic3A_283 = arith.shrsi %shift_right_arithmetic3A_281, %shift_right_arithmetic3A_282 : i32
    %shift_right_arithmetic3A_284 = arith.constant 3 : i32
    %shift_right_arithmetic3A_285 = arith.constant 4 : i32
    %shift_right_arithmetic3A_286 = arith.shrsi %shift_right_arithmetic3A_284, %shift_right_arithmetic3A_285 : i32
    %and3A_287 = arith.constant 7 : i32
    %and3A_288 = arith.andi %shift_right_arithmetic3A_286, %and3A_287 : i32
    %mul3A_289 = arith.constant 16 : i32
    %mul3A_290 = arith.muli %and3A_288, %mul3A_289 : i32
    %get3A_291 = arith.index_cast %shift_right_arithmetic3A_283 : i32 to index
    %get3A_292 = arith.index_cast %mul3A_290 : i32 to index
    %get3A_293 = tpu.vector_load %arg10[%get3A_291, %get3A_292] {strides = array<i32>} : memref<4x128xi32, #tpu.memory_space<vmem>>, vector<16xi32>,
    %and3A_294 = arith.constant 3 : i32
    %and3A_295 = arith.constant 15 : i32
    %and3A_296 = arith.andi %and3A_294, %and3A_295 : i32
    %broadcast_in_dim3A_297 = vector.broadcast %and3A_296 : i32 to vector<16xi32>
    %broadcast_in_dim3A_298 = vector.shape_cast %broadcast_in_dim3A_297 : vector<16xi32> to vector<16x1xi32>
    %gather3A_299 = vector.shape_cast %broadcast_in_dim3A_298 : vector<16x1xi32> to vector<16xi32>
    %gather3A_300 = tpu.dynamic_gather %get3A_293[%gather3A_299] in [0] : vector<16xi32>, vector<16xi32> -> vector<16xi32>
    %slice3A_301 = vector.extract_strided_slice %gather3A_300 {offsets = [0], sizes = [1], strides = [1]} : vector<16xi32> to vector<1xi32>
    %squeeze3A_302 = vector.extract %slice3A_301[0] : i32 from vector<1xi32>
    %shift_right_arithmetic3A_303 = arith.constant 3 : i32
    %shift_right_arithmetic3A_304 = arith.constant 7 : i32
    %shift_right_arithmetic3A_305 = arith.shrsi %shift_right_arithmetic3A_303, %shift_right_arithmetic3A_304 : i32
    %shift_right_arithmetic3A_306 = arith.constant 3 : i32
    %shift_right_arithmetic3A_307 = arith.constant 4 : i32
    %shift_right_arithmetic3A_308 = arith.shrsi %shift_right_arithmetic3A_306, %shift_right_arithmetic3A_307 : i32
    %and3A_309 = arith.constant 7 : i32
    %and3A_310 = arith.andi %shift_right_arithmetic3A_308, %and3A_309 : i32
    %mul3A_311 = arith.constant 16 : i32
    %mul3A_312 = arith.muli %and3A_310, %mul3A_311 : i32
    %get3A_313 = arith.index_cast %shift_right_arithmetic3A_305 : i32 to index
    %get3A_314 = arith.index_cast %mul3A_312 : i32 to index
    %get3A_315 = tpu.vector_load %arg11[%get3A_313, %get3A_314] {strides = array<i32>} : memref<4x128xi32, #tpu.memory_space<vmem>>, vector<16xi32>,
    %and3A_316 = arith.constant 3 : i32
    %and3A_317 = arith.constant 15 : i32
    %and3A_318 = arith.andi %and3A_316, %and3A_317 : i32
    %broadcast_in_dim3A_319 = vector.broadcast %and3A_318 : i32 to vector<16xi32>
    %broadcast_in_dim3A_320 = vector.shape_cast %broadcast_in_dim3A_319 : vector<16xi32> to vector<16x1xi32>
    %gather3A_321 = vector.shape_cast %broadcast_in_dim3A_320 : vector<16x1xi32> to vector<16xi32>
    %gather3A_322 = tpu.dynamic_gather %get3A_315[%gather3A_321] in [0] : vector<16xi32>, vector<16xi32> -> vector<16xi32>
    %slice3A_323 = vector.extract_strided_slice %gather3A_322 {offsets = [0], sizes = [1], strides = [1]} : vector<16xi32> to vector<1xi32>
    %squeeze3A_324 = vector.extract %slice3A_323[0] : i32 from vector<1xi32>
    %shift_right_arithmetic3A_325 = arith.constant 7 : i32
    %shift_right_arithmetic3A_326 = arith.shrsi %squeeze3A_302, %shift_right_arithmetic3A_325 : i32
    %ne3A_327 = arith.cmpi ne, %shift_right_arithmetic3A_326, %shift_right_arithmetic3A_252 : i32
    %convert_element_type3A_328 = arith.extui %ne3A_327 : i1 to i32
    %cond3A_329 = arith.constant 0 : i32
    %cond3A_330 = arith.cmpi ne, %convert_element_type3A_328, %cond3A_329 : i32
    scf.if %cond3A_330 {
      %mul3A_2389 = arith.constant 128 : i32
      %mul3A_2390 = arith.muli %shift_right_arithmetic3A_326, %mul3A_2389 : i32
      %multiple_of3A_2391 = tpu.assume_multiple %mul3A_2390, 128 : i32
      %rem3A_2392 = arith.constant 12 : i32
      %rem3A_2393 = arith.remsi %add3A_280, %rem3A_2392 : i32
      %dma_start3A_2394 = arith.constant 0 : i32
      %dma_start3A_2395 = arith.constant 0 : i32
      %dma_start3A_2396 = tpu.memref_slice %arg13[%rem3A_2393, %dma_start3A_2394, %dma_start3A_2395] : memref<12x32x128xf32, #tpu.memory_space<vmem>> -> memref<1x32x128xf32, #tpu.memory_space<vmem>>
      %dma_start3A_2397 = tpu.memref_squeeze %dma_start3A_2396 : memref<1x32x128xf32, #tpu.memory_space<vmem>> -> memref<32x128xf32, #tpu.memory_space<vmem>>
      %dma_start3A_2398 = arith.constant 0 : i32
      %dma_start3A_2399 = tpu.memref_slice %arg5[%dma_start3A_2398, %multiple_of3A_2391] : memref<32x1000000xf32, #tpu.memory_space<hbm>> -> memref<32x128xf32, #tpu.memory_space<hbm>>
      %dma_start3A_2400 = arith.constant 0 : i32
      %dma_start3A_2401 = arith.constant 0 : i32
      %dma_start3A_2402 = tpu.memref_slice %arg13[%rem3A_2393, %dma_start3A_2400, %dma_start3A_2401] : memref<12x32x128xf32, #tpu.memory_space<vmem>> -> memref<1x32x128xf32, #tpu.memory_space<vmem>>
      %dma_start3A_2403 = tpu.memref_squeeze %dma_start3A_2402 : memref<1x32x128xf32, #tpu.memory_space<vmem>> -> memref<32x128xf32, #tpu.memory_space<vmem>>
      %dma_start3A_2404 = arith.constant 0 : i32
      %dma_start3A_2405 = tpu.memref_slice %arg5[%dma_start3A_2404, %multiple_of3A_2391] : memref<32x1000000xf32, #tpu.memory_space<hbm>> -> memref<32x128xf32, #tpu.memory_space<hbm>>
      tpu.enqueue_dma source(%dma_start3A_2405 : memref<32x128xf32, #tpu.memory_space<hbm>>) target(%dma_start3A_2403 : memref<32x128xf32, #tpu.memory_space<vmem>>) target_semaphore(%arg18 : memref<!tpu.dma_semaphore, #tpu.memory_space<semaphore_mem>>)
    } else {
    }
    %shift_right_arithmetic3A_331 = arith.constant 7 : i32
    %shift_right_arithmetic3A_332 = arith.shrsi %squeeze3A_324, %shift_right_arithmetic3A_331 : i32
    %mul3A_333 = arith.constant 128 : i32
    %mul3A_334 = arith.muli %shift_right_arithmetic3A_332, %mul3A_333 : i32
    %multiple_of3A_335 = tpu.assume_multiple %mul3A_334, 128 : i32
    %rem3A_336 = arith.constant 3 : i32
    %rem3A_337 = arith.constant 12 : i32
    %rem3A_338 = arith.remsi %rem3A_336, %rem3A_337 : i32
    %dma_start3A_339 = arith.constant 0 : i32
    %dma_start3A_340 = arith.constant 0 : i32
    %dma_start3A_341 = tpu.memref_slice %arg14[%rem3A_338, %dma_start3A_339, %dma_start3A_340] : memref<12x32x128xf32, #tpu.memory_space<vmem>> -> memref<1x32x128xf32, #tpu.memory_space<vmem>>
    %dma_start3A_342 = tpu.memref_squeeze %dma_start3A_341 : memref<1x32x128xf32, #tpu.memory_space<vmem>> -> memref<32x128xf32, #tpu.memory_space<vmem>>
    %dma_start3A_343 = arith.constant 0 : i32
    %dma_start3A_344 = tpu.memref_slice %arg6[%dma_start3A_343, %multiple_of3A_335] : memref<32x1000000xf32, #tpu.memory_space<hbm>> -> memref<32x128xf32, #tpu.memory_space<hbm>>
    %dma_start3A_345 = arith.constant 0 : i32
    %dma_start3A_346 = arith.constant 0 : i32
    %dma_start3A_347 = tpu.memref_slice %arg14[%rem3A_338, %dma_start3A_345, %dma_start3A_346] : memref<12x32x128xf32, #tpu.memory_space<vmem>> -> memref<1x32x128xf32, #tpu.memory_space<vmem>>
    %dma_start3A_348 = tpu.memref_squeeze %dma_start3A_347 : memref<1x32x128xf32, #tpu.memory_space<vmem>> -> memref<32x128xf32, #tpu.memory_space<vmem>>
    %dma_start3A_349 = arith.constant 0 : i32
    %dma_start3A_350 = tpu.memref_slice %arg6[%dma_start3A_349, %multiple_of3A_335] : memref<32x1000000xf32, #tpu.memory_space<hbm>> -> memref<32x128xf32, #tpu.memory_space<hbm>>
    tpu.enqueue_dma source(%dma_start3A_350 : memref<32x128xf32, #tpu.memory_space<hbm>>) target(%dma_start3A_348 : memref<32x128xf32, #tpu.memory_space<vmem>>) target_semaphore(%arg19 : memref<!tpu.dma_semaphore, #tpu.memory_space<semaphore_mem>>)
    %jit3A_351 = arith.constant 1 : i32
    %jit3A_352 = arith.constant 0 : i32
    %select_n3A_353 = arith.select %ne3A_327, %jit3A_351, %jit3A_352 : i32
    %add3A_354 = arith.addi %add3A_280, %select_n3A_353 : i32
    %shift_right_arithmetic3A_355 = arith.constant 4 : i32
    %shift_right_arithmetic3A_356 = arith.constant 7 : i32
    %shift_right_arithmetic3A_357 = arith.shrsi %shift_right_arithmetic3A_355, %shift_right_arithmetic3A_356 : i32
    %shift_right_arithmetic3A_358 = arith.constant 4 : i32
    %shift_right_arithmetic3A_359 = arith.constant 4 : i32
    %shift_right_arithmetic3A_360 = arith.shrsi %shift_right_arithmetic3A_358, %shift_right_arithmetic3A_359 : i32
    %and3A_361 = arith.constant 7 : i32
    %and3A_362 = arith.andi %shift_right_arithmetic3A_360, %and3A_361 : i32
    %mul3A_363 = arith.constant 16 : i32
    %mul3A_364 = arith.muli %and3A_362, %mul3A_363 : i32
    %get3A_365 = arith.index_cast %shift_right_arithmetic3A_357 : i32 to index
    %get3A_366 = arith.index_cast %mul3A_364 : i32 to index
    %get3A_367 = tpu.vector_load %arg10[%get3A_365, %get3A_366] {strides = array<i32>} : memref<4x128xi32, #tpu.memory_space<vmem>>, vector<16xi32>,
    %and3A_368 = arith.constant 4 : i32
    %and3A_369 = arith.constant 15 : i32
    %and3A_370 = arith.andi %and3A_368, %and3A_369 : i32
    %broadcast_in_dim3A_371 = vector.broadcast %and3A_370 : i32 to vector<16xi32>
    %broadcast_in_dim3A_372 = vector.shape_cast %broadcast_in_dim3A_371 : vector<16xi32> to vector<16x1xi32>
    %gather3A_373 = vector.shape_cast %broadcast_in_dim3A_372 : vector<16x1xi32> to vector<16xi32>
    %gather3A_374 = tpu.dynamic_gather %get3A_367[%gather3A_373] in [0] : vector<16xi32>, vector<16xi32> -> vector<16xi32>
    %slice3A_375 = vector.extract_strided_slice %gather3A_374 {offsets = [0], sizes = [1], strides = [1]} : vector<16xi32> to vector<1xi32>
    %squeeze3A_376 = vector.extract %slice3A_375[0] : i32 from vector<1xi32>
    %shift_right_arithmetic3A_377 = arith.constant 4 : i32
    %shift_right_arithmetic3A_378 = arith.constant 7 : i32
    %shift_right_arithmetic3A_379 = arith.shrsi %shift_right_arithmetic3A_377, %shift_right_arithmetic3A_378 : i32
    %shift_right_arithmetic3A_380 = arith.constant 4 : i32
    %shift_right_arithmetic3A_381 = arith.constant 4 : i32
    %shift_right_arithmetic3A_382 = arith.shrsi %shift_right_arithmetic3A_380, %shift_right_arithmetic3A_381 : i32
    %and3A_383 = arith.constant 7 : i32
    %and3A_384 = arith.andi %shift_right_arithmetic3A_382, %and3A_383 : i32
    %mul3A_385 = arith.constant 16 : i32
    %mul3A_386 = arith.muli %and3A_384, %mul3A_385 : i32
    %get3A_387 = arith.index_cast %shift_right_arithmetic3A_379 : i32 to index
    %get3A_388 = arith.index_cast %mul3A_386 : i32 to index
    %get3A_389 = tpu.vector_load %arg11[%get3A_387, %get3A_388] {strides = array<i32>} : memref<4x128xi32, #tpu.memory_space<vmem>>, vector<16xi32>,
    %and3A_390 = arith.constant 4 : i32
    %and3A_391 = arith.constant 15 : i32
    %and3A_392 = arith.andi %and3A_390, %and3A_391 : i32
    %broadcast_in_dim3A_393 = vector.broadcast %and3A_392 : i32 to vector<16xi32>
    %broadcast_in_dim3A_394 = vector.shape_cast %broadcast_in_dim3A_393 : vector<16xi32> to vector<16x1xi32>
    %gather3A_395 = vector.shape_cast %broadcast_in_dim3A_394 : vector<16x1xi32> to vector<16xi32>
    %gather3A_396 = tpu.dynamic_gather %get3A_389[%gather3A_395] in [0] : vector<16xi32>, vector<16xi32> -> vector<16xi32>
    %slice3A_397 = vector.extract_strided_slice %gather3A_396 {offsets = [0], sizes = [1], strides = [1]} : vector<16xi32> to vector<1xi32>
    %squeeze3A_398 = vector.extract %slice3A_397[0] : i32 from vector<1xi32>
    %shift_right_arithmetic3A_399 = arith.constant 7 : i32
    %shift_right_arithmetic3A_400 = arith.shrsi %squeeze3A_376, %shift_right_arithmetic3A_399 : i32
    %ne3A_401 = arith.cmpi ne, %shift_right_arithmetic3A_400, %shift_right_arithmetic3A_326 : i32
    %convert_element_type3A_402 = arith.extui %ne3A_401 : i1 to i32
    %cond3A_403 = arith.constant 0 : i32
    %cond3A_404 = arith.cmpi ne, %convert_element_type3A_402, %cond3A_403 : i32
    scf.if %cond3A_404 {
      %mul3A_2389 = arith.constant 128 : i32
      %mul3A_2390 = arith.muli %shift_right_arithmetic3A_400, %mul3A_2389 : i32
      %multiple_of3A_2391 = tpu.assume_multiple %mul3A_2390, 128 : i32
      %rem3A_2392 = arith.constant 12 : i32
      %rem3A_2393 = arith.remsi %add3A_354, %rem3A_2392 : i32
      %dma_start3A_2394 = arith.constant 0 : i32
      %dma_start3A_2395 = arith.constant 0 : i32
      %dma_start3A_2396 = tpu.memref_slice %arg13[%rem3A_2393, %dma_start3A_2394, %dma_start3A_2395] : memref<12x32x128xf32, #tpu.memory_space<vmem>> -> memref<1x32x128xf32, #tpu.memory_space<vmem>>
      %dma_start3A_2397 = tpu.memref_squeeze %dma_start3A_2396 : memref<1x32x128xf32, #tpu.memory_space<vmem>> -> memref<32x128xf32, #tpu.memory_space<vmem>>
      %dma_start3A_2398 = arith.constant 0 : i32
      %dma_start3A_2399 = tpu.memref_slice %arg5[%dma_start3A_2398, %multiple_of3A_2391] : memref<32x1000000xf32, #tpu.memory_space<hbm>> -> memref<32x128xf32, #tpu.memory_space<hbm>>
      %dma_start3A_2400 = arith.constant 0 : i32
      %dma_start3A_2401 = arith.constant 0 : i32
      %dma_start3A_2402 = tpu.memref_slice %arg13[%rem3A_2393, %dma_start3A_2400, %dma_start3A_2401] : memref<12x32x128xf32, #tpu.memory_space<vmem>> -> memref<1x32x128xf32, #tpu.memory_space<vmem>>
      %dma_start3A_2403 = tpu.memref_squeeze %dma_start3A_2402 : memref<1x32x128xf32, #tpu.memory_space<vmem>> -> memref<32x128xf32, #tpu.memory_space<vmem>>
      %dma_start3A_2404 = arith.constant 0 : i32
      %dma_start3A_2405 = tpu.memref_slice %arg5[%dma_start3A_2404, %multiple_of3A_2391] : memref<32x1000000xf32, #tpu.memory_space<hbm>> -> memref<32x128xf32, #tpu.memory_space<hbm>>
      tpu.enqueue_dma source(%dma_start3A_2405 : memref<32x128xf32, #tpu.memory_space<hbm>>) target(%dma_start3A_2403 : memref<32x128xf32, #tpu.memory_space<vmem>>) target_semaphore(%arg18 : memref<!tpu.dma_semaphore, #tpu.memory_space<semaphore_mem>>)
    } else {
    }
    %shift_right_arithmetic3A_405 = arith.constant 7 : i32
    %shift_right_arithmetic3A_406 = arith.shrsi %squeeze3A_398, %shift_right_arithmetic3A_405 : i32
    %mul3A_407 = arith.constant 128 : i32
    %mul3A_408 = arith.muli %shift_right_arithmetic3A_406, %mul3A_407 : i32
    %multiple_of3A_409 = tpu.assume_multiple %mul3A_408, 128 : i32
    %rem3A_410 = arith.constant 4 : i32
    %rem3A_411 = arith.constant 12 : i32
    %rem3A_412 = arith.remsi %rem3A_410, %rem3A_411 : i32
    %dma_start3A_413 = arith.constant 0 : i32
    %dma_start3A_414 = arith.constant 0 : i32
    %dma_start3A_415 = tpu.memref_slice %arg14[%rem3A_412, %dma_start3A_413, %dma_start3A_414] : memref<12x32x128xf32, #tpu.memory_space<vmem>> -> memref<1x32x128xf32, #tpu.memory_space<vmem>>
    %dma_start3A_416 = tpu.memref_squeeze %dma_start3A_415 : memref<1x32x128xf32, #tpu.memory_space<vmem>> -> memref<32x128xf32, #tpu.memory_space<vmem>>
    %dma_start3A_417 = arith.constant 0 : i32
    %dma_start3A_418 = tpu.memref_slice %arg6[%dma_start3A_417, %multiple_of3A_409] : memref<32x1000000xf32, #tpu.memory_space<hbm>> -> memref<32x128xf32, #tpu.memory_space<hbm>>
    %dma_start3A_419 = arith.constant 0 : i32
    %dma_start3A_420 = arith.constant 0 : i32
    %dma_start3A_421 = tpu.memref_slice %arg14[%rem3A_412, %dma_start3A_419, %dma_start3A_420] : memref<12x32x128xf32, #tpu.memory_space<vmem>> -> memref<1x32x128xf32, #tpu.memory_space<vmem>>
    %dma_start3A_422 = tpu.memref_squeeze %dma_start3A_421 : memref<1x32x128xf32, #tpu.memory_space<vmem>> -> memref<32x128xf32, #tpu.memory_space<vmem>>
    %dma_start3A_423 = arith.constant 0 : i32
    %dma_start3A_424 = tpu.memref_slice %arg6[%dma_start3A_423, %multiple_of3A_409] : memref<32x1000000xf32, #tpu.memory_space<hbm>> -> memref<32x128xf32, #tpu.memory_space<hbm>>
    tpu.enqueue_dma source(%dma_start3A_424 : memref<32x128xf32, #tpu.memory_space<hbm>>) target(%dma_start3A_422 : memref<32x128xf32, #tpu.memory_space<vmem>>) target_semaphore(%arg19 : memref<!tpu.dma_semaphore, #tpu.memory_space<semaphore_mem>>)
    %jit3A_425 = arith.constant 1 : i32
    %jit3A_426 = arith.constant 0 : i32
    %select_n3A_427 = arith.select %ne3A_401, %jit3A_425, %jit3A_426 : i32
    %add3A_428 = arith.addi %add3A_354, %select_n3A_427 : i32
    %shift_right_arithmetic3A_429 = arith.constant 5 : i32
    %shift_right_arithmetic3A_430 = arith.constant 7 : i32
    %shift_right_arithmetic3A_431 = arith.shrsi %shift_right_arithmetic3A_429, %shift_right_arithmetic3A_430 : i32
    %shift_right_arithmetic3A_432 = arith.constant 5 : i32
    %shift_right_arithmetic3A_433 = arith.constant 4 : i32
    %shift_right_arithmetic3A_434 = arith.shrsi %shift_right_arithmetic3A_432, %shift_right_arithmetic3A_433 : i32
    %and3A_435 = arith.constant 7 : i32
    %and3A_436 = arith.andi %shift_right_arithmetic3A_434, %and3A_435 : i32
    %mul3A_437 = arith.constant 16 : i32
    %mul3A_438 = arith.muli %and3A_436, %mul3A_437 : i32
    %get3A_439 = arith.index_cast %shift_right_arithmetic3A_431 : i32 to index
    %get3A_440 = arith.index_cast %mul3A_438 : i32 to index
    %get3A_441 = tpu.vector_load %arg10[%get3A_439, %get3A_440] {strides = array<i32>} : memref<4x128xi32, #tpu.memory_space<vmem>>, vector<16xi32>,
    %and3A_442 = arith.constant 5 : i32
    %and3A_443 = arith.constant 15 : i32
    %and3A_444 = arith.andi %and3A_442, %and3A_443 : i32
    %broadcast_in_dim3A_445 = vector.broadcast %and3A_444 : i32 to vector<16xi32>
    %broadcast_in_dim3A_446 = vector.shape_cast %broadcast_in_dim3A_445 : vector<16xi32> to vector<16x1xi32>
    %gather3A_447 = vector.shape_cast %broadcast_in_dim3A_446 : vector<16x1xi32> to vector<16xi32>
    %gather3A_448 = tpu.dynamic_gather %get3A_441[%gather3A_447] in [0] : vector<16xi32>, vector<16xi32> -> vector<16xi32>
    %slice3A_449 = vector.extract_strided_slice %gather3A_448 {offsets = [0], sizes = [1], strides = [1]} : vector<16xi32> to vector<1xi32>
    %squeeze3A_450 = vector.extract %slice3A_449[0] : i32 from vector<1xi32>
    %shift_right_arithmetic3A_451 = arith.constant 5 : i32
    %shift_right_arithmetic3A_452 = arith.constant 7 : i32
    %shift_right_arithmetic3A_453 = arith.shrsi %shift_right_arithmetic3A_451, %shift_right_arithmetic3A_452 : i32
    %shift_right_arithmetic3A_454 = arith.constant 5 : i32
    %shift_right_arithmetic3A_455 = arith.constant 4 : i32
    %shift_right_arithmetic3A_456 = arith.shrsi %shift_right_arithmetic3A_454, %shift_right_arithmetic3A_455 : i32
    %and3A_457 = arith.constant 7 : i32
    %and3A_458 = arith.andi %shift_right_arithmetic3A_456, %and3A_457 : i32
    %mul3A_459 = arith.constant 16 : i32
    %mul3A_460 = arith.muli %and3A_458, %mul3A_459 : i32
    %get3A_461 = arith.index_cast %shift_right_arithmetic3A_453 : i32 to index
    %get3A_462 = arith.index_cast %mul3A_460 : i32 to index
    %get3A_463 = tpu.vector_load %arg11[%get3A_461, %get3A_462] {strides = array<i32>} : memref<4x128xi32, #tpu.memory_space<vmem>>, vector<16xi32>,
    %and3A_464 = arith.constant 5 : i32
    %and3A_465 = arith.constant 15 : i32
    %and3A_466 = arith.andi %and3A_464, %and3A_465 : i32
    %broadcast_in_dim3A_467 = vector.broadcast %and3A_466 : i32 to vector<16xi32>
    %broadcast_in_dim3A_468 = vector.shape_cast %broadcast_in_dim3A_467 : vector<16xi32> to vector<16x1xi32>
    %gather3A_469 = vector.shape_cast %broadcast_in_dim3A_468 : vector<16x1xi32> to vector<16xi32>
    %gather3A_470 = tpu.dynamic_gather %get3A_463[%gather3A_469] in [0] : vector<16xi32>, vector<16xi32> -> vector<16xi32>
    %slice3A_471 = vector.extract_strided_slice %gather3A_470 {offsets = [0], sizes = [1], strides = [1]} : vector<16xi32> to vector<1xi32>
    %squeeze3A_472 = vector.extract %slice3A_471[0] : i32 from vector<1xi32>
    %shift_right_arithmetic3A_473 = arith.constant 7 : i32
    %shift_right_arithmetic3A_474 = arith.shrsi %squeeze3A_450, %shift_right_arithmetic3A_473 : i32
    %ne3A_475 = arith.cmpi ne, %shift_right_arithmetic3A_474, %shift_right_arithmetic3A_400 : i32
    %convert_element_type3A_476 = arith.extui %ne3A_475 : i1 to i32
    %cond3A_477 = arith.constant 0 : i32
    %cond3A_478 = arith.cmpi ne, %convert_element_type3A_476, %cond3A_477 : i32
    scf.if %cond3A_478 {
      %mul3A_2389 = arith.constant 128 : i32
      %mul3A_2390 = arith.muli %shift_right_arithmetic3A_474, %mul3A_2389 : i32
      %multiple_of3A_2391 = tpu.assume_multiple %mul3A_2390, 128 : i32
      %rem3A_2392 = arith.constant 12 : i32
      %rem3A_2393 = arith.remsi %add3A_428, %rem3A_2392 : i32
      %dma_start3A_2394 = arith.constant 0 : i32
      %dma_start3A_2395 = arith.constant 0 : i32
      %dma_start3A_2396 = tpu.memref_slice %arg13[%rem3A_2393, %dma_start3A_2394, %dma_start3A_2395] : memref<12x32x128xf32, #tpu.memory_space<vmem>> -> memref<1x32x128xf32, #tpu.memory_space<vmem>>
      %dma_start3A_2397 = tpu.memref_squeeze %dma_start3A_2396 : memref<1x32x128xf32, #tpu.memory_space<vmem>> -> memref<32x128xf32, #tpu.memory_space<vmem>>
      %dma_start3A_2398 = arith.constant 0 : i32
      %dma_start3A_2399 = tpu.memref_slice %arg5[%dma_start3A_2398, %multiple_of3A_2391] : memref<32x1000000xf32, #tpu.memory_space<hbm>> -> memref<32x128xf32, #tpu.memory_space<hbm>>
      %dma_start3A_2400 = arith.constant 0 : i32
      %dma_start3A_2401 = arith.constant 0 : i32
      %dma_start3A_2402 = tpu.memref_slice %arg13[%rem3A_2393, %dma_start3A_2400, %dma_start3A_2401] : memref<12x32x128xf32, #tpu.memory_space<vmem>> -> memref<1x32x128xf32, #tpu.memory_space<vmem>>
      %dma_start3A_2403 = tpu.memref_squeeze %dma_start3A_2402 : memref<1x32x128xf32, #tpu.memory_space<vmem>> -> memref<32x128xf32, #tpu.memory_space<vmem>>
      %dma_start3A_2404 = arith.constant 0 : i32
      %dma_start3A_2405 = tpu.memref_slice %arg5[%dma_start3A_2404, %multiple_of3A_2391] : memref<32x1000000xf32, #tpu.memory_space<hbm>> -> memref<32x128xf32, #tpu.memory_space<hbm>>
      tpu.enqueue_dma source(%dma_start3A_2405 : memref<32x128xf32, #tpu.memory_space<hbm>>) target(%dma_start3A_2403 : memref<32x128xf32, #tpu.memory_space<vmem>>) target_semaphore(%arg18 : memref<!tpu.dma_semaphore, #tpu.memory_space<semaphore_mem>>)
    } else {
    }
    %shift_right_arithmetic3A_479 = arith.constant 7 : i32
    %shift_right_arithmetic3A_480 = arith.shrsi %squeeze3A_472, %shift_right_arithmetic3A_479 : i32
    %mul3A_481 = arith.constant 128 : i32
    %mul3A_482 = arith.muli %shift_right_arithmetic3A_480, %mul3A_481 : i32
    %multiple_of3A_483 = tpu.assume_multiple %mul3A_482, 128 : i32
    %rem3A_484 = arith.constant 5 : i32
    %rem3A_485 = arith.constant 12 : i32
    %rem3A_486 = arith.remsi %rem3A_484, %rem3A_485 : i32
    %dma_start3A_487 = arith.constant 0 : i32
    %dma_start3A_488 = arith.constant 0 : i32
    %dma_start3A_489 = tpu.memref_slice %arg14[%rem3A_486, %dma_start3A_487, %dma_start3A_488] : memref<12x32x128xf32, #tpu.memory_space<vmem>> -> memref<1x32x128xf32, #tpu.memory_space<vmem>>
    %dma_start3A_490 = tpu.memref_squeeze %dma_start3A_489 : memref<1x32x128xf32, #tpu.memory_space<vmem>> -> memref<32x128xf32, #tpu.memory_space<vmem>>
    %dma_start3A_491 = arith.constant 0 : i32
    %dma_start3A_492 = tpu.memref_slice %arg6[%dma_start3A_491, %multiple_of3A_483] : memref<32x1000000xf32, #tpu.memory_space<hbm>> -> memref<32x128xf32, #tpu.memory_space<hbm>>
    %dma_start3A_493 = arith.constant 0 : i32
    %dma_start3A_494 = arith.constant 0 : i32
    %dma_start3A_495 = tpu.memref_slice %arg14[%rem3A_486, %dma_start3A_493, %dma_start3A_494] : memref<12x32x128xf32, #tpu.memory_space<vmem>> -> memref<1x32x128xf32, #tpu.memory_space<vmem>>
    %dma_start3A_496 = tpu.memref_squeeze %dma_start3A_495 : memref<1x32x128xf32, #tpu.memory_space<vmem>> -> memref<32x128xf32, #tpu.memory_space<vmem>>
    %dma_start3A_497 = arith.constant 0 : i32
    %dma_start3A_498 = tpu.memref_slice %arg6[%dma_start3A_497, %multiple_of3A_483] : memref<32x1000000xf32, #tpu.memory_space<hbm>> -> memref<32x128xf32, #tpu.memory_space<hbm>>
    tpu.enqueue_dma source(%dma_start3A_498 : memref<32x128xf32, #tpu.memory_space<hbm>>) target(%dma_start3A_496 : memref<32x128xf32, #tpu.memory_space<vmem>>) target_semaphore(%arg19 : memref<!tpu.dma_semaphore, #tpu.memory_space<semaphore_mem>>)
    %jit3A_499 = arith.constant 1 : i32
    %jit3A_500 = arith.constant 0 : i32
    %select_n3A_501 = arith.select %ne3A_475, %jit3A_499, %jit3A_500 : i32
    %add3A_502 = arith.addi %add3A_428, %select_n3A_501 : i32
    %shift_right_arithmetic3A_503 = arith.constant 6 : i32
    %shift_right_arithmetic3A_504 = arith.constant 7 : i32
    %shift_right_arithmetic3A_505 = arith.shrsi %shift_right_arithmetic3A_503, %shift_right_arithmetic3A_504 : i32
    %shift_right_arithmetic3A_506 = arith.constant 6 : i32
    %shift_right_arithmetic3A_507 = arith.constant 4 : i32
    %shift_right_arithmetic3A_508 = arith.shrsi %shift_right_arithmetic3A_506, %shift_right_arithmetic3A_507 : i32
    %and3A_509 = arith.constant 7 : i32
    %and3A_510 = arith.andi %shift_right_arithmetic3A_508, %and3A_509 : i32
    %mul3A_511 = arith.constant 16 : i32
    %mul3A_512 = arith.muli %and3A_510, %mul3A_511 : i32
    %get3A_513 = arith.index_cast %shift_right_arithmetic3A_505 : i32 to index
    %get3A_514 = arith.index_cast %mul3A_512 : i32 to index
    %get3A_515 = tpu.vector_load %arg10[%get3A_513, %get3A_514] {strides = array<i32>} : memref<4x128xi32, #tpu.memory_space<vmem>>, vector<16xi32>,
    %and3A_516 = arith.constant 6 : i32
    %and3A_517 = arith.constant 15 : i32
    %and3A_518 = arith.andi %and3A_516, %and3A_517 : i32
    %broadcast_in_dim3A_519 = vector.broadcast %and3A_518 : i32 to vector<16xi32>
    %broadcast_in_dim3A_520 = vector.shape_cast %broadcast_in_dim3A_519 : vector<16xi32> to vector<16x1xi32>
    %gather3A_521 = vector.shape_cast %broadcast_in_dim3A_520 : vector<16x1xi32> to vector<16xi32>
    %gather3A_522 = tpu.dynamic_gather %get3A_515[%gather3A_521] in [0] : vector<16xi32>, vector<16xi32> -> vector<16xi32>
    %slice3A_523 = vector.extract_strided_slice %gather3A_522 {offsets = [0], sizes = [1], strides = [1]} : vector<16xi32> to vector<1xi32>
    %squeeze3A_524 = vector.extract %slice3A_523[0] : i32 from vector<1xi32>
    %shift_right_arithmetic3A_525 = arith.constant 6 : i32
    %shift_right_arithmetic3A_526 = arith.constant 7 : i32
    %shift_right_arithmetic3A_527 = arith.shrsi %shift_right_arithmetic3A_525, %shift_right_arithmetic3A_526 : i32
    %shift_right_arithmetic3A_528 = arith.constant 6 : i32
    %shift_right_arithmetic3A_529 = arith.constant 4 : i32
    %shift_right_arithmetic3A_530 = arith.shrsi %shift_right_arithmetic3A_528, %shift_right_arithmetic3A_529 : i32
    %and3A_531 = arith.constant 7 : i32
    %and3A_532 = arith.andi %shift_right_arithmetic3A_530, %and3A_531 : i32
    %mul3A_533 = arith.constant 16 : i32
    %mul3A_534 = arith.muli %and3A_532, %mul3A_533 : i32
    %get3A_535 = arith.index_cast %shift_right_arithmetic3A_527 : i32 to index
    %get3A_536 = arith.index_cast %mul3A_534 : i32 to index
    %get3A_537 = tpu.vector_load %arg11[%get3A_535, %get3A_536] {strides = array<i32>} : memref<4x128xi32, #tpu.memory_space<vmem>>, vector<16xi32>,
    %and3A_538 = arith.constant 6 : i32
    %and3A_539 = arith.constant 15 : i32
    %and3A_540 = arith.andi %and3A_538, %and3A_539 : i32
    %broadcast_in_dim3A_541 = vector.broadcast %and3A_540 : i32 to vector<16xi32>
    %broadcast_in_dim3A_542 = vector.shape_cast %broadcast_in_dim3A_541 : vector<16xi32> to vector<16x1xi32>
    %gather3A_543 = vector.shape_cast %broadcast_in_dim3A_542 : vector<16x1xi32> to vector<16xi32>
    %gather3A_544 = tpu.dynamic_gather %get3A_537[%gather3A_543] in [0] : vector<16xi32>, vector<16xi32> -> vector<16xi32>
    %slice3A_545 = vector.extract_strided_slice %gather3A_544 {offsets = [0], sizes = [1], strides = [1]} : vector<16xi32> to vector<1xi32>
    %squeeze3A_546 = vector.extract %slice3A_545[0] : i32 from vector<1xi32>
    %shift_right_arithmetic3A_547 = arith.constant 7 : i32
    %shift_right_arithmetic3A_548 = arith.shrsi %squeeze3A_524, %shift_right_arithmetic3A_547 : i32
    %ne3A_549 = arith.cmpi ne, %shift_right_arithmetic3A_548, %shift_right_arithmetic3A_474 : i32
    %convert_element_type3A_550 = arith.extui %ne3A_549 : i1 to i32
    %cond3A_551 = arith.constant 0 : i32
    %cond3A_552 = arith.cmpi ne, %convert_element_type3A_550, %cond3A_551 : i32
    scf.if %cond3A_552 {
      %mul3A_2389 = arith.constant 128 : i32
      %mul3A_2390 = arith.muli %shift_right_arithmetic3A_548, %mul3A_2389 : i32
      %multiple_of3A_2391 = tpu.assume_multiple %mul3A_2390, 128 : i32
      %rem3A_2392 = arith.constant 12 : i32
      %rem3A_2393 = arith.remsi %add3A_502, %rem3A_2392 : i32
      %dma_start3A_2394 = arith.constant 0 : i32
      %dma_start3A_2395 = arith.constant 0 : i32
      %dma_start3A_2396 = tpu.memref_slice %arg13[%rem3A_2393, %dma_start3A_2394, %dma_start3A_2395] : memref<12x32x128xf32, #tpu.memory_space<vmem>> -> memref<1x32x128xf32, #tpu.memory_space<vmem>>
      %dma_start3A_2397 = tpu.memref_squeeze %dma_start3A_2396 : memref<1x32x128xf32, #tpu.memory_space<vmem>> -> memref<32x128xf32, #tpu.memory_space<vmem>>
      %dma_start3A_2398 = arith.constant 0 : i32
      %dma_start3A_2399 = tpu.memref_slice %arg5[%dma_start3A_2398, %multiple_of3A_2391] : memref<32x1000000xf32, #tpu.memory_space<hbm>> -> memref<32x128xf32, #tpu.memory_space<hbm>>
      %dma_start3A_2400 = arith.constant 0 : i32
      %dma_start3A_2401 = arith.constant 0 : i32
      %dma_start3A_2402 = tpu.memref_slice %arg13[%rem3A_2393, %dma_start3A_2400, %dma_start3A_2401] : memref<12x32x128xf32, #tpu.memory_space<vmem>> -> memref<1x32x128xf32, #tpu.memory_space<vmem>>
      %dma_start3A_2403 = tpu.memref_squeeze %dma_start3A_2402 : memref<1x32x128xf32, #tpu.memory_space<vmem>> -> memref<32x128xf32, #tpu.memory_space<vmem>>
      %dma_start3A_2404 = arith.constant 0 : i32
      %dma_start3A_2405 = tpu.memref_slice %arg5[%dma_start3A_2404, %multiple_of3A_2391] : memref<32x1000000xf32, #tpu.memory_space<hbm>> -> memref<32x128xf32, #tpu.memory_space<hbm>>
      tpu.enqueue_dma source(%dma_start3A_2405 : memref<32x128xf32, #tpu.memory_space<hbm>>) target(%dma_start3A_2403 : memref<32x128xf32, #tpu.memory_space<vmem>>) target_semaphore(%arg18 : memref<!tpu.dma_semaphore, #tpu.memory_space<semaphore_mem>>)
    } else {
    }
    %shift_right_arithmetic3A_553 = arith.constant 7 : i32
    %shift_right_arithmetic3A_554 = arith.shrsi %squeeze3A_546, %shift_right_arithmetic3A_553 : i32
    %mul3A_555 = arith.constant 128 : i32
    %mul3A_556 = arith.muli %shift_right_arithmetic3A_554, %mul3A_555 : i32
    %multiple_of3A_557 = tpu.assume_multiple %mul3A_556, 128 : i32
    %rem3A_558 = arith.constant 6 : i32
    %rem3A_559 = arith.constant 12 : i32
    %rem3A_560 = arith.remsi %rem3A_558, %rem3A_559 : i32
    %dma_start3A_561 = arith.constant 0 : i32
    %dma_start3A_562 = arith.constant 0 : i32
    %dma_start3A_563 = tpu.memref_slice %arg14[%rem3A_560, %dma_start3A_561, %dma_start3A_562] : memref<12x32x128xf32, #tpu.memory_space<vmem>> -> memref<1x32x128xf32, #tpu.memory_space<vmem>>
    %dma_start3A_564 = tpu.memref_squeeze %dma_start3A_563 : memref<1x32x128xf32, #tpu.memory_space<vmem>> -> memref<32x128xf32, #tpu.memory_space<vmem>>
    %dma_start3A_565 = arith.constant 0 : i32
    %dma_start3A_566 = tpu.memref_slice %arg6[%dma_start3A_565, %multiple_of3A_557] : memref<32x1000000xf32, #tpu.memory_space<hbm>> -> memref<32x128xf32, #tpu.memory_space<hbm>>
    %dma_start3A_567 = arith.constant 0 : i32
    %dma_start3A_568 = arith.constant 0 : i32
    %dma_start3A_569 = tpu.memref_slice %arg14[%rem3A_560, %dma_start3A_567, %dma_start3A_568] : memref<12x32x128xf32, #tpu.memory_space<vmem>> -> memref<1x32x128xf32, #tpu.memory_space<vmem>>
    %dma_start3A_570 = tpu.memref_squeeze %dma_start3A_569 : memref<1x32x128xf32, #tpu.memory_space<vmem>> -> memref<32x128xf32, #tpu.memory_space<vmem>>
    %dma_start3A_571 = arith.constant 0 : i32
    %dma_start3A_572 = tpu.memref_slice %arg6[%dma_start3A_571, %multiple_of3A_557] : memref<32x1000000xf32, #tpu.memory_space<hbm>> -> memref<32x128xf32, #tpu.memory_space<hbm>>
    tpu.enqueue_dma source(%dma_start3A_572 : memref<32x128xf32, #tpu.memory_space<hbm>>) target(%dma_start3A_570 : memref<32x128xf32, #tpu.memory_space<vmem>>) target_semaphore(%arg19 : memref<!tpu.dma_semaphore, #tpu.memory_space<semaphore_mem>>)
    %jit3A_573 = arith.constant 1 : i32
    %jit3A_574 = arith.constant 0 : i32
    %select_n3A_575 = arith.select %ne3A_549, %jit3A_573, %jit3A_574 : i32
    %add3A_576 = arith.addi %add3A_502, %select_n3A_575 : i32
    %shift_right_arithmetic3A_577 = arith.constant 7 : i32
    %shift_right_arithmetic3A_578 = arith.constant 7 : i32
    %shift_right_arithmetic3A_579 = arith.shrsi %shift_right_arithmetic3A_577, %shift_right_arithmetic3A_578 : i32
    %shift_right_arithmetic3A_580 = arith.constant 7 : i32
    %shift_right_arithmetic3A_581 = arith.constant 4 : i32
    %shift_right_arithmetic3A_582 = arith.shrsi %shift_right_arithmetic3A_580, %shift_right_arithmetic3A_581 : i32
    %and3A_583 = arith.constant 7 : i32
    %and3A_584 = arith.andi %shift_right_arithmetic3A_582, %and3A_583 : i32
    %mul3A_585 = arith.constant 16 : i32
    %mul3A_586 = arith.muli %and3A_584, %mul3A_585 : i32
    %get3A_587 = arith.index_cast %shift_right_arithmetic3A_579 : i32 to index
    %get3A_588 = arith.index_cast %mul3A_586 : i32 to index
    %get3A_589 = tpu.vector_load %arg10[%get3A_587, %get3A_588] {strides = array<i32>} : memref<4x128xi32, #tpu.memory_space<vmem>>, vector<16xi32>,
    %and3A_590 = arith.constant 7 : i32
    %and3A_591 = arith.constant 15 : i32
    %and3A_592 = arith.andi %and3A_590, %and3A_591 : i32
    %broadcast_in_dim3A_593 = vector.broadcast %and3A_592 : i32 to vector<16xi32>
    %broadcast_in_dim3A_594 = vector.shape_cast %broadcast_in_dim3A_593 : vector<16xi32> to vector<16x1xi32>
    %gather3A_595 = vector.shape_cast %broadcast_in_dim3A_594 : vector<16x1xi32> to vector<16xi32>
    %gather3A_596 = tpu.dynamic_gather %get3A_589[%gather3A_595] in [0] : vector<16xi32>, vector<16xi32> -> vector<16xi32>
    %slice3A_597 = vector.extract_strided_slice %gather3A_596 {offsets = [0], sizes = [1], strides = [1]} : vector<16xi32> to vector<1xi32>
    %squeeze3A_598 = vector.extract %slice3A_597[0] : i32 from vector<1xi32>
    %shift_right_arithmetic3A_599 = arith.constant 7 : i32
    %shift_right_arithmetic3A_600 = arith.constant 7 : i32
    %shift_right_arithmetic3A_601 = arith.shrsi %shift_right_arithmetic3A_599, %shift_right_arithmetic3A_600 : i32
    %shift_right_arithmetic3A_602 = arith.constant 7 : i32
    %shift_right_arithmetic3A_603 = arith.constant 4 : i32
    %shift_right_arithmetic3A_604 = arith.shrsi %shift_right_arithmetic3A_602, %shift_right_arithmetic3A_603 : i32
    %and3A_605 = arith.constant 7 : i32
    %and3A_606 = arith.andi %shift_right_arithmetic3A_604, %and3A_605 : i32
    %mul3A_607 = arith.constant 16 : i32
    %mul3A_608 = arith.muli %and3A_606, %mul3A_607 : i32
    %get3A_609 = arith.index_cast %shift_right_arithmetic3A_601 : i32 to index
    %get3A_610 = arith.index_cast %mul3A_608 : i32 to index
    %get3A_611 = tpu.vector_load %arg11[%get3A_609, %get3A_610] {strides = array<i32>} : memref<4x128xi32, #tpu.memory_space<vmem>>, vector<16xi32>,
    %and3A_612 = arith.constant 7 : i32
    %and3A_613 = arith.constant 15 : i32
    %and3A_614 = arith.andi %and3A_612, %and3A_613 : i32
    %broadcast_in_dim3A_615 = vector.broadcast %and3A_614 : i32 to vector<16xi32>
    %broadcast_in_dim3A_616 = vector.shape_cast %broadcast_in_dim3A_615 : vector<16xi32> to vector<16x1xi32>
    %gather3A_617 = vector.shape_cast %broadcast_in_dim3A_616 : vector<16x1xi32> to vector<16xi32>
    %gather3A_618 = tpu.dynamic_gather %get3A_611[%gather3A_617] in [0] : vector<16xi32>, vector<16xi32> -> vector<16xi32>
    %slice3A_619 = vector.extract_strided_slice %gather3A_618 {offsets = [0], sizes = [1], strides = [1]} : vector<16xi32> to vector<1xi32>
    %squeeze3A_620 = vector.extract %slice3A_619[0] : i32 from vector<1xi32>
    %shift_right_arithmetic3A_621 = arith.constant 7 : i32
    %shift_right_arithmetic3A_622 = arith.shrsi %squeeze3A_598, %shift_right_arithmetic3A_621 : i32
    %ne3A_623 = arith.cmpi ne, %shift_right_arithmetic3A_622, %shift_right_arithmetic3A_548 : i32
    %convert_element_type3A_624 = arith.extui %ne3A_623 : i1 to i32
    %cond3A_625 = arith.constant 0 : i32
    %cond3A_626 = arith.cmpi ne, %convert_element_type3A_624, %cond3A_625 : i32
    scf.if %cond3A_626 {
      %mul3A_2389 = arith.constant 128 : i32
      %mul3A_2390 = arith.muli %shift_right_arithmetic3A_622, %mul3A_2389 : i32
      %multiple_of3A_2391 = tpu.assume_multiple %mul3A_2390, 128 : i32
      %rem3A_2392 = arith.constant 12 : i32
      %rem3A_2393 = arith.remsi %add3A_576, %rem3A_2392 : i32
      %dma_start3A_2394 = arith.constant 0 : i32
      %dma_start3A_2395 = arith.constant 0 : i32
      %dma_start3A_2396 = tpu.memref_slice %arg13[%rem3A_2393, %dma_start3A_2394, %dma_start3A_2395] : memref<12x32x128xf32, #tpu.memory_space<vmem>> -> memref<1x32x128xf32, #tpu.memory_space<vmem>>
      %dma_start3A_2397 = tpu.memref_squeeze %dma_start3A_2396 : memref<1x32x128xf32, #tpu.memory_space<vmem>> -> memref<32x128xf32, #tpu.memory_space<vmem>>
      %dma_start3A_2398 = arith.constant 0 : i32
      %dma_start3A_2399 = tpu.memref_slice %arg5[%dma_start3A_2398, %multiple_of3A_2391] : memref<32x1000000xf32, #tpu.memory_space<hbm>> -> memref<32x128xf32, #tpu.memory_space<hbm>>
      %dma_start3A_2400 = arith.constant 0 : i32
      %dma_start3A_2401 = arith.constant 0 : i32
      %dma_start3A_2402 = tpu.memref_slice %arg13[%rem3A_2393, %dma_start3A_2400, %dma_start3A_2401] : memref<12x32x128xf32, #tpu.memory_space<vmem>> -> memref<1x32x128xf32, #tpu.memory_space<vmem>>
      %dma_start3A_2403 = tpu.memref_squeeze %dma_start3A_2402 : memref<1x32x128xf32, #tpu.memory_space<vmem>> -> memref<32x128xf32, #tpu.memory_space<vmem>>
      %dma_start3A_2404 = arith.constant 0 : i32
      %dma_start3A_2405 = tpu.memref_slice %arg5[%dma_start3A_2404, %multiple_of3A_2391] : memref<32x1000000xf32, #tpu.memory_space<hbm>> -> memref<32x128xf32, #tpu.memory_space<hbm>>
      tpu.enqueue_dma source(%dma_start3A_2405 : memref<32x128xf32, #tpu.memory_space<hbm>>) target(%dma_start3A_2403 : memref<32x128xf32, #tpu.memory_space<vmem>>) target_semaphore(%arg18 : memref<!tpu.dma_semaphore, #tpu.memory_space<semaphore_mem>>)
    } else {
    }
    %shift_right_arithmetic3A_627 = arith.constant 7 : i32
    %shift_right_arithmetic3A_628 = arith.shrsi %squeeze3A_620, %shift_right_arithmetic3A_627 : i32
    %mul3A_629 = arith.constant 128 : i32
    %mul3A_630 = arith.muli %shift_right_arithmetic3A_628, %mul3A_629 : i32
    %multiple_of3A_631 = tpu.assume_multiple %mul3A_630, 128 : i32
    %rem3A_632 = arith.constant 7 : i32
    %rem3A_633 = arith.constant 12 : i32
    %rem3A_634 = arith.remsi %rem3A_632, %rem3A_633 : i32
    %dma_start3A_635 = arith.constant 0 : i32
    %dma_start3A_636 = arith.constant 0 : i32
    %dma_start3A_637 = tpu.memref_slice %arg14[%rem3A_634, %dma_start3A_635, %dma_start3A_636] : memref<12x32x128xf32, #tpu.memory_space<vmem>> -> memref<1x32x128xf32, #tpu.memory_space<vmem>>
    %dma_start3A_638 = tpu.memref_squeeze %dma_start3A_637 : memref<1x32x128xf32, #tpu.memory_space<vmem>> -> memref<32x128xf32, #tpu.memory_space<vmem>>
    %dma_start3A_639 = arith.constant 0 : i32
    %dma_start3A_640 = tpu.memref_slice %arg6[%dma_start3A_639, %multiple_of3A_631] : memref<32x1000000xf32, #tpu.memory_space<hbm>> -> memref<32x128xf32, #tpu.memory_space<hbm>>
    %dma_start3A_641 = arith.constant 0 : i32
    %dma_start3A_642 = arith.constant 0 : i32
    %dma_start3A_643 = tpu.memref_slice %arg14[%rem3A_634, %dma_start3A_641, %dma_start3A_642] : memref<12x32x128xf32, #tpu.memory_space<vmem>> -> memref<1x32x128xf32, #tpu.memory_space<vmem>>
    %dma_start3A_644 = tpu.memref_squeeze %dma_start3A_643 : memref<1x32x128xf32, #tpu.memory_space<vmem>> -> memref<32x128xf32, #tpu.memory_space<vmem>>
    %dma_start3A_645 = arith.constant 0 : i32
    %dma_start3A_646 = tpu.memref_slice %arg6[%dma_start3A_645, %multiple_of3A_631] : memref<32x1000000xf32, #tpu.memory_space<hbm>> -> memref<32x128xf32, #tpu.memory_space<hbm>>
    tpu.enqueue_dma source(%dma_start3A_646 : memref<32x128xf32, #tpu.memory_space<hbm>>) target(%dma_start3A_644 : memref<32x128xf32, #tpu.memory_space<vmem>>) target_semaphore(%arg19 : memref<!tpu.dma_semaphore, #tpu.memory_space<semaphore_mem>>)
    %jit3A_647 = arith.constant 1 : i32
    %jit3A_648 = arith.constant 0 : i32
    %select_n3A_649 = arith.select %ne3A_623, %jit3A_647, %jit3A_648 : i32
    %add3A_650 = arith.addi %add3A_576, %select_n3A_649 : i32
    %shift_right_arithmetic3A_651 = arith.constant 8 : i32
    %shift_right_arithmetic3A_652 = arith.constant 7 : i32
    %shift_right_arithmetic3A_653 = arith.shrsi %shift_right_arithmetic3A_651, %shift_right_arithmetic3A_652 : i32
    %shift_right_arithmetic3A_654 = arith.constant 8 : i32
    %shift_right_arithmetic3A_655 = arith.constant 4 : i32
    %shift_right_arithmetic3A_656 = arith.shrsi %shift_right_arithmetic3A_654, %shift_right_arithmetic3A_655 : i32
    %and3A_657 = arith.constant 7 : i32
    %and3A_658 = arith.andi %shift_right_arithmetic3A_656, %and3A_657 : i32
    %mul3A_659 = arith.constant 16 : i32
    %mul3A_660 = arith.muli %and3A_658, %mul3A_659 : i32
    %get3A_661 = arith.index_cast %shift_right_arithmetic3A_653 : i32 to index
    %get3A_662 = arith.index_cast %mul3A_660 : i32 to index
    %get3A_663 = tpu.vector_load %arg10[%get3A_661, %get3A_662] {strides = array<i32>} : memref<4x128xi32, #tpu.memory_space<vmem>>, vector<16xi32>,
    %and3A_664 = arith.constant 8 : i32
    %and3A_665 = arith.constant 15 : i32
    %and3A_666 = arith.andi %and3A_664, %and3A_665 : i32
    %broadcast_in_dim3A_667 = vector.broadcast %and3A_666 : i32 to vector<16xi32>
    %broadcast_in_dim3A_668 = vector.shape_cast %broadcast_in_dim3A_667 : vector<16xi32> to vector<16x1xi32>
    %gather3A_669 = vector.shape_cast %broadcast_in_dim3A_668 : vector<16x1xi32> to vector<16xi32>
    %gather3A_670 = tpu.dynamic_gather %get3A_663[%gather3A_669] in [0] : vector<16xi32>, vector<16xi32> -> vector<16xi32>
    %slice3A_671 = vector.extract_strided_slice %gather3A_670 {offsets = [0], sizes = [1], strides = [1]} : vector<16xi32> to vector<1xi32>
    %squeeze3A_672 = vector.extract %slice3A_671[0] : i32 from vector<1xi32>
    %shift_right_arithmetic3A_673 = arith.constant 8 : i32
    %shift_right_arithmetic3A_674 = arith.constant 7 : i32
    %shift_right_arithmetic3A_675 = arith.shrsi %shift_right_arithmetic3A_673, %shift_right_arithmetic3A_674 : i32
    %shift_right_arithmetic3A_676 = arith.constant 8 : i32
    %shift_right_arithmetic3A_677 = arith.constant 4 : i32
    %shift_right_arithmetic3A_678 = arith.shrsi %shift_right_arithmetic3A_676, %shift_right_arithmetic3A_677 : i32
    %and3A_679 = arith.constant 7 : i32
    %and3A_680 = arith.andi %shift_right_arithmetic3A_678, %and3A_679 : i32
    %mul3A_681 = arith.constant 16 : i32
    %mul3A_682 = arith.muli %and3A_680, %mul3A_681 : i32
    %get3A_683 = arith.index_cast %shift_right_arithmetic3A_675 : i32 to index
    %get3A_684 = arith.index_cast %mul3A_682 : i32 to index
    %get3A_685 = tpu.vector_load %arg11[%get3A_683, %get3A_684] {strides = array<i32>} : memref<4x128xi32, #tpu.memory_space<vmem>>, vector<16xi32>,
    %and3A_686 = arith.constant 8 : i32
    %and3A_687 = arith.constant 15 : i32
    %and3A_688 = arith.andi %and3A_686, %and3A_687 : i32
    %broadcast_in_dim3A_689 = vector.broadcast %and3A_688 : i32 to vector<16xi32>
    %broadcast_in_dim3A_690 = vector.shape_cast %broadcast_in_dim3A_689 : vector<16xi32> to vector<16x1xi32>
    %gather3A_691 = vector.shape_cast %broadcast_in_dim3A_690 : vector<16x1xi32> to vector<16xi32>
    %gather3A_692 = tpu.dynamic_gather %get3A_685[%gather3A_691] in [0] : vector<16xi32>, vector<16xi32> -> vector<16xi32>
    %slice3A_693 = vector.extract_strided_slice %gather3A_692 {offsets = [0], sizes = [1], strides = [1]} : vector<16xi32> to vector<1xi32>
    %squeeze3A_694 = vector.extract %slice3A_693[0] : i32 from vector<1xi32>
    %shift_right_arithmetic3A_695 = arith.constant 7 : i32
    %shift_right_arithmetic3A_696 = arith.shrsi %squeeze3A_672, %shift_right_arithmetic3A_695 : i32
    %ne3A_697 = arith.cmpi ne, %shift_right_arithmetic3A_696, %shift_right_arithmetic3A_622 : i32
    %convert_element_type3A_698 = arith.extui %ne3A_697 : i1 to i32
    %cond3A_699 = arith.constant 0 : i32
    %cond3A_700 = arith.cmpi ne, %convert_element_type3A_698, %cond3A_699 : i32
    scf.if %cond3A_700 {
      %mul3A_2389 = arith.constant 128 : i32
      %mul3A_2390 = arith.muli %shift_right_arithmetic3A_696, %mul3A_2389 : i32
      %multiple_of3A_2391 = tpu.assume_multiple %mul3A_2390, 128 : i32
      %rem3A_2392 = arith.constant 12 : i32
      %rem3A_2393 = arith.remsi %add3A_650, %rem3A_2392 : i32
      %dma_start3A_2394 = arith.constant 0 : i32
      %dma_start3A_2395 = arith.constant 0 : i32
      %dma_start3A_2396 = tpu.memref_slice %arg13[%rem3A_2393, %dma_start3A_2394, %dma_start3A_2395] : memref<12x32x128xf32, #tpu.memory_space<vmem>> -> memref<1x32x128xf32, #tpu.memory_space<vmem>>
      %dma_start3A_2397 = tpu.memref_squeeze %dma_start3A_2396 : memref<1x32x128xf32, #tpu.memory_space<vmem>> -> memref<32x128xf32, #tpu.memory_space<vmem>>
      %dma_start3A_2398 = arith.constant 0 : i32
      %dma_start3A_2399 = tpu.memref_slice %arg5[%dma_start3A_2398, %multiple_of3A_2391] : memref<32x1000000xf32, #tpu.memory_space<hbm>> -> memref<32x128xf32, #tpu.memory_space<hbm>>
      %dma_start3A_2400 = arith.constant 0 : i32
      %dma_start3A_2401 = arith.constant 0 : i32
      %dma_start3A_2402 = tpu.memref_slice %arg13[%rem3A_2393, %dma_start3A_2400, %dma_start3A_2401] : memref<12x32x128xf32, #tpu.memory_space<vmem>> -> memref<1x32x128xf32, #tpu.memory_space<vmem>>
      %dma_start3A_2403 = tpu.memref_squeeze %dma_start3A_2402 : memref<1x32x128xf32, #tpu.memory_space<vmem>> -> memref<32x128xf32, #tpu.memory_space<vmem>>
      %dma_start3A_2404 = arith.constant 0 : i32
      %dma_start3A_2405 = tpu.memref_slice %arg5[%dma_start3A_2404, %multiple_of3A_2391] : memref<32x1000000xf32, #tpu.memory_space<hbm>> -> memref<32x128xf32, #tpu.memory_space<hbm>>
      tpu.enqueue_dma source(%dma_start3A_2405 : memref<32x128xf32, #tpu.memory_space<hbm>>) target(%dma_start3A_2403 : memref<32x128xf32, #tpu.memory_space<vmem>>) target_semaphore(%arg18 : memref<!tpu.dma_semaphore, #tpu.memory_space<semaphore_mem>>)
    } else {
    }
    %shift_right_arithmetic3A_701 = arith.constant 7 : i32
    %shift_right_arithmetic3A_702 = arith.shrsi %squeeze3A_694, %shift_right_arithmetic3A_701 : i32
    %mul3A_703 = arith.constant 128 : i32
    %mul3A_704 = arith.muli %shift_right_arithmetic3A_702, %mul3A_703 : i32
    %multiple_of3A_705 = tpu.assume_multiple %mul3A_704, 128 : i32
    %rem3A_706 = arith.constant 8 : i32
    %rem3A_707 = arith.constant 12 : i32
    %rem3A_708 = arith.remsi %rem3A_706, %rem3A_707 : i32
    %dma_start3A_709 = arith.constant 0 : i32
    %dma_start3A_710 = arith.constant 0 : i32
    %dma_start3A_711 = tpu.memref_slice %arg14[%rem3A_708, %dma_start3A_709, %dma_start3A_710] : memref<12x32x128xf32, #tpu.memory_space<vmem>> -> memref<1x32x128xf32, #tpu.memory_space<vmem>>
    %dma_start3A_712 = tpu.memref_squeeze %dma_start3A_711 : memref<1x32x128xf32, #tpu.memory_space<vmem>> -> memref<32x128xf32, #tpu.memory_space<vmem>>
    %dma_start3A_713 = arith.constant 0 : i32
    %dma_start3A_714 = tpu.memref_slice %arg6[%dma_start3A_713, %multiple_of3A_705] : memref<32x1000000xf32, #tpu.memory_space<hbm>> -> memref<32x128xf32, #tpu.memory_space<hbm>>
    %dma_start3A_715 = arith.constant 0 : i32
    %dma_start3A_716 = arith.constant 0 : i32
    %dma_start3A_717 = tpu.memref_slice %arg14[%rem3A_708, %dma_start3A_715, %dma_start3A_716] : memref<12x32x128xf32, #tpu.memory_space<vmem>> -> memref<1x32x128xf32, #tpu.memory_space<vmem>>
    %dma_start3A_718 = tpu.memref_squeeze %dma_start3A_717 : memref<1x32x128xf32, #tpu.memory_space<vmem>> -> memref<32x128xf32, #tpu.memory_space<vmem>>
    %dma_start3A_719 = arith.constant 0 : i32
    %dma_start3A_720 = tpu.memref_slice %arg6[%dma_start3A_719, %multiple_of3A_705] : memref<32x1000000xf32, #tpu.memory_space<hbm>> -> memref<32x128xf32, #tpu.memory_space<hbm>>
    tpu.enqueue_dma source(%dma_start3A_720 : memref<32x128xf32, #tpu.memory_space<hbm>>) target(%dma_start3A_718 : memref<32x128xf32, #tpu.memory_space<vmem>>) target_semaphore(%arg19 : memref<!tpu.dma_semaphore, #tpu.memory_space<semaphore_mem>>)
    %jit3A_721 = arith.constant 1 : i32
    %jit3A_722 = arith.constant 0 : i32
    %select_n3A_723 = arith.select %ne3A_697, %jit3A_721, %jit3A_722 : i32
    %add3A_724 = arith.addi %add3A_650, %select_n3A_723 : i32
    %shift_right_arithmetic3A_725 = arith.constant 9 : i32
    %shift_right_arithmetic3A_726 = arith.constant 7 : i32
    %shift_right_arithmetic3A_727 = arith.shrsi %shift_right_arithmetic3A_725, %shift_right_arithmetic3A_726 : i32
    %shift_right_arithmetic3A_728 = arith.constant 9 : i32
    %shift_right_arithmetic3A_729 = arith.constant 4 : i32
    %shift_right_arithmetic3A_730 = arith.shrsi %shift_right_arithmetic3A_728, %shift_right_arithmetic3A_729 : i32
    %and3A_731 = arith.constant 7 : i32
    %and3A_732 = arith.andi %shift_right_arithmetic3A_730, %and3A_731 : i32
    %mul3A_733 = arith.constant 16 : i32
    %mul3A_734 = arith.muli %and3A_732, %mul3A_733 : i32
    %get3A_735 = arith.index_cast %shift_right_arithmetic3A_727 : i32 to index
    %get3A_736 = arith.index_cast %mul3A_734 : i32 to index
    %get3A_737 = tpu.vector_load %arg10[%get3A_735, %get3A_736] {strides = array<i32>} : memref<4x128xi32, #tpu.memory_space<vmem>>, vector<16xi32>,
    %and3A_738 = arith.constant 9 : i32
    %and3A_739 = arith.constant 15 : i32
    %and3A_740 = arith.andi %and3A_738, %and3A_739 : i32
    %broadcast_in_dim3A_741 = vector.broadcast %and3A_740 : i32 to vector<16xi32>
    %broadcast_in_dim3A_742 = vector.shape_cast %broadcast_in_dim3A_741 : vector<16xi32> to vector<16x1xi32>
    %gather3A_743 = vector.shape_cast %broadcast_in_dim3A_742 : vector<16x1xi32> to vector<16xi32>
    %gather3A_744 = tpu.dynamic_gather %get3A_737[%gather3A_743] in [0] : vector<16xi32>, vector<16xi32> -> vector<16xi32>
    %slice3A_745 = vector.extract_strided_slice %gather3A_744 {offsets = [0], sizes = [1], strides = [1]} : vector<16xi32> to vector<1xi32>
    %squeeze3A_746 = vector.extract %slice3A_745[0] : i32 from vector<1xi32>
    %shift_right_arithmetic3A_747 = arith.constant 9 : i32
    %shift_right_arithmetic3A_748 = arith.constant 7 : i32
    %shift_right_arithmetic3A_749 = arith.shrsi %shift_right_arithmetic3A_747, %shift_right_arithmetic3A_748 : i32
    %shift_right_arithmetic3A_750 = arith.constant 9 : i32
    %shift_right_arithmetic3A_751 = arith.constant 4 : i32
    %shift_right_arithmetic3A_752 = arith.shrsi %shift_right_arithmetic3A_750, %shift_right_arithmetic3A_751 : i32
    %and3A_753 = arith.constant 7 : i32
    %and3A_754 = arith.andi %shift_right_arithmetic3A_752, %and3A_753 : i32
    %mul3A_755 = arith.constant 16 : i32
    %mul3A_756 = arith.muli %and3A_754, %mul3A_755 : i32
    %get3A_757 = arith.index_cast %shift_right_arithmetic3A_749 : i32 to index
    %get3A_758 = arith.index_cast %mul3A_756 : i32 to index
    %get3A_759 = tpu.vector_load %arg11[%get3A_757, %get3A_758] {strides = array<i32>} : memref<4x128xi32, #tpu.memory_space<vmem>>, vector<16xi32>,
    %and3A_760 = arith.constant 9 : i32
    %and3A_761 = arith.constant 15 : i32
    %and3A_762 = arith.andi %and3A_760, %and3A_761 : i32
    %broadcast_in_dim3A_763 = vector.broadcast %and3A_762 : i32 to vector<16xi32>
    %broadcast_in_dim3A_764 = vector.shape_cast %broadcast_in_dim3A_763 : vector<16xi32> to vector<16x1xi32>
    %gather3A_765 = vector.shape_cast %broadcast_in_dim3A_764 : vector<16x1xi32> to vector<16xi32>
    %gather3A_766 = tpu.dynamic_gather %get3A_759[%gather3A_765] in [0] : vector<16xi32>, vector<16xi32> -> vector<16xi32>
    %slice3A_767 = vector.extract_strided_slice %gather3A_766 {offsets = [0], sizes = [1], strides = [1]} : vector<16xi32> to vector<1xi32>
    %squeeze3A_768 = vector.extract %slice3A_767[0] : i32 from vector<1xi32>
    %shift_right_arithmetic3A_769 = arith.constant 7 : i32
    %shift_right_arithmetic3A_770 = arith.shrsi %squeeze3A_746, %shift_right_arithmetic3A_769 : i32
    %ne3A_771 = arith.cmpi ne, %shift_right_arithmetic3A_770, %shift_right_arithmetic3A_696 : i32
    %convert_element_type3A_772 = arith.extui %ne3A_771 : i1 to i32
    %cond3A_773 = arith.constant 0 : i32
    %cond3A_774 = arith.cmpi ne, %convert_element_type3A_772, %cond3A_773 : i32
    scf.if %cond3A_774 {
      %mul3A_2389 = arith.constant 128 : i32
      %mul3A_2390 = arith.muli %shift_right_arithmetic3A_770, %mul3A_2389 : i32
      %multiple_of3A_2391 = tpu.assume_multiple %mul3A_2390, 128 : i32
      %rem3A_2392 = arith.constant 12 : i32
      %rem3A_2393 = arith.remsi %add3A_724, %rem3A_2392 : i32
      %dma_start3A_2394 = arith.constant 0 : i32
      %dma_start3A_2395 = arith.constant 0 : i32
      %dma_start3A_2396 = tpu.memref_slice %arg13[%rem3A_2393, %dma_start3A_2394, %dma_start3A_2395] : memref<12x32x128xf32, #tpu.memory_space<vmem>> -> memref<1x32x128xf32, #tpu.memory_space<vmem>>
      %dma_start3A_2397 = tpu.memref_squeeze %dma_start3A_2396 : memref<1x32x128xf32, #tpu.memory_space<vmem>> -> memref<32x128xf32, #tpu.memory_space<vmem>>
      %dma_start3A_2398 = arith.constant 0 : i32
      %dma_start3A_2399 = tpu.memref_slice %arg5[%dma_start3A_2398, %multiple_of3A_2391] : memref<32x1000000xf32, #tpu.memory_space<hbm>> -> memref<32x128xf32, #tpu.memory_space<hbm>>
      %dma_start3A_2400 = arith.constant 0 : i32
      %dma_start3A_2401 = arith.constant 0 : i32
      %dma_start3A_2402 = tpu.memref_slice %arg13[%rem3A_2393, %dma_start3A_2400, %dma_start3A_2401] : memref<12x32x128xf32, #tpu.memory_space<vmem>> -> memref<1x32x128xf32, #tpu.memory_space<vmem>>
      %dma_start3A_2403 = tpu.memref_squeeze %dma_start3A_2402 : memref<1x32x128xf32, #tpu.memory_space<vmem>> -> memref<32x128xf32, #tpu.memory_space<vmem>>
      %dma_start3A_2404 = arith.constant 0 : i32
      %dma_start3A_2405 = tpu.memref_slice %arg5[%dma_start3A_2404, %multiple_of3A_2391] : memref<32x1000000xf32, #tpu.memory_space<hbm>> -> memref<32x128xf32, #tpu.memory_space<hbm>>
      tpu.enqueue_dma source(%dma_start3A_2405 : memref<32x128xf32, #tpu.memory_space<hbm>>) target(%dma_start3A_2403 : memref<32x128xf32, #tpu.memory_space<vmem>>) target_semaphore(%arg18 : memref<!tpu.dma_semaphore, #tpu.memory_space<semaphore_mem>>)
    } else {
    }
    %shift_right_arithmetic3A_775 = arith.constant 7 : i32
    %shift_right_arithmetic3A_776 = arith.shrsi %squeeze3A_768, %shift_right_arithmetic3A_775 : i32
    %mul3A_777 = arith.constant 128 : i32
    %mul3A_778 = arith.muli %shift_right_arithmetic3A_776, %mul3A_777 : i32
    %multiple_of3A_779 = tpu.assume_multiple %mul3A_778, 128 : i32
    %rem3A_780 = arith.constant 9 : i32
    %rem3A_781 = arith.constant 12 : i32
    %rem3A_782 = arith.remsi %rem3A_780, %rem3A_781 : i32
    %dma_start3A_783 = arith.constant 0 : i32
    %dma_start3A_784 = arith.constant 0 : i32
    %dma_start3A_785 = tpu.memref_slice %arg14[%rem3A_782, %dma_start3A_783, %dma_start3A_784] : memref<12x32x128xf32, #tpu.memory_space<vmem>> -> memref<1x32x128xf32, #tpu.memory_space<vmem>>
    %dma_start3A_786 = tpu.memref_squeeze %dma_start3A_785 : memref<1x32x128xf32, #tpu.memory_space<vmem>> -> memref<32x128xf32, #tpu.memory_space<vmem>>
    %dma_start3A_787 = arith.constant 0 : i32
    %dma_start3A_788 = tpu.memref_slice %arg6[%dma_start3A_787, %multiple_of3A_779] : memref<32x1000000xf32, #tpu.memory_space<hbm>> -> memref<32x128xf32, #tpu.memory_space<hbm>>
    %dma_start3A_789 = arith.constant 0 : i32
    %dma_start3A_790 = arith.constant 0 : i32
    %dma_start3A_791 = tpu.memref_slice %arg14[%rem3A_782, %dma_start3A_789, %dma_start3A_790] : memref<12x32x128xf32, #tpu.memory_space<vmem>> -> memref<1x32x128xf32, #tpu.memory_space<vmem>>
    %dma_start3A_792 = tpu.memref_squeeze %dma_start3A_791 : memref<1x32x128xf32, #tpu.memory_space<vmem>> -> memref<32x128xf32, #tpu.memory_space<vmem>>
    %dma_start3A_793 = arith.constant 0 : i32
    %dma_start3A_794 = tpu.memref_slice %arg6[%dma_start3A_793, %multiple_of3A_779] : memref<32x1000000xf32, #tpu.memory_space<hbm>> -> memref<32x128xf32, #tpu.memory_space<hbm>>
    tpu.enqueue_dma source(%dma_start3A_794 : memref<32x128xf32, #tpu.memory_space<hbm>>) target(%dma_start3A_792 : memref<32x128xf32, #tpu.memory_space<vmem>>) target_semaphore(%arg19 : memref<!tpu.dma_semaphore, #tpu.memory_space<semaphore_mem>>)
    %jit3A_795 = arith.constant 1 : i32
    %jit3A_796 = arith.constant 0 : i32
    %select_n3A_797 = arith.select %ne3A_771, %jit3A_795, %jit3A_796 : i32
    %add3A_798 = arith.addi %add3A_724, %select_n3A_797 : i32
    %broadcast_in_dim3A_799 = arith.constant 0.000000e+00 : f32
    %broadcast_in_dim3A_800 = vector.broadcast %broadcast_in_dim3A_799 : f32 to vector<16xf32>
    %scan3A = arith.constant -1 : i32
    %scan3A_801 = arith.constant 0 : i32
    %scan3A_802 = arith.constant 0 : i32
    %scan3A_803 = arith.constant 502 : i32
    %scan3A_804 = arith.addi %scan3A_802, %scan3A_803 : i32
    %scan3A_805 = arith.constant 1 : i32
    %scan3A_806:5 = scf.for %scan3A_2389 = %scan3A_802 to %scan3A_804 step %scan3A_805 iter_args(%scan3A_2390 = %broadcast_in_dim3A_800, %scan3A_2391 = %shift_right_arithmetic3A_770, %scan3A_2392 = %add3A_798, %scan3A_2393 = %scan3A, %scan3A_2394 = %scan3A_801) -> (vector<16xf32>, i32, i32, i32, i32)  : i32 {
      %add3A_2395 = arith.constant 10 : i32
      %add3A_2396 = arith.addi %scan3A_2389, %add3A_2395 : i32
      %shift_right_arithmetic3A_2397 = arith.constant 7 : i32
      %shift_right_arithmetic3A_2398 = arith.shrsi %add3A_2396, %shift_right_arithmetic3A_2397 : i32
      %shift_right_arithmetic3A_2399 = arith.constant 4 : i32
      %shift_right_arithmetic3A_2400 = arith.shrsi %add3A_2396, %shift_right_arithmetic3A_2399 : i32
      %and3A_2401 = arith.constant 7 : i32
      %and3A_2402 = arith.andi %shift_right_arithmetic3A_2400, %and3A_2401 : i32
      %mul3A_2403 = arith.constant 16 : i32
      %mul3A_2404 = arith.muli %and3A_2402, %mul3A_2403 : i32
      %get3A_2405 = arith.index_cast %shift_right_arithmetic3A_2398 : i32 to index
      %get3A_2406 = arith.index_cast %mul3A_2404 : i32 to index
      %get3A_2407 = tpu.vector_load %arg10[%get3A_2405, %get3A_2406] {strides = array<i32>} : memref<4x128xi32, #tpu.memory_space<vmem>>, vector<16xi32>,
      %and3A_2408 = arith.constant 15 : i32
      %and3A_2409 = arith.andi %add3A_2396, %and3A_2408 : i32
      %broadcast_in_dim3A_2410 = vector.broadcast %and3A_2409 : i32 to vector<16xi32>
      %broadcast_in_dim3A_2411 = vector.shape_cast %broadcast_in_dim3A_2410 : vector<16xi32> to vector<16x1xi32>
      %gather3A_2412 = vector.shape_cast %broadcast_in_dim3A_2411 : vector<16x1xi32> to vector<16xi32>
      %gather3A_2413 = tpu.dynamic_gather %get3A_2407[%gather3A_2412] in [0] : vector<16xi32>, vector<16xi32> -> vector<16xi32>
      %slice3A_2414 = vector.extract_strided_slice %gather3A_2413 {offsets = [0], sizes = [1], strides = [1]} : vector<16xi32> to vector<1xi32>
      %squeeze3A_2415 = vector.extract %slice3A_2414[0] : i32 from vector<1xi32>
      %shift_right_arithmetic3A_2416 = arith.constant 7 : i32
      %shift_right_arithmetic3A_2417 = arith.shrsi %add3A_2396, %shift_right_arithmetic3A_2416 : i32
      %shift_right_arithmetic3A_2418 = arith.constant 4 : i32
      %shift_right_arithmetic3A_2419 = arith.shrsi %add3A_2396, %shift_right_arithmetic3A_2418 : i32
      %and3A_2420 = arith.constant 7 : i32
      %and3A_2421 = arith.andi %shift_right_arithmetic3A_2419, %and3A_2420 : i32
      %mul3A_2422 = arith.constant 16 : i32
      %mul3A_2423 = arith.muli %and3A_2421, %mul3A_2422 : i32
      %get3A_2424 = arith.index_cast %shift_right_arithmetic3A_2417 : i32 to index
      %get3A_2425 = arith.index_cast %mul3A_2423 : i32 to index
      %get3A_2426 = tpu.vector_load %arg11[%get3A_2424, %get3A_2425] {strides = array<i32>} : memref<4x128xi32, #tpu.memory_space<vmem>>, vector<16xi32>,
      %and3A_2427 = arith.constant 15 : i32
      %and3A_2428 = arith.andi %add3A_2396, %and3A_2427 : i32
      %broadcast_in_dim3A_2429 = vector.broadcast %and3A_2428 : i32 to vector<16xi32>
      %broadcast_in_dim3A_2430 = vector.shape_cast %broadcast_in_dim3A_2429 : vector<16xi32> to vector<16x1xi32>
      %gather3A_2431 = vector.shape_cast %broadcast_in_dim3A_2430 : vector<16x1xi32> to vector<16xi32>
      %gather3A_2432 = tpu.dynamic_gather %get3A_2426[%gather3A_2431] in [0] : vector<16xi32>, vector<16xi32> -> vector<16xi32>
      %slice3A_2433 = vector.extract_strided_slice %gather3A_2432 {offsets = [0], sizes = [1], strides = [1]} : vector<16xi32> to vector<1xi32>
      %squeeze3A_2434 = vector.extract %slice3A_2433[0] : i32 from vector<1xi32>
      %shift_right_arithmetic3A_2435 = arith.constant 7 : i32
      %shift_right_arithmetic3A_2436 = arith.shrsi %squeeze3A_2415, %shift_right_arithmetic3A_2435 : i32
      %ne3A_2437 = arith.cmpi ne, %shift_right_arithmetic3A_2436, %scan3A_2391 : i32
      %convert_element_type3A_2438 = arith.extui %ne3A_2437 : i1 to i32
      %cond3A_2439 = arith.constant 0 : i32
      %cond3A_2440 = arith.cmpi ne, %convert_element_type3A_2438, %cond3A_2439 : i32
      scf.if %cond3A_2440 {
        %mul3A_2600 = arith.constant 128 : i32
        %mul3A_2601 = arith.muli %shift_right_arithmetic3A_2436, %mul3A_2600 : i32
        %multiple_of3A_2602 = tpu.assume_multiple %mul3A_2601, 128 : i32
        %rem3A_2603 = arith.constant 12 : i32
        %rem3A_2604 = arith.remsi %scan3A_2392, %rem3A_2603 : i32
        %dma_start3A_2605 = arith.constant 0 : i32
        %dma_start3A_2606 = arith.constant 0 : i32
        %dma_start3A_2607 = tpu.memref_slice %arg13[%rem3A_2604, %dma_start3A_2605, %dma_start3A_2606] : memref<12x32x128xf32, #tpu.memory_space<vmem>> -> memref<1x32x128xf32, #tpu.memory_space<vmem>>
        %dma_start3A_2608 = tpu.memref_squeeze %dma_start3A_2607 : memref<1x32x128xf32, #tpu.memory_space<vmem>> -> memref<32x128xf32, #tpu.memory_space<vmem>>
        %dma_start3A_2609 = arith.constant 0 : i32
        %dma_start3A_2610 = tpu.memref_slice %arg5[%dma_start3A_2609, %multiple_of3A_2602] : memref<32x1000000xf32, #tpu.memory_space<hbm>> -> memref<32x128xf32, #tpu.memory_space<hbm>>
        %dma_start3A_2611 = arith.constant 0 : i32
        %dma_start3A_2612 = arith.constant 0 : i32
        %dma_start3A_2613 = tpu.memref_slice %arg13[%rem3A_2604, %dma_start3A_2611, %dma_start3A_2612] : memref<12x32x128xf32, #tpu.memory_space<vmem>> -> memref<1x32x128xf32, #tpu.memory_space<vmem>>
        %dma_start3A_2614 = tpu.memref_squeeze %dma_start3A_2613 : memref<1x32x128xf32, #tpu.memory_space<vmem>> -> memref<32x128xf32, #tpu.memory_space<vmem>>
        %dma_start3A_2615 = arith.constant 0 : i32
        %dma_start3A_2616 = tpu.memref_slice %arg5[%dma_start3A_2615, %multiple_of3A_2602] : memref<32x1000000xf32, #tpu.memory_space<hbm>> -> memref<32x128xf32, #tpu.memory_space<hbm>>
        tpu.enqueue_dma source(%dma_start3A_2616 : memref<32x128xf32, #tpu.memory_space<hbm>>) target(%dma_start3A_2614 : memref<32x128xf32, #tpu.memory_space<vmem>>) target_semaphore(%arg18 : memref<!tpu.dma_semaphore, #tpu.memory_space<semaphore_mem>>)
      } else {
      }
      %shift_right_arithmetic3A_2441 = arith.constant 7 : i32
      %shift_right_arithmetic3A_2442 = arith.shrsi %squeeze3A_2434, %shift_right_arithmetic3A_2441 : i32
      %mul3A_2443 = arith.constant 128 : i32
      %mul3A_2444 = arith.muli %shift_right_arithmetic3A_2442, %mul3A_2443 : i32
      %multiple_of3A_2445 = tpu.assume_multiple %mul3A_2444, 128 : i32
      %rem3A_2446 = arith.constant 12 : i32
      %rem3A_2447 = arith.remsi %add3A_2396, %rem3A_2446 : i32
      %dma_start3A_2448 = arith.constant 0 : i32
      %dma_start3A_2449 = arith.constant 0 : i32
      %dma_start3A_2450 = tpu.memref_slice %arg14[%rem3A_2447, %dma_start3A_2448, %dma_start3A_2449] : memref<12x32x128xf32, #tpu.memory_space<vmem>> -> memref<1x32x128xf32, #tpu.memory_space<vmem>>
      %dma_start3A_2451 = tpu.memref_squeeze %dma_start3A_2450 : memref<1x32x128xf32, #tpu.memory_space<vmem>> -> memref<32x128xf32, #tpu.memory_space<vmem>>
      %dma_start3A_2452 = arith.constant 0 : i32
      %dma_start3A_2453 = tpu.memref_slice %arg6[%dma_start3A_2452, %multiple_of3A_2445] : memref<32x1000000xf32, #tpu.memory_space<hbm>> -> memref<32x128xf32, #tpu.memory_space<hbm>>
      %dma_start3A_2454 = arith.constant 0 : i32
      %dma_start3A_2455 = arith.constant 0 : i32
      %dma_start3A_2456 = tpu.memref_slice %arg14[%rem3A_2447, %dma_start3A_2454, %dma_start3A_2455] : memref<12x32x128xf32, #tpu.memory_space<vmem>> -> memref<1x32x128xf32, #tpu.memory_space<vmem>>
      %dma_start3A_2457 = tpu.memref_squeeze %dma_start3A_2456 : memref<1x32x128xf32, #tpu.memory_space<vmem>> -> memref<32x128xf32, #tpu.memory_space<vmem>>
      %dma_start3A_2458 = arith.constant 0 : i32
      %dma_start3A_2459 = tpu.memref_slice %arg6[%dma_start3A_2458, %multiple_of3A_2445] : memref<32x1000000xf32, #tpu.memory_space<hbm>> -> memref<32x128xf32, #tpu.memory_space<hbm>>
      tpu.enqueue_dma source(%dma_start3A_2459 : memref<32x128xf32, #tpu.memory_space<hbm>>) target(%dma_start3A_2457 : memref<32x128xf32, #tpu.memory_space<vmem>>) target_semaphore(%arg19 : memref<!tpu.dma_semaphore, #tpu.memory_space<semaphore_mem>>)
      %jit3A_2460 = arith.constant 1 : i32
      %jit3A_2461 = arith.constant 0 : i32
      %select_n3A_2462 = arith.select %ne3A_2437, %jit3A_2460, %jit3A_2461 : i32
      %add3A_2463 = arith.addi %scan3A_2392, %select_n3A_2462 : i32
      %shift_right_arithmetic3A_2464 = arith.constant 7 : i32
      %shift_right_arithmetic3A_2465 = arith.shrsi %scan3A_2389, %shift_right_arithmetic3A_2464 : i32
      %shift_right_arithmetic3A_2466 = arith.constant 4 : i32
      %shift_right_arithmetic3A_2467 = arith.shrsi %scan3A_2389, %shift_right_arithmetic3A_2466 : i32
      %and3A_2468 = arith.constant 7 : i32
      %and3A_2469 = arith.andi %shift_right_arithmetic3A_2467, %and3A_2468 : i32
      %mul3A_2470 = arith.constant 16 : i32
      %mul3A_2471 = arith.muli %and3A_2469, %mul3A_2470 : i32
      %get3A_2472 = arith.index_cast %shift_right_arithmetic3A_2465 : i32 to index
      %get3A_2473 = arith.index_cast %mul3A_2471 : i32 to index
      %get3A_2474 = tpu.vector_load %arg10[%get3A_2472, %get3A_2473] {strides = array<i32>} : memref<4x128xi32, #tpu.memory_space<vmem>>, vector<16xi32>,
      %and3A_2475 = arith.constant 15 : i32
      %and3A_2476 = arith.andi %scan3A_2389, %and3A_2475 : i32
      %broadcast_in_dim3A_2477 = vector.broadcast %and3A_2476 : i32 to vector<16xi32>
      %broadcast_in_dim3A_2478 = vector.shape_cast %broadcast_in_dim3A_2477 : vector<16xi32> to vector<16x1xi32>
      %gather3A_2479 = vector.shape_cast %broadcast_in_dim3A_2478 : vector<16x1xi32> to vector<16xi32>
      %gather3A_2480 = tpu.dynamic_gather %get3A_2474[%gather3A_2479] in [0] : vector<16xi32>, vector<16xi32> -> vector<16xi32>
      %slice3A_2481 = vector.extract_strided_slice %gather3A_2480 {offsets = [0], sizes = [1], strides = [1]} : vector<16xi32> to vector<1xi32>
      %squeeze3A_2482 = vector.extract %slice3A_2481[0] : i32 from vector<1xi32>
      %shift_right_arithmetic3A_2483 = arith.constant 7 : i32
      %shift_right_arithmetic3A_2484 = arith.shrsi %scan3A_2389, %shift_right_arithmetic3A_2483 : i32
      %shift_right_arithmetic3A_2485 = arith.constant 4 : i32
      %shift_right_arithmetic3A_2486 = arith.shrsi %scan3A_2389, %shift_right_arithmetic3A_2485 : i32
      %and3A_2487 = arith.constant 7 : i32
      %and3A_2488 = arith.andi %shift_right_arithmetic3A_2486, %and3A_2487 : i32
      %mul3A_2489 = arith.constant 16 : i32
      %mul3A_2490 = arith.muli %and3A_2488, %mul3A_2489 : i32
      %get3A_2491 = arith.index_cast %shift_right_arithmetic3A_2484 : i32 to index
      %get3A_2492 = arith.index_cast %mul3A_2490 : i32 to index
      %get3A_2493 = tpu.vector_load %arg11[%get3A_2491, %get3A_2492] {strides = array<i32>} : memref<4x128xi32, #tpu.memory_space<vmem>>, vector<16xi32>,
      %and3A_2494 = arith.constant 15 : i32
      %and3A_2495 = arith.andi %scan3A_2389, %and3A_2494 : i32
      %broadcast_in_dim3A_2496 = vector.broadcast %and3A_2495 : i32 to vector<16xi32>
      %broadcast_in_dim3A_2497 = vector.shape_cast %broadcast_in_dim3A_2496 : vector<16xi32> to vector<16x1xi32>
      %gather3A_2498 = vector.shape_cast %broadcast_in_dim3A_2497 : vector<16x1xi32> to vector<16xi32>
      %gather3A_2499 = tpu.dynamic_gather %get3A_2493[%gather3A_2498] in [0] : vector<16xi32>, vector<16xi32> -> vector<16xi32>
      %slice3A_2500 = vector.extract_strided_slice %gather3A_2499 {offsets = [0], sizes = [1], strides = [1]} : vector<16xi32> to vector<1xi32>
      %squeeze3A_2501 = vector.extract %slice3A_2500[0] : i32 from vector<1xi32>
      %shift_right_arithmetic3A_2502 = arith.constant 7 : i32
      %shift_right_arithmetic3A_2503 = arith.shrsi %squeeze3A_2482, %shift_right_arithmetic3A_2502 : i32
      %ne3A_2504 = arith.cmpi ne, %shift_right_arithmetic3A_2503, %scan3A_2393 : i32
      %convert_element_type3A_2505 = arith.extui %ne3A_2504 : i1 to i32
      %cond3A_2506 = arith.constant 0 : i32
      %cond3A_2507 = arith.cmpi ne, %convert_element_type3A_2505, %cond3A_2506 : i32
      scf.if %cond3A_2507 {
        %dma_wait3A_2600 = arith.constant 0 : i32
        %dma_wait3A_2601 = arith.constant 0 : i32
        %dma_wait3A_2602 = arith.constant 0 : i32
        %dma_wait3A_2603 = tpu.memref_slice %arg13[%dma_wait3A_2600, %dma_wait3A_2601, %dma_wait3A_2602] : memref<12x32x128xf32, #tpu.memory_space<vmem>> -> memref<1x32x128xf32, #tpu.memory_space<vmem>>
        %dma_wait3A_2604 = tpu.memref_squeeze %dma_wait3A_2603 : memref<1x32x128xf32, #tpu.memory_space<vmem>> -> memref<32x128xf32, #tpu.memory_space<vmem>>
        %dma_wait3A_2605 = arith.constant 0 : i32
        %dma_wait3A_2606 = arith.constant 0 : i32
        %dma_wait3A_2607 = tpu.memref_slice %arg5[%dma_wait3A_2605, %dma_wait3A_2606] : memref<32x1000000xf32, #tpu.memory_space<hbm>> -> memref<32x128xf32, #tpu.memory_space<hbm>>
        %dma_wait3A_2608 = arith.constant 0 : i32
        %dma_wait3A_2609 = arith.constant 0 : i32
        %dma_wait3A_2610 = tpu.memref_slice %arg13[%dma_wait3A_2600, %dma_wait3A_2608, %dma_wait3A_2609] : memref<12x32x128xf32, #tpu.memory_space<vmem>> -> memref<1x32x128xf32, #tpu.memory_space<vmem>>
        %dma_wait3A_2611 = tpu.memref_squeeze %dma_wait3A_2610 : memref<1x32x128xf32, #tpu.memory_space<vmem>> -> memref<32x128xf32, #tpu.memory_space<vmem>>
        %dma_wait3A_2612 = arith.constant 0 : i32
        %dma_wait3A_2613 = arith.constant 0 : i32
        %dma_wait3A_2614 = tpu.memref_slice %arg5[%dma_wait3A_2612, %dma_wait3A_2613] : memref<32x1000000xf32, #tpu.memory_space<hbm>> -> memref<32x128xf32, #tpu.memory_space<hbm>>
        tpu.wait_dma2 semaphore(%arg18 : memref<!tpu.dma_semaphore, #tpu.memory_space<semaphore_mem>>) src(%dma_wait3A_2614 : memref<32x128xf32, #tpu.memory_space<hbm>>) dst(%dma_wait3A_2611 : memref<32x128xf32, #tpu.memory_space<vmem>>)
      } else {
      }
      %jit3A_2508 = arith.constant 1 : i32
      %jit3A_2509 = arith.constant 0 : i32
      %select_n3A_2510 = arith.select %ne3A_2504, %jit3A_2508, %jit3A_2509 : i32
      %add3A_2511 = arith.addi %scan3A_2394, %select_n3A_2510 : i32
      %sub3A_2512 = arith.constant 1 : i32
      %sub3A_2513 = arith.subi %add3A_2511, %sub3A_2512 : i32
      %rem3A_2514 = arith.constant 12 : i32
      %rem3A_2515 = arith.remsi %sub3A_2513, %rem3A_2514 : i32
      %rem3A_2516 = arith.constant 12 : i32
      %rem3A_2517 = arith.remsi %scan3A_2389, %rem3A_2516 : i32
      %dma_wait3A_2518 = arith.constant 0 : i32
      %dma_wait3A_2519 = arith.constant 0 : i32
      %dma_wait3A_2520 = arith.constant 0 : i32
      %dma_wait3A_2521 = tpu.memref_slice %arg14[%dma_wait3A_2518, %dma_wait3A_2519, %dma_wait3A_2520] : memref<12x32x128xf32, #tpu.memory_space<vmem>> -> memref<1x32x128xf32, #tpu.memory_space<vmem>>
      %dma_wait3A_2522 = tpu.memref_squeeze %dma_wait3A_2521 : memref<1x32x128xf32, #tpu.memory_space<vmem>> -> memref<32x128xf32, #tpu.memory_space<vmem>>
      %dma_wait3A_2523 = arith.constant 0 : i32
      %dma_wait3A_2524 = arith.constant 0 : i32
      %dma_wait3A_2525 = tpu.memref_slice %arg6[%dma_wait3A_2523, %dma_wait3A_2524] : memref<32x1000000xf32, #tpu.memory_space<hbm>> -> memref<32x128xf32, #tpu.memory_space<hbm>>
      %dma_wait3A_2526 = arith.constant 0 : i32
      %dma_wait3A_2527 = arith.constant 0 : i32
      %dma_wait3A_2528 = tpu.memref_slice %arg14[%dma_wait3A_2518, %dma_wait3A_2526, %dma_wait3A_2527] : memref<12x32x128xf32, #tpu.memory_space<vmem>> -> memref<1x32x128xf32, #tpu.memory_space<vmem>>
      %dma_wait3A_2529 = tpu.memref_squeeze %dma_wait3A_2528 : memref<1x32x128xf32, #tpu.memory_space<vmem>> -> memref<32x128xf32, #tpu.memory_space<vmem>>
      %dma_wait3A_2530 = arith.constant 0 : i32
      %dma_wait3A_2531 = arith.constant 0 : i32
      %dma_wait3A_2532 = tpu.memref_slice %arg6[%dma_wait3A_2530, %dma_wait3A_2531] : memref<32x1000000xf32, #tpu.memory_space<hbm>> -> memref<32x128xf32, #tpu.memory_space<hbm>>
      tpu.wait_dma2 semaphore(%arg19 : memref<!tpu.dma_semaphore, #tpu.memory_space<semaphore_mem>>) src(%dma_wait3A_2532 : memref<32x128xf32, #tpu.memory_space<hbm>>) dst(%dma_wait3A_2529 : memref<32x128xf32, #tpu.memory_space<vmem>>)
      %and3A_2533 = arith.constant 127 : i32
      %and3A_2534 = arith.andi %squeeze3A_2482, %and3A_2533 : i32
      %broadcast_in_dim3A_2535 = vector.broadcast %and3A_2534 : i32 to vector<16xi32>
      %and3A_2536 = arith.constant 127 : i32
      %and3A_2537 = arith.andi %squeeze3A_2501, %and3A_2536 : i32
      %broadcast_in_dim3A_2538 = vector.broadcast %and3A_2537 : i32 to vector<16xi32>
      %broadcast_in_dim3A_2539 = vector.broadcast %rem3A_2515 : i32 to vector<16xi32>
      %broadcast_in_dim3A_2540 = vector.broadcast %rem3A_2517 : i32 to vector<16xi32>
      %gather3A_2541 = tpu.vector_load_idx %arg13[%broadcast_in_dim3A_2539, %iota3A, %broadcast_in_dim3A_2535] : memref<12x32x128xf32, #tpu.memory_space<vmem>>[vector<16xi32>, vector<16xi32>, vector<16xi32>], vector<16xf32>,
      %add3A_2542 = arith.constant 16 : i32
      %add3A_2543 = vector.broadcast %add3A_2542 : i32 to vector<16xi32>
      %add3A_2544 = arith.addi %iota3A, %add3A_2543 : vector<16xi32>
      %gather3A_2545 = tpu.vector_load_idx %arg13[%broadcast_in_dim3A_2539, %add3A_2544, %broadcast_in_dim3A_2535] : memref<12x32x128xf32, #tpu.memory_space<vmem>>[vector<16xi32>, vector<16xi32>, vector<16xi32>], vector<16xf32>,
      %gather3A_2546 = tpu.vector_load_idx %arg14[%broadcast_in_dim3A_2540, %iota3A, %broadcast_in_dim3A_2538] : memref<12x32x128xf32, #tpu.memory_space<vmem>>[vector<16xi32>, vector<16xi32>, vector<16xi32>], vector<16xf32>,
      %add3A_2547 = arith.constant 16 : i32
      %add3A_2548 = vector.broadcast %add3A_2547 : i32 to vector<16xi32>
      %add3A_2549 = arith.addi %iota3A, %add3A_2548 : vector<16xi32>
      %gather3A_2550 = tpu.vector_load_idx %arg14[%broadcast_in_dim3A_2540, %add3A_2549, %broadcast_in_dim3A_2538] : memref<12x32x128xf32, #tpu.memory_space<vmem>>[vector<16xi32>, vector<16xi32>, vector<16xi32>], vector<16xf32>,
      %mul3A_2551 = arith.mulf %gather3A_2541, %gather3A_2546 : vector<16xf32>
      %mul3A_2552 = arith.mulf %gather3A_2545, %gather3A_2550 : vector<16xf32>
      %add3A_2553 = arith.addf %mul3A_2551, %mul3A_2552 : vector<16xf32>
      %xor3A_2554 = arith.constant 8 : i32
      %xor3A_2555 = vector.broadcast %xor3A_2554 : i32 to vector<16xi32>
      %xor3A_2556 = arith.xori %iota3A, %xor3A_2555 : vector<16xi32>
      %broadcast_in_dim3A_2557 = vector.shape_cast %xor3A_2556 : vector<16xi32> to vector<16x1xi32>
      %gather3A_2558 = vector.shape_cast %broadcast_in_dim3A_2557 : vector<16x1xi32> to vector<16xi32>
      %gather3A_2559 = tpu.dynamic_gather %add3A_2553[%gather3A_2558] in [0] : vector<16xf32>, vector<16xi32> -> vector<16xf32>
      %add3A_2560 = arith.addf %add3A_2553, %gather3A_2559 : vector<16xf32>
      %xor3A_2561 = arith.constant 4 : i32
      %xor3A_2562 = vector.broadcast %xor3A_2561 : i32 to vector<16xi32>
      %xor3A_2563 = arith.xori %iota3A, %xor3A_2562 : vector<16xi32>
      %broadcast_in_dim3A_2564 = vector.shape_cast %xor3A_2563 : vector<16xi32> to vector<16x1xi32>
      %gather3A_2565 = vector.shape_cast %broadcast_in_dim3A_2564 : vector<16x1xi32> to vector<16xi32>
      %gather3A_2566 = tpu.dynamic_gather %add3A_2560[%gather3A_2565] in [0] : vector<16xf32>, vector<16xi32> -> vector<16xf32>
      %add3A_2567 = arith.addf %add3A_2560, %gather3A_2566 : vector<16xf32>
      %xor3A_2568 = arith.constant 2 : i32
      %xor3A_2569 = vector.broadcast %xor3A_2568 : i32 to vector<16xi32>
      %xor3A_2570 = arith.xori %iota3A, %xor3A_2569 : vector<16xi32>
      %broadcast_in_dim3A_2571 = vector.shape_cast %xor3A_2570 : vector<16xi32> to vector<16x1xi32>
      %gather3A_2572 = vector.shape_cast %broadcast_in_dim3A_2571 : vector<16x1xi32> to vector<16xi32>
      %gather3A_2573 = tpu.dynamic_gather %add3A_2567[%gather3A_2572] in [0] : vector<16xf32>, vector<16xi32> -> vector<16xf32>
      %add3A_2574 = arith.addf %add3A_2567, %gather3A_2573 : vector<16xf32>
      %xor3A_2575 = arith.constant 1 : i32
      %xor3A_2576 = vector.broadcast %xor3A_2575 : i32 to vector<16xi32>
      %xor3A_2577 = arith.xori %iota3A, %xor3A_2576 : vector<16xi32>
      %broadcast_in_dim3A_2578 = vector.shape_cast %xor3A_2577 : vector<16xi32> to vector<16x1xi32>
      %gather3A_2579 = vector.shape_cast %broadcast_in_dim3A_2578 : vector<16x1xi32> to vector<16xi32>
      %gather3A_2580 = tpu.dynamic_gather %add3A_2574[%gather3A_2579] in [0] : vector<16xf32>, vector<16xi32> -> vector<16xf32>
      %add3A_2581 = arith.addf %add3A_2574, %gather3A_2580 : vector<16xf32>
      %and3A_2582 = arith.constant 15 : i32
      %and3A_2583 = arith.andi %scan3A_2389, %and3A_2582 : i32
      %eq3A_2584 = vector.broadcast %and3A_2583 : i32 to vector<16xi32>
      %eq3A_2585 = arith.cmpi eq, %iota3A, %eq3A_2584 : vector<16xi32>
      %jit3A_2586 = arith.constant 0.000000e+00 : f32
      %broadcast_in_dim3A_2587 = vector.broadcast %jit3A_2586 : f32 to vector<16xf32>
      %select_n3A_2588 = arith.select %eq3A_2585, %add3A_2581, %broadcast_in_dim3A_2587 : vector<16xi1>, vector<16xf32>
      %add3A_2589 = arith.addf %scan3A_2390, %select_n3A_2588 : vector<16xf32>
      %eq3A_2590 = arith.constant 15 : i32
      %eq3A_2591 = arith.cmpi eq, %and3A_2583, %eq3A_2590 : i32
      %convert_element_type3A_2592 = arith.extui %eq3A_2591 : i1 to i32
      %cond3A_2593 = arith.constant 0 : i32
      %cond3A_2594 = arith.cmpi ne, %convert_element_type3A_2592, %cond3A_2593 : i32
      scf.if %cond3A_2594 {
        %shift_right_arithmetic3A_2600 = arith.constant 4 : i32
        %shift_right_arithmetic3A_2601 = arith.shrsi %scan3A_2389, %shift_right_arithmetic3A_2600 : i32
        %mul3A_2602 = arith.constant 16 : i32
        %mul3A_2603 = arith.muli %shift_right_arithmetic3A_2601, %mul3A_2602 : i32
        %swap3A = arith.index_cast %mul3A_2603 : i32 to index
        %swap3A_2604 = tpu.vector_load %arg17[%swap3A] {strides = array<i32>} : memref<512xf32, #tpu.memory_space<vmem>>, vector<16xf32>,
        tpu.vector_store %arg17[%swap3A], %add3A_2589 {strides = array<i32>} : memref<512xf32, #tpu.memory_space<vmem>>, vector<16xf32>,
      } else {
      }
      %eq3A_2595 = arith.constant 15 : i32
      %eq3A_2596 = arith.cmpi eq, %and3A_2583, %eq3A_2595 : i32
      %jit3A_2597 = arith.constant 0.000000e+00 : f32
      %broadcast_in_dim3A_2598 = vector.broadcast %jit3A_2597 : f32 to vector<16xf32>
      %select_n3A_2599 = arith.select %eq3A_2596, %broadcast_in_dim3A_2598, %add3A_2589 : vector<16xf32>
      scf.yield %select_n3A_2599, %shift_right_arithmetic3A_2436, %add3A_2463, %shift_right_arithmetic3A_2503, %add3A_2511 : vector<16xf32>, i32, i32, i32, i32
    }
    %scan3A_807 = arith.constant 502 : i32
    %shift_right_arithmetic3A_808 = arith.constant 502 : i32
    %shift_right_arithmetic3A_809 = arith.constant 7 : i32
    %shift_right_arithmetic3A_810 = arith.shrsi %shift_right_arithmetic3A_808, %shift_right_arithmetic3A_809 : i32
    %shift_right_arithmetic3A_811 = arith.constant 502 : i32
    %shift_right_arithmetic3A_812 = arith.constant 4 : i32
    %shift_right_arithmetic3A_813 = arith.shrsi %shift_right_arithmetic3A_811, %shift_right_arithmetic3A_812 : i32
    %and3A_814 = arith.constant 7 : i32
    %and3A_815 = arith.andi %shift_right_arithmetic3A_813, %and3A_814 : i32
    %mul3A_816 = arith.constant 16 : i32
    %mul3A_817 = arith.muli %and3A_815, %mul3A_816 : i32
    %get3A_818 = arith.index_cast %shift_right_arithmetic3A_810 : i32 to index
    %get3A_819 = arith.index_cast %mul3A_817 : i32 to index
    %get3A_820 = tpu.vector_load %arg10[%get3A_818, %get3A_819] {strides = array<i32>} : memref<4x128xi32, #tpu.memory_space<vmem>>, vector<16xi32>,
    %and3A_821 = arith.constant 502 : i32
    %and3A_822 = arith.constant 15 : i32
    %and3A_823 = arith.andi %and3A_821, %and3A_822 : i32
    %broadcast_in_dim3A_824 = vector.broadcast %and3A_823 : i32 to vector<16xi32>
    %broadcast_in_dim3A_825 = vector.shape_cast %broadcast_in_dim3A_824 : vector<16xi32> to vector<16x1xi32>
    %gather3A_826 = vector.shape_cast %broadcast_in_dim3A_825 : vector<16x1xi32> to vector<16xi32>
    %gather3A_827 = tpu.dynamic_gather %get3A_820[%gather3A_826] in [0] : vector<16xi32>, vector<16xi32> -> vector<16xi32>
    %slice3A_828 = vector.extract_strided_slice %gather3A_827 {offsets = [0], sizes = [1], strides = [1]} : vector<16xi32> to vector<1xi32>
    %squeeze3A_829 = vector.extract %slice3A_828[0] : i32 from vector<1xi32>
    %shift_right_arithmetic3A_830 = arith.constant 502 : i32
    %shift_right_arithmetic3A_831 = arith.constant 7 : i32
    %shift_right_arithmetic3A_832 = arith.shrsi %shift_right_arithmetic3A_830, %shift_right_arithmetic3A_831 : i32
    %shift_right_arithmetic3A_833 = arith.constant 502 : i32
    %shift_right_arithmetic3A_834 = arith.constant 4 : i32
    %shift_right_arithmetic3A_835 = arith.shrsi %shift_right_arithmetic3A_833, %shift_right_arithmetic3A_834 : i32
    %and3A_836 = arith.constant 7 : i32
    %and3A_837 = arith.andi %shift_right_arithmetic3A_835, %and3A_836 : i32
    %mul3A_838 = arith.constant 16 : i32
    %mul3A_839 = arith.muli %and3A_837, %mul3A_838 : i32
    %get3A_840 = arith.index_cast %shift_right_arithmetic3A_832 : i32 to index
    %get3A_841 = arith.index_cast %mul3A_839 : i32 to index
    %get3A_842 = tpu.vector_load %arg11[%get3A_840, %get3A_841] {strides = array<i32>} : memref<4x128xi32, #tpu.memory_space<vmem>>, vector<16xi32>,
    %and3A_843 = arith.constant 502 : i32
    %and3A_844 = arith.constant 15 : i32
    %and3A_845 = arith.andi %and3A_843, %and3A_844 : i32
    %broadcast_in_dim3A_846 = vector.broadcast %and3A_845 : i32 to vector<16xi32>
    %broadcast_in_dim3A_847 = vector.shape_cast %broadcast_in_dim3A_846 : vector<16xi32> to vector<16x1xi32>
    %gather3A_848 = vector.shape_cast %broadcast_in_dim3A_847 : vector<16x1xi32> to vector<16xi32>
    %gather3A_849 = tpu.dynamic_gather %get3A_842[%gather3A_848] in [0] : vector<16xi32>, vector<16xi32> -> vector<16xi32>
    %slice3A_850 = vector.extract_strided_slice %gather3A_849 {offsets = [0], sizes = [1], strides = [1]} : vector<16xi32> to vector<1xi32>
    %squeeze3A_851 = vector.extract %slice3A_850[0] : i32 from vector<1xi32>
    %shift_right_arithmetic3A_852 = arith.constant 7 : i32
    %shift_right_arithmetic3A_853 = arith.shrsi %squeeze3A_829, %shift_right_arithmetic3A_852 : i32
    %ne3A_854 = arith.cmpi ne, %shift_right_arithmetic3A_853, %scan3A_806#3 : i32
    %convert_element_type3A_855 = arith.extui %ne3A_854 : i1 to i32
    %cond3A_856 = arith.constant 0 : i32
    %cond3A_857 = arith.cmpi ne, %convert_element_type3A_855, %cond3A_856 : i32
    scf.if %cond3A_857 {
      %dma_wait3A_2389 = arith.constant 0 : i32
      %dma_wait3A_2390 = arith.constant 0 : i32
      %dma_wait3A_2391 = arith.constant 0 : i32
      %dma_wait3A_2392 = tpu.memref_slice %arg13[%dma_wait3A_2389, %dma_wait3A_2390, %dma_wait3A_2391] : memref<12x32x128xf32, #tpu.memory_space<vmem>> -> memref<1x32x128xf32, #tpu.memory_space<vmem>>
      %dma_wait3A_2393 = tpu.memref_squeeze %dma_wait3A_2392 : memref<1x32x128xf32, #tpu.memory_space<vmem>> -> memref<32x128xf32, #tpu.memory_space<vmem>>
      %dma_wait3A_2394 = arith.constant 0 : i32
      %dma_wait3A_2395 = arith.constant 0 : i32
      %dma_wait3A_2396 = tpu.memref_slice %arg5[%dma_wait3A_2394, %dma_wait3A_2395] : memref<32x1000000xf32, #tpu.memory_space<hbm>> -> memref<32x128xf32, #tpu.memory_space<hbm>>
      %dma_wait3A_2397 = arith.constant 0 : i32
      %dma_wait3A_2398 = arith.constant 0 : i32
      %dma_wait3A_2399 = tpu.memref_slice %arg13[%dma_wait3A_2389, %dma_wait3A_2397, %dma_wait3A_2398] : memref<12x32x128xf32, #tpu.memory_space<vmem>> -> memref<1x32x128xf32, #tpu.memory_space<vmem>>
      %dma_wait3A_2400 = tpu.memref_squeeze %dma_wait3A_2399 : memref<1x32x128xf32, #tpu.memory_space<vmem>> -> memref<32x128xf32, #tpu.memory_space<vmem>>
      %dma_wait3A_2401 = arith.constant 0 : i32
      %dma_wait3A_2402 = arith.constant 0 : i32
      %dma_wait3A_2403 = tpu.memref_slice %arg5[%dma_wait3A_2401, %dma_wait3A_2402] : memref<32x1000000xf32, #tpu.memory_space<hbm>> -> memref<32x128xf32, #tpu.memory_space<hbm>>
      tpu.wait_dma2 semaphore(%arg18 : memref<!tpu.dma_semaphore, #tpu.memory_space<semaphore_mem>>) src(%dma_wait3A_2403 : memref<32x128xf32, #tpu.memory_space<hbm>>) dst(%dma_wait3A_2400 : memref<32x128xf32, #tpu.memory_space<vmem>>)
    } else {
    }
    %jit3A_858 = arith.constant 1 : i32
    %jit3A_859 = arith.constant 0 : i32
    %select_n3A_860 = arith.select %ne3A_854, %jit3A_858, %jit3A_859 : i32
    %add3A_861 = arith.addi %scan3A_806#4, %select_n3A_860 : i32
    %sub3A = arith.constant 1 : i32
    %sub3A_862 = arith.subi %add3A_861, %sub3A : i32
    %rem3A_863 = arith.constant 12 : i32
    %rem3A_864 = arith.remsi %sub3A_862, %rem3A_863 : i32
    %rem3A_865 = arith.constant 502 : i32
    %rem3A_866 = arith.constant 12 : i32
    %rem3A_867 = arith.remsi %rem3A_865, %rem3A_866 : i32
    %dma_wait3A = arith.constant 0 : i32
    %dma_wait3A_868 = arith.constant 0 : i32
    %dma_wait3A_869 = arith.constant 0 : i32
    %dma_wait3A_870 = tpu.memref_slice %arg14[%dma_wait3A, %dma_wait3A_868, %dma_wait3A_869] : memref<12x32x128xf32, #tpu.memory_space<vmem>> -> memref<1x32x128xf32, #tpu.memory_space<vmem>>
    %dma_wait3A_871 = tpu.memref_squeeze %dma_wait3A_870 : memref<1x32x128xf32, #tpu.memory_space<vmem>> -> memref<32x128xf32, #tpu.memory_space<vmem>>
    %dma_wait3A_872 = arith.constant 0 : i32
    %dma_wait3A_873 = arith.constant 0 : i32
    %dma_wait3A_874 = tpu.memref_slice %arg6[%dma_wait3A_872, %dma_wait3A_873] : memref<32x1000000xf32, #tpu.memory_space<hbm>> -> memref<32x128xf32, #tpu.memory_space<hbm>>
    %dma_wait3A_875 = arith.constant 0 : i32
    %dma_wait3A_876 = arith.constant 0 : i32
    %dma_wait3A_877 = tpu.memref_slice %arg14[%dma_wait3A, %dma_wait3A_875, %dma_wait3A_876] : memref<12x32x128xf32, #tpu.memory_space<vmem>> -> memref<1x32x128xf32, #tpu.memory_space<vmem>>
    %dma_wait3A_878 = tpu.memref_squeeze %dma_wait3A_877 : memref<1x32x128xf32, #tpu.memory_space<vmem>> -> memref<32x128xf32, #tpu.memory_space<vmem>>
    %dma_wait3A_879 = arith.constant 0 : i32
    %dma_wait3A_880 = arith.constant 0 : i32
    %dma_wait3A_881 = tpu.memref_slice %arg6[%dma_wait3A_879, %dma_wait3A_880] : memref<32x1000000xf32, #tpu.memory_space<hbm>> -> memref<32x128xf32, #tpu.memory_space<hbm>>
    tpu.wait_dma2 semaphore(%arg19 : memref<!tpu.dma_semaphore, #tpu.memory_space<semaphore_mem>>) src(%dma_wait3A_881 : memref<32x128xf32, #tpu.memory_space<hbm>>) dst(%dma_wait3A_878 : memref<32x128xf32, #tpu.memory_space<vmem>>)
    %and3A_882 = arith.constant 127 : i32
    %and3A_883 = arith.andi %squeeze3A_829, %and3A_882 : i32
    %broadcast_in_dim3A_884 = vector.broadcast %and3A_883 : i32 to vector<16xi32>
    %and3A_885 = arith.constant 127 : i32
    %and3A_886 = arith.andi %squeeze3A_851, %and3A_885 : i32
    %broadcast_in_dim3A_887 = vector.broadcast %and3A_886 : i32 to vector<16xi32>
    %broadcast_in_dim3A_888 = vector.broadcast %rem3A_864 : i32 to vector<16xi32>
    %broadcast_in_dim3A_889 = vector.broadcast %rem3A_867 : i32 to vector<16xi32>
    %gather3A_890 = tpu.vector_load_idx %arg13[%broadcast_in_dim3A_888, %iota3A, %broadcast_in_dim3A_884] : memref<12x32x128xf32, #tpu.memory_space<vmem>>[vector<16xi32>, vector<16xi32>, vector<16xi32>], vector<16xf32>,
    %add3A_891 = arith.constant 16 : i32
    %add3A_892 = vector.broadcast %add3A_891 : i32 to vector<16xi32>
    %add3A_893 = arith.addi %iota3A, %add3A_892 : vector<16xi32>
    %gather3A_894 = tpu.vector_load_idx %arg13[%broadcast_in_dim3A_888, %add3A_893, %broadcast_in_dim3A_884] : memref<12x32x128xf32, #tpu.memory_space<vmem>>[vector<16xi32>, vector<16xi32>, vector<16xi32>], vector<16xf32>,
    %gather3A_895 = tpu.vector_load_idx %arg14[%broadcast_in_dim3A_889, %iota3A, %broadcast_in_dim3A_887] : memref<12x32x128xf32, #tpu.memory_space<vmem>>[vector<16xi32>, vector<16xi32>, vector<16xi32>], vector<16xf32>,
    %add3A_896 = arith.constant 16 : i32
    %add3A_897 = vector.broadcast %add3A_896 : i32 to vector<16xi32>
    %add3A_898 = arith.addi %iota3A, %add3A_897 : vector<16xi32>
    %gather3A_899 = tpu.vector_load_idx %arg14[%broadcast_in_dim3A_889, %add3A_898, %broadcast_in_dim3A_887] : memref<12x32x128xf32, #tpu.memory_space<vmem>>[vector<16xi32>, vector<16xi32>, vector<16xi32>], vector<16xf32>,
    %mul3A_900 = arith.mulf %gather3A_890, %gather3A_895 : vector<16xf32>
    %mul3A_901 = arith.mulf %gather3A_894, %gather3A_899 : vector<16xf32>
    %add3A_902 = arith.addf %mul3A_900, %mul3A_901 : vector<16xf32>
    %xor3A = arith.constant 8 : i32
    %xor3A_903 = vector.broadcast %xor3A : i32 to vector<16xi32>
    %xor3A_904 = arith.xori %iota3A, %xor3A_903 : vector<16xi32>
    %broadcast_in_dim3A_905 = vector.shape_cast %xor3A_904 : vector<16xi32> to vector<16x1xi32>
    %gather3A_906 = vector.shape_cast %broadcast_in_dim3A_905 : vector<16x1xi32> to vector<16xi32>
    %gather3A_907 = tpu.dynamic_gather %add3A_902[%gather3A_906] in [0] : vector<16xf32>, vector<16xi32> -> vector<16xf32>
    %add3A_908 = arith.addf %add3A_902, %gather3A_907 : vector<16xf32>
    %xor3A_909 = arith.constant 4 : i32
    %xor3A_910 = vector.broadcast %xor3A_909 : i32 to vector<16xi32>
    %xor3A_911 = arith.xori %iota3A, %xor3A_910 : vector<16xi32>
    %broadcast_in_dim3A_912 = vector.shape_cast %xor3A_911 : vector<16xi32> to vector<16x1xi32>
    %gather3A_913 = vector.shape_cast %broadcast_in_dim3A_912 : vector<16x1xi32> to vector<16xi32>
    %gather3A_914 = tpu.dynamic_gather %add3A_908[%gather3A_913] in [0] : vector<16xf32>, vector<16xi32> -> vector<16xf32>
    %add3A_915 = arith.addf %add3A_908, %gather3A_914 : vector<16xf32>
    %xor3A_916 = arith.constant 2 : i32
    %xor3A_917 = vector.broadcast %xor3A_916 : i32 to vector<16xi32>
    %xor3A_918 = arith.xori %iota3A, %xor3A_917 : vector<16xi32>
    %broadcast_in_dim3A_919 = vector.shape_cast %xor3A_918 : vector<16xi32> to vector<16x1xi32>
    %gather3A_920 = vector.shape_cast %broadcast_in_dim3A_919 : vector<16x1xi32> to vector<16xi32>
    %gather3A_921 = tpu.dynamic_gather %add3A_915[%gather3A_920] in [0] : vector<16xf32>, vector<16xi32> -> vector<16xf32>
    %add3A_922 = arith.addf %add3A_915, %gather3A_921 : vector<16xf32>
    %xor3A_923 = arith.constant 1 : i32
    %xor3A_924 = vector.broadcast %xor3A_923 : i32 to vector<16xi32>
    %xor3A_925 = arith.xori %iota3A, %xor3A_924 : vector<16xi32>
    %broadcast_in_dim3A_926 = vector.shape_cast %xor3A_925 : vector<16xi32> to vector<16x1xi32>
    %gather3A_927 = vector.shape_cast %broadcast_in_dim3A_926 : vector<16x1xi32> to vector<16xi32>
    %gather3A_928 = tpu.dynamic_gather %add3A_922[%gather3A_927] in [0] : vector<16xf32>, vector<16xi32> -> vector<16xf32>
    %add3A_929 = arith.addf %add3A_922, %gather3A_928 : vector<16xf32>
    %and3A_930 = arith.constant 502 : i32
    %and3A_931 = arith.constant 15 : i32
    %and3A_932 = arith.andi %and3A_930, %and3A_931 : i32
    %eq3A = vector.broadcast %and3A_932 : i32 to vector<16xi32>
    %eq3A_933 = arith.cmpi eq, %iota3A, %eq3A : vector<16xi32>
    %jit3A_934 = arith.constant 0.000000e+00 : f32
    %broadcast_in_dim3A_935 = vector.broadcast %jit3A_934 : f32 to vector<16xf32>
    %select_n3A_936 = arith.select %eq3A_933, %add3A_929, %broadcast_in_dim3A_935 : vector<16xi1>, vector<16xf32>
    %add3A_937 = arith.addf %scan3A_806#0, %select_n3A_936 : vector<16xf32>
    %eq3A_938 = arith.constant 15 : i32
    %eq3A_939 = arith.cmpi eq, %and3A_932, %eq3A_938 : i32
    %convert_element_type3A_940 = arith.extui %eq3A_939 : i1 to i32
    %cond3A_941 = arith.constant 502 : i32
    %cond3A_942 = arith.constant 0 : i32
    %cond3A_943 = arith.cmpi ne, %convert_element_type3A_940, %cond3A_942 : i32
    scf.if %cond3A_943 {
      %shift_right_arithmetic3A_2389 = arith.constant 4 : i32
      %shift_right_arithmetic3A_2390 = arith.shrsi %cond3A_941, %shift_right_arithmetic3A_2389 : i32
      %mul3A_2391 = arith.constant 16 : i32
      %mul3A_2392 = arith.muli %shift_right_arithmetic3A_2390, %mul3A_2391 : i32
      %swap3A = arith.index_cast %mul3A_2392 : i32 to index
      %swap3A_2393 = tpu.vector_load %arg17[%swap3A] {strides = array<i32>} : memref<512xf32, #tpu.memory_space<vmem>>, vector<16xf32>,
      tpu.vector_store %arg17[%swap3A], %add3A_937 {strides = array<i32>} : memref<512xf32, #tpu.memory_space<vmem>>, vector<16xf32>,
    } else {
    }
    %eq3A_944 = arith.constant 15 : i32
    %eq3A_945 = arith.cmpi eq, %and3A_932, %eq3A_944 : i32
    %jit3A_946 = arith.constant 0.000000e+00 : f32
    %broadcast_in_dim3A_947 = vector.broadcast %jit3A_946 : f32 to vector<16xf32>
    %select_n3A_948 = arith.select %eq3A_945, %broadcast_in_dim3A_947, %add3A_937 : vector<16xf32>
    %shift_right_arithmetic3A_949 = arith.constant 503 : i32
    %shift_right_arithmetic3A_950 = arith.constant 7 : i32
    %shift_right_arithmetic3A_951 = arith.shrsi %shift_right_arithmetic3A_949, %shift_right_arithmetic3A_950 : i32
    %shift_right_arithmetic3A_952 = arith.constant 503 : i32
    %shift_right_arithmetic3A_953 = arith.constant 4 : i32
    %shift_right_arithmetic3A_954 = arith.shrsi %shift_right_arithmetic3A_952, %shift_right_arithmetic3A_953 : i32
    %and3A_955 = arith.constant 7 : i32
    %and3A_956 = arith.andi %shift_right_arithmetic3A_954, %and3A_955 : i32
    %mul3A_957 = arith.constant 16 : i32
    %mul3A_958 = arith.muli %and3A_956, %mul3A_957 : i32
    %get3A_959 = arith.index_cast %shift_right_arithmetic3A_951 : i32 to index
    %get3A_960 = arith.index_cast %mul3A_958 : i32 to index
    %get3A_961 = tpu.vector_load %arg10[%get3A_959, %get3A_960] {strides = array<i32>} : memref<4x128xi32, #tpu.memory_space<vmem>>, vector<16xi32>,
    %and3A_962 = arith.constant 503 : i32
    %and3A_963 = arith.constant 15 : i32
    %and3A_964 = arith.andi %and3A_962, %and3A_963 : i32
    %broadcast_in_dim3A_965 = vector.broadcast %and3A_964 : i32 to vector<16xi32>
    %broadcast_in_dim3A_966 = vector.shape_cast %broadcast_in_dim3A_965 : vector<16xi32> to vector<16x1xi32>
    %gather3A_967 = vector.shape_cast %broadcast_in_dim3A_966 : vector<16x1xi32> to vector<16xi32>
    %gather3A_968 = tpu.dynamic_gather %get3A_961[%gather3A_967] in [0] : vector<16xi32>, vector<16xi32> -> vector<16xi32>
    %slice3A_969 = vector.extract_strided_slice %gather3A_968 {offsets = [0], sizes = [1], strides = [1]} : vector<16xi32> to vector<1xi32>
    %squeeze3A_970 = vector.extract %slice3A_969[0] : i32 from vector<1xi32>
    %shift_right_arithmetic3A_971 = arith.constant 503 : i32
    %shift_right_arithmetic3A_972 = arith.constant 7 : i32
    %shift_right_arithmetic3A_973 = arith.shrsi %shift_right_arithmetic3A_971, %shift_right_arithmetic3A_972 : i32
    %shift_right_arithmetic3A_974 = arith.constant 503 : i32
    %shift_right_arithmetic3A_975 = arith.constant 4 : i32
    %shift_right_arithmetic3A_976 = arith.shrsi %shift_right_arithmetic3A_974, %shift_right_arithmetic3A_975 : i32
    %and3A_977 = arith.constant 7 : i32
    %and3A_978 = arith.andi %shift_right_arithmetic3A_976, %and3A_977 : i32
    %mul3A_979 = arith.constant 16 : i32
    %mul3A_980 = arith.muli %and3A_978, %mul3A_979 : i32
    %get3A_981 = arith.index_cast %shift_right_arithmetic3A_973 : i32 to index
    %get3A_982 = arith.index_cast %mul3A_980 : i32 to index
    %get3A_983 = tpu.vector_load %arg11[%get3A_981, %get3A_982] {strides = array<i32>} : memref<4x128xi32, #tpu.memory_space<vmem>>, vector<16xi32>,
    %and3A_984 = arith.constant 503 : i32
    %and3A_985 = arith.constant 15 : i32
    %and3A_986 = arith.andi %and3A_984, %and3A_985 : i32
    %broadcast_in_dim3A_987 = vector.broadcast %and3A_986 : i32 to vector<16xi32>
    %broadcast_in_dim3A_988 = vector.shape_cast %broadcast_in_dim3A_987 : vector<16xi32> to vector<16x1xi32>
    %gather3A_989 = vector.shape_cast %broadcast_in_dim3A_988 : vector<16x1xi32> to vector<16xi32>
    %gather3A_990 = tpu.dynamic_gather %get3A_983[%gather3A_989] in [0] : vector<16xi32>, vector<16xi32> -> vector<16xi32>
    %slice3A_991 = vector.extract_strided_slice %gather3A_990 {offsets = [0], sizes = [1], strides = [1]} : vector<16xi32> to vector<1xi32>
    %squeeze3A_992 = vector.extract %slice3A_991[0] : i32 from vector<1xi32>
    %shift_right_arithmetic3A_993 = arith.constant 7 : i32
    %shift_right_arithmetic3A_994 = arith.shrsi %squeeze3A_970, %shift_right_arithmetic3A_993 : i32
    %ne3A_995 = arith.cmpi ne, %shift_right_arithmetic3A_994, %shift_right_arithmetic3A_853 : i32
    %convert_element_type3A_996 = arith.extui %ne3A_995 : i1 to i32
    %cond3A_997 = arith.constant 0 : i32
    %cond3A_998 = arith.cmpi ne, %convert_element_type3A_996, %cond3A_997 : i32
    scf.if %cond3A_998 {
      %dma_wait3A_2389 = arith.constant 0 : i32
      %dma_wait3A_2390 = arith.constant 0 : i32
      %dma_wait3A_2391 = arith.constant 0 : i32
      %dma_wait3A_2392 = tpu.memref_slice %arg13[%dma_wait3A_2389, %dma_wait3A_2390, %dma_wait3A_2391] : memref<12x32x128xf32, #tpu.memory_space<vmem>> -> memref<1x32x128xf32, #tpu.memory_space<vmem>>
      %dma_wait3A_2393 = tpu.memref_squeeze %dma_wait3A_2392 : memref<1x32x128xf32, #tpu.memory_space<vmem>> -> memref<32x128xf32, #tpu.memory_space<vmem>>
      %dma_wait3A_2394 = arith.constant 0 : i32
      %dma_wait3A_2395 = arith.constant 0 : i32
      %dma_wait3A_2396 = tpu.memref_slice %arg5[%dma_wait3A_2394, %dma_wait3A_2395] : memref<32x1000000xf32, #tpu.memory_space<hbm>> -> memref<32x128xf32, #tpu.memory_space<hbm>>
      %dma_wait3A_2397 = arith.constant 0 : i32
      %dma_wait3A_2398 = arith.constant 0 : i32
      %dma_wait3A_2399 = tpu.memref_slice %arg13[%dma_wait3A_2389, %dma_wait3A_2397, %dma_wait3A_2398] : memref<12x32x128xf32, #tpu.memory_space<vmem>> -> memref<1x32x128xf32, #tpu.memory_space<vmem>>
      %dma_wait3A_2400 = tpu.memref_squeeze %dma_wait3A_2399 : memref<1x32x128xf32, #tpu.memory_space<vmem>> -> memref<32x128xf32, #tpu.memory_space<vmem>>
      %dma_wait3A_2401 = arith.constant 0 : i32
      %dma_wait3A_2402 = arith.constant 0 : i32
      %dma_wait3A_2403 = tpu.memref_slice %arg5[%dma_wait3A_2401, %dma_wait3A_2402] : memref<32x1000000xf32, #tpu.memory_space<hbm>> -> memref<32x128xf32, #tpu.memory_space<hbm>>
      tpu.wait_dma2 semaphore(%arg18 : memref<!tpu.dma_semaphore, #tpu.memory_space<semaphore_mem>>) src(%dma_wait3A_2403 : memref<32x128xf32, #tpu.memory_space<hbm>>) dst(%dma_wait3A_2400 : memref<32x128xf32, #tpu.memory_space<vmem>>)
    } else {
    }
    %jit3A_999 = arith.constant 1 : i32
    %jit3A_1000 = arith.constant 0 : i32
    %select_n3A_1001 = arith.select %ne3A_995, %jit3A_999, %jit3A_1000 : i32
    %add3A_1002 = arith.addi %add3A_861, %select_n3A_1001 : i32
    %sub3A_1003 = arith.constant 1 : i32
    %sub3A_1004 = arith.subi %add3A_1002, %sub3A_1003 : i32
    %rem3A_1005 = arith.constant 12 : i32
    %rem3A_1006 = arith.remsi %sub3A_1004, %rem3A_1005 : i32
    %rem3A_1007 = arith.constant 503 : i32
    %rem3A_1008 = arith.constant 12 : i32
    %rem3A_1009 = arith.remsi %rem3A_1007, %rem3A_1008 : i32
    %dma_wait3A_1010 = arith.constant 0 : i32
    %dma_wait3A_1011 = arith.constant 0 : i32
    %dma_wait3A_1012 = arith.constant 0 : i32
    %dma_wait3A_1013 = tpu.memref_slice %arg14[%dma_wait3A_1010, %dma_wait3A_1011, %dma_wait3A_1012] : memref<12x32x128xf32, #tpu.memory_space<vmem>> -> memref<1x32x128xf32, #tpu.memory_space<vmem>>
    %dma_wait3A_1014 = tpu.memref_squeeze %dma_wait3A_1013 : memref<1x32x128xf32, #tpu.memory_space<vmem>> -> memref<32x128xf32, #tpu.memory_space<vmem>>
    %dma_wait3A_1015 = arith.constant 0 : i32
    %dma_wait3A_1016 = arith.constant 0 : i32
    %dma_wait3A_1017 = tpu.memref_slice %arg6[%dma_wait3A_1015, %dma_wait3A_1016] : memref<32x1000000xf32, #tpu.memory_space<hbm>> -> memref<32x128xf32, #tpu.memory_space<hbm>>
    %dma_wait3A_1018 = arith.constant 0 : i32
    %dma_wait3A_1019 = arith.constant 0 : i32
    %dma_wait3A_1020 = tpu.memref_slice %arg14[%dma_wait3A_1010, %dma_wait3A_1018, %dma_wait3A_1019] : memref<12x32x128xf32, #tpu.memory_space<vmem>> -> memref<1x32x128xf32, #tpu.memory_space<vmem>>
    %dma_wait3A_1021 = tpu.memref_squeeze %dma_wait3A_1020 : memref<1x32x128xf32, #tpu.memory_space<vmem>> -> memref<32x128xf32, #tpu.memory_space<vmem>>
    %dma_wait3A_1022 = arith.constant 0 : i32
    %dma_wait3A_1023 = arith.constant 0 : i32
    %dma_wait3A_1024 = tpu.memref_slice %arg6[%dma_wait3A_1022, %dma_wait3A_1023] : memref<32x1000000xf32, #tpu.memory_space<hbm>> -> memref<32x128xf32, #tpu.memory_space<hbm>>
    tpu.wait_dma2 semaphore(%arg19 : memref<!tpu.dma_semaphore, #tpu.memory_space<semaphore_mem>>) src(%dma_wait3A_1024 : memref<32x128xf32, #tpu.memory_space<hbm>>) dst(%dma_wait3A_1021 : memref<32x128xf32, #tpu.memory_space<vmem>>)
    %and3A_1025 = arith.constant 127 : i32
    %and3A_1026 = arith.andi %squeeze3A_970, %and3A_1025 : i32
    %broadcast_in_dim3A_1027 = vector.broadcast %and3A_1026 : i32 to vector<16xi32>
    %and3A_1028 = arith.constant 127 : i32
    %and3A_1029 = arith.andi %squeeze3A_992, %and3A_1028 : i32
    %broadcast_in_dim3A_1030 = vector.broadcast %and3A_1029 : i32 to vector<16xi32>
    %broadcast_in_dim3A_1031 = vector.broadcast %rem3A_1006 : i32 to vector<16xi32>
    %broadcast_in_dim3A_1032 = vector.broadcast %rem3A_1009 : i32 to vector<16xi32>
    %gather3A_1033 = tpu.vector_load_idx %arg13[%broadcast_in_dim3A_1031, %iota3A, %broadcast_in_dim3A_1027] : memref<12x32x128xf32, #tpu.memory_space<vmem>>[vector<16xi32>, vector<16xi32>, vector<16xi32>], vector<16xf32>,
    %add3A_1034 = arith.constant 16 : i32
    %add3A_1035 = vector.broadcast %add3A_1034 : i32 to vector<16xi32>
    %add3A_1036 = arith.addi %iota3A, %add3A_1035 : vector<16xi32>
    %gather3A_1037 = tpu.vector_load_idx %arg13[%broadcast_in_dim3A_1031, %add3A_1036, %broadcast_in_dim3A_1027] : memref<12x32x128xf32, #tpu.memory_space<vmem>>[vector<16xi32>, vector<16xi32>, vector<16xi32>], vector<16xf32>,
    %gather3A_1038 = tpu.vector_load_idx %arg14[%broadcast_in_dim3A_1032, %iota3A, %broadcast_in_dim3A_1030] : memref<12x32x128xf32, #tpu.memory_space<vmem>>[vector<16xi32>, vector<16xi32>, vector<16xi32>], vector<16xf32>,
    %add3A_1039 = arith.constant 16 : i32
    %add3A_1040 = vector.broadcast %add3A_1039 : i32 to vector<16xi32>
    %add3A_1041 = arith.addi %iota3A, %add3A_1040 : vector<16xi32>
    %gather3A_1042 = tpu.vector_load_idx %arg14[%broadcast_in_dim3A_1032, %add3A_1041, %broadcast_in_dim3A_1030] : memref<12x32x128xf32, #tpu.memory_space<vmem>>[vector<16xi32>, vector<16xi32>, vector<16xi32>], vector<16xf32>,
    %mul3A_1043 = arith.mulf %gather3A_1033, %gather3A_1038 : vector<16xf32>
    %mul3A_1044 = arith.mulf %gather3A_1037, %gather3A_1042 : vector<16xf32>
    %add3A_1045 = arith.addf %mul3A_1043, %mul3A_1044 : vector<16xf32>
    %xor3A_1046 = arith.constant 8 : i32
    %xor3A_1047 = vector.broadcast %xor3A_1046 : i32 to vector<16xi32>
    %xor3A_1048 = arith.xori %iota3A, %xor3A_1047 : vector<16xi32>
    %broadcast_in_dim3A_1049 = vector.shape_cast %xor3A_1048 : vector<16xi32> to vector<16x1xi32>
    %gather3A_1050 = vector.shape_cast %broadcast_in_dim3A_1049 : vector<16x1xi32> to vector<16xi32>
    %gather3A_1051 = tpu.dynamic_gather %add3A_1045[%gather3A_1050] in [0] : vector<16xf32>, vector<16xi32> -> vector<16xf32>
    %add3A_1052 = arith.addf %add3A_1045, %gather3A_1051 : vector<16xf32>
    %xor3A_1053 = arith.constant 4 : i32
    %xor3A_1054 = vector.broadcast %xor3A_1053 : i32 to vector<16xi32>
    %xor3A_1055 = arith.xori %iota3A, %xor3A_1054 : vector<16xi32>
    %broadcast_in_dim3A_1056 = vector.shape_cast %xor3A_1055 : vector<16xi32> to vector<16x1xi32>
    %gather3A_1057 = vector.shape_cast %broadcast_in_dim3A_1056 : vector<16x1xi32> to vector<16xi32>
    %gather3A_1058 = tpu.dynamic_gather %add3A_1052[%gather3A_1057] in [0] : vector<16xf32>, vector<16xi32> -> vector<16xf32>
    %add3A_1059 = arith.addf %add3A_1052, %gather3A_1058 : vector<16xf32>
    %xor3A_1060 = arith.constant 2 : i32
    %xor3A_1061 = vector.broadcast %xor3A_1060 : i32 to vector<16xi32>
    %xor3A_1062 = arith.xori %iota3A, %xor3A_1061 : vector<16xi32>
    %broadcast_in_dim3A_1063 = vector.shape_cast %xor3A_1062 : vector<16xi32> to vector<16x1xi32>
    %gather3A_1064 = vector.shape_cast %broadcast_in_dim3A_1063 : vector<16x1xi32> to vector<16xi32>
    %gather3A_1065 = tpu.dynamic_gather %add3A_1059[%gather3A_1064] in [0] : vector<16xf32>, vector<16xi32> -> vector<16xf32>
    %add3A_1066 = arith.addf %add3A_1059, %gather3A_1065 : vector<16xf32>
    %xor3A_1067 = arith.constant 1 : i32
    %xor3A_1068 = vector.broadcast %xor3A_1067 : i32 to vector<16xi32>
    %xor3A_1069 = arith.xori %iota3A, %xor3A_1068 : vector<16xi32>
    %broadcast_in_dim3A_1070 = vector.shape_cast %xor3A_1069 : vector<16xi32> to vector<16x1xi32>
    %gather3A_1071 = vector.shape_cast %broadcast_in_dim3A_1070 : vector<16x1xi32> to vector<16xi32>
    %gather3A_1072 = tpu.dynamic_gather %add3A_1066[%gather3A_1071] in [0] : vector<16xf32>, vector<16xi32> -> vector<16xf32>
    %add3A_1073 = arith.addf %add3A_1066, %gather3A_1072 : vector<16xf32>
    %and3A_1074 = arith.constant 503 : i32
    %and3A_1075 = arith.constant 15 : i32
    %and3A_1076 = arith.andi %and3A_1074, %and3A_1075 : i32
    %eq3A_1077 = vector.broadcast %and3A_1076 : i32 to vector<16xi32>
    %eq3A_1078 = arith.cmpi eq, %iota3A, %eq3A_1077 : vector<16xi32>
    %jit3A_1079 = arith.constant 0.000000e+00 : f32
    %broadcast_in_dim3A_1080 = vector.broadcast %jit3A_1079 : f32 to vector<16xf32>
    %select_n3A_1081 = arith.select %eq3A_1078, %add3A_1073, %broadcast_in_dim3A_1080 : vector<16xi1>, vector<16xf32>
    %add3A_1082 = arith.addf %select_n3A_948, %select_n3A_1081 : vector<16xf32>
    %eq3A_1083 = arith.constant 15 : i32
    %eq3A_1084 = arith.cmpi eq, %and3A_1076, %eq3A_1083 : i32
    %convert_element_type3A_1085 = arith.extui %eq3A_1084 : i1 to i32
    %cond3A_1086 = arith.constant 503 : i32
    %cond3A_1087 = arith.constant 0 : i32
    %cond3A_1088 = arith.cmpi ne, %convert_element_type3A_1085, %cond3A_1087 : i32
    scf.if %cond3A_1088 {
      %shift_right_arithmetic3A_2389 = arith.constant 4 : i32
      %shift_right_arithmetic3A_2390 = arith.shrsi %cond3A_1086, %shift_right_arithmetic3A_2389 : i32
      %mul3A_2391 = arith.constant 16 : i32
      %mul3A_2392 = arith.muli %shift_right_arithmetic3A_2390, %mul3A_2391 : i32
      %swap3A = arith.index_cast %mul3A_2392 : i32 to index
      %swap3A_2393 = tpu.vector_load %arg17[%swap3A] {strides = array<i32>} : memref<512xf32, #tpu.memory_space<vmem>>, vector<16xf32>,
      tpu.vector_store %arg17[%swap3A], %add3A_1082 {strides = array<i32>} : memref<512xf32, #tpu.memory_space<vmem>>, vector<16xf32>,
    } else {
    }
    %eq3A_1089 = arith.constant 15 : i32
    %eq3A_1090 = arith.cmpi eq, %and3A_1076, %eq3A_1089 : i32
    %jit3A_1091 = arith.constant 0.000000e+00 : f32
    %broadcast_in_dim3A_1092 = vector.broadcast %jit3A_1091 : f32 to vector<16xf32>
    %select_n3A_1093 = arith.select %eq3A_1090, %broadcast_in_dim3A_1092, %add3A_1082 : vector<16xf32>
    %shift_right_arithmetic3A_1094 = arith.constant 504 : i32
    %shift_right_arithmetic3A_1095 = arith.constant 7 : i32
    %shift_right_arithmetic3A_1096 = arith.shrsi %shift_right_arithmetic3A_1094, %shift_right_arithmetic3A_1095 : i32
    %shift_right_arithmetic3A_1097 = arith.constant 504 : i32
    %shift_right_arithmetic3A_1098 = arith.constant 4 : i32
    %shift_right_arithmetic3A_1099 = arith.shrsi %shift_right_arithmetic3A_1097, %shift_right_arithmetic3A_1098 : i32
    %and3A_1100 = arith.constant 7 : i32
    %and3A_1101 = arith.andi %shift_right_arithmetic3A_1099, %and3A_1100 : i32
    %mul3A_1102 = arith.constant 16 : i32
    %mul3A_1103 = arith.muli %and3A_1101, %mul3A_1102 : i32
    %get3A_1104 = arith.index_cast %shift_right_arithmetic3A_1096 : i32 to index
    %get3A_1105 = arith.index_cast %mul3A_1103 : i32 to index
    %get3A_1106 = tpu.vector_load %arg10[%get3A_1104, %get3A_1105] {strides = array<i32>} : memref<4x128xi32, #tpu.memory_space<vmem>>, vector<16xi32>,
    %and3A_1107 = arith.constant 504 : i32
    %and3A_1108 = arith.constant 15 : i32
    %and3A_1109 = arith.andi %and3A_1107, %and3A_1108 : i32
    %broadcast_in_dim3A_1110 = vector.broadcast %and3A_1109 : i32 to vector<16xi32>
    %broadcast_in_dim3A_1111 = vector.shape_cast %broadcast_in_dim3A_1110 : vector<16xi32> to vector<16x1xi32>
    %gather3A_1112 = vector.shape_cast %broadcast_in_dim3A_1111 : vector<16x1xi32> to vector<16xi32>
    %gather3A_1113 = tpu.dynamic_gather %get3A_1106[%gather3A_1112] in [0] : vector<16xi32>, vector<16xi32> -> vector<16xi32>
    %slice3A_1114 = vector.extract_strided_slice %gather3A_1113 {offsets = [0], sizes = [1], strides = [1]} : vector<16xi32> to vector<1xi32>
    %squeeze3A_1115 = vector.extract %slice3A_1114[0] : i32 from vector<1xi32>
    %shift_right_arithmetic3A_1116 = arith.constant 504 : i32
    %shift_right_arithmetic3A_1117 = arith.constant 7 : i32
    %shift_right_arithmetic3A_1118 = arith.shrsi %shift_right_arithmetic3A_1116, %shift_right_arithmetic3A_1117 : i32
    %shift_right_arithmetic3A_1119 = arith.constant 504 : i32
    %shift_right_arithmetic3A_1120 = arith.constant 4 : i32
    %shift_right_arithmetic3A_1121 = arith.shrsi %shift_right_arithmetic3A_1119, %shift_right_arithmetic3A_1120 : i32
    %and3A_1122 = arith.constant 7 : i32
    %and3A_1123 = arith.andi %shift_right_arithmetic3A_1121, %and3A_1122 : i32
    %mul3A_1124 = arith.constant 16 : i32
    %mul3A_1125 = arith.muli %and3A_1123, %mul3A_1124 : i32
    %get3A_1126 = arith.index_cast %shift_right_arithmetic3A_1118 : i32 to index
    %get3A_1127 = arith.index_cast %mul3A_1125 : i32 to index
    %get3A_1128 = tpu.vector_load %arg11[%get3A_1126, %get3A_1127] {strides = array<i32>} : memref<4x128xi32, #tpu.memory_space<vmem>>, vector<16xi32>,
    %and3A_1129 = arith.constant 504 : i32
    %and3A_1130 = arith.constant 15 : i32
    %and3A_1131 = arith.andi %and3A_1129, %and3A_1130 : i32
    %broadcast_in_dim3A_1132 = vector.broadcast %and3A_1131 : i32 to vector<16xi32>
    %broadcast_in_dim3A_1133 = vector.shape_cast %broadcast_in_dim3A_1132 : vector<16xi32> to vector<16x1xi32>
    %gather3A_1134 = vector.shape_cast %broadcast_in_dim3A_1133 : vector<16x1xi32> to vector<16xi32>
    %gather3A_1135 = tpu.dynamic_gather %get3A_1128[%gather3A_1134] in [0] : vector<16xi32>, vector<16xi32> -> vector<16xi32>
    %slice3A_1136 = vector.extract_strided_slice %gather3A_1135 {offsets = [0], sizes = [1], strides = [1]} : vector<16xi32> to vector<1xi32>
    %squeeze3A_1137 = vector.extract %slice3A_1136[0] : i32 from vector<1xi32>
    %shift_right_arithmetic3A_1138 = arith.constant 7 : i32
    %shift_right_arithmetic3A_1139 = arith.shrsi %squeeze3A_1115, %shift_right_arithmetic3A_1138 : i32
    %ne3A_1140 = arith.cmpi ne, %shift_right_arithmetic3A_1139, %shift_right_arithmetic3A_994 : i32
    %convert_element_type3A_1141 = arith.extui %ne3A_1140 : i1 to i32
    %cond3A_1142 = arith.constant 0 : i32
    %cond3A_1143 = arith.cmpi ne, %convert_element_type3A_1141, %cond3A_1142 : i32
    scf.if %cond3A_1143 {
      %dma_wait3A_2389 = arith.constant 0 : i32
      %dma_wait3A_2390 = arith.constant 0 : i32
      %dma_wait3A_2391 = arith.constant 0 : i32
      %dma_wait3A_2392 = tpu.memref_slice %arg13[%dma_wait3A_2389, %dma_wait3A_2390, %dma_wait3A_2391] : memref<12x32x128xf32, #tpu.memory_space<vmem>> -> memref<1x32x128xf32, #tpu.memory_space<vmem>>
      %dma_wait3A_2393 = tpu.memref_squeeze %dma_wait3A_2392 : memref<1x32x128xf32, #tpu.memory_space<vmem>> -> memref<32x128xf32, #tpu.memory_space<vmem>>
      %dma_wait3A_2394 = arith.constant 0 : i32
      %dma_wait3A_2395 = arith.constant 0 : i32
      %dma_wait3A_2396 = tpu.memref_slice %arg5[%dma_wait3A_2394, %dma_wait3A_2395] : memref<32x1000000xf32, #tpu.memory_space<hbm>> -> memref<32x128xf32, #tpu.memory_space<hbm>>
      %dma_wait3A_2397 = arith.constant 0 : i32
      %dma_wait3A_2398 = arith.constant 0 : i32
      %dma_wait3A_2399 = tpu.memref_slice %arg13[%dma_wait3A_2389, %dma_wait3A_2397, %dma_wait3A_2398] : memref<12x32x128xf32, #tpu.memory_space<vmem>> -> memref<1x32x128xf32, #tpu.memory_space<vmem>>
      %dma_wait3A_2400 = tpu.memref_squeeze %dma_wait3A_2399 : memref<1x32x128xf32, #tpu.memory_space<vmem>> -> memref<32x128xf32, #tpu.memory_space<vmem>>
      %dma_wait3A_2401 = arith.constant 0 : i32
      %dma_wait3A_2402 = arith.constant 0 : i32
      %dma_wait3A_2403 = tpu.memref_slice %arg5[%dma_wait3A_2401, %dma_wait3A_2402] : memref<32x1000000xf32, #tpu.memory_space<hbm>> -> memref<32x128xf32, #tpu.memory_space<hbm>>
      tpu.wait_dma2 semaphore(%arg18 : memref<!tpu.dma_semaphore, #tpu.memory_space<semaphore_mem>>) src(%dma_wait3A_2403 : memref<32x128xf32, #tpu.memory_space<hbm>>) dst(%dma_wait3A_2400 : memref<32x128xf32, #tpu.memory_space<vmem>>)
    } else {
    }
    %jit3A_1144 = arith.constant 1 : i32
    %jit3A_1145 = arith.constant 0 : i32
    %select_n3A_1146 = arith.select %ne3A_1140, %jit3A_1144, %jit3A_1145 : i32
    %add3A_1147 = arith.addi %add3A_1002, %select_n3A_1146 : i32
    %sub3A_1148 = arith.constant 1 : i32
    %sub3A_1149 = arith.subi %add3A_1147, %sub3A_1148 : i32
    %rem3A_1150 = arith.constant 12 : i32
    %rem3A_1151 = arith.remsi %sub3A_1149, %rem3A_1150 : i32
    %rem3A_1152 = arith.constant 504 : i32
    %rem3A_1153 = arith.constant 12 : i32
    %rem3A_1154 = arith.remsi %rem3A_1152, %rem3A_1153 : i32
    %dma_wait3A_1155 = arith.constant 0 : i32
    %dma_wait3A_1156 = arith.constant 0 : i32
    %dma_wait3A_1157 = arith.constant 0 : i32
    %dma_wait3A_1158 = tpu.memref_slice %arg14[%dma_wait3A_1155, %dma_wait3A_1156, %dma_wait3A_1157] : memref<12x32x128xf32, #tpu.memory_space<vmem>> -> memref<1x32x128xf32, #tpu.memory_space<vmem>>
    %dma_wait3A_1159 = tpu.memref_squeeze %dma_wait3A_1158 : memref<1x32x128xf32, #tpu.memory_space<vmem>> -> memref<32x128xf32, #tpu.memory_space<vmem>>
    %dma_wait3A_1160 = arith.constant 0 : i32
    %dma_wait3A_1161 = arith.constant 0 : i32
    %dma_wait3A_1162 = tpu.memref_slice %arg6[%dma_wait3A_1160, %dma_wait3A_1161] : memref<32x1000000xf32, #tpu.memory_space<hbm>> -> memref<32x128xf32, #tpu.memory_space<hbm>>
    %dma_wait3A_1163 = arith.constant 0 : i32
    %dma_wait3A_1164 = arith.constant 0 : i32
    %dma_wait3A_1165 = tpu.memref_slice %arg14[%dma_wait3A_1155, %dma_wait3A_1163, %dma_wait3A_1164] : memref<12x32x128xf32, #tpu.memory_space<vmem>> -> memref<1x32x128xf32, #tpu.memory_space<vmem>>
    %dma_wait3A_1166 = tpu.memref_squeeze %dma_wait3A_1165 : memref<1x32x128xf32, #tpu.memory_space<vmem>> -> memref<32x128xf32, #tpu.memory_space<vmem>>
    %dma_wait3A_1167 = arith.constant 0 : i32
    %dma_wait3A_1168 = arith.constant 0 : i32
    %dma_wait3A_1169 = tpu.memref_slice %arg6[%dma_wait3A_1167, %dma_wait3A_1168] : memref<32x1000000xf32, #tpu.memory_space<hbm>> -> memref<32x128xf32, #tpu.memory_space<hbm>>
    tpu.wait_dma2 semaphore(%arg19 : memref<!tpu.dma_semaphore, #tpu.memory_space<semaphore_mem>>) src(%dma_wait3A_1169 : memref<32x128xf32, #tpu.memory_space<hbm>>) dst(%dma_wait3A_1166 : memref<32x128xf32, #tpu.memory_space<vmem>>)
    %and3A_1170 = arith.constant 127 : i32
    %and3A_1171 = arith.andi %squeeze3A_1115, %and3A_1170 : i32
    %broadcast_in_dim3A_1172 = vector.broadcast %and3A_1171 : i32 to vector<16xi32>
    %and3A_1173 = arith.constant 127 : i32
    %and3A_1174 = arith.andi %squeeze3A_1137, %and3A_1173 : i32
    %broadcast_in_dim3A_1175 = vector.broadcast %and3A_1174 : i32 to vector<16xi32>
    %broadcast_in_dim3A_1176 = vector.broadcast %rem3A_1151 : i32 to vector<16xi32>
    %broadcast_in_dim3A_1177 = vector.broadcast %rem3A_1154 : i32 to vector<16xi32>
    %gather3A_1178 = tpu.vector_load_idx %arg13[%broadcast_in_dim3A_1176, %iota3A, %broadcast_in_dim3A_1172] : memref<12x32x128xf32, #tpu.memory_space<vmem>>[vector<16xi32>, vector<16xi32>, vector<16xi32>], vector<16xf32>,
    %add3A_1179 = arith.constant 16 : i32
    %add3A_1180 = vector.broadcast %add3A_1179 : i32 to vector<16xi32>
    %add3A_1181 = arith.addi %iota3A, %add3A_1180 : vector<16xi32>
    %gather3A_1182 = tpu.vector_load_idx %arg13[%broadcast_in_dim3A_1176, %add3A_1181, %broadcast_in_dim3A_1172] : memref<12x32x128xf32, #tpu.memory_space<vmem>>[vector<16xi32>, vector<16xi32>, vector<16xi32>], vector<16xf32>,
    %gather3A_1183 = tpu.vector_load_idx %arg14[%broadcast_in_dim3A_1177, %iota3A, %broadcast_in_dim3A_1175] : memref<12x32x128xf32, #tpu.memory_space<vmem>>[vector<16xi32>, vector<16xi32>, vector<16xi32>], vector<16xf32>,
    %add3A_1184 = arith.constant 16 : i32
    %add3A_1185 = vector.broadcast %add3A_1184 : i32 to vector<16xi32>
    %add3A_1186 = arith.addi %iota3A, %add3A_1185 : vector<16xi32>
    %gather3A_1187 = tpu.vector_load_idx %arg14[%broadcast_in_dim3A_1177, %add3A_1186, %broadcast_in_dim3A_1175] : memref<12x32x128xf32, #tpu.memory_space<vmem>>[vector<16xi32>, vector<16xi32>, vector<16xi32>], vector<16xf32>,
    %mul3A_1188 = arith.mulf %gather3A_1178, %gather3A_1183 : vector<16xf32>
    %mul3A_1189 = arith.mulf %gather3A_1182, %gather3A_1187 : vector<16xf32>
    %add3A_1190 = arith.addf %mul3A_1188, %mul3A_1189 : vector<16xf32>
    %xor3A_1191 = arith.constant 8 : i32
    %xor3A_1192 = vector.broadcast %xor3A_1191 : i32 to vector<16xi32>
    %xor3A_1193 = arith.xori %iota3A, %xor3A_1192 : vector<16xi32>
    %broadcast_in_dim3A_1194 = vector.shape_cast %xor3A_1193 : vector<16xi32> to vector<16x1xi32>
    %gather3A_1195 = vector.shape_cast %broadcast_in_dim3A_1194 : vector<16x1xi32> to vector<16xi32>
    %gather3A_1196 = tpu.dynamic_gather %add3A_1190[%gather3A_1195] in [0] : vector<16xf32>, vector<16xi32> -> vector<16xf32>
    %add3A_1197 = arith.addf %add3A_1190, %gather3A_1196 : vector<16xf32>
    %xor3A_1198 = arith.constant 4 : i32
    %xor3A_1199 = vector.broadcast %xor3A_1198 : i32 to vector<16xi32>
    %xor3A_1200 = arith.xori %iota3A, %xor3A_1199 : vector<16xi32>
    %broadcast_in_dim3A_1201 = vector.shape_cast %xor3A_1200 : vector<16xi32> to vector<16x1xi32>
    %gather3A_1202 = vector.shape_cast %broadcast_in_dim3A_1201 : vector<16x1xi32> to vector<16xi32>
    %gather3A_1203 = tpu.dynamic_gather %add3A_1197[%gather3A_1202] in [0] : vector<16xf32>, vector<16xi32> -> vector<16xf32>
    %add3A_1204 = arith.addf %add3A_1197, %gather3A_1203 : vector<16xf32>
    %xor3A_1205 = arith.constant 2 : i32
    %xor3A_1206 = vector.broadcast %xor3A_1205 : i32 to vector<16xi32>
    %xor3A_1207 = arith.xori %iota3A, %xor3A_1206 : vector<16xi32>
    %broadcast_in_dim3A_1208 = vector.shape_cast %xor3A_1207 : vector<16xi32> to vector<16x1xi32>
    %gather3A_1209 = vector.shape_cast %broadcast_in_dim3A_1208 : vector<16x1xi32> to vector<16xi32>
    %gather3A_1210 = tpu.dynamic_gather %add3A_1204[%gather3A_1209] in [0] : vector<16xf32>, vector<16xi32> -> vector<16xf32>
    %add3A_1211 = arith.addf %add3A_1204, %gather3A_1210 : vector<16xf32>
    %xor3A_1212 = arith.constant 1 : i32
    %xor3A_1213 = vector.broadcast %xor3A_1212 : i32 to vector<16xi32>
    %xor3A_1214 = arith.xori %iota3A, %xor3A_1213 : vector<16xi32>
    %broadcast_in_dim3A_1215 = vector.shape_cast %xor3A_1214 : vector<16xi32> to vector<16x1xi32>
    %gather3A_1216 = vector.shape_cast %broadcast_in_dim3A_1215 : vector<16x1xi32> to vector<16xi32>
    %gather3A_1217 = tpu.dynamic_gather %add3A_1211[%gather3A_1216] in [0] : vector<16xf32>, vector<16xi32> -> vector<16xf32>
    %add3A_1218 = arith.addf %add3A_1211, %gather3A_1217 : vector<16xf32>
    %and3A_1219 = arith.constant 504 : i32
    %and3A_1220 = arith.constant 15 : i32
    %and3A_1221 = arith.andi %and3A_1219, %and3A_1220 : i32
    %eq3A_1222 = vector.broadcast %and3A_1221 : i32 to vector<16xi32>
    %eq3A_1223 = arith.cmpi eq, %iota3A, %eq3A_1222 : vector<16xi32>
    %jit3A_1224 = arith.constant 0.000000e+00 : f32
    %broadcast_in_dim3A_1225 = vector.broadcast %jit3A_1224 : f32 to vector<16xf32>
    %select_n3A_1226 = arith.select %eq3A_1223, %add3A_1218, %broadcast_in_dim3A_1225 : vector<16xi1>, vector<16xf32>
    %add3A_1227 = arith.addf %select_n3A_1093, %select_n3A_1226 : vector<16xf32>
    %eq3A_1228 = arith.constant 15 : i32
    %eq3A_1229 = arith.cmpi eq, %and3A_1221, %eq3A_1228 : i32
    %convert_element_type3A_1230 = arith.extui %eq3A_1229 : i1 to i32
    %cond3A_1231 = arith.constant 504 : i32
    %cond3A_1232 = arith.constant 0 : i32
    %cond3A_1233 = arith.cmpi ne, %convert_element_type3A_1230, %cond3A_1232 : i32
    scf.if %cond3A_1233 {
      %shift_right_arithmetic3A_2389 = arith.constant 4 : i32
      %shift_right_arithmetic3A_2390 = arith.shrsi %cond3A_1231, %shift_right_arithmetic3A_2389 : i32
      %mul3A_2391 = arith.constant 16 : i32
      %mul3A_2392 = arith.muli %shift_right_arithmetic3A_2390, %mul3A_2391 : i32
      %swap3A = arith.index_cast %mul3A_2392 : i32 to index
      %swap3A_2393 = tpu.vector_load %arg17[%swap3A] {strides = array<i32>} : memref<512xf32, #tpu.memory_space<vmem>>, vector<16xf32>,
      tpu.vector_store %arg17[%swap3A], %add3A_1227 {strides = array<i32>} : memref<512xf32, #tpu.memory_space<vmem>>, vector<16xf32>,
    } else {
    }
    %eq3A_1234 = arith.constant 15 : i32
    %eq3A_1235 = arith.cmpi eq, %and3A_1221, %eq3A_1234 : i32
    %jit3A_1236 = arith.constant 0.000000e+00 : f32
    %broadcast_in_dim3A_1237 = vector.broadcast %jit3A_1236 : f32 to vector<16xf32>
    %select_n3A_1238 = arith.select %eq3A_1235, %broadcast_in_dim3A_1237, %add3A_1227 : vector<16xf32>
    %shift_right_arithmetic3A_1239 = arith.constant 505 : i32
    %shift_right_arithmetic3A_1240 = arith.constant 7 : i32
    %shift_right_arithmetic3A_1241 = arith.shrsi %shift_right_arithmetic3A_1239, %shift_right_arithmetic3A_1240 : i32
    %shift_right_arithmetic3A_1242 = arith.constant 505 : i32
    %shift_right_arithmetic3A_1243 = arith.constant 4 : i32
    %shift_right_arithmetic3A_1244 = arith.shrsi %shift_right_arithmetic3A_1242, %shift_right_arithmetic3A_1243 : i32
    %and3A_1245 = arith.constant 7 : i32
    %and3A_1246 = arith.andi %shift_right_arithmetic3A_1244, %and3A_1245 : i32
    %mul3A_1247 = arith.constant 16 : i32
    %mul3A_1248 = arith.muli %and3A_1246, %mul3A_1247 : i32
    %get3A_1249 = arith.index_cast %shift_right_arithmetic3A_1241 : i32 to index
    %get3A_1250 = arith.index_cast %mul3A_1248 : i32 to index
    %get3A_1251 = tpu.vector_load %arg10[%get3A_1249, %get3A_1250] {strides = array<i32>} : memref<4x128xi32, #tpu.memory_space<vmem>>, vector<16xi32>,
    %and3A_1252 = arith.constant 505 : i32
    %and3A_1253 = arith.constant 15 : i32
    %and3A_1254 = arith.andi %and3A_1252, %and3A_1253 : i32
    %broadcast_in_dim3A_1255 = vector.broadcast %and3A_1254 : i32 to vector<16xi32>
    %broadcast_in_dim3A_1256 = vector.shape_cast %broadcast_in_dim3A_1255 : vector<16xi32> to vector<16x1xi32>
    %gather3A_1257 = vector.shape_cast %broadcast_in_dim3A_1256 : vector<16x1xi32> to vector<16xi32>
    %gather3A_1258 = tpu.dynamic_gather %get3A_1251[%gather3A_1257] in [0] : vector<16xi32>, vector<16xi32> -> vector<16xi32>
    %slice3A_1259 = vector.extract_strided_slice %gather3A_1258 {offsets = [0], sizes = [1], strides = [1]} : vector<16xi32> to vector<1xi32>
    %squeeze3A_1260 = vector.extract %slice3A_1259[0] : i32 from vector<1xi32>
    %shift_right_arithmetic3A_1261 = arith.constant 505 : i32
    %shift_right_arithmetic3A_1262 = arith.constant 7 : i32
    %shift_right_arithmetic3A_1263 = arith.shrsi %shift_right_arithmetic3A_1261, %shift_right_arithmetic3A_1262 : i32
    %shift_right_arithmetic3A_1264 = arith.constant 505 : i32
    %shift_right_arithmetic3A_1265 = arith.constant 4 : i32
    %shift_right_arithmetic3A_1266 = arith.shrsi %shift_right_arithmetic3A_1264, %shift_right_arithmetic3A_1265 : i32
    %and3A_1267 = arith.constant 7 : i32
    %and3A_1268 = arith.andi %shift_right_arithmetic3A_1266, %and3A_1267 : i32
    %mul3A_1269 = arith.constant 16 : i32
    %mul3A_1270 = arith.muli %and3A_1268, %mul3A_1269 : i32
    %get3A_1271 = arith.index_cast %shift_right_arithmetic3A_1263 : i32 to index
    %get3A_1272 = arith.index_cast %mul3A_1270 : i32 to index
    %get3A_1273 = tpu.vector_load %arg11[%get3A_1271, %get3A_1272] {strides = array<i32>} : memref<4x128xi32, #tpu.memory_space<vmem>>, vector<16xi32>,
    %and3A_1274 = arith.constant 505 : i32
    %and3A_1275 = arith.constant 15 : i32
    %and3A_1276 = arith.andi %and3A_1274, %and3A_1275 : i32
    %broadcast_in_dim3A_1277 = vector.broadcast %and3A_1276 : i32 to vector<16xi32>
    %broadcast_in_dim3A_1278 = vector.shape_cast %broadcast_in_dim3A_1277 : vector<16xi32> to vector<16x1xi32>
    %gather3A_1279 = vector.shape_cast %broadcast_in_dim3A_1278 : vector<16x1xi32> to vector<16xi32>
    %gather3A_1280 = tpu.dynamic_gather %get3A_1273[%gather3A_1279] in [0] : vector<16xi32>, vector<16xi32> -> vector<16xi32>
    %slice3A_1281 = vector.extract_strided_slice %gather3A_1280 {offsets = [0], sizes = [1], strides = [1]} : vector<16xi32> to vector<1xi32>
    %squeeze3A_1282 = vector.extract %slice3A_1281[0] : i32 from vector<1xi32>
    %shift_right_arithmetic3A_1283 = arith.constant 7 : i32
    %shift_right_arithmetic3A_1284 = arith.shrsi %squeeze3A_1260, %shift_right_arithmetic3A_1283 : i32
    %ne3A_1285 = arith.cmpi ne, %shift_right_arithmetic3A_1284, %shift_right_arithmetic3A_1139 : i32
    %convert_element_type3A_1286 = arith.extui %ne3A_1285 : i1 to i32
    %cond3A_1287 = arith.constant 0 : i32
    %cond3A_1288 = arith.cmpi ne, %convert_element_type3A_1286, %cond3A_1287 : i32
    scf.if %cond3A_1288 {
      %dma_wait3A_2389 = arith.constant 0 : i32
      %dma_wait3A_2390 = arith.constant 0 : i32
      %dma_wait3A_2391 = arith.constant 0 : i32
      %dma_wait3A_2392 = tpu.memref_slice %arg13[%dma_wait3A_2389, %dma_wait3A_2390, %dma_wait3A_2391] : memref<12x32x128xf32, #tpu.memory_space<vmem>> -> memref<1x32x128xf32, #tpu.memory_space<vmem>>
      %dma_wait3A_2393 = tpu.memref_squeeze %dma_wait3A_2392 : memref<1x32x128xf32, #tpu.memory_space<vmem>> -> memref<32x128xf32, #tpu.memory_space<vmem>>
      %dma_wait3A_2394 = arith.constant 0 : i32
      %dma_wait3A_2395 = arith.constant 0 : i32
      %dma_wait3A_2396 = tpu.memref_slice %arg5[%dma_wait3A_2394, %dma_wait3A_2395] : memref<32x1000000xf32, #tpu.memory_space<hbm>> -> memref<32x128xf32, #tpu.memory_space<hbm>>
      %dma_wait3A_2397 = arith.constant 0 : i32
      %dma_wait3A_2398 = arith.constant 0 : i32
      %dma_wait3A_2399 = tpu.memref_slice %arg13[%dma_wait3A_2389, %dma_wait3A_2397, %dma_wait3A_2398] : memref<12x32x128xf32, #tpu.memory_space<vmem>> -> memref<1x32x128xf32, #tpu.memory_space<vmem>>
      %dma_wait3A_2400 = tpu.memref_squeeze %dma_wait3A_2399 : memref<1x32x128xf32, #tpu.memory_space<vmem>> -> memref<32x128xf32, #tpu.memory_space<vmem>>
      %dma_wait3A_2401 = arith.constant 0 : i32
      %dma_wait3A_2402 = arith.constant 0 : i32
      %dma_wait3A_2403 = tpu.memref_slice %arg5[%dma_wait3A_2401, %dma_wait3A_2402] : memref<32x1000000xf32, #tpu.memory_space<hbm>> -> memref<32x128xf32, #tpu.memory_space<hbm>>
      tpu.wait_dma2 semaphore(%arg18 : memref<!tpu.dma_semaphore, #tpu.memory_space<semaphore_mem>>) src(%dma_wait3A_2403 : memref<32x128xf32, #tpu.memory_space<hbm>>) dst(%dma_wait3A_2400 : memref<32x128xf32, #tpu.memory_space<vmem>>)
    } else {
    }
    %jit3A_1289 = arith.constant 1 : i32
    %jit3A_1290 = arith.constant 0 : i32
    %select_n3A_1291 = arith.select %ne3A_1285, %jit3A_1289, %jit3A_1290 : i32
    %add3A_1292 = arith.addi %add3A_1147, %select_n3A_1291 : i32
    %sub3A_1293 = arith.constant 1 : i32
    %sub3A_1294 = arith.subi %add3A_1292, %sub3A_1293 : i32
    %rem3A_1295 = arith.constant 12 : i32
    %rem3A_1296 = arith.remsi %sub3A_1294, %rem3A_1295 : i32
    %rem3A_1297 = arith.constant 505 : i32
    %rem3A_1298 = arith.constant 12 : i32
    %rem3A_1299 = arith.remsi %rem3A_1297, %rem3A_1298 : i32
    %dma_wait3A_1300 = arith.constant 0 : i32
    %dma_wait3A_1301 = arith.constant 0 : i32
    %dma_wait3A_1302 = arith.constant 0 : i32
    %dma_wait3A_1303 = tpu.memref_slice %arg14[%dma_wait3A_1300, %dma_wait3A_1301, %dma_wait3A_1302] : memref<12x32x128xf32, #tpu.memory_space<vmem>> -> memref<1x32x128xf32, #tpu.memory_space<vmem>>
    %dma_wait3A_1304 = tpu.memref_squeeze %dma_wait3A_1303 : memref<1x32x128xf32, #tpu.memory_space<vmem>> -> memref<32x128xf32, #tpu.memory_space<vmem>>
    %dma_wait3A_1305 = arith.constant 0 : i32
    %dma_wait3A_1306 = arith.constant 0 : i32
    %dma_wait3A_1307 = tpu.memref_slice %arg6[%dma_wait3A_1305, %dma_wait3A_1306] : memref<32x1000000xf32, #tpu.memory_space<hbm>> -> memref<32x128xf32, #tpu.memory_space<hbm>>
    %dma_wait3A_1308 = arith.constant 0 : i32
    %dma_wait3A_1309 = arith.constant 0 : i32
    %dma_wait3A_1310 = tpu.memref_slice %arg14[%dma_wait3A_1300, %dma_wait3A_1308, %dma_wait3A_1309] : memref<12x32x128xf32, #tpu.memory_space<vmem>> -> memref<1x32x128xf32, #tpu.memory_space<vmem>>
    %dma_wait3A_1311 = tpu.memref_squeeze %dma_wait3A_1310 : memref<1x32x128xf32, #tpu.memory_space<vmem>> -> memref<32x128xf32, #tpu.memory_space<vmem>>
    %dma_wait3A_1312 = arith.constant 0 : i32
    %dma_wait3A_1313 = arith.constant 0 : i32
    %dma_wait3A_1314 = tpu.memref_slice %arg6[%dma_wait3A_1312, %dma_wait3A_1313] : memref<32x1000000xf32, #tpu.memory_space<hbm>> -> memref<32x128xf32, #tpu.memory_space<hbm>>
    tpu.wait_dma2 semaphore(%arg19 : memref<!tpu.dma_semaphore, #tpu.memory_space<semaphore_mem>>) src(%dma_wait3A_1314 : memref<32x128xf32, #tpu.memory_space<hbm>>) dst(%dma_wait3A_1311 : memref<32x128xf32, #tpu.memory_space<vmem>>)
    %and3A_1315 = arith.constant 127 : i32
    %and3A_1316 = arith.andi %squeeze3A_1260, %and3A_1315 : i32
    %broadcast_in_dim3A_1317 = vector.broadcast %and3A_1316 : i32 to vector<16xi32>
    %and3A_1318 = arith.constant 127 : i32
    %and3A_1319 = arith.andi %squeeze3A_1282, %and3A_1318 : i32
    %broadcast_in_dim3A_1320 = vector.broadcast %and3A_1319 : i32 to vector<16xi32>
    %broadcast_in_dim3A_1321 = vector.broadcast %rem3A_1296 : i32 to vector<16xi32>
    %broadcast_in_dim3A_1322 = vector.broadcast %rem3A_1299 : i32 to vector<16xi32>
    %gather3A_1323 = tpu.vector_load_idx %arg13[%broadcast_in_dim3A_1321, %iota3A, %broadcast_in_dim3A_1317] : memref<12x32x128xf32, #tpu.memory_space<vmem>>[vector<16xi32>, vector<16xi32>, vector<16xi32>], vector<16xf32>,
    %add3A_1324 = arith.constant 16 : i32
    %add3A_1325 = vector.broadcast %add3A_1324 : i32 to vector<16xi32>
    %add3A_1326 = arith.addi %iota3A, %add3A_1325 : vector<16xi32>
    %gather3A_1327 = tpu.vector_load_idx %arg13[%broadcast_in_dim3A_1321, %add3A_1326, %broadcast_in_dim3A_1317] : memref<12x32x128xf32, #tpu.memory_space<vmem>>[vector<16xi32>, vector<16xi32>, vector<16xi32>], vector<16xf32>,
    %gather3A_1328 = tpu.vector_load_idx %arg14[%broadcast_in_dim3A_1322, %iota3A, %broadcast_in_dim3A_1320] : memref<12x32x128xf32, #tpu.memory_space<vmem>>[vector<16xi32>, vector<16xi32>, vector<16xi32>], vector<16xf32>,
    %add3A_1329 = arith.constant 16 : i32
    %add3A_1330 = vector.broadcast %add3A_1329 : i32 to vector<16xi32>
    %add3A_1331 = arith.addi %iota3A, %add3A_1330 : vector<16xi32>
    %gather3A_1332 = tpu.vector_load_idx %arg14[%broadcast_in_dim3A_1322, %add3A_1331, %broadcast_in_dim3A_1320] : memref<12x32x128xf32, #tpu.memory_space<vmem>>[vector<16xi32>, vector<16xi32>, vector<16xi32>], vector<16xf32>,
    %mul3A_1333 = arith.mulf %gather3A_1323, %gather3A_1328 : vector<16xf32>
    %mul3A_1334 = arith.mulf %gather3A_1327, %gather3A_1332 : vector<16xf32>
    %add3A_1335 = arith.addf %mul3A_1333, %mul3A_1334 : vector<16xf32>
    %xor3A_1336 = arith.constant 8 : i32
    %xor3A_1337 = vector.broadcast %xor3A_1336 : i32 to vector<16xi32>
    %xor3A_1338 = arith.xori %iota3A, %xor3A_1337 : vector<16xi32>
    %broadcast_in_dim3A_1339 = vector.shape_cast %xor3A_1338 : vector<16xi32> to vector<16x1xi32>
    %gather3A_1340 = vector.shape_cast %broadcast_in_dim3A_1339 : vector<16x1xi32> to vector<16xi32>
    %gather3A_1341 = tpu.dynamic_gather %add3A_1335[%gather3A_1340] in [0] : vector<16xf32>, vector<16xi32> -> vector<16xf32>
    %add3A_1342 = arith.addf %add3A_1335, %gather3A_1341 : vector<16xf32>
    %xor3A_1343 = arith.constant 4 : i32
    %xor3A_1344 = vector.broadcast %xor3A_1343 : i32 to vector<16xi32>
    %xor3A_1345 = arith.xori %iota3A, %xor3A_1344 : vector<16xi32>
    %broadcast_in_dim3A_1346 = vector.shape_cast %xor3A_1345 : vector<16xi32> to vector<16x1xi32>
    %gather3A_1347 = vector.shape_cast %broadcast_in_dim3A_1346 : vector<16x1xi32> to vector<16xi32>
    %gather3A_1348 = tpu.dynamic_gather %add3A_1342[%gather3A_1347] in [0] : vector<16xf32>, vector<16xi32> -> vector<16xf32>
    %add3A_1349 = arith.addf %add3A_1342, %gather3A_1348 : vector<16xf32>
    %xor3A_1350 = arith.constant 2 : i32
    %xor3A_1351 = vector.broadcast %xor3A_1350 : i32 to vector<16xi32>
    %xor3A_1352 = arith.xori %iota3A, %xor3A_1351 : vector<16xi32>
    %broadcast_in_dim3A_1353 = vector.shape_cast %xor3A_1352 : vector<16xi32> to vector<16x1xi32>
    %gather3A_1354 = vector.shape_cast %broadcast_in_dim3A_1353 : vector<16x1xi32> to vector<16xi32>
    %gather3A_1355 = tpu.dynamic_gather %add3A_1349[%gather3A_1354] in [0] : vector<16xf32>, vector<16xi32> -> vector<16xf32>
    %add3A_1356 = arith.addf %add3A_1349, %gather3A_1355 : vector<16xf32>
    %xor3A_1357 = arith.constant 1 : i32
    %xor3A_1358 = vector.broadcast %xor3A_1357 : i32 to vector<16xi32>
    %xor3A_1359 = arith.xori %iota3A, %xor3A_1358 : vector<16xi32>
    %broadcast_in_dim3A_1360 = vector.shape_cast %xor3A_1359 : vector<16xi32> to vector<16x1xi32>
    %gather3A_1361 = vector.shape_cast %broadcast_in_dim3A_1360 : vector<16x1xi32> to vector<16xi32>
    %gather3A_1362 = tpu.dynamic_gather %add3A_1356[%gather3A_1361] in [0] : vector<16xf32>, vector<16xi32> -> vector<16xf32>
    %add3A_1363 = arith.addf %add3A_1356, %gather3A_1362 : vector<16xf32>
    %and3A_1364 = arith.constant 505 : i32
    %and3A_1365 = arith.constant 15 : i32
    %and3A_1366 = arith.andi %and3A_1364, %and3A_1365 : i32
    %eq3A_1367 = vector.broadcast %and3A_1366 : i32 to vector<16xi32>
    %eq3A_1368 = arith.cmpi eq, %iota3A, %eq3A_1367 : vector<16xi32>
    %jit3A_1369 = arith.constant 0.000000e+00 : f32
    %broadcast_in_dim3A_1370 = vector.broadcast %jit3A_1369 : f32 to vector<16xf32>
    %select_n3A_1371 = arith.select %eq3A_1368, %add3A_1363, %broadcast_in_dim3A_1370 : vector<16xi1>, vector<16xf32>
    %add3A_1372 = arith.addf %select_n3A_1238, %select_n3A_1371 : vector<16xf32>
    %eq3A_1373 = arith.constant 15 : i32
    %eq3A_1374 = arith.cmpi eq, %and3A_1366, %eq3A_1373 : i32
    %convert_element_type3A_1375 = arith.extui %eq3A_1374 : i1 to i32
    %cond3A_1376 = arith.constant 505 : i32
    %cond3A_1377 = arith.constant 0 : i32
    %cond3A_1378 = arith.cmpi ne, %convert_element_type3A_1375, %cond3A_1377 : i32
    scf.if %cond3A_1378 {
      %shift_right_arithmetic3A_2389 = arith.constant 4 : i32
      %shift_right_arithmetic3A_2390 = arith.shrsi %cond3A_1376, %shift_right_arithmetic3A_2389 : i32
      %mul3A_2391 = arith.constant 16 : i32
      %mul3A_2392 = arith.muli %shift_right_arithmetic3A_2390, %mul3A_2391 : i32
      %swap3A = arith.index_cast %mul3A_2392 : i32 to index
      %swap3A_2393 = tpu.vector_load %arg17[%swap3A] {strides = array<i32>} : memref<512xf32, #tpu.memory_space<vmem>>, vector<16xf32>,
      tpu.vector_store %arg17[%swap3A], %add3A_1372 {strides = array<i32>} : memref<512xf32, #tpu.memory_space<vmem>>, vector<16xf32>,
    } else {
    }
    %eq3A_1379 = arith.constant 15 : i32
    %eq3A_1380 = arith.cmpi eq, %and3A_1366, %eq3A_1379 : i32
    %jit3A_1381 = arith.constant 0.000000e+00 : f32
    %broadcast_in_dim3A_1382 = vector.broadcast %jit3A_1381 : f32 to vector<16xf32>
    %select_n3A_1383 = arith.select %eq3A_1380, %broadcast_in_dim3A_1382, %add3A_1372 : vector<16xf32>
    %shift_right_arithmetic3A_1384 = arith.constant 506 : i32
    %shift_right_arithmetic3A_1385 = arith.constant 7 : i32
    %shift_right_arithmetic3A_1386 = arith.shrsi %shift_right_arithmetic3A_1384, %shift_right_arithmetic3A_1385 : i32
    %shift_right_arithmetic3A_1387 = arith.constant 506 : i32
    %shift_right_arithmetic3A_1388 = arith.constant 4 : i32
    %shift_right_arithmetic3A_1389 = arith.shrsi %shift_right_arithmetic3A_1387, %shift_right_arithmetic3A_1388 : i32
    %and3A_1390 = arith.constant 7 : i32
    %and3A_1391 = arith.andi %shift_right_arithmetic3A_1389, %and3A_1390 : i32
    %mul3A_1392 = arith.constant 16 : i32
    %mul3A_1393 = arith.muli %and3A_1391, %mul3A_1392 : i32
    %get3A_1394 = arith.index_cast %shift_right_arithmetic3A_1386 : i32 to index
    %get3A_1395 = arith.index_cast %mul3A_1393 : i32 to index
    %get3A_1396 = tpu.vector_load %arg10[%get3A_1394, %get3A_1395] {strides = array<i32>} : memref<4x128xi32, #tpu.memory_space<vmem>>, vector<16xi32>,
    %and3A_1397 = arith.constant 506 : i32
    %and3A_1398 = arith.constant 15 : i32
    %and3A_1399 = arith.andi %and3A_1397, %and3A_1398 : i32
    %broadcast_in_dim3A_1400 = vector.broadcast %and3A_1399 : i32 to vector<16xi32>
    %broadcast_in_dim3A_1401 = vector.shape_cast %broadcast_in_dim3A_1400 : vector<16xi32> to vector<16x1xi32>
    %gather3A_1402 = vector.shape_cast %broadcast_in_dim3A_1401 : vector<16x1xi32> to vector<16xi32>
    %gather3A_1403 = tpu.dynamic_gather %get3A_1396[%gather3A_1402] in [0] : vector<16xi32>, vector<16xi32> -> vector<16xi32>
    %slice3A_1404 = vector.extract_strided_slice %gather3A_1403 {offsets = [0], sizes = [1], strides = [1]} : vector<16xi32> to vector<1xi32>
    %squeeze3A_1405 = vector.extract %slice3A_1404[0] : i32 from vector<1xi32>
    %shift_right_arithmetic3A_1406 = arith.constant 506 : i32
    %shift_right_arithmetic3A_1407 = arith.constant 7 : i32
    %shift_right_arithmetic3A_1408 = arith.shrsi %shift_right_arithmetic3A_1406, %shift_right_arithmetic3A_1407 : i32
    %shift_right_arithmetic3A_1409 = arith.constant 506 : i32
    %shift_right_arithmetic3A_1410 = arith.constant 4 : i32
    %shift_right_arithmetic3A_1411 = arith.shrsi %shift_right_arithmetic3A_1409, %shift_right_arithmetic3A_1410 : i32
    %and3A_1412 = arith.constant 7 : i32
    %and3A_1413 = arith.andi %shift_right_arithmetic3A_1411, %and3A_1412 : i32
    %mul3A_1414 = arith.constant 16 : i32
    %mul3A_1415 = arith.muli %and3A_1413, %mul3A_1414 : i32
    %get3A_1416 = arith.index_cast %shift_right_arithmetic3A_1408 : i32 to index
    %get3A_1417 = arith.index_cast %mul3A_1415 : i32 to index
    %get3A_1418 = tpu.vector_load %arg11[%get3A_1416, %get3A_1417] {strides = array<i32>} : memref<4x128xi32, #tpu.memory_space<vmem>>, vector<16xi32>,
    %and3A_1419 = arith.constant 506 : i32
    %and3A_1420 = arith.constant 15 : i32
    %and3A_1421 = arith.andi %and3A_1419, %and3A_1420 : i32
    %broadcast_in_dim3A_1422 = vector.broadcast %and3A_1421 : i32 to vector<16xi32>
    %broadcast_in_dim3A_1423 = vector.shape_cast %broadcast_in_dim3A_1422 : vector<16xi32> to vector<16x1xi32>
    %gather3A_1424 = vector.shape_cast %broadcast_in_dim3A_1423 : vector<16x1xi32> to vector<16xi32>
    %gather3A_1425 = tpu.dynamic_gather %get3A_1418[%gather3A_1424] in [0] : vector<16xi32>, vector<16xi32> -> vector<16xi32>
    %slice3A_1426 = vector.extract_strided_slice %gather3A_1425 {offsets = [0], sizes = [1], strides = [1]} : vector<16xi32> to vector<1xi32>
    %squeeze3A_1427 = vector.extract %slice3A_1426[0] : i32 from vector<1xi32>
    %shift_right_arithmetic3A_1428 = arith.constant 7 : i32
    %shift_right_arithmetic3A_1429 = arith.shrsi %squeeze3A_1405, %shift_right_arithmetic3A_1428 : i32
    %ne3A_1430 = arith.cmpi ne, %shift_right_arithmetic3A_1429, %shift_right_arithmetic3A_1284 : i32
    %convert_element_type3A_1431 = arith.extui %ne3A_1430 : i1 to i32
    %cond3A_1432 = arith.constant 0 : i32
    %cond3A_1433 = arith.cmpi ne, %convert_element_type3A_1431, %cond3A_1432 : i32
    scf.if %cond3A_1433 {
      %dma_wait3A_2389 = arith.constant 0 : i32
      %dma_wait3A_2390 = arith.constant 0 : i32
      %dma_wait3A_2391 = arith.constant 0 : i32
      %dma_wait3A_2392 = tpu.memref_slice %arg13[%dma_wait3A_2389, %dma_wait3A_2390, %dma_wait3A_2391] : memref<12x32x128xf32, #tpu.memory_space<vmem>> -> memref<1x32x128xf32, #tpu.memory_space<vmem>>
      %dma_wait3A_2393 = tpu.memref_squeeze %dma_wait3A_2392 : memref<1x32x128xf32, #tpu.memory_space<vmem>> -> memref<32x128xf32, #tpu.memory_space<vmem>>
      %dma_wait3A_2394 = arith.constant 0 : i32
      %dma_wait3A_2395 = arith.constant 0 : i32
      %dma_wait3A_2396 = tpu.memref_slice %arg5[%dma_wait3A_2394, %dma_wait3A_2395] : memref<32x1000000xf32, #tpu.memory_space<hbm>> -> memref<32x128xf32, #tpu.memory_space<hbm>>
      %dma_wait3A_2397 = arith.constant 0 : i32
      %dma_wait3A_2398 = arith.constant 0 : i32
      %dma_wait3A_2399 = tpu.memref_slice %arg13[%dma_wait3A_2389, %dma_wait3A_2397, %dma_wait3A_2398] : memref<12x32x128xf32, #tpu.memory_space<vmem>> -> memref<1x32x128xf32, #tpu.memory_space<vmem>>
      %dma_wait3A_2400 = tpu.memref_squeeze %dma_wait3A_2399 : memref<1x32x128xf32, #tpu.memory_space<vmem>> -> memref<32x128xf32, #tpu.memory_space<vmem>>
      %dma_wait3A_2401 = arith.constant 0 : i32
      %dma_wait3A_2402 = arith.constant 0 : i32
      %dma_wait3A_2403 = tpu.memref_slice %arg5[%dma_wait3A_2401, %dma_wait3A_2402] : memref<32x1000000xf32, #tpu.memory_space<hbm>> -> memref<32x128xf32, #tpu.memory_space<hbm>>
      tpu.wait_dma2 semaphore(%arg18 : memref<!tpu.dma_semaphore, #tpu.memory_space<semaphore_mem>>) src(%dma_wait3A_2403 : memref<32x128xf32, #tpu.memory_space<hbm>>) dst(%dma_wait3A_2400 : memref<32x128xf32, #tpu.memory_space<vmem>>)
    } else {
    }
    %jit3A_1434 = arith.constant 1 : i32
    %jit3A_1435 = arith.constant 0 : i32
    %select_n3A_1436 = arith.select %ne3A_1430, %jit3A_1434, %jit3A_1435 : i32
    %add3A_1437 = arith.addi %add3A_1292, %select_n3A_1436 : i32
    %sub3A_1438 = arith.constant 1 : i32
    %sub3A_1439 = arith.subi %add3A_1437, %sub3A_1438 : i32
    %rem3A_1440 = arith.constant 12 : i32
    %rem3A_1441 = arith.remsi %sub3A_1439, %rem3A_1440 : i32
    %rem3A_1442 = arith.constant 506 : i32
    %rem3A_1443 = arith.constant 12 : i32
    %rem3A_1444 = arith.remsi %rem3A_1442, %rem3A_1443 : i32
    %dma_wait3A_1445 = arith.constant 0 : i32
    %dma_wait3A_1446 = arith.constant 0 : i32
    %dma_wait3A_1447 = arith.constant 0 : i32
    %dma_wait3A_1448 = tpu.memref_slice %arg14[%dma_wait3A_1445, %dma_wait3A_1446, %dma_wait3A_1447] : memref<12x32x128xf32, #tpu.memory_space<vmem>> -> memref<1x32x128xf32, #tpu.memory_space<vmem>>
    %dma_wait3A_1449 = tpu.memref_squeeze %dma_wait3A_1448 : memref<1x32x128xf32, #tpu.memory_space<vmem>> -> memref<32x128xf32, #tpu.memory_space<vmem>>
    %dma_wait3A_1450 = arith.constant 0 : i32
    %dma_wait3A_1451 = arith.constant 0 : i32
    %dma_wait3A_1452 = tpu.memref_slice %arg6[%dma_wait3A_1450, %dma_wait3A_1451] : memref<32x1000000xf32, #tpu.memory_space<hbm>> -> memref<32x128xf32, #tpu.memory_space<hbm>>
    %dma_wait3A_1453 = arith.constant 0 : i32
    %dma_wait3A_1454 = arith.constant 0 : i32
    %dma_wait3A_1455 = tpu.memref_slice %arg14[%dma_wait3A_1445, %dma_wait3A_1453, %dma_wait3A_1454] : memref<12x32x128xf32, #tpu.memory_space<vmem>> -> memref<1x32x128xf32, #tpu.memory_space<vmem>>
    %dma_wait3A_1456 = tpu.memref_squeeze %dma_wait3A_1455 : memref<1x32x128xf32, #tpu.memory_space<vmem>> -> memref<32x128xf32, #tpu.memory_space<vmem>>
    %dma_wait3A_1457 = arith.constant 0 : i32
    %dma_wait3A_1458 = arith.constant 0 : i32
    %dma_wait3A_1459 = tpu.memref_slice %arg6[%dma_wait3A_1457, %dma_wait3A_1458] : memref<32x1000000xf32, #tpu.memory_space<hbm>> -> memref<32x128xf32, #tpu.memory_space<hbm>>
    tpu.wait_dma2 semaphore(%arg19 : memref<!tpu.dma_semaphore, #tpu.memory_space<semaphore_mem>>) src(%dma_wait3A_1459 : memref<32x128xf32, #tpu.memory_space<hbm>>) dst(%dma_wait3A_1456 : memref<32x128xf32, #tpu.memory_space<vmem>>)
    %and3A_1460 = arith.constant 127 : i32
    %and3A_1461 = arith.andi %squeeze3A_1405, %and3A_1460 : i32
    %broadcast_in_dim3A_1462 = vector.broadcast %and3A_1461 : i32 to vector<16xi32>
    %and3A_1463 = arith.constant 127 : i32
    %and3A_1464 = arith.andi %squeeze3A_1427, %and3A_1463 : i32
    %broadcast_in_dim3A_1465 = vector.broadcast %and3A_1464 : i32 to vector<16xi32>
    %broadcast_in_dim3A_1466 = vector.broadcast %rem3A_1441 : i32 to vector<16xi32>
    %broadcast_in_dim3A_1467 = vector.broadcast %rem3A_1444 : i32 to vector<16xi32>
    %gather3A_1468 = tpu.vector_load_idx %arg13[%broadcast_in_dim3A_1466, %iota3A, %broadcast_in_dim3A_1462] : memref<12x32x128xf32, #tpu.memory_space<vmem>>[vector<16xi32>, vector<16xi32>, vector<16xi32>], vector<16xf32>,
    %add3A_1469 = arith.constant 16 : i32
    %add3A_1470 = vector.broadcast %add3A_1469 : i32 to vector<16xi32>
    %add3A_1471 = arith.addi %iota3A, %add3A_1470 : vector<16xi32>
    %gather3A_1472 = tpu.vector_load_idx %arg13[%broadcast_in_dim3A_1466, %add3A_1471, %broadcast_in_dim3A_1462] : memref<12x32x128xf32, #tpu.memory_space<vmem>>[vector<16xi32>, vector<16xi32>, vector<16xi32>], vector<16xf32>,
    %gather3A_1473 = tpu.vector_load_idx %arg14[%broadcast_in_dim3A_1467, %iota3A, %broadcast_in_dim3A_1465] : memref<12x32x128xf32, #tpu.memory_space<vmem>>[vector<16xi32>, vector<16xi32>, vector<16xi32>], vector<16xf32>,
    %add3A_1474 = arith.constant 16 : i32
    %add3A_1475 = vector.broadcast %add3A_1474 : i32 to vector<16xi32>
    %add3A_1476 = arith.addi %iota3A, %add3A_1475 : vector<16xi32>
    %gather3A_1477 = tpu.vector_load_idx %arg14[%broadcast_in_dim3A_1467, %add3A_1476, %broadcast_in_dim3A_1465] : memref<12x32x128xf32, #tpu.memory_space<vmem>>[vector<16xi32>, vector<16xi32>, vector<16xi32>], vector<16xf32>,
    %mul3A_1478 = arith.mulf %gather3A_1468, %gather3A_1473 : vector<16xf32>
    %mul3A_1479 = arith.mulf %gather3A_1472, %gather3A_1477 : vector<16xf32>
    %add3A_1480 = arith.addf %mul3A_1478, %mul3A_1479 : vector<16xf32>
    %xor3A_1481 = arith.constant 8 : i32
    %xor3A_1482 = vector.broadcast %xor3A_1481 : i32 to vector<16xi32>
    %xor3A_1483 = arith.xori %iota3A, %xor3A_1482 : vector<16xi32>
    %broadcast_in_dim3A_1484 = vector.shape_cast %xor3A_1483 : vector<16xi32> to vector<16x1xi32>
    %gather3A_1485 = vector.shape_cast %broadcast_in_dim3A_1484 : vector<16x1xi32> to vector<16xi32>
    %gather3A_1486 = tpu.dynamic_gather %add3A_1480[%gather3A_1485] in [0] : vector<16xf32>, vector<16xi32> -> vector<16xf32>
    %add3A_1487 = arith.addf %add3A_1480, %gather3A_1486 : vector<16xf32>
    %xor3A_1488 = arith.constant 4 : i32
    %xor3A_1489 = vector.broadcast %xor3A_1488 : i32 to vector<16xi32>
    %xor3A_1490 = arith.xori %iota3A, %xor3A_1489 : vector<16xi32>
    %broadcast_in_dim3A_1491 = vector.shape_cast %xor3A_1490 : vector<16xi32> to vector<16x1xi32>
    %gather3A_1492 = vector.shape_cast %broadcast_in_dim3A_1491 : vector<16x1xi32> to vector<16xi32>
    %gather3A_1493 = tpu.dynamic_gather %add3A_1487[%gather3A_1492] in [0] : vector<16xf32>, vector<16xi32> -> vector<16xf32>
    %add3A_1494 = arith.addf %add3A_1487, %gather3A_1493 : vector<16xf32>
    %xor3A_1495 = arith.constant 2 : i32
    %xor3A_1496 = vector.broadcast %xor3A_1495 : i32 to vector<16xi32>
    %xor3A_1497 = arith.xori %iota3A, %xor3A_1496 : vector<16xi32>
    %broadcast_in_dim3A_1498 = vector.shape_cast %xor3A_1497 : vector<16xi32> to vector<16x1xi32>
    %gather3A_1499 = vector.shape_cast %broadcast_in_dim3A_1498 : vector<16x1xi32> to vector<16xi32>
    %gather3A_1500 = tpu.dynamic_gather %add3A_1494[%gather3A_1499] in [0] : vector<16xf32>, vector<16xi32> -> vector<16xf32>
    %add3A_1501 = arith.addf %add3A_1494, %gather3A_1500 : vector<16xf32>
    %xor3A_1502 = arith.constant 1 : i32
    %xor3A_1503 = vector.broadcast %xor3A_1502 : i32 to vector<16xi32>
    %xor3A_1504 = arith.xori %iota3A, %xor3A_1503 : vector<16xi32>
    %broadcast_in_dim3A_1505 = vector.shape_cast %xor3A_1504 : vector<16xi32> to vector<16x1xi32>
    %gather3A_1506 = vector.shape_cast %broadcast_in_dim3A_1505 : vector<16x1xi32> to vector<16xi32>
    %gather3A_1507 = tpu.dynamic_gather %add3A_1501[%gather3A_1506] in [0] : vector<16xf32>, vector<16xi32> -> vector<16xf32>
    %add3A_1508 = arith.addf %add3A_1501, %gather3A_1507 : vector<16xf32>
    %and3A_1509 = arith.constant 506 : i32
    %and3A_1510 = arith.constant 15 : i32
    %and3A_1511 = arith.andi %and3A_1509, %and3A_1510 : i32
    %eq3A_1512 = vector.broadcast %and3A_1511 : i32 to vector<16xi32>
    %eq3A_1513 = arith.cmpi eq, %iota3A, %eq3A_1512 : vector<16xi32>
    %jit3A_1514 = arith.constant 0.000000e+00 : f32
    %broadcast_in_dim3A_1515 = vector.broadcast %jit3A_1514 : f32 to vector<16xf32>
    %select_n3A_1516 = arith.select %eq3A_1513, %add3A_1508, %broadcast_in_dim3A_1515 : vector<16xi1>, vector<16xf32>
    %add3A_1517 = arith.addf %select_n3A_1383, %select_n3A_1516 : vector<16xf32>
    %eq3A_1518 = arith.constant 15 : i32
    %eq3A_1519 = arith.cmpi eq, %and3A_1511, %eq3A_1518 : i32
    %convert_element_type3A_1520 = arith.extui %eq3A_1519 : i1 to i32
    %cond3A_1521 = arith.constant 506 : i32
    %cond3A_1522 = arith.constant 0 : i32
    %cond3A_1523 = arith.cmpi ne, %convert_element_type3A_1520, %cond3A_1522 : i32
    scf.if %cond3A_1523 {
      %shift_right_arithmetic3A_2389 = arith.constant 4 : i32
      %shift_right_arithmetic3A_2390 = arith.shrsi %cond3A_1521, %shift_right_arithmetic3A_2389 : i32
      %mul3A_2391 = arith.constant 16 : i32
      %mul3A_2392 = arith.muli %shift_right_arithmetic3A_2390, %mul3A_2391 : i32
      %swap3A = arith.index_cast %mul3A_2392 : i32 to index
      %swap3A_2393 = tpu.vector_load %arg17[%swap3A] {strides = array<i32>} : memref<512xf32, #tpu.memory_space<vmem>>, vector<16xf32>,
      tpu.vector_store %arg17[%swap3A], %add3A_1517 {strides = array<i32>} : memref<512xf32, #tpu.memory_space<vmem>>, vector<16xf32>,
    } else {
    }
    %eq3A_1524 = arith.constant 15 : i32
    %eq3A_1525 = arith.cmpi eq, %and3A_1511, %eq3A_1524 : i32
    %jit3A_1526 = arith.constant 0.000000e+00 : f32
    %broadcast_in_dim3A_1527 = vector.broadcast %jit3A_1526 : f32 to vector<16xf32>
    %select_n3A_1528 = arith.select %eq3A_1525, %broadcast_in_dim3A_1527, %add3A_1517 : vector<16xf32>
    %shift_right_arithmetic3A_1529 = arith.constant 507 : i32
    %shift_right_arithmetic3A_1530 = arith.constant 7 : i32
    %shift_right_arithmetic3A_1531 = arith.shrsi %shift_right_arithmetic3A_1529, %shift_right_arithmetic3A_1530 : i32
    %shift_right_arithmetic3A_1532 = arith.constant 507 : i32
    %shift_right_arithmetic3A_1533 = arith.constant 4 : i32
    %shift_right_arithmetic3A_1534 = arith.shrsi %shift_right_arithmetic3A_1532, %shift_right_arithmetic3A_1533 : i32
    %and3A_1535 = arith.constant 7 : i32
    %and3A_1536 = arith.andi %shift_right_arithmetic3A_1534, %and3A_1535 : i32
    %mul3A_1537 = arith.constant 16 : i32
    %mul3A_1538 = arith.muli %and3A_1536, %mul3A_1537 : i32
    %get3A_1539 = arith.index_cast %shift_right_arithmetic3A_1531 : i32 to index
    %get3A_1540 = arith.index_cast %mul3A_1538 : i32 to index
    %get3A_1541 = tpu.vector_load %arg10[%get3A_1539, %get3A_1540] {strides = array<i32>} : memref<4x128xi32, #tpu.memory_space<vmem>>, vector<16xi32>,
    %and3A_1542 = arith.constant 507 : i32
    %and3A_1543 = arith.constant 15 : i32
    %and3A_1544 = arith.andi %and3A_1542, %and3A_1543 : i32
    %broadcast_in_dim3A_1545 = vector.broadcast %and3A_1544 : i32 to vector<16xi32>
    %broadcast_in_dim3A_1546 = vector.shape_cast %broadcast_in_dim3A_1545 : vector<16xi32> to vector<16x1xi32>
    %gather3A_1547 = vector.shape_cast %broadcast_in_dim3A_1546 : vector<16x1xi32> to vector<16xi32>
    %gather3A_1548 = tpu.dynamic_gather %get3A_1541[%gather3A_1547] in [0] : vector<16xi32>, vector<16xi32> -> vector<16xi32>
    %slice3A_1549 = vector.extract_strided_slice %gather3A_1548 {offsets = [0], sizes = [1], strides = [1]} : vector<16xi32> to vector<1xi32>
    %squeeze3A_1550 = vector.extract %slice3A_1549[0] : i32 from vector<1xi32>
    %shift_right_arithmetic3A_1551 = arith.constant 507 : i32
    %shift_right_arithmetic3A_1552 = arith.constant 7 : i32
    %shift_right_arithmetic3A_1553 = arith.shrsi %shift_right_arithmetic3A_1551, %shift_right_arithmetic3A_1552 : i32
    %shift_right_arithmetic3A_1554 = arith.constant 507 : i32
    %shift_right_arithmetic3A_1555 = arith.constant 4 : i32
    %shift_right_arithmetic3A_1556 = arith.shrsi %shift_right_arithmetic3A_1554, %shift_right_arithmetic3A_1555 : i32
    %and3A_1557 = arith.constant 7 : i32
    %and3A_1558 = arith.andi %shift_right_arithmetic3A_1556, %and3A_1557 : i32
    %mul3A_1559 = arith.constant 16 : i32
    %mul3A_1560 = arith.muli %and3A_1558, %mul3A_1559 : i32
    %get3A_1561 = arith.index_cast %shift_right_arithmetic3A_1553 : i32 to index
    %get3A_1562 = arith.index_cast %mul3A_1560 : i32 to index
    %get3A_1563 = tpu.vector_load %arg11[%get3A_1561, %get3A_1562] {strides = array<i32>} : memref<4x128xi32, #tpu.memory_space<vmem>>, vector<16xi32>,
    %and3A_1564 = arith.constant 507 : i32
    %and3A_1565 = arith.constant 15 : i32
    %and3A_1566 = arith.andi %and3A_1564, %and3A_1565 : i32
    %broadcast_in_dim3A_1567 = vector.broadcast %and3A_1566 : i32 to vector<16xi32>
    %broadcast_in_dim3A_1568 = vector.shape_cast %broadcast_in_dim3A_1567 : vector<16xi32> to vector<16x1xi32>
    %gather3A_1569 = vector.shape_cast %broadcast_in_dim3A_1568 : vector<16x1xi32> to vector<16xi32>
    %gather3A_1570 = tpu.dynamic_gather %get3A_1563[%gather3A_1569] in [0] : vector<16xi32>, vector<16xi32> -> vector<16xi32>
    %slice3A_1571 = vector.extract_strided_slice %gather3A_1570 {offsets = [0], sizes = [1], strides = [1]} : vector<16xi32> to vector<1xi32>
    %squeeze3A_1572 = vector.extract %slice3A_1571[0] : i32 from vector<1xi32>
    %shift_right_arithmetic3A_1573 = arith.constant 7 : i32
    %shift_right_arithmetic3A_1574 = arith.shrsi %squeeze3A_1550, %shift_right_arithmetic3A_1573 : i32
    %ne3A_1575 = arith.cmpi ne, %shift_right_arithmetic3A_1574, %shift_right_arithmetic3A_1429 : i32
    %convert_element_type3A_1576 = arith.extui %ne3A_1575 : i1 to i32
    %cond3A_1577 = arith.constant 0 : i32
    %cond3A_1578 = arith.cmpi ne, %convert_element_type3A_1576, %cond3A_1577 : i32
    scf.if %cond3A_1578 {
      %dma_wait3A_2389 = arith.constant 0 : i32
      %dma_wait3A_2390 = arith.constant 0 : i32
      %dma_wait3A_2391 = arith.constant 0 : i32
      %dma_wait3A_2392 = tpu.memref_slice %arg13[%dma_wait3A_2389, %dma_wait3A_2390, %dma_wait3A_2391] : memref<12x32x128xf32, #tpu.memory_space<vmem>> -> memref<1x32x128xf32, #tpu.memory_space<vmem>>
      %dma_wait3A_2393 = tpu.memref_squeeze %dma_wait3A_2392 : memref<1x32x128xf32, #tpu.memory_space<vmem>> -> memref<32x128xf32, #tpu.memory_space<vmem>>
      %dma_wait3A_2394 = arith.constant 0 : i32
      %dma_wait3A_2395 = arith.constant 0 : i32
      %dma_wait3A_2396 = tpu.memref_slice %arg5[%dma_wait3A_2394, %dma_wait3A_2395] : memref<32x1000000xf32, #tpu.memory_space<hbm>> -> memref<32x128xf32, #tpu.memory_space<hbm>>
      %dma_wait3A_2397 = arith.constant 0 : i32
      %dma_wait3A_2398 = arith.constant 0 : i32
      %dma_wait3A_2399 = tpu.memref_slice %arg13[%dma_wait3A_2389, %dma_wait3A_2397, %dma_wait3A_2398] : memref<12x32x128xf32, #tpu.memory_space<vmem>> -> memref<1x32x128xf32, #tpu.memory_space<vmem>>
      %dma_wait3A_2400 = tpu.memref_squeeze %dma_wait3A_2399 : memref<1x32x128xf32, #tpu.memory_space<vmem>> -> memref<32x128xf32, #tpu.memory_space<vmem>>
      %dma_wait3A_2401 = arith.constant 0 : i32
      %dma_wait3A_2402 = arith.constant 0 : i32
      %dma_wait3A_2403 = tpu.memref_slice %arg5[%dma_wait3A_2401, %dma_wait3A_2402] : memref<32x1000000xf32, #tpu.memory_space<hbm>> -> memref<32x128xf32, #tpu.memory_space<hbm>>
      tpu.wait_dma2 semaphore(%arg18 : memref<!tpu.dma_semaphore, #tpu.memory_space<semaphore_mem>>) src(%dma_wait3A_2403 : memref<32x128xf32, #tpu.memory_space<hbm>>) dst(%dma_wait3A_2400 : memref<32x128xf32, #tpu.memory_space<vmem>>)
    } else {
    }
    %jit3A_1579 = arith.constant 1 : i32
    %jit3A_1580 = arith.constant 0 : i32
    %select_n3A_1581 = arith.select %ne3A_1575, %jit3A_1579, %jit3A_1580 : i32
    %add3A_1582 = arith.addi %add3A_1437, %select_n3A_1581 : i32
    %sub3A_1583 = arith.constant 1 : i32
    %sub3A_1584 = arith.subi %add3A_1582, %sub3A_1583 : i32
    %rem3A_1585 = arith.constant 12 : i32
    %rem3A_1586 = arith.remsi %sub3A_1584, %rem3A_1585 : i32
    %rem3A_1587 = arith.constant 507 : i32
    %rem3A_1588 = arith.constant 12 : i32
    %rem3A_1589 = arith.remsi %rem3A_1587, %rem3A_1588 : i32
    %dma_wait3A_1590 = arith.constant 0 : i32
    %dma_wait3A_1591 = arith.constant 0 : i32
    %dma_wait3A_1592 = arith.constant 0 : i32
    %dma_wait3A_1593 = tpu.memref_slice %arg14[%dma_wait3A_1590, %dma_wait3A_1591, %dma_wait3A_1592] : memref<12x32x128xf32, #tpu.memory_space<vmem>> -> memref<1x32x128xf32, #tpu.memory_space<vmem>>
    %dma_wait3A_1594 = tpu.memref_squeeze %dma_wait3A_1593 : memref<1x32x128xf32, #tpu.memory_space<vmem>> -> memref<32x128xf32, #tpu.memory_space<vmem>>
    %dma_wait3A_1595 = arith.constant 0 : i32
    %dma_wait3A_1596 = arith.constant 0 : i32
    %dma_wait3A_1597 = tpu.memref_slice %arg6[%dma_wait3A_1595, %dma_wait3A_1596] : memref<32x1000000xf32, #tpu.memory_space<hbm>> -> memref<32x128xf32, #tpu.memory_space<hbm>>
    %dma_wait3A_1598 = arith.constant 0 : i32
    %dma_wait3A_1599 = arith.constant 0 : i32
    %dma_wait3A_1600 = tpu.memref_slice %arg14[%dma_wait3A_1590, %dma_wait3A_1598, %dma_wait3A_1599] : memref<12x32x128xf32, #tpu.memory_space<vmem>> -> memref<1x32x128xf32, #tpu.memory_space<vmem>>
    %dma_wait3A_1601 = tpu.memref_squeeze %dma_wait3A_1600 : memref<1x32x128xf32, #tpu.memory_space<vmem>> -> memref<32x128xf32, #tpu.memory_space<vmem>>
    %dma_wait3A_1602 = arith.constant 0 : i32
    %dma_wait3A_1603 = arith.constant 0 : i32
    %dma_wait3A_1604 = tpu.memref_slice %arg6[%dma_wait3A_1602, %dma_wait3A_1603] : memref<32x1000000xf32, #tpu.memory_space<hbm>> -> memref<32x128xf32, #tpu.memory_space<hbm>>
    tpu.wait_dma2 semaphore(%arg19 : memref<!tpu.dma_semaphore, #tpu.memory_space<semaphore_mem>>) src(%dma_wait3A_1604 : memref<32x128xf32, #tpu.memory_space<hbm>>) dst(%dma_wait3A_1601 : memref<32x128xf32, #tpu.memory_space<vmem>>)
    %and3A_1605 = arith.constant 127 : i32
    %and3A_1606 = arith.andi %squeeze3A_1550, %and3A_1605 : i32
    %broadcast_in_dim3A_1607 = vector.broadcast %and3A_1606 : i32 to vector<16xi32>
    %and3A_1608 = arith.constant 127 : i32
    %and3A_1609 = arith.andi %squeeze3A_1572, %and3A_1608 : i32
    %broadcast_in_dim3A_1610 = vector.broadcast %and3A_1609 : i32 to vector<16xi32>
    %broadcast_in_dim3A_1611 = vector.broadcast %rem3A_1586 : i32 to vector<16xi32>
    %broadcast_in_dim3A_1612 = vector.broadcast %rem3A_1589 : i32 to vector<16xi32>
    %gather3A_1613 = tpu.vector_load_idx %arg13[%broadcast_in_dim3A_1611, %iota3A, %broadcast_in_dim3A_1607] : memref<12x32x128xf32, #tpu.memory_space<vmem>>[vector<16xi32>, vector<16xi32>, vector<16xi32>], vector<16xf32>,
    %add3A_1614 = arith.constant 16 : i32
    %add3A_1615 = vector.broadcast %add3A_1614 : i32 to vector<16xi32>
    %add3A_1616 = arith.addi %iota3A, %add3A_1615 : vector<16xi32>
    %gather3A_1617 = tpu.vector_load_idx %arg13[%broadcast_in_dim3A_1611, %add3A_1616, %broadcast_in_dim3A_1607] : memref<12x32x128xf32, #tpu.memory_space<vmem>>[vector<16xi32>, vector<16xi32>, vector<16xi32>], vector<16xf32>,
    %gather3A_1618 = tpu.vector_load_idx %arg14[%broadcast_in_dim3A_1612, %iota3A, %broadcast_in_dim3A_1610] : memref<12x32x128xf32, #tpu.memory_space<vmem>>[vector<16xi32>, vector<16xi32>, vector<16xi32>], vector<16xf32>,
    %add3A_1619 = arith.constant 16 : i32
    %add3A_1620 = vector.broadcast %add3A_1619 : i32 to vector<16xi32>
    %add3A_1621 = arith.addi %iota3A, %add3A_1620 : vector<16xi32>
    %gather3A_1622 = tpu.vector_load_idx %arg14[%broadcast_in_dim3A_1612, %add3A_1621, %broadcast_in_dim3A_1610] : memref<12x32x128xf32, #tpu.memory_space<vmem>>[vector<16xi32>, vector<16xi32>, vector<16xi32>], vector<16xf32>,
    %mul3A_1623 = arith.mulf %gather3A_1613, %gather3A_1618 : vector<16xf32>
    %mul3A_1624 = arith.mulf %gather3A_1617, %gather3A_1622 : vector<16xf32>
    %add3A_1625 = arith.addf %mul3A_1623, %mul3A_1624 : vector<16xf32>
    %xor3A_1626 = arith.constant 8 : i32
    %xor3A_1627 = vector.broadcast %xor3A_1626 : i32 to vector<16xi32>
    %xor3A_1628 = arith.xori %iota3A, %xor3A_1627 : vector<16xi32>
    %broadcast_in_dim3A_1629 = vector.shape_cast %xor3A_1628 : vector<16xi32> to vector<16x1xi32>
    %gather3A_1630 = vector.shape_cast %broadcast_in_dim3A_1629 : vector<16x1xi32> to vector<16xi32>
    %gather3A_1631 = tpu.dynamic_gather %add3A_1625[%gather3A_1630] in [0] : vector<16xf32>, vector<16xi32> -> vector<16xf32>
    %add3A_1632 = arith.addf %add3A_1625, %gather3A_1631 : vector<16xf32>
    %xor3A_1633 = arith.constant 4 : i32
    %xor3A_1634 = vector.broadcast %xor3A_1633 : i32 to vector<16xi32>
    %xor3A_1635 = arith.xori %iota3A, %xor3A_1634 : vector<16xi32>
    %broadcast_in_dim3A_1636 = vector.shape_cast %xor3A_1635 : vector<16xi32> to vector<16x1xi32>
    %gather3A_1637 = vector.shape_cast %broadcast_in_dim3A_1636 : vector<16x1xi32> to vector<16xi32>
    %gather3A_1638 = tpu.dynamic_gather %add3A_1632[%gather3A_1637] in [0] : vector<16xf32>, vector<16xi32> -> vector<16xf32>
    %add3A_1639 = arith.addf %add3A_1632, %gather3A_1638 : vector<16xf32>
    %xor3A_1640 = arith.constant 2 : i32
    %xor3A_1641 = vector.broadcast %xor3A_1640 : i32 to vector<16xi32>
    %xor3A_1642 = arith.xori %iota3A, %xor3A_1641 : vector<16xi32>
    %broadcast_in_dim3A_1643 = vector.shape_cast %xor3A_1642 : vector<16xi32> to vector<16x1xi32>
    %gather3A_1644 = vector.shape_cast %broadcast_in_dim3A_1643 : vector<16x1xi32> to vector<16xi32>
    %gather3A_1645 = tpu.dynamic_gather %add3A_1639[%gather3A_1644] in [0] : vector<16xf32>, vector<16xi32> -> vector<16xf32>
    %add3A_1646 = arith.addf %add3A_1639, %gather3A_1645 : vector<16xf32>
    %xor3A_1647 = arith.constant 1 : i32
    %xor3A_1648 = vector.broadcast %xor3A_1647 : i32 to vector<16xi32>
    %xor3A_1649 = arith.xori %iota3A, %xor3A_1648 : vector<16xi32>
    %broadcast_in_dim3A_1650 = vector.shape_cast %xor3A_1649 : vector<16xi32> to vector<16x1xi32>
    %gather3A_1651 = vector.shape_cast %broadcast_in_dim3A_1650 : vector<16x1xi32> to vector<16xi32>
    %gather3A_1652 = tpu.dynamic_gather %add3A_1646[%gather3A_1651] in [0] : vector<16xf32>, vector<16xi32> -> vector<16xf32>
    %add3A_1653 = arith.addf %add3A_1646, %gather3A_1652 : vector<16xf32>
    %and3A_1654 = arith.constant 507 : i32
    %and3A_1655 = arith.constant 15 : i32
    %and3A_1656 = arith.andi %and3A_1654, %and3A_1655 : i32
    %eq3A_1657 = vector.broadcast %and3A_1656 : i32 to vector<16xi32>
    %eq3A_1658 = arith.cmpi eq, %iota3A, %eq3A_1657 : vector<16xi32>
    %jit3A_1659 = arith.constant 0.000000e+00 : f32
    %broadcast_in_dim3A_1660 = vector.broadcast %jit3A_1659 : f32 to vector<16xf32>
    %select_n3A_1661 = arith.select %eq3A_1658, %add3A_1653, %broadcast_in_dim3A_1660 : vector<16xi1>, vector<16xf32>
    %add3A_1662 = arith.addf %select_n3A_1528, %select_n3A_1661 : vector<16xf32>
    %eq3A_1663 = arith.constant 15 : i32
    %eq3A_1664 = arith.cmpi eq, %and3A_1656, %eq3A_1663 : i32
    %convert_element_type3A_1665 = arith.extui %eq3A_1664 : i1 to i32
    %cond3A_1666 = arith.constant 507 : i32
    %cond3A_1667 = arith.constant 0 : i32
    %cond3A_1668 = arith.cmpi ne, %convert_element_type3A_1665, %cond3A_1667 : i32
    scf.if %cond3A_1668 {
      %shift_right_arithmetic3A_2389 = arith.constant 4 : i32
      %shift_right_arithmetic3A_2390 = arith.shrsi %cond3A_1666, %shift_right_arithmetic3A_2389 : i32
      %mul3A_2391 = arith.constant 16 : i32
      %mul3A_2392 = arith.muli %shift_right_arithmetic3A_2390, %mul3A_2391 : i32
      %swap3A = arith.index_cast %mul3A_2392 : i32 to index
      %swap3A_2393 = tpu.vector_load %arg17[%swap3A] {strides = array<i32>} : memref<512xf32, #tpu.memory_space<vmem>>, vector<16xf32>,
      tpu.vector_store %arg17[%swap3A], %add3A_1662 {strides = array<i32>} : memref<512xf32, #tpu.memory_space<vmem>>, vector<16xf32>,
    } else {
    }
    %eq3A_1669 = arith.constant 15 : i32
    %eq3A_1670 = arith.cmpi eq, %and3A_1656, %eq3A_1669 : i32
    %jit3A_1671 = arith.constant 0.000000e+00 : f32
    %broadcast_in_dim3A_1672 = vector.broadcast %jit3A_1671 : f32 to vector<16xf32>
    %select_n3A_1673 = arith.select %eq3A_1670, %broadcast_in_dim3A_1672, %add3A_1662 : vector<16xf32>
    %shift_right_arithmetic3A_1674 = arith.constant 508 : i32
    %shift_right_arithmetic3A_1675 = arith.constant 7 : i32
    %shift_right_arithmetic3A_1676 = arith.shrsi %shift_right_arithmetic3A_1674, %shift_right_arithmetic3A_1675 : i32
    %shift_right_arithmetic3A_1677 = arith.constant 508 : i32
    %shift_right_arithmetic3A_1678 = arith.constant 4 : i32
    %shift_right_arithmetic3A_1679 = arith.shrsi %shift_right_arithmetic3A_1677, %shift_right_arithmetic3A_1678 : i32
    %and3A_1680 = arith.constant 7 : i32
    %and3A_1681 = arith.andi %shift_right_arithmetic3A_1679, %and3A_1680 : i32
    %mul3A_1682 = arith.constant 16 : i32
    %mul3A_1683 = arith.muli %and3A_1681, %mul3A_1682 : i32
    %get3A_1684 = arith.index_cast %shift_right_arithmetic3A_1676 : i32 to index
    %get3A_1685 = arith.index_cast %mul3A_1683 : i32 to index
    %get3A_1686 = tpu.vector_load %arg10[%get3A_1684, %get3A_1685] {strides = array<i32>} : memref<4x128xi32, #tpu.memory_space<vmem>>, vector<16xi32>,
    %and3A_1687 = arith.constant 508 : i32
    %and3A_1688 = arith.constant 15 : i32
    %and3A_1689 = arith.andi %and3A_1687, %and3A_1688 : i32
    %broadcast_in_dim3A_1690 = vector.broadcast %and3A_1689 : i32 to vector<16xi32>
    %broadcast_in_dim3A_1691 = vector.shape_cast %broadcast_in_dim3A_1690 : vector<16xi32> to vector<16x1xi32>
    %gather3A_1692 = vector.shape_cast %broadcast_in_dim3A_1691 : vector<16x1xi32> to vector<16xi32>
    %gather3A_1693 = tpu.dynamic_gather %get3A_1686[%gather3A_1692] in [0] : vector<16xi32>, vector<16xi32> -> vector<16xi32>
    %slice3A_1694 = vector.extract_strided_slice %gather3A_1693 {offsets = [0], sizes = [1], strides = [1]} : vector<16xi32> to vector<1xi32>
    %squeeze3A_1695 = vector.extract %slice3A_1694[0] : i32 from vector<1xi32>
    %shift_right_arithmetic3A_1696 = arith.constant 508 : i32
    %shift_right_arithmetic3A_1697 = arith.constant 7 : i32
    %shift_right_arithmetic3A_1698 = arith.shrsi %shift_right_arithmetic3A_1696, %shift_right_arithmetic3A_1697 : i32
    %shift_right_arithmetic3A_1699 = arith.constant 508 : i32
    %shift_right_arithmetic3A_1700 = arith.constant 4 : i32
    %shift_right_arithmetic3A_1701 = arith.shrsi %shift_right_arithmetic3A_1699, %shift_right_arithmetic3A_1700 : i32
    %and3A_1702 = arith.constant 7 : i32
    %and3A_1703 = arith.andi %shift_right_arithmetic3A_1701, %and3A_1702 : i32
    %mul3A_1704 = arith.constant 16 : i32
    %mul3A_1705 = arith.muli %and3A_1703, %mul3A_1704 : i32
    %get3A_1706 = arith.index_cast %shift_right_arithmetic3A_1698 : i32 to index
    %get3A_1707 = arith.index_cast %mul3A_1705 : i32 to index
    %get3A_1708 = tpu.vector_load %arg11[%get3A_1706, %get3A_1707] {strides = array<i32>} : memref<4x128xi32, #tpu.memory_space<vmem>>, vector<16xi32>,
    %and3A_1709 = arith.constant 508 : i32
    %and3A_1710 = arith.constant 15 : i32
    %and3A_1711 = arith.andi %and3A_1709, %and3A_1710 : i32
    %broadcast_in_dim3A_1712 = vector.broadcast %and3A_1711 : i32 to vector<16xi32>
    %broadcast_in_dim3A_1713 = vector.shape_cast %broadcast_in_dim3A_1712 : vector<16xi32> to vector<16x1xi32>
    %gather3A_1714 = vector.shape_cast %broadcast_in_dim3A_1713 : vector<16x1xi32> to vector<16xi32>
    %gather3A_1715 = tpu.dynamic_gather %get3A_1708[%gather3A_1714] in [0] : vector<16xi32>, vector<16xi32> -> vector<16xi32>
    %slice3A_1716 = vector.extract_strided_slice %gather3A_1715 {offsets = [0], sizes = [1], strides = [1]} : vector<16xi32> to vector<1xi32>
    %squeeze3A_1717 = vector.extract %slice3A_1716[0] : i32 from vector<1xi32>
    %shift_right_arithmetic3A_1718 = arith.constant 7 : i32
    %shift_right_arithmetic3A_1719 = arith.shrsi %squeeze3A_1695, %shift_right_arithmetic3A_1718 : i32
    %ne3A_1720 = arith.cmpi ne, %shift_right_arithmetic3A_1719, %shift_right_arithmetic3A_1574 : i32
    %convert_element_type3A_1721 = arith.extui %ne3A_1720 : i1 to i32
    %cond3A_1722 = arith.constant 0 : i32
    %cond3A_1723 = arith.cmpi ne, %convert_element_type3A_1721, %cond3A_1722 : i32
    scf.if %cond3A_1723 {
      %dma_wait3A_2389 = arith.constant 0 : i32
      %dma_wait3A_2390 = arith.constant 0 : i32
      %dma_wait3A_2391 = arith.constant 0 : i32
      %dma_wait3A_2392 = tpu.memref_slice %arg13[%dma_wait3A_2389, %dma_wait3A_2390, %dma_wait3A_2391] : memref<12x32x128xf32, #tpu.memory_space<vmem>> -> memref<1x32x128xf32, #tpu.memory_space<vmem>>
      %dma_wait3A_2393 = tpu.memref_squeeze %dma_wait3A_2392 : memref<1x32x128xf32, #tpu.memory_space<vmem>> -> memref<32x128xf32, #tpu.memory_space<vmem>>
      %dma_wait3A_2394 = arith.constant 0 : i32
      %dma_wait3A_2395 = arith.constant 0 : i32
      %dma_wait3A_2396 = tpu.memref_slice %arg5[%dma_wait3A_2394, %dma_wait3A_2395] : memref<32x1000000xf32, #tpu.memory_space<hbm>> -> memref<32x128xf32, #tpu.memory_space<hbm>>
      %dma_wait3A_2397 = arith.constant 0 : i32
      %dma_wait3A_2398 = arith.constant 0 : i32
      %dma_wait3A_2399 = tpu.memref_slice %arg13[%dma_wait3A_2389, %dma_wait3A_2397, %dma_wait3A_2398] : memref<12x32x128xf32, #tpu.memory_space<vmem>> -> memref<1x32x128xf32, #tpu.memory_space<vmem>>
      %dma_wait3A_2400 = tpu.memref_squeeze %dma_wait3A_2399 : memref<1x32x128xf32, #tpu.memory_space<vmem>> -> memref<32x128xf32, #tpu.memory_space<vmem>>
      %dma_wait3A_2401 = arith.constant 0 : i32
      %dma_wait3A_2402 = arith.constant 0 : i32
      %dma_wait3A_2403 = tpu.memref_slice %arg5[%dma_wait3A_2401, %dma_wait3A_2402] : memref<32x1000000xf32, #tpu.memory_space<hbm>> -> memref<32x128xf32, #tpu.memory_space<hbm>>
      tpu.wait_dma2 semaphore(%arg18 : memref<!tpu.dma_semaphore, #tpu.memory_space<semaphore_mem>>) src(%dma_wait3A_2403 : memref<32x128xf32, #tpu.memory_space<hbm>>) dst(%dma_wait3A_2400 : memref<32x128xf32, #tpu.memory_space<vmem>>)
    } else {
    }
    %jit3A_1724 = arith.constant 1 : i32
    %jit3A_1725 = arith.constant 0 : i32
    %select_n3A_1726 = arith.select %ne3A_1720, %jit3A_1724, %jit3A_1725 : i32
    %add3A_1727 = arith.addi %add3A_1582, %select_n3A_1726 : i32
    %sub3A_1728 = arith.constant 1 : i32
    %sub3A_1729 = arith.subi %add3A_1727, %sub3A_1728 : i32
    %rem3A_1730 = arith.constant 12 : i32
    %rem3A_1731 = arith.remsi %sub3A_1729, %rem3A_1730 : i32
    %rem3A_1732 = arith.constant 508 : i32
    %rem3A_1733 = arith.constant 12 : i32
    %rem3A_1734 = arith.remsi %rem3A_1732, %rem3A_1733 : i32
    %dma_wait3A_1735 = arith.constant 0 : i32
    %dma_wait3A_1736 = arith.constant 0 : i32
    %dma_wait3A_1737 = arith.constant 0 : i32
    %dma_wait3A_1738 = tpu.memref_slice %arg14[%dma_wait3A_1735, %dma_wait3A_1736, %dma_wait3A_1737] : memref<12x32x128xf32, #tpu.memory_space<vmem>> -> memref<1x32x128xf32, #tpu.memory_space<vmem>>
    %dma_wait3A_1739 = tpu.memref_squeeze %dma_wait3A_1738 : memref<1x32x128xf32, #tpu.memory_space<vmem>> -> memref<32x128xf32, #tpu.memory_space<vmem>>
    %dma_wait3A_1740 = arith.constant 0 : i32
    %dma_wait3A_1741 = arith.constant 0 : i32
    %dma_wait3A_1742 = tpu.memref_slice %arg6[%dma_wait3A_1740, %dma_wait3A_1741] : memref<32x1000000xf32, #tpu.memory_space<hbm>> -> memref<32x128xf32, #tpu.memory_space<hbm>>
    %dma_wait3A_1743 = arith.constant 0 : i32
    %dma_wait3A_1744 = arith.constant 0 : i32
    %dma_wait3A_1745 = tpu.memref_slice %arg14[%dma_wait3A_1735, %dma_wait3A_1743, %dma_wait3A_1744] : memref<12x32x128xf32, #tpu.memory_space<vmem>> -> memref<1x32x128xf32, #tpu.memory_space<vmem>>
    %dma_wait3A_1746 = tpu.memref_squeeze %dma_wait3A_1745 : memref<1x32x128xf32, #tpu.memory_space<vmem>> -> memref<32x128xf32, #tpu.memory_space<vmem>>
    %dma_wait3A_1747 = arith.constant 0 : i32
    %dma_wait3A_1748 = arith.constant 0 : i32
    %dma_wait3A_1749 = tpu.memref_slice %arg6[%dma_wait3A_1747, %dma_wait3A_1748] : memref<32x1000000xf32, #tpu.memory_space<hbm>> -> memref<32x128xf32, #tpu.memory_space<hbm>>
    tpu.wait_dma2 semaphore(%arg19 : memref<!tpu.dma_semaphore, #tpu.memory_space<semaphore_mem>>) src(%dma_wait3A_1749 : memref<32x128xf32, #tpu.memory_space<hbm>>) dst(%dma_wait3A_1746 : memref<32x128xf32, #tpu.memory_space<vmem>>)
    %and3A_1750 = arith.constant 127 : i32
    %and3A_1751 = arith.andi %squeeze3A_1695, %and3A_1750 : i32
    %broadcast_in_dim3A_1752 = vector.broadcast %and3A_1751 : i32 to vector<16xi32>
    %and3A_1753 = arith.constant 127 : i32
    %and3A_1754 = arith.andi %squeeze3A_1717, %and3A_1753 : i32
    %broadcast_in_dim3A_1755 = vector.broadcast %and3A_1754 : i32 to vector<16xi32>
    %broadcast_in_dim3A_1756 = vector.broadcast %rem3A_1731 : i32 to vector<16xi32>
    %broadcast_in_dim3A_1757 = vector.broadcast %rem3A_1734 : i32 to vector<16xi32>
    %gather3A_1758 = tpu.vector_load_idx %arg13[%broadcast_in_dim3A_1756, %iota3A, %broadcast_in_dim3A_1752] : memref<12x32x128xf32, #tpu.memory_space<vmem>>[vector<16xi32>, vector<16xi32>, vector<16xi32>], vector<16xf32>,
    %add3A_1759 = arith.constant 16 : i32
    %add3A_1760 = vector.broadcast %add3A_1759 : i32 to vector<16xi32>
    %add3A_1761 = arith.addi %iota3A, %add3A_1760 : vector<16xi32>
    %gather3A_1762 = tpu.vector_load_idx %arg13[%broadcast_in_dim3A_1756, %add3A_1761, %broadcast_in_dim3A_1752] : memref<12x32x128xf32, #tpu.memory_space<vmem>>[vector<16xi32>, vector<16xi32>, vector<16xi32>], vector<16xf32>,
    %gather3A_1763 = tpu.vector_load_idx %arg14[%broadcast_in_dim3A_1757, %iota3A, %broadcast_in_dim3A_1755] : memref<12x32x128xf32, #tpu.memory_space<vmem>>[vector<16xi32>, vector<16xi32>, vector<16xi32>], vector<16xf32>,
    %add3A_1764 = arith.constant 16 : i32
    %add3A_1765 = vector.broadcast %add3A_1764 : i32 to vector<16xi32>
    %add3A_1766 = arith.addi %iota3A, %add3A_1765 : vector<16xi32>
    %gather3A_1767 = tpu.vector_load_idx %arg14[%broadcast_in_dim3A_1757, %add3A_1766, %broadcast_in_dim3A_1755] : memref<12x32x128xf32, #tpu.memory_space<vmem>>[vector<16xi32>, vector<16xi32>, vector<16xi32>], vector<16xf32>,
    %mul3A_1768 = arith.mulf %gather3A_1758, %gather3A_1763 : vector<16xf32>
    %mul3A_1769 = arith.mulf %gather3A_1762, %gather3A_1767 : vector<16xf32>
    %add3A_1770 = arith.addf %mul3A_1768, %mul3A_1769 : vector<16xf32>
    %xor3A_1771 = arith.constant 8 : i32
    %xor3A_1772 = vector.broadcast %xor3A_1771 : i32 to vector<16xi32>
    %xor3A_1773 = arith.xori %iota3A, %xor3A_1772 : vector<16xi32>
    %broadcast_in_dim3A_1774 = vector.shape_cast %xor3A_1773 : vector<16xi32> to vector<16x1xi32>
    %gather3A_1775 = vector.shape_cast %broadcast_in_dim3A_1774 : vector<16x1xi32> to vector<16xi32>
    %gather3A_1776 = tpu.dynamic_gather %add3A_1770[%gather3A_1775] in [0] : vector<16xf32>, vector<16xi32> -> vector<16xf32>
    %add3A_1777 = arith.addf %add3A_1770, %gather3A_1776 : vector<16xf32>
    %xor3A_1778 = arith.constant 4 : i32
    %xor3A_1779 = vector.broadcast %xor3A_1778 : i32 to vector<16xi32>
    %xor3A_1780 = arith.xori %iota3A, %xor3A_1779 : vector<16xi32>
    %broadcast_in_dim3A_1781 = vector.shape_cast %xor3A_1780 : vector<16xi32> to vector<16x1xi32>
    %gather3A_1782 = vector.shape_cast %broadcast_in_dim3A_1781 : vector<16x1xi32> to vector<16xi32>
    %gather3A_1783 = tpu.dynamic_gather %add3A_1777[%gather3A_1782] in [0] : vector<16xf32>, vector<16xi32> -> vector<16xf32>
    %add3A_1784 = arith.addf %add3A_1777, %gather3A_1783 : vector<16xf32>
    %xor3A_1785 = arith.constant 2 : i32
    %xor3A_1786 = vector.broadcast %xor3A_1785 : i32 to vector<16xi32>
    %xor3A_1787 = arith.xori %iota3A, %xor3A_1786 : vector<16xi32>
    %broadcast_in_dim3A_1788 = vector.shape_cast %xor3A_1787 : vector<16xi32> to vector<16x1xi32>
    %gather3A_1789 = vector.shape_cast %broadcast_in_dim3A_1788 : vector<16x1xi32> to vector<16xi32>
    %gather3A_1790 = tpu.dynamic_gather %add3A_1784[%gather3A_1789] in [0] : vector<16xf32>, vector<16xi32> -> vector<16xf32>
    %add3A_1791 = arith.addf %add3A_1784, %gather3A_1790 : vector<16xf32>
    %xor3A_1792 = arith.constant 1 : i32
    %xor3A_1793 = vector.broadcast %xor3A_1792 : i32 to vector<16xi32>
    %xor3A_1794 = arith.xori %iota3A, %xor3A_1793 : vector<16xi32>
    %broadcast_in_dim3A_1795 = vector.shape_cast %xor3A_1794 : vector<16xi32> to vector<16x1xi32>
    %gather3A_1796 = vector.shape_cast %broadcast_in_dim3A_1795 : vector<16x1xi32> to vector<16xi32>
    %gather3A_1797 = tpu.dynamic_gather %add3A_1791[%gather3A_1796] in [0] : vector<16xf32>, vector<16xi32> -> vector<16xf32>
    %add3A_1798 = arith.addf %add3A_1791, %gather3A_1797 : vector<16xf32>
    %and3A_1799 = arith.constant 508 : i32
    %and3A_1800 = arith.constant 15 : i32
    %and3A_1801 = arith.andi %and3A_1799, %and3A_1800 : i32
    %eq3A_1802 = vector.broadcast %and3A_1801 : i32 to vector<16xi32>
    %eq3A_1803 = arith.cmpi eq, %iota3A, %eq3A_1802 : vector<16xi32>
    %jit3A_1804 = arith.constant 0.000000e+00 : f32
    %broadcast_in_dim3A_1805 = vector.broadcast %jit3A_1804 : f32 to vector<16xf32>
    %select_n3A_1806 = arith.select %eq3A_1803, %add3A_1798, %broadcast_in_dim3A_1805 : vector<16xi1>, vector<16xf32>
    %add3A_1807 = arith.addf %select_n3A_1673, %select_n3A_1806 : vector<16xf32>
    %eq3A_1808 = arith.constant 15 : i32
    %eq3A_1809 = arith.cmpi eq, %and3A_1801, %eq3A_1808 : i32
    %convert_element_type3A_1810 = arith.extui %eq3A_1809 : i1 to i32
    %cond3A_1811 = arith.constant 508 : i32
    %cond3A_1812 = arith.constant 0 : i32
    %cond3A_1813 = arith.cmpi ne, %convert_element_type3A_1810, %cond3A_1812 : i32
    scf.if %cond3A_1813 {
      %shift_right_arithmetic3A_2389 = arith.constant 4 : i32
      %shift_right_arithmetic3A_2390 = arith.shrsi %cond3A_1811, %shift_right_arithmetic3A_2389 : i32
      %mul3A_2391 = arith.constant 16 : i32
      %mul3A_2392 = arith.muli %shift_right_arithmetic3A_2390, %mul3A_2391 : i32
      %swap3A = arith.index_cast %mul3A_2392 : i32 to index
      %swap3A_2393 = tpu.vector_load %arg17[%swap3A] {strides = array<i32>} : memref<512xf32, #tpu.memory_space<vmem>>, vector<16xf32>,
      tpu.vector_store %arg17[%swap3A], %add3A_1807 {strides = array<i32>} : memref<512xf32, #tpu.memory_space<vmem>>, vector<16xf32>,
    } else {
    }
    %eq3A_1814 = arith.constant 15 : i32
    %eq3A_1815 = arith.cmpi eq, %and3A_1801, %eq3A_1814 : i32
    %jit3A_1816 = arith.constant 0.000000e+00 : f32
    %broadcast_in_dim3A_1817 = vector.broadcast %jit3A_1816 : f32 to vector<16xf32>
    %select_n3A_1818 = arith.select %eq3A_1815, %broadcast_in_dim3A_1817, %add3A_1807 : vector<16xf32>
    %shift_right_arithmetic3A_1819 = arith.constant 509 : i32
    %shift_right_arithmetic3A_1820 = arith.constant 7 : i32
    %shift_right_arithmetic3A_1821 = arith.shrsi %shift_right_arithmetic3A_1819, %shift_right_arithmetic3A_1820 : i32
    %shift_right_arithmetic3A_1822 = arith.constant 509 : i32
    %shift_right_arithmetic3A_1823 = arith.constant 4 : i32
    %shift_right_arithmetic3A_1824 = arith.shrsi %shift_right_arithmetic3A_1822, %shift_right_arithmetic3A_1823 : i32
    %and3A_1825 = arith.constant 7 : i32
    %and3A_1826 = arith.andi %shift_right_arithmetic3A_1824, %and3A_1825 : i32
    %mul3A_1827 = arith.constant 16 : i32
    %mul3A_1828 = arith.muli %and3A_1826, %mul3A_1827 : i32
    %get3A_1829 = arith.index_cast %shift_right_arithmetic3A_1821 : i32 to index
    %get3A_1830 = arith.index_cast %mul3A_1828 : i32 to index
    %get3A_1831 = tpu.vector_load %arg10[%get3A_1829, %get3A_1830] {strides = array<i32>} : memref<4x128xi32, #tpu.memory_space<vmem>>, vector<16xi32>,
    %and3A_1832 = arith.constant 509 : i32
    %and3A_1833 = arith.constant 15 : i32
    %and3A_1834 = arith.andi %and3A_1832, %and3A_1833 : i32
    %broadcast_in_dim3A_1835 = vector.broadcast %and3A_1834 : i32 to vector<16xi32>
    %broadcast_in_dim3A_1836 = vector.shape_cast %broadcast_in_dim3A_1835 : vector<16xi32> to vector<16x1xi32>
    %gather3A_1837 = vector.shape_cast %broadcast_in_dim3A_1836 : vector<16x1xi32> to vector<16xi32>
    %gather3A_1838 = tpu.dynamic_gather %get3A_1831[%gather3A_1837] in [0] : vector<16xi32>, vector<16xi32> -> vector<16xi32>
    %slice3A_1839 = vector.extract_strided_slice %gather3A_1838 {offsets = [0], sizes = [1], strides = [1]} : vector<16xi32> to vector<1xi32>
    %squeeze3A_1840 = vector.extract %slice3A_1839[0] : i32 from vector<1xi32>
    %shift_right_arithmetic3A_1841 = arith.constant 509 : i32
    %shift_right_arithmetic3A_1842 = arith.constant 7 : i32
    %shift_right_arithmetic3A_1843 = arith.shrsi %shift_right_arithmetic3A_1841, %shift_right_arithmetic3A_1842 : i32
    %shift_right_arithmetic3A_1844 = arith.constant 509 : i32
    %shift_right_arithmetic3A_1845 = arith.constant 4 : i32
    %shift_right_arithmetic3A_1846 = arith.shrsi %shift_right_arithmetic3A_1844, %shift_right_arithmetic3A_1845 : i32
    %and3A_1847 = arith.constant 7 : i32
    %and3A_1848 = arith.andi %shift_right_arithmetic3A_1846, %and3A_1847 : i32
    %mul3A_1849 = arith.constant 16 : i32
    %mul3A_1850 = arith.muli %and3A_1848, %mul3A_1849 : i32
    %get3A_1851 = arith.index_cast %shift_right_arithmetic3A_1843 : i32 to index
    %get3A_1852 = arith.index_cast %mul3A_1850 : i32 to index
    %get3A_1853 = tpu.vector_load %arg11[%get3A_1851, %get3A_1852] {strides = array<i32>} : memref<4x128xi32, #tpu.memory_space<vmem>>, vector<16xi32>,
    %and3A_1854 = arith.constant 509 : i32
    %and3A_1855 = arith.constant 15 : i32
    %and3A_1856 = arith.andi %and3A_1854, %and3A_1855 : i32
    %broadcast_in_dim3A_1857 = vector.broadcast %and3A_1856 : i32 to vector<16xi32>
    %broadcast_in_dim3A_1858 = vector.shape_cast %broadcast_in_dim3A_1857 : vector<16xi32> to vector<16x1xi32>
    %gather3A_1859 = vector.shape_cast %broadcast_in_dim3A_1858 : vector<16x1xi32> to vector<16xi32>
    %gather3A_1860 = tpu.dynamic_gather %get3A_1853[%gather3A_1859] in [0] : vector<16xi32>, vector<16xi32> -> vector<16xi32>
    %slice3A_1861 = vector.extract_strided_slice %gather3A_1860 {offsets = [0], sizes = [1], strides = [1]} : vector<16xi32> to vector<1xi32>
    %squeeze3A_1862 = vector.extract %slice3A_1861[0] : i32 from vector<1xi32>
    %shift_right_arithmetic3A_1863 = arith.constant 7 : i32
    %shift_right_arithmetic3A_1864 = arith.shrsi %squeeze3A_1840, %shift_right_arithmetic3A_1863 : i32
    %ne3A_1865 = arith.cmpi ne, %shift_right_arithmetic3A_1864, %shift_right_arithmetic3A_1719 : i32
    %convert_element_type3A_1866 = arith.extui %ne3A_1865 : i1 to i32
    %cond3A_1867 = arith.constant 0 : i32
    %cond3A_1868 = arith.cmpi ne, %convert_element_type3A_1866, %cond3A_1867 : i32
    scf.if %cond3A_1868 {
      %dma_wait3A_2389 = arith.constant 0 : i32
      %dma_wait3A_2390 = arith.constant 0 : i32
      %dma_wait3A_2391 = arith.constant 0 : i32
      %dma_wait3A_2392 = tpu.memref_slice %arg13[%dma_wait3A_2389, %dma_wait3A_2390, %dma_wait3A_2391] : memref<12x32x128xf32, #tpu.memory_space<vmem>> -> memref<1x32x128xf32, #tpu.memory_space<vmem>>
      %dma_wait3A_2393 = tpu.memref_squeeze %dma_wait3A_2392 : memref<1x32x128xf32, #tpu.memory_space<vmem>> -> memref<32x128xf32, #tpu.memory_space<vmem>>
      %dma_wait3A_2394 = arith.constant 0 : i32
      %dma_wait3A_2395 = arith.constant 0 : i32
      %dma_wait3A_2396 = tpu.memref_slice %arg5[%dma_wait3A_2394, %dma_wait3A_2395] : memref<32x1000000xf32, #tpu.memory_space<hbm>> -> memref<32x128xf32, #tpu.memory_space<hbm>>
      %dma_wait3A_2397 = arith.constant 0 : i32
      %dma_wait3A_2398 = arith.constant 0 : i32
      %dma_wait3A_2399 = tpu.memref_slice %arg13[%dma_wait3A_2389, %dma_wait3A_2397, %dma_wait3A_2398] : memref<12x32x128xf32, #tpu.memory_space<vmem>> -> memref<1x32x128xf32, #tpu.memory_space<vmem>>
      %dma_wait3A_2400 = tpu.memref_squeeze %dma_wait3A_2399 : memref<1x32x128xf32, #tpu.memory_space<vmem>> -> memref<32x128xf32, #tpu.memory_space<vmem>>
      %dma_wait3A_2401 = arith.constant 0 : i32
      %dma_wait3A_2402 = arith.constant 0 : i32
      %dma_wait3A_2403 = tpu.memref_slice %arg5[%dma_wait3A_2401, %dma_wait3A_2402] : memref<32x1000000xf32, #tpu.memory_space<hbm>> -> memref<32x128xf32, #tpu.memory_space<hbm>>
      tpu.wait_dma2 semaphore(%arg18 : memref<!tpu.dma_semaphore, #tpu.memory_space<semaphore_mem>>) src(%dma_wait3A_2403 : memref<32x128xf32, #tpu.memory_space<hbm>>) dst(%dma_wait3A_2400 : memref<32x128xf32, #tpu.memory_space<vmem>>)
    } else {
    }
    %jit3A_1869 = arith.constant 1 : i32
    %jit3A_1870 = arith.constant 0 : i32
    %select_n3A_1871 = arith.select %ne3A_1865, %jit3A_1869, %jit3A_1870 : i32
    %add3A_1872 = arith.addi %add3A_1727, %select_n3A_1871 : i32
    %sub3A_1873 = arith.constant 1 : i32
    %sub3A_1874 = arith.subi %add3A_1872, %sub3A_1873 : i32
    %rem3A_1875 = arith.constant 12 : i32
    %rem3A_1876 = arith.remsi %sub3A_1874, %rem3A_1875 : i32
    %rem3A_1877 = arith.constant 509 : i32
    %rem3A_1878 = arith.constant 12 : i32
    %rem3A_1879 = arith.remsi %rem3A_1877, %rem3A_1878 : i32
    %dma_wait3A_1880 = arith.constant 0 : i32
    %dma_wait3A_1881 = arith.constant 0 : i32
    %dma_wait3A_1882 = arith.constant 0 : i32
    %dma_wait3A_1883 = tpu.memref_slice %arg14[%dma_wait3A_1880, %dma_wait3A_1881, %dma_wait3A_1882] : memref<12x32x128xf32, #tpu.memory_space<vmem>> -> memref<1x32x128xf32, #tpu.memory_space<vmem>>
    %dma_wait3A_1884 = tpu.memref_squeeze %dma_wait3A_1883 : memref<1x32x128xf32, #tpu.memory_space<vmem>> -> memref<32x128xf32, #tpu.memory_space<vmem>>
    %dma_wait3A_1885 = arith.constant 0 : i32
    %dma_wait3A_1886 = arith.constant 0 : i32
    %dma_wait3A_1887 = tpu.memref_slice %arg6[%dma_wait3A_1885, %dma_wait3A_1886] : memref<32x1000000xf32, #tpu.memory_space<hbm>> -> memref<32x128xf32, #tpu.memory_space<hbm>>
    %dma_wait3A_1888 = arith.constant 0 : i32
    %dma_wait3A_1889 = arith.constant 0 : i32
    %dma_wait3A_1890 = tpu.memref_slice %arg14[%dma_wait3A_1880, %dma_wait3A_1888, %dma_wait3A_1889] : memref<12x32x128xf32, #tpu.memory_space<vmem>> -> memref<1x32x128xf32, #tpu.memory_space<vmem>>
    %dma_wait3A_1891 = tpu.memref_squeeze %dma_wait3A_1890 : memref<1x32x128xf32, #tpu.memory_space<vmem>> -> memref<32x128xf32, #tpu.memory_space<vmem>>
    %dma_wait3A_1892 = arith.constant 0 : i32
    %dma_wait3A_1893 = arith.constant 0 : i32
    %dma_wait3A_1894 = tpu.memref_slice %arg6[%dma_wait3A_1892, %dma_wait3A_1893] : memref<32x1000000xf32, #tpu.memory_space<hbm>> -> memref<32x128xf32, #tpu.memory_space<hbm>>
    tpu.wait_dma2 semaphore(%arg19 : memref<!tpu.dma_semaphore, #tpu.memory_space<semaphore_mem>>) src(%dma_wait3A_1894 : memref<32x128xf32, #tpu.memory_space<hbm>>) dst(%dma_wait3A_1891 : memref<32x128xf32, #tpu.memory_space<vmem>>)
    %and3A_1895 = arith.constant 127 : i32
    %and3A_1896 = arith.andi %squeeze3A_1840, %and3A_1895 : i32
    %broadcast_in_dim3A_1897 = vector.broadcast %and3A_1896 : i32 to vector<16xi32>
    %and3A_1898 = arith.constant 127 : i32
    %and3A_1899 = arith.andi %squeeze3A_1862, %and3A_1898 : i32
    %broadcast_in_dim3A_1900 = vector.broadcast %and3A_1899 : i32 to vector<16xi32>
    %broadcast_in_dim3A_1901 = vector.broadcast %rem3A_1876 : i32 to vector<16xi32>
    %broadcast_in_dim3A_1902 = vector.broadcast %rem3A_1879 : i32 to vector<16xi32>
    %gather3A_1903 = tpu.vector_load_idx %arg13[%broadcast_in_dim3A_1901, %iota3A, %broadcast_in_dim3A_1897] : memref<12x32x128xf32, #tpu.memory_space<vmem>>[vector<16xi32>, vector<16xi32>, vector<16xi32>], vector<16xf32>,
    %add3A_1904 = arith.constant 16 : i32
    %add3A_1905 = vector.broadcast %add3A_1904 : i32 to vector<16xi32>
    %add3A_1906 = arith.addi %iota3A, %add3A_1905 : vector<16xi32>
    %gather3A_1907 = tpu.vector_load_idx %arg13[%broadcast_in_dim3A_1901, %add3A_1906, %broadcast_in_dim3A_1897] : memref<12x32x128xf32, #tpu.memory_space<vmem>>[vector<16xi32>, vector<16xi32>, vector<16xi32>], vector<16xf32>,
    %gather3A_1908 = tpu.vector_load_idx %arg14[%broadcast_in_dim3A_1902, %iota3A, %broadcast_in_dim3A_1900] : memref<12x32x128xf32, #tpu.memory_space<vmem>>[vector<16xi32>, vector<16xi32>, vector<16xi32>], vector<16xf32>,
    %add3A_1909 = arith.constant 16 : i32
    %add3A_1910 = vector.broadcast %add3A_1909 : i32 to vector<16xi32>
    %add3A_1911 = arith.addi %iota3A, %add3A_1910 : vector<16xi32>
    %gather3A_1912 = tpu.vector_load_idx %arg14[%broadcast_in_dim3A_1902, %add3A_1911, %broadcast_in_dim3A_1900] : memref<12x32x128xf32, #tpu.memory_space<vmem>>[vector<16xi32>, vector<16xi32>, vector<16xi32>], vector<16xf32>,
    %mul3A_1913 = arith.mulf %gather3A_1903, %gather3A_1908 : vector<16xf32>
    %mul3A_1914 = arith.mulf %gather3A_1907, %gather3A_1912 : vector<16xf32>
    %add3A_1915 = arith.addf %mul3A_1913, %mul3A_1914 : vector<16xf32>
    %xor3A_1916 = arith.constant 8 : i32
    %xor3A_1917 = vector.broadcast %xor3A_1916 : i32 to vector<16xi32>
    %xor3A_1918 = arith.xori %iota3A, %xor3A_1917 : vector<16xi32>
    %broadcast_in_dim3A_1919 = vector.shape_cast %xor3A_1918 : vector<16xi32> to vector<16x1xi32>
    %gather3A_1920 = vector.shape_cast %broadcast_in_dim3A_1919 : vector<16x1xi32> to vector<16xi32>
    %gather3A_1921 = tpu.dynamic_gather %add3A_1915[%gather3A_1920] in [0] : vector<16xf32>, vector<16xi32> -> vector<16xf32>
    %add3A_1922 = arith.addf %add3A_1915, %gather3A_1921 : vector<16xf32>
    %xor3A_1923 = arith.constant 4 : i32
    %xor3A_1924 = vector.broadcast %xor3A_1923 : i32 to vector<16xi32>
    %xor3A_1925 = arith.xori %iota3A, %xor3A_1924 : vector<16xi32>
    %broadcast_in_dim3A_1926 = vector.shape_cast %xor3A_1925 : vector<16xi32> to vector<16x1xi32>
    %gather3A_1927 = vector.shape_cast %broadcast_in_dim3A_1926 : vector<16x1xi32> to vector<16xi32>
    %gather3A_1928 = tpu.dynamic_gather %add3A_1922[%gather3A_1927] in [0] : vector<16xf32>, vector<16xi32> -> vector<16xf32>
    %add3A_1929 = arith.addf %add3A_1922, %gather3A_1928 : vector<16xf32>
    %xor3A_1930 = arith.constant 2 : i32
    %xor3A_1931 = vector.broadcast %xor3A_1930 : i32 to vector<16xi32>
    %xor3A_1932 = arith.xori %iota3A, %xor3A_1931 : vector<16xi32>
    %broadcast_in_dim3A_1933 = vector.shape_cast %xor3A_1932 : vector<16xi32> to vector<16x1xi32>
    %gather3A_1934 = vector.shape_cast %broadcast_in_dim3A_1933 : vector<16x1xi32> to vector<16xi32>
    %gather3A_1935 = tpu.dynamic_gather %add3A_1929[%gather3A_1934] in [0] : vector<16xf32>, vector<16xi32> -> vector<16xf32>
    %add3A_1936 = arith.addf %add3A_1929, %gather3A_1935 : vector<16xf32>
    %xor3A_1937 = arith.constant 1 : i32
    %xor3A_1938 = vector.broadcast %xor3A_1937 : i32 to vector<16xi32>
    %xor3A_1939 = arith.xori %iota3A, %xor3A_1938 : vector<16xi32>
    %broadcast_in_dim3A_1940 = vector.shape_cast %xor3A_1939 : vector<16xi32> to vector<16x1xi32>
    %gather3A_1941 = vector.shape_cast %broadcast_in_dim3A_1940 : vector<16x1xi32> to vector<16xi32>
    %gather3A_1942 = tpu.dynamic_gather %add3A_1936[%gather3A_1941] in [0] : vector<16xf32>, vector<16xi32> -> vector<16xf32>
    %add3A_1943 = arith.addf %add3A_1936, %gather3A_1942 : vector<16xf32>
    %and3A_1944 = arith.constant 509 : i32
    %and3A_1945 = arith.constant 15 : i32
    %and3A_1946 = arith.andi %and3A_1944, %and3A_1945 : i32
    %eq3A_1947 = vector.broadcast %and3A_1946 : i32 to vector<16xi32>
    %eq3A_1948 = arith.cmpi eq, %iota3A, %eq3A_1947 : vector<16xi32>
    %jit3A_1949 = arith.constant 0.000000e+00 : f32
    %broadcast_in_dim3A_1950 = vector.broadcast %jit3A_1949 : f32 to vector<16xf32>
    %select_n3A_1951 = arith.select %eq3A_1948, %add3A_1943, %broadcast_in_dim3A_1950 : vector<16xi1>, vector<16xf32>
    %add3A_1952 = arith.addf %select_n3A_1818, %select_n3A_1951 : vector<16xf32>
    %eq3A_1953 = arith.constant 15 : i32
    %eq3A_1954 = arith.cmpi eq, %and3A_1946, %eq3A_1953 : i32
    %convert_element_type3A_1955 = arith.extui %eq3A_1954 : i1 to i32
    %cond3A_1956 = arith.constant 509 : i32
    %cond3A_1957 = arith.constant 0 : i32
    %cond3A_1958 = arith.cmpi ne, %convert_element_type3A_1955, %cond3A_1957 : i32
    scf.if %cond3A_1958 {
      %shift_right_arithmetic3A_2389 = arith.constant 4 : i32
      %shift_right_arithmetic3A_2390 = arith.shrsi %cond3A_1956, %shift_right_arithmetic3A_2389 : i32
      %mul3A_2391 = arith.constant 16 : i32
      %mul3A_2392 = arith.muli %shift_right_arithmetic3A_2390, %mul3A_2391 : i32
      %swap3A = arith.index_cast %mul3A_2392 : i32 to index
      %swap3A_2393 = tpu.vector_load %arg17[%swap3A] {strides = array<i32>} : memref<512xf32, #tpu.memory_space<vmem>>, vector<16xf32>,
      tpu.vector_store %arg17[%swap3A], %add3A_1952 {strides = array<i32>} : memref<512xf32, #tpu.memory_space<vmem>>, vector<16xf32>,
    } else {
    }
    %eq3A_1959 = arith.constant 15 : i32
    %eq3A_1960 = arith.cmpi eq, %and3A_1946, %eq3A_1959 : i32
    %jit3A_1961 = arith.constant 0.000000e+00 : f32
    %broadcast_in_dim3A_1962 = vector.broadcast %jit3A_1961 : f32 to vector<16xf32>
    %select_n3A_1963 = arith.select %eq3A_1960, %broadcast_in_dim3A_1962, %add3A_1952 : vector<16xf32>
    %shift_right_arithmetic3A_1964 = arith.constant 510 : i32
    %shift_right_arithmetic3A_1965 = arith.constant 7 : i32
    %shift_right_arithmetic3A_1966 = arith.shrsi %shift_right_arithmetic3A_1964, %shift_right_arithmetic3A_1965 : i32
    %shift_right_arithmetic3A_1967 = arith.constant 510 : i32
    %shift_right_arithmetic3A_1968 = arith.constant 4 : i32
    %shift_right_arithmetic3A_1969 = arith.shrsi %shift_right_arithmetic3A_1967, %shift_right_arithmetic3A_1968 : i32
    %and3A_1970 = arith.constant 7 : i32
    %and3A_1971 = arith.andi %shift_right_arithmetic3A_1969, %and3A_1970 : i32
    %mul3A_1972 = arith.constant 16 : i32
    %mul3A_1973 = arith.muli %and3A_1971, %mul3A_1972 : i32
    %get3A_1974 = arith.index_cast %shift_right_arithmetic3A_1966 : i32 to index
    %get3A_1975 = arith.index_cast %mul3A_1973 : i32 to index
    %get3A_1976 = tpu.vector_load %arg10[%get3A_1974, %get3A_1975] {strides = array<i32>} : memref<4x128xi32, #tpu.memory_space<vmem>>, vector<16xi32>,
    %and3A_1977 = arith.constant 510 : i32
    %and3A_1978 = arith.constant 15 : i32
    %and3A_1979 = arith.andi %and3A_1977, %and3A_1978 : i32
    %broadcast_in_dim3A_1980 = vector.broadcast %and3A_1979 : i32 to vector<16xi32>
    %broadcast_in_dim3A_1981 = vector.shape_cast %broadcast_in_dim3A_1980 : vector<16xi32> to vector<16x1xi32>
    %gather3A_1982 = vector.shape_cast %broadcast_in_dim3A_1981 : vector<16x1xi32> to vector<16xi32>
    %gather3A_1983 = tpu.dynamic_gather %get3A_1976[%gather3A_1982] in [0] : vector<16xi32>, vector<16xi32> -> vector<16xi32>
    %slice3A_1984 = vector.extract_strided_slice %gather3A_1983 {offsets = [0], sizes = [1], strides = [1]} : vector<16xi32> to vector<1xi32>
    %squeeze3A_1985 = vector.extract %slice3A_1984[0] : i32 from vector<1xi32>
    %shift_right_arithmetic3A_1986 = arith.constant 510 : i32
    %shift_right_arithmetic3A_1987 = arith.constant 7 : i32
    %shift_right_arithmetic3A_1988 = arith.shrsi %shift_right_arithmetic3A_1986, %shift_right_arithmetic3A_1987 : i32
    %shift_right_arithmetic3A_1989 = arith.constant 510 : i32
    %shift_right_arithmetic3A_1990 = arith.constant 4 : i32
    %shift_right_arithmetic3A_1991 = arith.shrsi %shift_right_arithmetic3A_1989, %shift_right_arithmetic3A_1990 : i32
    %and3A_1992 = arith.constant 7 : i32
    %and3A_1993 = arith.andi %shift_right_arithmetic3A_1991, %and3A_1992 : i32
    %mul3A_1994 = arith.constant 16 : i32
    %mul3A_1995 = arith.muli %and3A_1993, %mul3A_1994 : i32
    %get3A_1996 = arith.index_cast %shift_right_arithmetic3A_1988 : i32 to index
    %get3A_1997 = arith.index_cast %mul3A_1995 : i32 to index
    %get3A_1998 = tpu.vector_load %arg11[%get3A_1996, %get3A_1997] {strides = array<i32>} : memref<4x128xi32, #tpu.memory_space<vmem>>, vector<16xi32>,
    %and3A_1999 = arith.constant 510 : i32
    %and3A_2000 = arith.constant 15 : i32
    %and3A_2001 = arith.andi %and3A_1999, %and3A_2000 : i32
    %broadcast_in_dim3A_2002 = vector.broadcast %and3A_2001 : i32 to vector<16xi32>
    %broadcast_in_dim3A_2003 = vector.shape_cast %broadcast_in_dim3A_2002 : vector<16xi32> to vector<16x1xi32>
    %gather3A_2004 = vector.shape_cast %broadcast_in_dim3A_2003 : vector<16x1xi32> to vector<16xi32>
    %gather3A_2005 = tpu.dynamic_gather %get3A_1998[%gather3A_2004] in [0] : vector<16xi32>, vector<16xi32> -> vector<16xi32>
    %slice3A_2006 = vector.extract_strided_slice %gather3A_2005 {offsets = [0], sizes = [1], strides = [1]} : vector<16xi32> to vector<1xi32>
    %squeeze3A_2007 = vector.extract %slice3A_2006[0] : i32 from vector<1xi32>
    %shift_right_arithmetic3A_2008 = arith.constant 7 : i32
    %shift_right_arithmetic3A_2009 = arith.shrsi %squeeze3A_1985, %shift_right_arithmetic3A_2008 : i32
    %ne3A_2010 = arith.cmpi ne, %shift_right_arithmetic3A_2009, %shift_right_arithmetic3A_1864 : i32
    %convert_element_type3A_2011 = arith.extui %ne3A_2010 : i1 to i32
    %cond3A_2012 = arith.constant 0 : i32
    %cond3A_2013 = arith.cmpi ne, %convert_element_type3A_2011, %cond3A_2012 : i32
    scf.if %cond3A_2013 {
      %dma_wait3A_2389 = arith.constant 0 : i32
      %dma_wait3A_2390 = arith.constant 0 : i32
      %dma_wait3A_2391 = arith.constant 0 : i32
      %dma_wait3A_2392 = tpu.memref_slice %arg13[%dma_wait3A_2389, %dma_wait3A_2390, %dma_wait3A_2391] : memref<12x32x128xf32, #tpu.memory_space<vmem>> -> memref<1x32x128xf32, #tpu.memory_space<vmem>>
      %dma_wait3A_2393 = tpu.memref_squeeze %dma_wait3A_2392 : memref<1x32x128xf32, #tpu.memory_space<vmem>> -> memref<32x128xf32, #tpu.memory_space<vmem>>
      %dma_wait3A_2394 = arith.constant 0 : i32
      %dma_wait3A_2395 = arith.constant 0 : i32
      %dma_wait3A_2396 = tpu.memref_slice %arg5[%dma_wait3A_2394, %dma_wait3A_2395] : memref<32x1000000xf32, #tpu.memory_space<hbm>> -> memref<32x128xf32, #tpu.memory_space<hbm>>
      %dma_wait3A_2397 = arith.constant 0 : i32
      %dma_wait3A_2398 = arith.constant 0 : i32
      %dma_wait3A_2399 = tpu.memref_slice %arg13[%dma_wait3A_2389, %dma_wait3A_2397, %dma_wait3A_2398] : memref<12x32x128xf32, #tpu.memory_space<vmem>> -> memref<1x32x128xf32, #tpu.memory_space<vmem>>
      %dma_wait3A_2400 = tpu.memref_squeeze %dma_wait3A_2399 : memref<1x32x128xf32, #tpu.memory_space<vmem>> -> memref<32x128xf32, #tpu.memory_space<vmem>>
      %dma_wait3A_2401 = arith.constant 0 : i32
      %dma_wait3A_2402 = arith.constant 0 : i32
      %dma_wait3A_2403 = tpu.memref_slice %arg5[%dma_wait3A_2401, %dma_wait3A_2402] : memref<32x1000000xf32, #tpu.memory_space<hbm>> -> memref<32x128xf32, #tpu.memory_space<hbm>>
      tpu.wait_dma2 semaphore(%arg18 : memref<!tpu.dma_semaphore, #tpu.memory_space<semaphore_mem>>) src(%dma_wait3A_2403 : memref<32x128xf32, #tpu.memory_space<hbm>>) dst(%dma_wait3A_2400 : memref<32x128xf32, #tpu.memory_space<vmem>>)
    } else {
    }
    %jit3A_2014 = arith.constant 1 : i32
    %jit3A_2015 = arith.constant 0 : i32
    %select_n3A_2016 = arith.select %ne3A_2010, %jit3A_2014, %jit3A_2015 : i32
    %add3A_2017 = arith.addi %add3A_1872, %select_n3A_2016 : i32
    %sub3A_2018 = arith.constant 1 : i32
    %sub3A_2019 = arith.subi %add3A_2017, %sub3A_2018 : i32
    %rem3A_2020 = arith.constant 12 : i32
    %rem3A_2021 = arith.remsi %sub3A_2019, %rem3A_2020 : i32
    %rem3A_2022 = arith.constant 510 : i32
    %rem3A_2023 = arith.constant 12 : i32
    %rem3A_2024 = arith.remsi %rem3A_2022, %rem3A_2023 : i32
    %dma_wait3A_2025 = arith.constant 0 : i32
    %dma_wait3A_2026 = arith.constant 0 : i32
    %dma_wait3A_2027 = arith.constant 0 : i32
    %dma_wait3A_2028 = tpu.memref_slice %arg14[%dma_wait3A_2025, %dma_wait3A_2026, %dma_wait3A_2027] : memref<12x32x128xf32, #tpu.memory_space<vmem>> -> memref<1x32x128xf32, #tpu.memory_space<vmem>>
    %dma_wait3A_2029 = tpu.memref_squeeze %dma_wait3A_2028 : memref<1x32x128xf32, #tpu.memory_space<vmem>> -> memref<32x128xf32, #tpu.memory_space<vmem>>
    %dma_wait3A_2030 = arith.constant 0 : i32
    %dma_wait3A_2031 = arith.constant 0 : i32
    %dma_wait3A_2032 = tpu.memref_slice %arg6[%dma_wait3A_2030, %dma_wait3A_2031] : memref<32x1000000xf32, #tpu.memory_space<hbm>> -> memref<32x128xf32, #tpu.memory_space<hbm>>
    %dma_wait3A_2033 = arith.constant 0 : i32
    %dma_wait3A_2034 = arith.constant 0 : i32
    %dma_wait3A_2035 = tpu.memref_slice %arg14[%dma_wait3A_2025, %dma_wait3A_2033, %dma_wait3A_2034] : memref<12x32x128xf32, #tpu.memory_space<vmem>> -> memref<1x32x128xf32, #tpu.memory_space<vmem>>
    %dma_wait3A_2036 = tpu.memref_squeeze %dma_wait3A_2035 : memref<1x32x128xf32, #tpu.memory_space<vmem>> -> memref<32x128xf32, #tpu.memory_space<vmem>>
    %dma_wait3A_2037 = arith.constant 0 : i32
    %dma_wait3A_2038 = arith.constant 0 : i32
    %dma_wait3A_2039 = tpu.memref_slice %arg6[%dma_wait3A_2037, %dma_wait3A_2038] : memref<32x1000000xf32, #tpu.memory_space<hbm>> -> memref<32x128xf32, #tpu.memory_space<hbm>>
    tpu.wait_dma2 semaphore(%arg19 : memref<!tpu.dma_semaphore, #tpu.memory_space<semaphore_mem>>) src(%dma_wait3A_2039 : memref<32x128xf32, #tpu.memory_space<hbm>>) dst(%dma_wait3A_2036 : memref<32x128xf32, #tpu.memory_space<vmem>>)
    %and3A_2040 = arith.constant 127 : i32
    %and3A_2041 = arith.andi %squeeze3A_1985, %and3A_2040 : i32
    %broadcast_in_dim3A_2042 = vector.broadcast %and3A_2041 : i32 to vector<16xi32>
    %and3A_2043 = arith.constant 127 : i32
    %and3A_2044 = arith.andi %squeeze3A_2007, %and3A_2043 : i32
    %broadcast_in_dim3A_2045 = vector.broadcast %and3A_2044 : i32 to vector<16xi32>
    %broadcast_in_dim3A_2046 = vector.broadcast %rem3A_2021 : i32 to vector<16xi32>
    %broadcast_in_dim3A_2047 = vector.broadcast %rem3A_2024 : i32 to vector<16xi32>
    %gather3A_2048 = tpu.vector_load_idx %arg13[%broadcast_in_dim3A_2046, %iota3A, %broadcast_in_dim3A_2042] : memref<12x32x128xf32, #tpu.memory_space<vmem>>[vector<16xi32>, vector<16xi32>, vector<16xi32>], vector<16xf32>,
    %add3A_2049 = arith.constant 16 : i32
    %add3A_2050 = vector.broadcast %add3A_2049 : i32 to vector<16xi32>
    %add3A_2051 = arith.addi %iota3A, %add3A_2050 : vector<16xi32>
    %gather3A_2052 = tpu.vector_load_idx %arg13[%broadcast_in_dim3A_2046, %add3A_2051, %broadcast_in_dim3A_2042] : memref<12x32x128xf32, #tpu.memory_space<vmem>>[vector<16xi32>, vector<16xi32>, vector<16xi32>], vector<16xf32>,
    %gather3A_2053 = tpu.vector_load_idx %arg14[%broadcast_in_dim3A_2047, %iota3A, %broadcast_in_dim3A_2045] : memref<12x32x128xf32, #tpu.memory_space<vmem>>[vector<16xi32>, vector<16xi32>, vector<16xi32>], vector<16xf32>,
    %add3A_2054 = arith.constant 16 : i32
    %add3A_2055 = vector.broadcast %add3A_2054 : i32 to vector<16xi32>
    %add3A_2056 = arith.addi %iota3A, %add3A_2055 : vector<16xi32>
    %gather3A_2057 = tpu.vector_load_idx %arg14[%broadcast_in_dim3A_2047, %add3A_2056, %broadcast_in_dim3A_2045] : memref<12x32x128xf32, #tpu.memory_space<vmem>>[vector<16xi32>, vector<16xi32>, vector<16xi32>], vector<16xf32>,
    %mul3A_2058 = arith.mulf %gather3A_2048, %gather3A_2053 : vector<16xf32>
    %mul3A_2059 = arith.mulf %gather3A_2052, %gather3A_2057 : vector<16xf32>
    %add3A_2060 = arith.addf %mul3A_2058, %mul3A_2059 : vector<16xf32>
    %xor3A_2061 = arith.constant 8 : i32
    %xor3A_2062 = vector.broadcast %xor3A_2061 : i32 to vector<16xi32>
    %xor3A_2063 = arith.xori %iota3A, %xor3A_2062 : vector<16xi32>
    %broadcast_in_dim3A_2064 = vector.shape_cast %xor3A_2063 : vector<16xi32> to vector<16x1xi32>
    %gather3A_2065 = vector.shape_cast %broadcast_in_dim3A_2064 : vector<16x1xi32> to vector<16xi32>
    %gather3A_2066 = tpu.dynamic_gather %add3A_2060[%gather3A_2065] in [0] : vector<16xf32>, vector<16xi32> -> vector<16xf32>
    %add3A_2067 = arith.addf %add3A_2060, %gather3A_2066 : vector<16xf32>
    %xor3A_2068 = arith.constant 4 : i32
    %xor3A_2069 = vector.broadcast %xor3A_2068 : i32 to vector<16xi32>
    %xor3A_2070 = arith.xori %iota3A, %xor3A_2069 : vector<16xi32>
    %broadcast_in_dim3A_2071 = vector.shape_cast %xor3A_2070 : vector<16xi32> to vector<16x1xi32>
    %gather3A_2072 = vector.shape_cast %broadcast_in_dim3A_2071 : vector<16x1xi32> to vector<16xi32>
    %gather3A_2073 = tpu.dynamic_gather %add3A_2067[%gather3A_2072] in [0] : vector<16xf32>, vector<16xi32> -> vector<16xf32>
    %add3A_2074 = arith.addf %add3A_2067, %gather3A_2073 : vector<16xf32>
    %xor3A_2075 = arith.constant 2 : i32
    %xor3A_2076 = vector.broadcast %xor3A_2075 : i32 to vector<16xi32>
    %xor3A_2077 = arith.xori %iota3A, %xor3A_2076 : vector<16xi32>
    %broadcast_in_dim3A_2078 = vector.shape_cast %xor3A_2077 : vector<16xi32> to vector<16x1xi32>
    %gather3A_2079 = vector.shape_cast %broadcast_in_dim3A_2078 : vector<16x1xi32> to vector<16xi32>
    %gather3A_2080 = tpu.dynamic_gather %add3A_2074[%gather3A_2079] in [0] : vector<16xf32>, vector<16xi32> -> vector<16xf32>
    %add3A_2081 = arith.addf %add3A_2074, %gather3A_2080 : vector<16xf32>
    %xor3A_2082 = arith.constant 1 : i32
    %xor3A_2083 = vector.broadcast %xor3A_2082 : i32 to vector<16xi32>
    %xor3A_2084 = arith.xori %iota3A, %xor3A_2083 : vector<16xi32>
    %broadcast_in_dim3A_2085 = vector.shape_cast %xor3A_2084 : vector<16xi32> to vector<16x1xi32>
    %gather3A_2086 = vector.shape_cast %broadcast_in_dim3A_2085 : vector<16x1xi32> to vector<16xi32>
    %gather3A_2087 = tpu.dynamic_gather %add3A_2081[%gather3A_2086] in [0] : vector<16xf32>, vector<16xi32> -> vector<16xf32>
    %add3A_2088 = arith.addf %add3A_2081, %gather3A_2087 : vector<16xf32>
    %and3A_2089 = arith.constant 510 : i32
    %and3A_2090 = arith.constant 15 : i32
    %and3A_2091 = arith.andi %and3A_2089, %and3A_2090 : i32
    %eq3A_2092 = vector.broadcast %and3A_2091 : i32 to vector<16xi32>
    %eq3A_2093 = arith.cmpi eq, %iota3A, %eq3A_2092 : vector<16xi32>
    %jit3A_2094 = arith.constant 0.000000e+00 : f32
    %broadcast_in_dim3A_2095 = vector.broadcast %jit3A_2094 : f32 to vector<16xf32>
    %select_n3A_2096 = arith.select %eq3A_2093, %add3A_2088, %broadcast_in_dim3A_2095 : vector<16xi1>, vector<16xf32>
    %add3A_2097 = arith.addf %select_n3A_1963, %select_n3A_2096 : vector<16xf32>
    %eq3A_2098 = arith.constant 15 : i32
    %eq3A_2099 = arith.cmpi eq, %and3A_2091, %eq3A_2098 : i32
    %convert_element_type3A_2100 = arith.extui %eq3A_2099 : i1 to i32
    %cond3A_2101 = arith.constant 510 : i32
    %cond3A_2102 = arith.constant 0 : i32
    %cond3A_2103 = arith.cmpi ne, %convert_element_type3A_2100, %cond3A_2102 : i32
    scf.if %cond3A_2103 {
      %shift_right_arithmetic3A_2389 = arith.constant 4 : i32
      %shift_right_arithmetic3A_2390 = arith.shrsi %cond3A_2101, %shift_right_arithmetic3A_2389 : i32
      %mul3A_2391 = arith.constant 16 : i32
      %mul3A_2392 = arith.muli %shift_right_arithmetic3A_2390, %mul3A_2391 : i32
      %swap3A = arith.index_cast %mul3A_2392 : i32 to index
      %swap3A_2393 = tpu.vector_load %arg17[%swap3A] {strides = array<i32>} : memref<512xf32, #tpu.memory_space<vmem>>, vector<16xf32>,
      tpu.vector_store %arg17[%swap3A], %add3A_2097 {strides = array<i32>} : memref<512xf32, #tpu.memory_space<vmem>>, vector<16xf32>,
    } else {
    }
    %eq3A_2104 = arith.constant 15 : i32
    %eq3A_2105 = arith.cmpi eq, %and3A_2091, %eq3A_2104 : i32
    %jit3A_2106 = arith.constant 0.000000e+00 : f32
    %broadcast_in_dim3A_2107 = vector.broadcast %jit3A_2106 : f32 to vector<16xf32>
    %select_n3A_2108 = arith.select %eq3A_2105, %broadcast_in_dim3A_2107, %add3A_2097 : vector<16xf32>
    %shift_right_arithmetic3A_2109 = arith.constant 511 : i32
    %shift_right_arithmetic3A_2110 = arith.constant 7 : i32
    %shift_right_arithmetic3A_2111 = arith.shrsi %shift_right_arithmetic3A_2109, %shift_right_arithmetic3A_2110 : i32
    %shift_right_arithmetic3A_2112 = arith.constant 511 : i32
    %shift_right_arithmetic3A_2113 = arith.constant 4 : i32
    %shift_right_arithmetic3A_2114 = arith.shrsi %shift_right_arithmetic3A_2112, %shift_right_arithmetic3A_2113 : i32
    %and3A_2115 = arith.constant 7 : i32
    %and3A_2116 = arith.andi %shift_right_arithmetic3A_2114, %and3A_2115 : i32
    %mul3A_2117 = arith.constant 16 : i32
    %mul3A_2118 = arith.muli %and3A_2116, %mul3A_2117 : i32
    %get3A_2119 = arith.index_cast %shift_right_arithmetic3A_2111 : i32 to index
    %get3A_2120 = arith.index_cast %mul3A_2118 : i32 to index
    %get3A_2121 = tpu.vector_load %arg10[%get3A_2119, %get3A_2120] {strides = array<i32>} : memref<4x128xi32, #tpu.memory_space<vmem>>, vector<16xi32>,
    %and3A_2122 = arith.constant 511 : i32
    %and3A_2123 = arith.constant 15 : i32
    %and3A_2124 = arith.andi %and3A_2122, %and3A_2123 : i32
    %broadcast_in_dim3A_2125 = vector.broadcast %and3A_2124 : i32 to vector<16xi32>
    %broadcast_in_dim3A_2126 = vector.shape_cast %broadcast_in_dim3A_2125 : vector<16xi32> to vector<16x1xi32>
    %gather3A_2127 = vector.shape_cast %broadcast_in_dim3A_2126 : vector<16x1xi32> to vector<16xi32>
    %gather3A_2128 = tpu.dynamic_gather %get3A_2121[%gather3A_2127] in [0] : vector<16xi32>, vector<16xi32> -> vector<16xi32>
    %slice3A_2129 = vector.extract_strided_slice %gather3A_2128 {offsets = [0], sizes = [1], strides = [1]} : vector<16xi32> to vector<1xi32>
    %squeeze3A_2130 = vector.extract %slice3A_2129[0] : i32 from vector<1xi32>
    %shift_right_arithmetic3A_2131 = arith.constant 511 : i32
    %shift_right_arithmetic3A_2132 = arith.constant 7 : i32
    %shift_right_arithmetic3A_2133 = arith.shrsi %shift_right_arithmetic3A_2131, %shift_right_arithmetic3A_2132 : i32
    %shift_right_arithmetic3A_2134 = arith.constant 511 : i32
    %shift_right_arithmetic3A_2135 = arith.constant 4 : i32
    %shift_right_arithmetic3A_2136 = arith.shrsi %shift_right_arithmetic3A_2134, %shift_right_arithmetic3A_2135 : i32
    %and3A_2137 = arith.constant 7 : i32
    %and3A_2138 = arith.andi %shift_right_arithmetic3A_2136, %and3A_2137 : i32
    %mul3A_2139 = arith.constant 16 : i32
    %mul3A_2140 = arith.muli %and3A_2138, %mul3A_2139 : i32
    %get3A_2141 = arith.index_cast %shift_right_arithmetic3A_2133 : i32 to index
    %get3A_2142 = arith.index_cast %mul3A_2140 : i32 to index
    %get3A_2143 = tpu.vector_load %arg11[%get3A_2141, %get3A_2142] {strides = array<i32>} : memref<4x128xi32, #tpu.memory_space<vmem>>, vector<16xi32>,
    %and3A_2144 = arith.constant 511 : i32
    %and3A_2145 = arith.constant 15 : i32
    %and3A_2146 = arith.andi %and3A_2144, %and3A_2145 : i32
    %broadcast_in_dim3A_2147 = vector.broadcast %and3A_2146 : i32 to vector<16xi32>
    %broadcast_in_dim3A_2148 = vector.shape_cast %broadcast_in_dim3A_2147 : vector<16xi32> to vector<16x1xi32>
    %gather3A_2149 = vector.shape_cast %broadcast_in_dim3A_2148 : vector<16x1xi32> to vector<16xi32>
    %gather3A_2150 = tpu.dynamic_gather %get3A_2143[%gather3A_2149] in [0] : vector<16xi32>, vector<16xi32> -> vector<16xi32>
    %slice3A_2151 = vector.extract_strided_slice %gather3A_2150 {offsets = [0], sizes = [1], strides = [1]} : vector<16xi32> to vector<1xi32>
    %squeeze3A_2152 = vector.extract %slice3A_2151[0] : i32 from vector<1xi32>
    %shift_right_arithmetic3A_2153 = arith.constant 7 : i32
    %shift_right_arithmetic3A_2154 = arith.shrsi %squeeze3A_2130, %shift_right_arithmetic3A_2153 : i32
    %ne3A_2155 = arith.cmpi ne, %shift_right_arithmetic3A_2154, %shift_right_arithmetic3A_2009 : i32
    %convert_element_type3A_2156 = arith.extui %ne3A_2155 : i1 to i32
    %cond3A_2157 = arith.constant 0 : i32
    %cond3A_2158 = arith.cmpi ne, %convert_element_type3A_2156, %cond3A_2157 : i32
    scf.if %cond3A_2158 {
      %dma_wait3A_2389 = arith.constant 0 : i32
      %dma_wait3A_2390 = arith.constant 0 : i32
      %dma_wait3A_2391 = arith.constant 0 : i32
      %dma_wait3A_2392 = tpu.memref_slice %arg13[%dma_wait3A_2389, %dma_wait3A_2390, %dma_wait3A_2391] : memref<12x32x128xf32, #tpu.memory_space<vmem>> -> memref<1x32x128xf32, #tpu.memory_space<vmem>>
      %dma_wait3A_2393 = tpu.memref_squeeze %dma_wait3A_2392 : memref<1x32x128xf32, #tpu.memory_space<vmem>> -> memref<32x128xf32, #tpu.memory_space<vmem>>
      %dma_wait3A_2394 = arith.constant 0 : i32
      %dma_wait3A_2395 = arith.constant 0 : i32
      %dma_wait3A_2396 = tpu.memref_slice %arg5[%dma_wait3A_2394, %dma_wait3A_2395] : memref<32x1000000xf32, #tpu.memory_space<hbm>> -> memref<32x128xf32, #tpu.memory_space<hbm>>
      %dma_wait3A_2397 = arith.constant 0 : i32
      %dma_wait3A_2398 = arith.constant 0 : i32
      %dma_wait3A_2399 = tpu.memref_slice %arg13[%dma_wait3A_2389, %dma_wait3A_2397, %dma_wait3A_2398] : memref<12x32x128xf32, #tpu.memory_space<vmem>> -> memref<1x32x128xf32, #tpu.memory_space<vmem>>
      %dma_wait3A_2400 = tpu.memref_squeeze %dma_wait3A_2399 : memref<1x32x128xf32, #tpu.memory_space<vmem>> -> memref<32x128xf32, #tpu.memory_space<vmem>>
      %dma_wait3A_2401 = arith.constant 0 : i32
      %dma_wait3A_2402 = arith.constant 0 : i32
      %dma_wait3A_2403 = tpu.memref_slice %arg5[%dma_wait3A_2401, %dma_wait3A_2402] : memref<32x1000000xf32, #tpu.memory_space<hbm>> -> memref<32x128xf32, #tpu.memory_space<hbm>>
      tpu.wait_dma2 semaphore(%arg18 : memref<!tpu.dma_semaphore, #tpu.memory_space<semaphore_mem>>) src(%dma_wait3A_2403 : memref<32x128xf32, #tpu.memory_space<hbm>>) dst(%dma_wait3A_2400 : memref<32x128xf32, #tpu.memory_space<vmem>>)
    } else {
    }
    %jit3A_2159 = arith.constant 1 : i32
    %jit3A_2160 = arith.constant 0 : i32
    %select_n3A_2161 = arith.select %ne3A_2155, %jit3A_2159, %jit3A_2160 : i32
    %add3A_2162 = arith.addi %add3A_2017, %select_n3A_2161 : i32
    %sub3A_2163 = arith.constant 1 : i32
    %sub3A_2164 = arith.subi %add3A_2162, %sub3A_2163 : i32
    %rem3A_2165 = arith.constant 12 : i32
    %rem3A_2166 = arith.remsi %sub3A_2164, %rem3A_2165 : i32
    %rem3A_2167 = arith.constant 511 : i32
    %rem3A_2168 = arith.constant 12 : i32
    %rem3A_2169 = arith.remsi %rem3A_2167, %rem3A_2168 : i32
    %dma_wait3A_2170 = arith.constant 0 : i32
    %dma_wait3A_2171 = arith.constant 0 : i32
    %dma_wait3A_2172 = arith.constant 0 : i32
    %dma_wait3A_2173 = tpu.memref_slice %arg14[%dma_wait3A_2170, %dma_wait3A_2171, %dma_wait3A_2172] : memref<12x32x128xf32, #tpu.memory_space<vmem>> -> memref<1x32x128xf32, #tpu.memory_space<vmem>>
    %dma_wait3A_2174 = tpu.memref_squeeze %dma_wait3A_2173 : memref<1x32x128xf32, #tpu.memory_space<vmem>> -> memref<32x128xf32, #tpu.memory_space<vmem>>
    %dma_wait3A_2175 = arith.constant 0 : i32
    %dma_wait3A_2176 = arith.constant 0 : i32
    %dma_wait3A_2177 = tpu.memref_slice %arg6[%dma_wait3A_2175, %dma_wait3A_2176] : memref<32x1000000xf32, #tpu.memory_space<hbm>> -> memref<32x128xf32, #tpu.memory_space<hbm>>
    %dma_wait3A_2178 = arith.constant 0 : i32
    %dma_wait3A_2179 = arith.constant 0 : i32
    %dma_wait3A_2180 = tpu.memref_slice %arg14[%dma_wait3A_2170, %dma_wait3A_2178, %dma_wait3A_2179] : memref<12x32x128xf32, #tpu.memory_space<vmem>> -> memref<1x32x128xf32, #tpu.memory_space<vmem>>
    %dma_wait3A_2181 = tpu.memref_squeeze %dma_wait3A_2180 : memref<1x32x128xf32, #tpu.memory_space<vmem>> -> memref<32x128xf32, #tpu.memory_space<vmem>>
    %dma_wait3A_2182 = arith.constant 0 : i32
    %dma_wait3A_2183 = arith.constant 0 : i32
    %dma_wait3A_2184 = tpu.memref_slice %arg6[%dma_wait3A_2182, %dma_wait3A_2183] : memref<32x1000000xf32, #tpu.memory_space<hbm>> -> memref<32x128xf32, #tpu.memory_space<hbm>>
    tpu.wait_dma2 semaphore(%arg19 : memref<!tpu.dma_semaphore, #tpu.memory_space<semaphore_mem>>) src(%dma_wait3A_2184 : memref<32x128xf32, #tpu.memory_space<hbm>>) dst(%dma_wait3A_2181 : memref<32x128xf32, #tpu.memory_space<vmem>>)
    %and3A_2185 = arith.constant 127 : i32
    %and3A_2186 = arith.andi %squeeze3A_2130, %and3A_2185 : i32
    %broadcast_in_dim3A_2187 = vector.broadcast %and3A_2186 : i32 to vector<16xi32>
    %and3A_2188 = arith.constant 127 : i32
    %and3A_2189 = arith.andi %squeeze3A_2152, %and3A_2188 : i32
    %broadcast_in_dim3A_2190 = vector.broadcast %and3A_2189 : i32 to vector<16xi32>
    %broadcast_in_dim3A_2191 = vector.broadcast %rem3A_2166 : i32 to vector<16xi32>
    %broadcast_in_dim3A_2192 = vector.broadcast %rem3A_2169 : i32 to vector<16xi32>
    %gather3A_2193 = tpu.vector_load_idx %arg13[%broadcast_in_dim3A_2191, %iota3A, %broadcast_in_dim3A_2187] : memref<12x32x128xf32, #tpu.memory_space<vmem>>[vector<16xi32>, vector<16xi32>, vector<16xi32>], vector<16xf32>,
    %add3A_2194 = arith.constant 16 : i32
    %add3A_2195 = vector.broadcast %add3A_2194 : i32 to vector<16xi32>
    %add3A_2196 = arith.addi %iota3A, %add3A_2195 : vector<16xi32>
    %gather3A_2197 = tpu.vector_load_idx %arg13[%broadcast_in_dim3A_2191, %add3A_2196, %broadcast_in_dim3A_2187] : memref<12x32x128xf32, #tpu.memory_space<vmem>>[vector<16xi32>, vector<16xi32>, vector<16xi32>], vector<16xf32>,
    %gather3A_2198 = tpu.vector_load_idx %arg14[%broadcast_in_dim3A_2192, %iota3A, %broadcast_in_dim3A_2190] : memref<12x32x128xf32, #tpu.memory_space<vmem>>[vector<16xi32>, vector<16xi32>, vector<16xi32>], vector<16xf32>,
    %add3A_2199 = arith.constant 16 : i32
    %add3A_2200 = vector.broadcast %add3A_2199 : i32 to vector<16xi32>
    %add3A_2201 = arith.addi %iota3A, %add3A_2200 : vector<16xi32>
    %gather3A_2202 = tpu.vector_load_idx %arg14[%broadcast_in_dim3A_2192, %add3A_2201, %broadcast_in_dim3A_2190] : memref<12x32x128xf32, #tpu.memory_space<vmem>>[vector<16xi32>, vector<16xi32>, vector<16xi32>], vector<16xf32>,
    %mul3A_2203 = arith.mulf %gather3A_2193, %gather3A_2198 : vector<16xf32>
    %mul3A_2204 = arith.mulf %gather3A_2197, %gather3A_2202 : vector<16xf32>
    %add3A_2205 = arith.addf %mul3A_2203, %mul3A_2204 : vector<16xf32>
    %xor3A_2206 = arith.constant 8 : i32
    %xor3A_2207 = vector.broadcast %xor3A_2206 : i32 to vector<16xi32>
    %xor3A_2208 = arith.xori %iota3A, %xor3A_2207 : vector<16xi32>
    %broadcast_in_dim3A_2209 = vector.shape_cast %xor3A_2208 : vector<16xi32> to vector<16x1xi32>
    %gather3A_2210 = vector.shape_cast %broadcast_in_dim3A_2209 : vector<16x1xi32> to vector<16xi32>
    %gather3A_2211 = tpu.dynamic_gather %add3A_2205[%gather3A_2210] in [0] : vector<16xf32>, vector<16xi32> -> vector<16xf32>
    %add3A_2212 = arith.addf %add3A_2205, %gather3A_2211 : vector<16xf32>
    %xor3A_2213 = arith.constant 4 : i32
    %xor3A_2214 = vector.broadcast %xor3A_2213 : i32 to vector<16xi32>
    %xor3A_2215 = arith.xori %iota3A, %xor3A_2214 : vector<16xi32>
    %broadcast_in_dim3A_2216 = vector.shape_cast %xor3A_2215 : vector<16xi32> to vector<16x1xi32>
    %gather3A_2217 = vector.shape_cast %broadcast_in_dim3A_2216 : vector<16x1xi32> to vector<16xi32>
    %gather3A_2218 = tpu.dynamic_gather %add3A_2212[%gather3A_2217] in [0] : vector<16xf32>, vector<16xi32> -> vector<16xf32>
    %add3A_2219 = arith.addf %add3A_2212, %gather3A_2218 : vector<16xf32>
    %xor3A_2220 = arith.constant 2 : i32
    %xor3A_2221 = vector.broadcast %xor3A_2220 : i32 to vector<16xi32>
    %xor3A_2222 = arith.xori %iota3A, %xor3A_2221 : vector<16xi32>
    %broadcast_in_dim3A_2223 = vector.shape_cast %xor3A_2222 : vector<16xi32> to vector<16x1xi32>
    %gather3A_2224 = vector.shape_cast %broadcast_in_dim3A_2223 : vector<16x1xi32> to vector<16xi32>
    %gather3A_2225 = tpu.dynamic_gather %add3A_2219[%gather3A_2224] in [0] : vector<16xf32>, vector<16xi32> -> vector<16xf32>
    %add3A_2226 = arith.addf %add3A_2219, %gather3A_2225 : vector<16xf32>
    %xor3A_2227 = arith.constant 1 : i32
    %xor3A_2228 = vector.broadcast %xor3A_2227 : i32 to vector<16xi32>
    %xor3A_2229 = arith.xori %iota3A, %xor3A_2228 : vector<16xi32>
    %broadcast_in_dim3A_2230 = vector.shape_cast %xor3A_2229 : vector<16xi32> to vector<16x1xi32>
    %gather3A_2231 = vector.shape_cast %broadcast_in_dim3A_2230 : vector<16x1xi32> to vector<16xi32>
    %gather3A_2232 = tpu.dynamic_gather %add3A_2226[%gather3A_2231] in [0] : vector<16xf32>, vector<16xi32> -> vector<16xf32>
    %add3A_2233 = arith.addf %add3A_2226, %gather3A_2232 : vector<16xf32>
    %and3A_2234 = arith.constant 511 : i32
    %and3A_2235 = arith.constant 15 : i32
    %and3A_2236 = arith.andi %and3A_2234, %and3A_2235 : i32
    %eq3A_2237 = vector.broadcast %and3A_2236 : i32 to vector<16xi32>
    %eq3A_2238 = arith.cmpi eq, %iota3A, %eq3A_2237 : vector<16xi32>
    %jit3A_2239 = arith.constant 0.000000e+00 : f32
    %broadcast_in_dim3A_2240 = vector.broadcast %jit3A_2239 : f32 to vector<16xf32>
    %select_n3A_2241 = arith.select %eq3A_2238, %add3A_2233, %broadcast_in_dim3A_2240 : vector<16xi1>, vector<16xf32>
    %add3A_2242 = arith.addf %select_n3A_2108, %select_n3A_2241 : vector<16xf32>
    %eq3A_2243 = arith.constant 15 : i32
    %eq3A_2244 = arith.cmpi eq, %and3A_2236, %eq3A_2243 : i32
    %convert_element_type3A_2245 = arith.extui %eq3A_2244 : i1 to i32
    %cond3A_2246 = arith.constant 511 : i32
    %cond3A_2247 = arith.constant 0 : i32
    %cond3A_2248 = arith.cmpi ne, %convert_element_type3A_2245, %cond3A_2247 : i32
    scf.if %cond3A_2248 {
      %shift_right_arithmetic3A_2389 = arith.constant 4 : i32
      %shift_right_arithmetic3A_2390 = arith.shrsi %cond3A_2246, %shift_right_arithmetic3A_2389 : i32
      %mul3A_2391 = arith.constant 16 : i32
      %mul3A_2392 = arith.muli %shift_right_arithmetic3A_2390, %mul3A_2391 : i32
      %swap3A = arith.index_cast %mul3A_2392 : i32 to index
      %swap3A_2393 = tpu.vector_load %arg17[%swap3A] {strides = array<i32>} : memref<512xf32, #tpu.memory_space<vmem>>, vector<16xf32>,
      tpu.vector_store %arg17[%swap3A], %add3A_2242 {strides = array<i32>} : memref<512xf32, #tpu.memory_space<vmem>>, vector<16xf32>,
    } else {
    }
    %eq3A_2249 = arith.constant 15 : i32
    %eq3A_2250 = arith.cmpi eq, %and3A_2236, %eq3A_2249 : i32
    %jit3A_2251 = arith.constant 0.000000e+00 : f32
    %broadcast_in_dim3A_2252 = vector.broadcast %jit3A_2251 : f32 to vector<16xf32>
    %select_n3A_2253 = arith.select %eq3A_2250, %broadcast_in_dim3A_2252, %add3A_2242 : vector<16xf32>
    %dma_wait3A_2254 = arith.constant 0 : i32
    %dma_wait3A_2255 = arith.constant 0 : i32
    %dma_wait3A_2256 = tpu.memref_slice %arg15[%dma_wait3A_2255] : memref<512xf32, #tpu.memory_space<vmem>> -> memref<128xf32, #tpu.memory_space<vmem>>
    %dma_wait3A_2257 = arith.constant 0 : i32
    %dma_wait3A_2258 = tpu.memref_slice %arg10[%dma_wait3A_2254, %dma_wait3A_2257] : memref<4x128xi32, #tpu.memory_space<vmem>> -> memref<1x128xi32, #tpu.memory_space<vmem>>
    %dma_wait3A_2259 = tpu.memref_squeeze %dma_wait3A_2258 : memref<1x128xi32, #tpu.memory_space<vmem>> -> memref<128xi32, #tpu.memory_space<vmem>>
    %dma_wait3A_2260 = arith.constant 0 : i32
    %dma_wait3A_2261 = tpu.memref_slice %arg7[%dma_wait3A_2260] : memref<1000000xf32, #tpu.memory_space<hbm>> -> memref<1000000xf32, #tpu.memory_space<hbm>>
    tpu.wait_indirect_dma semaphore(%arg20 : memref<!tpu.dma_semaphore, #tpu.memory_space<semaphore_mem>>) src(%dma_wait3A_2261 : memref<1000000xf32, #tpu.memory_space<hbm>>) dst(%dma_wait3A_2256 : memref<128xf32, #tpu.memory_space<vmem>>)
    %dma_wait3A_2262 = arith.constant 0 : i32
    %dma_wait3A_2263 = arith.constant 0 : i32
    %dma_wait3A_2264 = tpu.memref_slice %arg16[%dma_wait3A_2263] : memref<512xf32, #tpu.memory_space<vmem>> -> memref<128xf32, #tpu.memory_space<vmem>>
    %dma_wait3A_2265 = arith.constant 0 : i32
    %dma_wait3A_2266 = tpu.memref_slice %arg11[%dma_wait3A_2262, %dma_wait3A_2265] : memref<4x128xi32, #tpu.memory_space<vmem>> -> memref<1x128xi32, #tpu.memory_space<vmem>>
    %dma_wait3A_2267 = tpu.memref_squeeze %dma_wait3A_2266 : memref<1x128xi32, #tpu.memory_space<vmem>> -> memref<128xi32, #tpu.memory_space<vmem>>
    %dma_wait3A_2268 = arith.constant 0 : i32
    %dma_wait3A_2269 = tpu.memref_slice %arg8[%dma_wait3A_2268] : memref<1000000xf32, #tpu.memory_space<hbm>> -> memref<1000000xf32, #tpu.memory_space<hbm>>
    tpu.wait_indirect_dma semaphore(%arg20 : memref<!tpu.dma_semaphore, #tpu.memory_space<semaphore_mem>>) src(%dma_wait3A_2269 : memref<1000000xf32, #tpu.memory_space<hbm>>) dst(%dma_wait3A_2264 : memref<128xf32, #tpu.memory_space<vmem>>)
    %dma_wait3A_2270 = arith.constant 1 : i32
    %dma_wait3A_2271 = arith.constant 128 : i32
    %dma_wait3A_2272 = tpu.memref_slice %arg15[%dma_wait3A_2271] : memref<512xf32, #tpu.memory_space<vmem>> -> memref<128xf32, #tpu.memory_space<vmem>>
    %dma_wait3A_2273 = arith.constant 0 : i32
    %dma_wait3A_2274 = tpu.memref_slice %arg10[%dma_wait3A_2270, %dma_wait3A_2273] : memref<4x128xi32, #tpu.memory_space<vmem>> -> memref<1x128xi32, #tpu.memory_space<vmem>>
    %dma_wait3A_2275 = tpu.memref_squeeze %dma_wait3A_2274 : memref<1x128xi32, #tpu.memory_space<vmem>> -> memref<128xi32, #tpu.memory_space<vmem>>
    %dma_wait3A_2276 = arith.constant 0 : i32
    %dma_wait3A_2277 = tpu.memref_slice %arg7[%dma_wait3A_2276] : memref<1000000xf32, #tpu.memory_space<hbm>> -> memref<1000000xf32, #tpu.memory_space<hbm>>
    tpu.wait_indirect_dma semaphore(%arg20 : memref<!tpu.dma_semaphore, #tpu.memory_space<semaphore_mem>>) src(%dma_wait3A_2277 : memref<1000000xf32, #tpu.memory_space<hbm>>) dst(%dma_wait3A_2272 : memref<128xf32, #tpu.memory_space<vmem>>)
    %dma_wait3A_2278 = arith.constant 1 : i32
    %dma_wait3A_2279 = arith.constant 128 : i32
    %dma_wait3A_2280 = tpu.memref_slice %arg16[%dma_wait3A_2279] : memref<512xf32, #tpu.memory_space<vmem>> -> memref<128xf32, #tpu.memory_space<vmem>>
    %dma_wait3A_2281 = arith.constant 0 : i32
    %dma_wait3A_2282 = tpu.memref_slice %arg11[%dma_wait3A_2278, %dma_wait3A_2281] : memref<4x128xi32, #tpu.memory_space<vmem>> -> memref<1x128xi32, #tpu.memory_space<vmem>>
    %dma_wait3A_2283 = tpu.memref_squeeze %dma_wait3A_2282 : memref<1x128xi32, #tpu.memory_space<vmem>> -> memref<128xi32, #tpu.memory_space<vmem>>
    %dma_wait3A_2284 = arith.constant 0 : i32
    %dma_wait3A_2285 = tpu.memref_slice %arg8[%dma_wait3A_2284] : memref<1000000xf32, #tpu.memory_space<hbm>> -> memref<1000000xf32, #tpu.memory_space<hbm>>
    tpu.wait_indirect_dma semaphore(%arg20 : memref<!tpu.dma_semaphore, #tpu.memory_space<semaphore_mem>>) src(%dma_wait3A_2285 : memref<1000000xf32, #tpu.memory_space<hbm>>) dst(%dma_wait3A_2280 : memref<128xf32, #tpu.memory_space<vmem>>)
    %dma_wait3A_2286 = arith.constant 2 : i32
    %dma_wait3A_2287 = arith.constant 256 : i32
    %dma_wait3A_2288 = tpu.memref_slice %arg15[%dma_wait3A_2287] : memref<512xf32, #tpu.memory_space<vmem>> -> memref<128xf32, #tpu.memory_space<vmem>>
    %dma_wait3A_2289 = arith.constant 0 : i32
    %dma_wait3A_2290 = tpu.memref_slice %arg10[%dma_wait3A_2286, %dma_wait3A_2289] : memref<4x128xi32, #tpu.memory_space<vmem>> -> memref<1x128xi32, #tpu.memory_space<vmem>>
    %dma_wait3A_2291 = tpu.memref_squeeze %dma_wait3A_2290 : memref<1x128xi32, #tpu.memory_space<vmem>> -> memref<128xi32, #tpu.memory_space<vmem>>
    %dma_wait3A_2292 = arith.constant 0 : i32
    %dma_wait3A_2293 = tpu.memref_slice %arg7[%dma_wait3A_2292] : memref<1000000xf32, #tpu.memory_space<hbm>> -> memref<1000000xf32, #tpu.memory_space<hbm>>
    tpu.wait_indirect_dma semaphore(%arg20 : memref<!tpu.dma_semaphore, #tpu.memory_space<semaphore_mem>>) src(%dma_wait3A_2293 : memref<1000000xf32, #tpu.memory_space<hbm>>) dst(%dma_wait3A_2288 : memref<128xf32, #tpu.memory_space<vmem>>)
    %dma_wait3A_2294 = arith.constant 2 : i32
    %dma_wait3A_2295 = arith.constant 256 : i32
    %dma_wait3A_2296 = tpu.memref_slice %arg16[%dma_wait3A_2295] : memref<512xf32, #tpu.memory_space<vmem>> -> memref<128xf32, #tpu.memory_space<vmem>>
    %dma_wait3A_2297 = arith.constant 0 : i32
    %dma_wait3A_2298 = tpu.memref_slice %arg11[%dma_wait3A_2294, %dma_wait3A_2297] : memref<4x128xi32, #tpu.memory_space<vmem>> -> memref<1x128xi32, #tpu.memory_space<vmem>>
    %dma_wait3A_2299 = tpu.memref_squeeze %dma_wait3A_2298 : memref<1x128xi32, #tpu.memory_space<vmem>> -> memref<128xi32, #tpu.memory_space<vmem>>
    %dma_wait3A_2300 = arith.constant 0 : i32
    %dma_wait3A_2301 = tpu.memref_slice %arg8[%dma_wait3A_2300] : memref<1000000xf32, #tpu.memory_space<hbm>> -> memref<1000000xf32, #tpu.memory_space<hbm>>
    tpu.wait_indirect_dma semaphore(%arg20 : memref<!tpu.dma_semaphore, #tpu.memory_space<semaphore_mem>>) src(%dma_wait3A_2301 : memref<1000000xf32, #tpu.memory_space<hbm>>) dst(%dma_wait3A_2296 : memref<128xf32, #tpu.memory_space<vmem>>)
    %dma_wait3A_2302 = arith.constant 3 : i32
    %dma_wait3A_2303 = arith.constant 384 : i32
    %dma_wait3A_2304 = tpu.memref_slice %arg15[%dma_wait3A_2303] : memref<512xf32, #tpu.memory_space<vmem>> -> memref<128xf32, #tpu.memory_space<vmem>>
    %dma_wait3A_2305 = arith.constant 0 : i32
    %dma_wait3A_2306 = tpu.memref_slice %arg10[%dma_wait3A_2302, %dma_wait3A_2305] : memref<4x128xi32, #tpu.memory_space<vmem>> -> memref<1x128xi32, #tpu.memory_space<vmem>>
    %dma_wait3A_2307 = tpu.memref_squeeze %dma_wait3A_2306 : memref<1x128xi32, #tpu.memory_space<vmem>> -> memref<128xi32, #tpu.memory_space<vmem>>
    %dma_wait3A_2308 = arith.constant 0 : i32
    %dma_wait3A_2309 = tpu.memref_slice %arg7[%dma_wait3A_2308] : memref<1000000xf32, #tpu.memory_space<hbm>> -> memref<1000000xf32, #tpu.memory_space<hbm>>
    tpu.wait_indirect_dma semaphore(%arg20 : memref<!tpu.dma_semaphore, #tpu.memory_space<semaphore_mem>>) src(%dma_wait3A_2309 : memref<1000000xf32, #tpu.memory_space<hbm>>) dst(%dma_wait3A_2304 : memref<128xf32, #tpu.memory_space<vmem>>)
    %dma_wait3A_2310 = arith.constant 3 : i32
    %dma_wait3A_2311 = arith.constant 384 : i32
    %dma_wait3A_2312 = tpu.memref_slice %arg16[%dma_wait3A_2311] : memref<512xf32, #tpu.memory_space<vmem>> -> memref<128xf32, #tpu.memory_space<vmem>>
    %dma_wait3A_2313 = arith.constant 0 : i32
    %dma_wait3A_2314 = tpu.memref_slice %arg11[%dma_wait3A_2310, %dma_wait3A_2313] : memref<4x128xi32, #tpu.memory_space<vmem>> -> memref<1x128xi32, #tpu.memory_space<vmem>>
    %dma_wait3A_2315 = tpu.memref_squeeze %dma_wait3A_2314 : memref<1x128xi32, #tpu.memory_space<vmem>> -> memref<128xi32, #tpu.memory_space<vmem>>
    %dma_wait3A_2316 = arith.constant 0 : i32
    %dma_wait3A_2317 = tpu.memref_slice %arg8[%dma_wait3A_2316] : memref<1000000xf32, #tpu.memory_space<hbm>> -> memref<1000000xf32, #tpu.memory_space<hbm>>
    tpu.wait_indirect_dma semaphore(%arg20 : memref<!tpu.dma_semaphore, #tpu.memory_space<semaphore_mem>>) src(%dma_wait3A_2317 : memref<1000000xf32, #tpu.memory_space<hbm>>) dst(%dma_wait3A_2312 : memref<128xf32, #tpu.memory_space<vmem>>)
    %scan3A_2318 = arith.constant 0 : i32
    %scan3A_2319 = arith.constant 0 : i32
    %scan3A_2320 = arith.constant 32 : i32
    %scan3A_2321 = arith.addi %scan3A_2319, %scan3A_2320 : i32
    %scan3A_2322 = arith.constant 1 : i32
    %scan3A_2323 = scf.for %scan3A_2389 = %scan3A_2319 to %scan3A_2321 step %scan3A_2322 iter_args(%scan3A_2390 = %scan3A_2318) -> (i32)  : i32 {
      %mul3A_2391 = arith.constant 16 : i32
      %mul3A_2392 = arith.muli %scan3A_2389, %mul3A_2391 : i32
      %get3A_2393 = arith.index_cast %mul3A_2392 : i32 to index
      %get3A_2394 = tpu.vector_load %arg17[%get3A_2393] {strides = array<i32>} : memref<512xf32, #tpu.memory_space<vmem>>, vector<16xf32>,
      %get3A_2395 = arith.index_cast %mul3A_2392 : i32 to index
      %get3A_2396 = tpu.vector_load %arg15[%get3A_2395] {strides = array<i32>} : memref<512xf32, #tpu.memory_space<vmem>>, vector<16xf32>,
      %add3A_2397 = arith.addf %get3A_2394, %get3A_2396 : vector<16xf32>
      %get3A_2398 = arith.index_cast %mul3A_2392 : i32 to index
      %get3A_2399 = tpu.vector_load %arg16[%get3A_2398] {strides = array<i32>} : memref<512xf32, #tpu.memory_space<vmem>>, vector<16xf32>,
      %add3A_2400 = arith.addf %add3A_2397, %get3A_2399 : vector<16xf32>
      %neg3A = arith.constant 0.000000e+00 : f32
      %neg3A_2401 = vector.broadcast %neg3A : f32 to vector<16xf32>
      %neg3A_2402 = arith.subf %neg3A_2401, %add3A_2400 : vector<16xf32>
      %exp3A = math.exp %neg3A_2402 : vector<16xf32>
      %add3A_2403 = arith.constant 1.000000e+00 : f32
      %add3A_2404 = vector.broadcast %add3A_2403 : f32 to vector<16xf32>
      %add3A_2405 = arith.addf %add3A_2404, %exp3A : vector<16xf32>
      %div3A = arith.constant 1.000000e+00 : f32
      %div3A_2406 = vector.broadcast %div3A : f32 to vector<16xf32>
      %div3A_2407 = arith.divf %div3A_2406, %add3A_2405 : vector<16xf32>
      %swap3A = arith.index_cast %mul3A_2392 : i32 to index
      %swap3A_2408 = tpu.vector_load %arg17[%swap3A] {strides = array<i32>} : memref<512xf32, #tpu.memory_space<vmem>>, vector<16xf32>,
      tpu.vector_store %arg17[%swap3A], %div3A_2407 {strides = array<i32>} : memref<512xf32, #tpu.memory_space<vmem>>, vector<16xf32>,
      %scan3A_2409 = arith.constant 0 : i32
      scf.yield %scan3A_2409 : i32
    }
    %scan3A_2324 = arith.constant 32 : i32
    %dma_start3A_2325 = arith.constant 0 : i32
    %dma_start3A_2326 = arith.constant 0 : i32
    %dma_start3A_2327 = tpu.memref_slice %arg17[%dma_start3A_2326] : memref<512xf32, #tpu.memory_space<vmem>> -> memref<128xf32, #tpu.memory_space<vmem>>
    %dma_start3A_2328 = arith.constant 0 : i32
    %dma_start3A_2329 = tpu.memref_slice %arg12[%dma_start3A_2325, %dma_start3A_2328] : memref<4x128xi32, #tpu.memory_space<vmem>> -> memref<1x128xi32, #tpu.memory_space<vmem>>
    %dma_start3A_2330 = tpu.memref_squeeze %dma_start3A_2329 : memref<1x128xi32, #tpu.memory_space<vmem>> -> memref<128xi32, #tpu.memory_space<vmem>>
    %dma_start3A_2331 = arith.constant 0 : i32
    %dma_start3A_2332 = tpu.memref_slice %arg9[%dma_start3A_2331] : memref<16384xf32, #tpu.memory_space<hbm>> -> memref<16384xf32, #tpu.memory_space<hbm>>
    tpu.enqueue_indirect_dma source(%dma_start3A_2327 : memref<128xf32, #tpu.memory_space<vmem>>) target(%dma_start3A_2332 : memref<16384xf32, #tpu.memory_space<hbm>>) offsets(%dma_start3A_2330 : memref<128xi32, #tpu.memory_space<vmem>>) semaphore(%arg20 : memref<!tpu.dma_semaphore, #tpu.memory_space<semaphore_mem>>)
    %dma_start3A_2333 = arith.constant 1 : i32
    %dma_start3A_2334 = arith.constant 128 : i32
    %dma_start3A_2335 = tpu.memref_slice %arg17[%dma_start3A_2334] : memref<512xf32, #tpu.memory_space<vmem>> -> memref<128xf32, #tpu.memory_space<vmem>>
    %dma_start3A_2336 = arith.constant 0 : i32
    %dma_start3A_2337 = tpu.memref_slice %arg12[%dma_start3A_2333, %dma_start3A_2336] : memref<4x128xi32, #tpu.memory_space<vmem>> -> memref<1x128xi32, #tpu.memory_space<vmem>>
    %dma_start3A_2338 = tpu.memref_squeeze %dma_start3A_2337 : memref<1x128xi32, #tpu.memory_space<vmem>> -> memref<128xi32, #tpu.memory_space<vmem>>
    %dma_start3A_2339 = arith.constant 0 : i32
    %dma_start3A_2340 = tpu.memref_slice %arg9[%dma_start3A_2339] : memref<16384xf32, #tpu.memory_space<hbm>> -> memref<16384xf32, #tpu.memory_space<hbm>>
    tpu.enqueue_indirect_dma source(%dma_start3A_2335 : memref<128xf32, #tpu.memory_space<vmem>>) target(%dma_start3A_2340 : memref<16384xf32, #tpu.memory_space<hbm>>) offsets(%dma_start3A_2338 : memref<128xi32, #tpu.memory_space<vmem>>) semaphore(%arg20 : memref<!tpu.dma_semaphore, #tpu.memory_space<semaphore_mem>>)
    %dma_start3A_2341 = arith.constant 2 : i32
    %dma_start3A_2342 = arith.constant 256 : i32
    %dma_start3A_2343 = tpu.memref_slice %arg17[%dma_start3A_2342] : memref<512xf32, #tpu.memory_space<vmem>> -> memref<128xf32, #tpu.memory_space<vmem>>
    %dma_start3A_2344 = arith.constant 0 : i32
    %dma_start3A_2345 = tpu.memref_slice %arg12[%dma_start3A_2341, %dma_start3A_2344] : memref<4x128xi32, #tpu.memory_space<vmem>> -> memref<1x128xi32, #tpu.memory_space<vmem>>
    %dma_start3A_2346 = tpu.memref_squeeze %dma_start3A_2345 : memref<1x128xi32, #tpu.memory_space<vmem>> -> memref<128xi32, #tpu.memory_space<vmem>>
    %dma_start3A_2347 = arith.constant 0 : i32
    %dma_start3A_2348 = tpu.memref_slice %arg9[%dma_start3A_2347] : memref<16384xf32, #tpu.memory_space<hbm>> -> memref<16384xf32, #tpu.memory_space<hbm>>
    tpu.enqueue_indirect_dma source(%dma_start3A_2343 : memref<128xf32, #tpu.memory_space<vmem>>) target(%dma_start3A_2348 : memref<16384xf32, #tpu.memory_space<hbm>>) offsets(%dma_start3A_2346 : memref<128xi32, #tpu.memory_space<vmem>>) semaphore(%arg20 : memref<!tpu.dma_semaphore, #tpu.memory_space<semaphore_mem>>)
    %dma_start3A_2349 = arith.constant 3 : i32
    %dma_start3A_2350 = arith.constant 384 : i32
    %dma_start3A_2351 = tpu.memref_slice %arg17[%dma_start3A_2350] : memref<512xf32, #tpu.memory_space<vmem>> -> memref<128xf32, #tpu.memory_space<vmem>>
    %dma_start3A_2352 = arith.constant 0 : i32
    %dma_start3A_2353 = tpu.memref_slice %arg12[%dma_start3A_2349, %dma_start3A_2352] : memref<4x128xi32, #tpu.memory_space<vmem>> -> memref<1x128xi32, #tpu.memory_space<vmem>>
    %dma_start3A_2354 = tpu.memref_squeeze %dma_start3A_2353 : memref<1x128xi32, #tpu.memory_space<vmem>> -> memref<128xi32, #tpu.memory_space<vmem>>
    %dma_start3A_2355 = arith.constant 0 : i32
    %dma_start3A_2356 = tpu.memref_slice %arg9[%dma_start3A_2355] : memref<16384xf32, #tpu.memory_space<hbm>> -> memref<16384xf32, #tpu.memory_space<hbm>>
    tpu.enqueue_indirect_dma source(%dma_start3A_2351 : memref<128xf32, #tpu.memory_space<vmem>>) target(%dma_start3A_2356 : memref<16384xf32, #tpu.memory_space<hbm>>) offsets(%dma_start3A_2354 : memref<128xi32, #tpu.memory_space<vmem>>) semaphore(%arg20 : memref<!tpu.dma_semaphore, #tpu.memory_space<semaphore_mem>>)
    %dma_wait3A_2357 = arith.constant 0 : i32
    %dma_wait3A_2358 = arith.constant 0 : i32
    %dma_wait3A_2359 = tpu.memref_slice %arg17[%dma_wait3A_2358] : memref<512xf32, #tpu.memory_space<vmem>> -> memref<128xf32, #tpu.memory_space<vmem>>
    %dma_wait3A_2360 = arith.constant 0 : i32
    %dma_wait3A_2361 = tpu.memref_slice %arg12[%dma_wait3A_2357, %dma_wait3A_2360] : memref<4x128xi32, #tpu.memory_space<vmem>> -> memref<1x128xi32, #tpu.memory_space<vmem>>
    %dma_wait3A_2362 = tpu.memref_squeeze %dma_wait3A_2361 : memref<1x128xi32, #tpu.memory_space<vmem>> -> memref<128xi32, #tpu.memory_space<vmem>>
    %dma_wait3A_2363 = arith.constant 0 : i32
    %dma_wait3A_2364 = tpu.memref_slice %arg9[%dma_wait3A_2363] : memref<16384xf32, #tpu.memory_space<hbm>> -> memref<16384xf32, #tpu.memory_space<hbm>>
    tpu.wait_indirect_dma semaphore(%arg20 : memref<!tpu.dma_semaphore, #tpu.memory_space<semaphore_mem>>) src(%dma_wait3A_2359 : memref<128xf32, #tpu.memory_space<vmem>>) dst(%dma_wait3A_2364 : memref<16384xf32, #tpu.memory_space<hbm>>)
    %dma_wait3A_2365 = arith.constant 1 : i32
    %dma_wait3A_2366 = arith.constant 128 : i32
    %dma_wait3A_2367 = tpu.memref_slice %arg17[%dma_wait3A_2366] : memref<512xf32, #tpu.memory_space<vmem>> -> memref<128xf32, #tpu.memory_space<vmem>>
    %dma_wait3A_2368 = arith.constant 0 : i32
    %dma_wait3A_2369 = tpu.memref_slice %arg12[%dma_wait3A_2365, %dma_wait3A_2368] : memref<4x128xi32, #tpu.memory_space<vmem>> -> memref<1x128xi32, #tpu.memory_space<vmem>>
    %dma_wait3A_2370 = tpu.memref_squeeze %dma_wait3A_2369 : memref<1x128xi32, #tpu.memory_space<vmem>> -> memref<128xi32, #tpu.memory_space<vmem>>
    %dma_wait3A_2371 = arith.constant 0 : i32
    %dma_wait3A_2372 = tpu.memref_slice %arg9[%dma_wait3A_2371] : memref<16384xf32, #tpu.memory_space<hbm>> -> memref<16384xf32, #tpu.memory_space<hbm>>
    tpu.wait_indirect_dma semaphore(%arg20 : memref<!tpu.dma_semaphore, #tpu.memory_space<semaphore_mem>>) src(%dma_wait3A_2367 : memref<128xf32, #tpu.memory_space<vmem>>) dst(%dma_wait3A_2372 : memref<16384xf32, #tpu.memory_space<hbm>>)
    %dma_wait3A_2373 = arith.constant 2 : i32
    %dma_wait3A_2374 = arith.constant 256 : i32
    %dma_wait3A_2375 = tpu.memref_slice %arg17[%dma_wait3A_2374] : memref<512xf32, #tpu.memory_space<vmem>> -> memref<128xf32, #tpu.memory_space<vmem>>
    %dma_wait3A_2376 = arith.constant 0 : i32
    %dma_wait3A_2377 = tpu.memref_slice %arg12[%dma_wait3A_2373, %dma_wait3A_2376] : memref<4x128xi32, #tpu.memory_space<vmem>> -> memref<1x128xi32, #tpu.memory_space<vmem>>
    %dma_wait3A_2378 = tpu.memref_squeeze %dma_wait3A_2377 : memref<1x128xi32, #tpu.memory_space<vmem>> -> memref<128xi32, #tpu.memory_space<vmem>>
    %dma_wait3A_2379 = arith.constant 0 : i32
    %dma_wait3A_2380 = tpu.memref_slice %arg9[%dma_wait3A_2379] : memref<16384xf32, #tpu.memory_space<hbm>> -> memref<16384xf32, #tpu.memory_space<hbm>>
    tpu.wait_indirect_dma semaphore(%arg20 : memref<!tpu.dma_semaphore, #tpu.memory_space<semaphore_mem>>) src(%dma_wait3A_2375 : memref<128xf32, #tpu.memory_space<vmem>>) dst(%dma_wait3A_2380 : memref<16384xf32, #tpu.memory_space<hbm>>)
    %dma_wait3A_2381 = arith.constant 3 : i32
    %dma_wait3A_2382 = arith.constant 384 : i32
    %dma_wait3A_2383 = tpu.memref_slice %arg17[%dma_wait3A_2382] : memref<512xf32, #tpu.memory_space<vmem>> -> memref<128xf32, #tpu.memory_space<vmem>>
    %dma_wait3A_2384 = arith.constant 0 : i32
    %dma_wait3A_2385 = tpu.memref_slice %arg12[%dma_wait3A_2381, %dma_wait3A_2384] : memref<4x128xi32, #tpu.memory_space<vmem>> -> memref<1x128xi32, #tpu.memory_space<vmem>>
    %dma_wait3A_2386 = tpu.memref_squeeze %dma_wait3A_2385 : memref<1x128xi32, #tpu.memory_space<vmem>> -> memref<128xi32, #tpu.memory_space<vmem>>
    %dma_wait3A_2387 = arith.constant 0 : i32
    %dma_wait3A_2388 = tpu.memref_slice %arg9[%dma_wait3A_2387] : memref<16384xf32, #tpu.memory_space<hbm>> -> memref<16384xf32, #tpu.memory_space<hbm>>
    tpu.wait_indirect_dma semaphore(%arg20 : memref<!tpu.dma_semaphore, #tpu.memory_space<semaphore_mem>>) src(%dma_wait3A_2383 : memref<128xf32, #tpu.memory_space<vmem>>) dst(%dma_wait3A_2388 : memref<16384xf32, #tpu.memory_space<hbm>>)
    return
  }
}

</mosaic_0001>

<sc_bundles>
// kernel: _mf_sc.3.cloned.1.call-start
scs
__scs_entry_jumppad:
0x0: {  	(pc) =	sbr.rel $0x88, $3  }
0x1: {  	(tag) =	ssettag $0x0;
	lr =	simm.s32 $0x1  }
0x2: {  	[smem:$0x3F9A] =	sst lr;
	_ =	strace $0xD0000000  }
0x3: {  	_ = 	snop  }
0x4: {  	_ = 	snop  }
0x5: {  	_ = 	snop  }
0x6: {  	_ = 	snop  }
0x7: {  	_ = 	snop  }
__scs_overlays_trampoline_lowered:
0x8: {  	[smem:$0x3FA9] =	sst s0  }
0x9: {  	[smem:$0x3FAA] =	sst s1  }
0xa: {  	[smem:$0x3FAB] =	sst s2  }
0xb: {  	[smem:$0x3FAC] =	sst s3  }
0xc: {  	[smem:$0x3FAD] =	sst s4  }
0xd: {  	[smem:$0x3FAE] =	sst s5  }
0xe: {  	[smem:$0x3FAF] =	sst s6  }
0xf: {  	[smem:$0x3FB0] =	sst s7  }
0x10: {  	[smem:$0x3FB1] =	sst s8  }
0x11: {  	[smem:$0x3FB2] =	sst s9;
	s0 =	simm.s32 @!p0 $0x0  }
0x12: {  	s1 =	sld [smem:$0x3F98];
	s0 =	simm.s32 @p0 $0x1  }
0x13: {  	[smem:$0x3FB3] =	sst s0;
	s0 =	simm.s32 @!p1 $0x0  }
0x14: {  	s2 =	sld [smem:$0x3F97];
	s0 =	simm.s32 @p1 $0x1  }
0x15: {  	[smem:$0x3FB4] =	sst s0;
	s0 =	simm.s32 @!p2 $0x0  }
0x16: {  	s3 =	sld [smem:$0x3FDB];
	s0 =	simm.s32 @p2 $0x1  }
0x17: {  	s4 =	simm.s32 $0x1BF5;
	[smem:$0x3FB6] =	sst s0  }
0x18: {  	s0 =	sld [smem:$0x3F99];
	_ =	swait.ge [sflag:s4], $0x0  }
0x19: {  	s7 =	sld [smem:$0x3F9A]  }
0x1a: {  	s8 =	sadd.s32 $0xFFFFE003, lr  }
0x1b: {  	s9 =	sadd.s32 $0xFFFFFEF7, lr;
	s5 =	simm.s32 $0xFFFFFFFF;
	p2 =	slt.u32 s8, $0xFFFFF086  }
0x1c: {  	p1 =	slt.u32 s9, $0xF7A;
	s5 =	simm.s32 @!p2 $0x0  }
0x1d: {  	s5 =	simm.s32 @p1 $0x1;
	p0 =	seq.s32 s7, s2  }
0x1e: {  	s7 =	smul.u32 @!p0 $0xF7A, s2;
	p2 =	seq.s32 @!p0 s5, $0x0  }
0x1f: {  	s9 =	smul.u32 $0xF7A, s1;
	s8 =	simm.s32 @!p0 $0x1BF5;
	p2 =	por !p2, p0  }
0x20: {  	[sflag:s8] =	ssyncset.s32 @!p0 $0xFFFFF086;
	s6 =	sadd.s32 @!p0 s3, s7;
	s7 =	simm.s32 @!p0 $0x108  }
0x21: {  	s3 =	sadd.s32 s3, s9;
	s6 =	sadd.s32 @!p0 $0x88, s6;
	s7 =	simm.s32 @p2 $0x1082  }
0x22: {  	[simem:s7], [sflag:s8] =	dma.local @!p0 [hbm:s6], $0xF7A  }
0x23: {  	s9 =	sor.u32 $0xD0000000, s2;
	s6 =	simm.s32 $0x108;
	_ =	swait.ge @!p0 [sflag:s8], $0x0  }
0x24: {  	s3 =	sadd.s32 $0x88, s3;
	s6 =	simm.s32 @!p1 $0x1082;
	[sflag:s4] =	ssyncset.s32 $0xFFFFF086  }
0x25: {  	[simem:s6], [sflag:s4] =	dma.local [hbm:s3], $0xF7A  }
0x26: {  	[smem:$0x3F9A] =	sst s1;
	(tag) =	ssettag s2;
	_ =	strace s9  }
0x27: {  	s1 =	sld [smem:$0x3FAA]  }
0x28: {  	s2 =	sld [smem:$0x3FAB]  }
0x29: {  	s4 =	sld [smem:$0x3FAD]  }
0x2a: {  	p0 =	seq.s32 s5, $0x0;
	s5 =	sld [smem:$0x3FAE]  }
0x2b: {  	s6 =	sld [smem:$0x3FAF]  }
0x2c: {  	s7 =	sld [smem:$0x3FB0]  }
0x2d: {  	s3 =	simm.s32 $0x108;
	s8 =	sld [smem:$0x3FB1]  }
0x2e: {  	s3 =	simm.s32 @!p0 $0x1082;
	s9 =	sld [smem:$0x3FB2]  }
0x2f: {  	lr =	sadd.s32 s0, s3;
	s0 =	sld [smem:$0x3FA9]  }
0x30: {  	s3 =	sld [smem:$0x3FAC]  }
0x31: {  	[smem:$0x3FB5] =	sst s10  }
0x32: {  	s10 =	sld [smem:$0x3FB3];
	_ =	sdelay $0x3  }
0x33: {  	p0 =	seq.s32 s10, $0x1;
	s10 =	sld [smem:$0x3FB5];
	_ =	sdelay $0x3  }
0x34: {  	[smem:$0x3FB5] =	sst s10  }
0x35: {  	s10 =	sld [smem:$0x3FB4];
	_ =	sdelay $0x3  }
0x36: {  	p1 =	seq.s32 s10, $0x1;
	s10 =	sld [smem:$0x3FB5];
	_ =	sdelay $0x3  }
0x37: {  	[smem:$0x3FB5] =	sst s10  }
0x38: {  	s10 =	sld [smem:$0x3FB6]  }
0x39: {  	_ = 	snop;
	(pc) =	sbr.ind lr, $3  }
0x3a: {  	_ = 	snop  }
0x3b: {  	_ = 	snop  }
0x3c: {  	p2 =	seq.s32 s10, $0x1;
	s10 =	sld [smem:$0x3FB5]  }
0x3d: {  	_ =	shalt  }
0x3e: {  	_ =	shalt  }
0x3f: {  	_ =	shalt  }
0x40: {  	_ =	shalt  }
0x41: {  	_ =	shalt  }
0x42: {  	_ =	shalt  }
0x43: {  	_ =	shalt  }
0x44: {  	_ =	shalt  }
0x45: {  	_ =	shalt  }
0x46: {  	_ =	shalt  }
0x47: {  	_ =	shalt  }
0x48: {  	_ =	shalt  }
0x49: {  	_ =	shalt  }
0x4a: {  	_ =	shalt  }
0x4b: {  	_ =	shalt  }
0x4c: {  	_ =	shalt  }
0x4d: {  	_ =	shalt  }
0x4e: {  	_ =	shalt  }
0x4f: {  	_ =	shalt  }
0x50: {  	_ =	shalt  }
0x51: {  	_ =	shalt  }
0x52: {  	_ =	shalt  }
0x53: {  	_ =	shalt  }
0x54: {  	_ =	shalt  }
0x55: {  	_ =	shalt  }
0x56: {  	_ =	shalt  }
0x57: {  	_ =	shalt  }
0x58: {  	_ =	shalt  }
0x59: {  	_ =	shalt  }
0x5a: {  	_ =	shalt  }
0x5b: {  	_ =	shalt  }
0x5c: {  	_ =	shalt  }
0x5d: {  	_ =	shalt  }
0x5e: {  	_ =	shalt  }
0x5f: {  	_ =	shalt  }
0x60: {  	_ =	shalt  }
0x61: {  	_ =	shalt  }
0x62: {  	_ =	shalt  }
0x63: {  	_ =	shalt  }
0x64: {  	_ =	shalt  }
0x65: {  	_ =	shalt  }
0x66: {  	_ =	shalt  }
0x67: {  	_ =	shalt  }
0x68: {  	_ =	shalt  }
0x69: {  	_ =	shalt  }
0x6a: {  	_ =	shalt  }
0x6b: {  	_ =	shalt  }
0x6c: {  	_ =	shalt  }
0x6d: {  	_ =	shalt  }
0x6e: {  	_ =	shalt  }
0x6f: {  	_ =	shalt  }
0x70: {  	_ =	shalt  }
0x71: {  	_ =	shalt  }
0x72: {  	_ =	shalt  }
0x73: {  	_ =	shalt  }
0x74: {  	_ =	shalt  }
0x75: {  	_ =	shalt  }
0x76: {  	_ =	shalt  }
0x77: {  	_ =	shalt  }
0x78: {  	_ =	shalt  }
0x79: {  	_ =	shalt  }
0x7a: {  	_ =	shalt  }
0x7b: {  	_ =	shalt  }
0x7c: {  	_ =	shalt  }
0x7d: {  	_ =	shalt  }
0x7e: {  	_ =	shalt  }
0x7f: {  	_ =	shalt  }
0x80: {  	_ =	shalt  }
0x81: {  	_ =	shalt  }
0x82: {  	_ =	shalt  }
0x83: {  	_ =	shalt  }
0x84: {  	_ =	shalt  }
0x85: {  	_ =	shalt  }
0x86: {  	_ =	shalt  }
0x87: {  	_ =	shalt  }
.Lfunc_end0:
.L_simem_size_0:
called_computation_lowered:
.L_overlay_start_0:
0x88: {  	s2 =	sld [smem:$0x3FD9]  }
0x89: {  	s3 =	sld [smem:$0x3FFE];
	_ =	sdelay $0x1  }
0x8a: {  	s1 =	srdreg.scid  }
0x8b: {  	s0 =	sand.u32 $0x1, s1  }
0x8c: {  	s18 =	sshll.u32 s0, $0xA;
	s2 =	sadd.s32 s3, s2  }
0x8d: {  	s2 =	sadd.s32 s2, s18  }
0x8e: {  	[smem:$0x3FC1] =	sst s2  }
0x8f: {  	_ = 	snop  }
0x90: {  	s2 =	sld [smem:$0x3FC9]  }
0x91: {  	s19 =	sld [smem:$0x3FC8]  }
0x92: {  	s4 =	sld [smem:$0x3FC7]  }
0x93: {  	s5 =	sld [smem:$0x3FC6]  }
0x94: {  	s6 =	sld [smem:$0x3FC5]  }
0x95: {  	s7 =	sld [smem:$0x3FC4]  }
0x96: {  	s8 =	sld [smem:$0x3FC3]  }
0x97: {  	s9 =	sld [smem:$0x3FD0];
	(tm) =	ssettm $0x1  }
0x98: {  	s10 =	sld [smem:$0x3FFB];
	_ =	sdelay $0x3  }
0x99: {  	_ =	strace s10  }
0x9a: {  	s10 =	sld [smem:$0x3FFC];
	_ =	sdelay $0x3  }
0x9b: {  	_ =	strace s10  }
0x9c: {  	s10 =	sld [smem:$0x3FFD];
	_ =	sdelay $0x3  }
0x9d: {  	_ =	strace s10  }
0x9e: {  	_ =	strace $0x8FFFFFFF  }
0x9f: {  	s20 =	sld [smem:$0x3FDB];
	_ =	sdelay $0x1  }
0xa0: {  	s11 =	simm.s32 $_scs_section_size  }
0xa1: {  	s12 =	simm.s32 $_size__tile_overlayer_lowered;
	s13 =	simm.s32 $_tile_overlayer_lowered  }
0xa2: {  	s23 =	simm.s32 $0x1BFF;
	s22 =	sshll.u32 s13, $0x1;
	s10 =	sadd.s32 s11, s20  }
0xa3: {  	s14 =	simm.s32 $0x0;
	s21 =	sshll.u32 s12, $0x1;
	s12 =	sadd.s32 s22, s10  }
0xa4: {  	[timem:s14], [sflag:s23] =	dma.local [hbm:s12], s21  }
0xa5: {  	_ =	swait.ge [sflag:s23], s21  }
0xa6: {  	s11 =	ssub.s32 $0x0, s21;
	[sflag:s23] =	ssyncset.done $0x0  }
0xa7: {  	[sflag:s23] =	ssyncadd.s32 s11;
	_ =	sdelay $0x1  }
0xa8: {  	s24 =	simm.s32 $0x1B8B  }
0xa9: {  	_ =	swait.ge [sflag:s24], $0x1  }
0xaa: {  	[sflag:s24] =	ssyncset.done $0x0  }
0xab: {  	s25 =	simm.s32 $0x1B8E;
	[sflag:s24] =	ssyncadd.s32 $0xFFFFFFFF  }
0xac: {  	s26 =	simm.s32 $execute0_lowered;
	[smem:$0x3FD2] =	sst s25  }
0xad: {  	s11 =	sshll.u32 s26, $0x1;
	_ =	strace $0x80000046;
	[dreg:$0x1] =	wrdreg $0xFFFFFFFF  }
0xae: {  	s28 =	simm.s32 $_size_execute0_lowered;
	s10 =	sadd.s32 s10, s11;
	[dreg:$0x0] =	wrdreg $0x0  }
0xaf: {  	s11 =	sshll.u32 s28, $0x1;
	[dreg:$0x2] =	wrdreg s10  }
0xb0: {  	[dreg:$0x3] =	wrdreg s11  }
0xb1: {  	[dreg:$0x4] =	wrdreg $0xC0  }
0xb2: {  	_ =	task [dreg:s14], $0x5FFFF  }
0xb3: {  	[dreg:$0x1] =	wrdreg $0xFFFFFFFF  }
0xb4: {  	[dreg:$0x0] =	wrdreg $0x60  }
0xb5: {  	[dreg:$0x2] =	wrdreg s2  }
0xb6: {  	[dreg:$0x3] =	wrdreg s19  }
0xb7: {  	[dreg:$0x4] =	wrdreg s4  }
0xb8: {  	[dreg:$0x5] =	wrdreg s5  }
0xb9: {  	[dreg:$0x6] =	wrdreg s6  }
0xba: {  	[dreg:$0x7] =	wrdreg s7  }
0xbb: {  	[dreg:$0x8] =	wrdreg s8  }
0xbc: {  	[dreg:$0x9] =	wrdreg s9  }
0xbd: {  	[dreg:$0xa] =	wrdreg $0x9  }
0xbe: {  	_ =	task.clear_ibuf [dreg:s14], $0xBFFFF;
	_ =	strace $0x90000046  }
0xbf: {  	s29 =	simm.s32 $0x9;
	_ =	strace $0x80000048  }
0xc0: {  	_ =	swait.ge [sflag:s29], $0x1  }
0xc1: {  	[sflag:s29] =	ssyncadd.s32 $0xFFFFFFFF  }
0xc2: {  	_ =	strace $0x90000048  }
0xc3: {  	_ =	sfence  }
0xc4: {  	s30 =	sld [smem:$0x0];
	_ =	sdelay $0x2  }
0xc5: {  	s31 =	sshll.u32 s1, $0xD;
	s1 =	sshrl.u32 s1, $0x2  }
0xc6: {  	s3 =	sand.u32 $0x4000, s31;
	s1 =	sadd.s32 s1, s30  }
0xc7: {  	s0 =	sor.u32 s3, s0;
	s1 =	sshll.u32 s1, $0x11  }
0xc8: {  	s0 =	sor.u32 s1, s0  }
0xc9: {  	s0 =	sadd.s32 $0x8F2B, s0  }
0xca: {  	[sflag:s0] =	ssyncadd.remote.s32 $0x1  }
0xcb: {  	_ =	sfence.sel $0xFFFF  }
0xcc: {  	[dreg:$0x0] =	wrdreg $0xFFFFFFFF;
	(pc) =	sbr.abs _section_cstart, $3  }
0xcd: {  	[dreg:$0x1] =	wrdreg $0xFFFFFFFF  }
0xce: {  	_ =	task.clear_ibuf [dreg:s14], $0x2FFFF;
	_ =	strace $0x9FFFFFFF  }
0xcf: {  	(tm) =	ssettm $0x7FFFFFFF  }
tec
execute0_lowered:
.L_overlay_start_1:
0x0: {  	(tag) =	ssettag $0x1  }
0x1: {  	v6 =	vimm.s32 $0x6;
	v7 =	vimm.s32 $0x7  }
0x2: {  	v0 =	vimm.s32 $0x76543210;
	v1 =	vimm.s32 $0xFEDCBA98;
	v8 =	vlaneseq.u32  }
0x3: {  	v9 =	vimm.s32 $0x8;
	v10 =	vimm.s32 $0x9;
	v2 =	vimm.s32 $0xBA98FEDC  }
0x4: {  	v3 =	vimm.s32 $0x32107654;
	v4 =	vimm.s32 $0xDCFE98BA;
	v5 =	vimm.s32 $0x54761032  }
0x5: {  	v12 =	vimm.s32 $0xEFCDAB89;
	v14 =	vimm.s32 $0x67452301;
	vm0 =	vcmask $0x171C  }
0x6: {  	vm1 =	vcmask $0x1B20;
	vm2 =	vcmask $0x1F24;
	vm3 =	vcmask $0x2328  }
0x7: {  	s4 =	rddreg [dreg:$0x0];
	vm4 =	vcmask $0x272C;
	vm5 =	vcmask $0x2B30;
	v29 =	vimm.s32 $0xC  }
0x8: {  	s6 =	rddreg [dreg:$0x1];
	vm6 =	vcmask $0x2F34;
	v32 =	vimm.s32 $0xD;
	vm7 =	vcmask $0x3338  }
0x9: {  	s10 =	rddreg [dreg:$0x2];
	v35 =	vimm.s32 $0xE;
	vm8 =	vcmask $0x373C;
	v38 =	vimm.s32 $0xF  }
0xa: {  	s0 =	rddreg [dreg:$0x3];
	vm9 =	vmmov $0x7fff;
	v0 =	vunpack.c.l.s4.s8 v0;
	v1 =	vunpack.c.l.s4.s8 v1  }
0xb: {  	s1 =	rddreg [dreg:$0x4];
	v11 =	vmul.u32 $0x80, v8;
	v2 =	vunpack.c.l.s4.s8 v2;
	v3 =	vunpack.c.l.s4.s8 v3  }
0xc: {  	s2 =	rddreg [dreg:$0x5];
	v4 =	vunpack.c.l.s4.s8 v4;
	v5 =	vunpack.c.l.s4.s8 v5;
	v16 =	vunpack.c.l.s4.s8 v12  }
0xd: {  	s3 =	rddreg [dreg:$0x6];
	v57 =	vunpack.c.l.s4.s8 v14;
	v0 =	vunpack.c.0.s8.s32 v0;
	v1 =	vunpack.c.0.s8.s32 v1  }
0xe: {  	s5 =	rddreg [dreg:$0x7];
	s8 =	srdreg.scid;
	v2 =	vunpack.c.0.s8.s32 v2;
	v3 =	vunpack.c.0.s8.s32 v3;
	v4 =	vunpack.c.0.s8.s32 v4  }
0xf: {  	s7 =	simm.s32 $0x0;
	s11 =	stileid.u32;
	s14 =	simm.s32 $0x400;
	v5 =	vunpack.c.0.s8.s32 v5;
	v12 =	vor.u32 $0x800, v11;
	v58 =	vunpack.c.0.s8.s32 v16  }
0x10: {  	s15 =	simm.s32 $0x80;
	s30 =	simm.s32 $0x7A1400;
	s31 =	simm.s32 $0xC600;
	v59 =	vor.u32 $0xA000, v11;
	v60 =	vor.u32 $0xA800, v11;
	v61 =	vor.u32 $0xB000, v11  }
0x11: {  	s24 =	simm.s32 $0x600;
	s8 =	sand.u32 $0x1, s8;
	s11 =	sshll.u32 s11, $0x7;
	v62 =	vor.u32 $0xB800, v11;
	v63 =	vor.u32 $0x1000, v11;
	v21 =	vor.u32 $0x1800, v11  }
0x12: {  	[smem:$0x7FF] =	sst s7;
	s9 =	ssub.s32 $0x2, s8;
	s8 =	sshll.u32 s8, $0x6;
	v24 =	vor.u32 $0x2000, v11;
	v25 =	vor.u32 $0x2800, v11;
	v27 =	vor.u32 $0x3000, v11  }
0x13: {  	s23 =	simm.s32 $0x2;
	_ =	strace $0x80000047;
	s11 =	sor.u32 s8, s11;
	v28 =	vor.u32 $0x3800, v11;
	v30 =	vor.u32 $0x4000, v11;
	v31 =	vor.u32 $0x4800, v11;
	[tilespmem:$0x1FFB0] =	vst v59  }
0x14: {  	s25 =	simm.s32 $0x3;
	s18 =	simm.s32 $0x0;
	v33 =	vor.u32 $0x5000, v11;
	v34 =	vor.u32 $0x5800, v11;
	s4 =	sadd.s32 s4, s11;
	[tilespmem:$0x1FFC0] =	vst v60;
	v1 =	vand.u32 $0xF, v1  }
0x15: {  	s12 =	sshrl.u32 s9, $0x1;
	v36 =	vor.u32 $0x6000, v11;
	s28 =	sadd.s32 s6, s11;
	[tilespmem:$0x1FFD0] =	vst v61;
	[dreg:$0x9] =	wrdreg s4;
	v13 =	vcombine.low v1, v0;
	v0 =	vunpack.c.0.s8.s32 v57  }
0x16: {  	v37 =	vor.u32 $0x6800, v11;
	v39 =	vor.u32 $0x7000, v11;
	s12 =	ssub.s32 s9, s12;
	s29 =	sadd.s32 s10, s11;
	[tilespmem:$0x1FFE0] =	vst v62;
	[dreg:$0xa] =	wrdreg s28;
	v14 =	vcombine.low v3, v2  }
0x17: {  	v40 =	vor.u32 $0x7800, v11;
	[tilespmem:$0x1FFF0] =	vst v63;
	[dreg:$0xb] =	wrdreg s29;
	s11 =	smax.u32 s12, $0x1;
	s12 =	simm.s32 $0x4;
	v15 =	vcombine.low v5, v4;
	v23 =	vcombine.low v0, v58  }
.LBB2_1:
0x18: {  	s4 =	rddreg [dreg:$0x9]  }
0x19: {  	[tilespmem:s7], [sflag:$0x4] =	stream.linear.gather [hbm4b:s4+s7], $0x200, $0x38;
	[tilespmem:$0x18C00] =	vst v63  }
0x1a: {  	_ =	swait.ge [sflag:s12], $0x200  }
0x1b: {  	[sflag:s12] =	ssyncset.done $0x0  }
0x1c: {  	s6 =	simm.s32 $0x200;
	s29 =	rddreg [dreg:$0xa];
	[sflag:s12] =	ssyncadd.s32 $0xFFFFFE00  }
0x1d: {  	[tilespmem:s6], [sflag:$0x4] =	stream.linear.gather [hbm4b:s29+s7], $0x200, $0x38;
	[tilespmem:$0x18C00] =	vst v63  }
0x1e: {  	_ =	swait.ge [sflag:s12], $0x200  }
0x1f: {  	[sflag:s12] =	ssyncset.done $0x0  }
0x20: {  	s8 =	rddreg [dreg:$0xb];
	[sflag:s12] =	ssyncadd.s32 $0xFFFFFE00  }
0x21: {  	[tilespmem:s14], [sflag:$0x4] =	stream.linear.gather [hbm4b:s8+s7], $0x200, $0x38;
	[tilespmem:$0x18C00] =	vst v63  }
0x22: {  	_ =	swait.ge [sflag:s12], $0x200  }
0x23: {  	[sflag:s12] =	ssyncset.done $0x0  }
0x24: {  	s9 =	simm.s32 $0x18600;
	[sflag:s12] =	ssyncadd.s32 $0xFFFFFE00  }
0x25: {  	[tilespmem:s9], [sflag:$0x3] =	stream.indirect.gather [hbm4b:s2+s15], $0x1, s7, s15, $0xb8;
	[tilespmem:$0x18C00] =	vst v63  }
0x26: {  	s10 =	simm.s32 $0x18800  }
0x27: {  	[tilespmem:s10], [sflag:$0x3] =	stream.indirect.gather [hbm4b:s3+s15], $0x1, s6, s15, $0xb8;
	[tilespmem:$0x18C00] =	vst v63  }
0x28: {  	s13 =	simm.s32 $0x18680  }
0x29: {  	[tilespmem:s13], [sflag:$0x3] =	stream.indirect.gather [hbm4b:s2+s15], $0x1, s15, s15, $0xb8;
	[tilespmem:$0x18C00] =	vst v63  }
0x2a: {  	s16 =	simm.s32 $0x280;
	s17 =	simm.s32 $0x18880  }
0x2b: {  	[tilespmem:s17], [sflag:$0x3] =	stream.indirect.gather [hbm4b:s3+s15], $0x1, s16, s15, $0xb8;
	[tilespmem:$0x18C00] =	vst v63  }
0x2c: {  	s19 =	simm.s32 $0x100;
	s20 =	simm.s32 $0x18700  }
0x2d: {  	[tilespmem:s20], [sflag:$0x3] =	stream.indirect.gather [hbm4b:s2+s15], $0x1, s19, s15, $0xb8;
	[tilespmem:$0x18C00] =	vst v63  }
0x2e: {  	s21 =	simm.s32 $0x300;
	s22 =	simm.s32 $0x18900  }
0x2f: {  	[tilespmem:s22], [sflag:$0x3] =	stream.indirect.gather [hbm4b:s3+s15], $0x1, s21, s15, $0xb8;
	[tilespmem:$0x18C00] =	vst v63  }
0x30: {  	s26 =	simm.s32 $0x180;
	s29 =	simm.s32 $0x18780  }
0x31: {  	[tilespmem:s29], [sflag:$0x3] =	stream.indirect.gather [hbm4b:s2+s15], $0x1, s26, s15, $0xb8;
	[tilespmem:$0x18C00] =	vst v63  }
0x32: {  	s8 =	simm.s32 $0x380;
	s9 =	simm.s32 $0x18980  }
0x33: {  	[tilespmem:s9], [sflag:$0x3] =	stream.indirect.gather [hbm4b:s3+s15], $0x1, s8, s15, $0xb8;
	[tilespmem:$0x18C00] =	vst v63  }
0x34: {  	v0 =	vld [tilespmem:$0x0];
	_ =	sdelay $0x1  }
0x35: {  	v1 =	vld [tilespmem:$0x200];
	_ =	sdelay $0x1  }
0x36: {  	v2 =	vimm.s32 $0x0  }
0x37: {  	v0 =	vperm.xlane v0, v2;
	_ =	sdelay $0x1  }
0x38: {  	v51 =	vperm.xlane v1, v2;
	(v2sf) =	vpush v0, $0x0;
	_ =	sdelay $0x1  }
0x39: {  	(v2sf) =	vpush v51, $0x0;
	_ =	sdelay $0xc  }
0x3a: {  	s4 =	spop (v2sf)  }
0x3b: {  	s6 =	sshra.s32 s4, $0x7  }
0x3c: {  	s16 =	spop (v2sf);
	p0 =	seq.s32 s6, $0xFFFFFFFF  }
0x3d: {  	s10 =	sand.u32 $0xFFFFF80, s16;
	s4 =	sand.u32 @!p0 $0xFFFFF80, s4;
	s17 =	simm.s32 @!p0 $0x400  }
0x3e: {  	s19 =	simm.s32 @!p0 $0x7A1400;
	s20 =	simm.s32 @!p0 $0x600;
	s4 =	sadd.s32 @!p0 s0, s4  }
0x3f: {  	[tilespmem:s20], [sflag:$0x1] =	stream.strided.gather @!p0 [hbm4b:s4+s17], $0x1000, s19, s17, $0x38;
	[tilespmem:$0x18C00] =	vst v63  }
0x40: {  	s4 =	sadd.s32 s1, s10  }
0x41: {  	[tilespmem:s31], [sflag:$0x2] =	stream.strided.gather [hbm4b:s4+s14], $0x1000, s30, s14, $0x38;
	[tilespmem:$0x18C00] =	vst v63  }
0x42: {  	v52 =	vld [tilespmem:$0x0];
	_ =	sdelay $0x1  }
0x43: {  	v54 =	vld [tilespmem:$0x200];
	_ =	sdelay $0x1  }
0x44: {  	v53 =	vimm.s32 $0x1  }
0x45: {  	v0 =	vperm.xlane v52, v53;
	_ =	sdelay $0x1  }
0x46: {  	v55 =	vperm.xlane v54, v53;
	(v2sf) =	vpush v0, $0x0;
	_ =	sdelay $0x1  }
0x47: {  	(v2sf) =	vpush v55, $0x0;
	_ =	sdelay $0xc  }
0x48: {  	s4 =	spop (v2sf)  }
0x49: {  	s13 =	sshra.s32 s4, $0x7  }
0x4a: {  	s26 =	spop (v2sf);
	p0 =	seq.s32 s13, s6  }
0x4b: {  	s29 =	sand.u32 $0xFFFFF80, s26;
	p1 =	sne.s32 @!p0 s6, $0xFFFFFFFF;
	s17 =	simm.s32 @!p0 $0x1600  }
0x4c: {  	s4 =	sand.u32 @!p0 $0xFFFFF80, s4;
	s20 =	simm.s32 @!p0 $0x400;
	p1 =	por !p1, p0  }
0x4d: {  	s21 =	simm.s32 @!p0 $0x7A1400;
	s4 =	sadd.s32 @!p0 s0, s4;
	s17 =	simm.s32 @p1 $0x600  }
0x4e: {  	[tilespmem:s17], [sflag:$0x1] =	stream.strided.gather @!p0 [hbm4b:s4+s20], $0x1000, s21, s20, $0x38;
	[tilespmem:$0x18C00] =	vst v63  }
0x4f: {  	s8 =	simm.s32 $0xD600;
	s4 =	sadd.s32 s1, s29  }
0x50: {  	[tilespmem:s8], [sflag:$0x2] =	stream.strided.gather [hbm4b:s4+s14], $0x1000, s30, s14, $0x38;
	[tilespmem:$0x18C00] =	vst v63  }
0x51: {  	v56 =	vld [tilespmem:$0x0]  }
0x52: {  	v57 =	vld [tilespmem:$0x200];
	_ =	sdelay $0x2  }
0x53: {  	v58 =	vimm.s32 $0x2  }
0x54: {  	v0 =	vperm.xlane v56, v58  }
0x55: {  	v59 =	vperm.xlane v57, v58  }
0x56: {  	(v2sf) =	vpush v0, $0x0  }
0x57: {  	(v2sf) =	vpush v59, $0x0;
	_ =	sdelay $0xc  }
0x58: {  	p1 =	sne.s32 s13, s6;
	p0 =	sne.s32 s6, $0xFFFFFFFF;
	s6 =	simm.s32 $0x1  }
0x59: {  	s6 =	simm.s32 @!p1 $0x0;
	s4 =	simm.s32 $0x1;
	s17 =	spop (v2sf)  }
0x5a: {  	s4 =	simm.s32 @!p0 $0x0;
	s19 =	sshra.s32 s17, $0x7;
	s8 =	spop (v2sf)  }
0x5b: {  	s4 =	sadd.s32 s4, s6;
	p0 =	seq.s32 s19, s13;
	s9 =	sand.u32 $0xFFFFF80, s8  }
0x5c: {  	s6 =	sshll.u32 @!p0 s4, $0xC;
	s17 =	sand.u32 @!p0 $0xFFFFF80, s17;
	s21 =	simm.s32 @!p0 $0x400  }
0x5d: {  	s22 =	simm.s32 @!p0 $0x7A1400;
	s6 =	sor.u32 @!p0 $0x600, s6;
	s17 =	sadd.s32 @!p0 s0, s17  }
0x5e: {  	[tilespmem:s6], [sflag:$0x1] =	stream.strided.gather @!p0 [hbm4b:s17+s21], $0x1000, s22, s21, $0x38;
	[tilespmem:$0x18C00] =	vst v63  }
0x5f: {  	s10 =	simm.s32 $0xE600;
	s6 =	sadd.s32 s1, s9  }
0x60: {  	[tilespmem:s10], [sflag:$0x2] =	stream.strided.gather [hbm4b:s6+s14], $0x1000, s30, s14, $0x38;
	[tilespmem:$0x18C00] =	vst v63  }
0x61: {  	v60 =	vld [tilespmem:$0x0]  }
0x62: {  	v61 =	vld [tilespmem:$0x200];
	_ =	sdelay $0x2  }
0x63: {  	v62 =	vimm.s32 $0x3  }
0x64: {  	v0 =	vperm.xlane v60, v62  }
0x65: {  	v63 =	vperm.xlane v61, v62  }
0x66: {  	(v2sf) =	vpush v0, $0x0  }
0x67: {  	(v2sf) =	vpush v63, $0x0;
	_ =	sdelay $0xd  }
0x68: {  	p0 =	sne.s32 s19, s13;
	s6 =	simm.s32 $0x1;
	s16 =	spop (v2sf)  }
0x69: {  	s6 =	simm.s32 @!p0 $0x0;
	s17 =	sshra.s32 s16, $0x7;
	s13 =	spop (v2sf)  }
0x6a: {  	s4 =	sadd.s32 s6, s4;
	p0 =	seq.s32 s17, s19;
	s26 =	sand.u32 $0xFFFFF80, s13  }
0x6b: {  	s6 =	sshll.u32 @!p0 s4, $0xC;
	s16 =	sand.u32 @!p0 $0xFFFFF80, s16;
	s21 =	simm.s32 @!p0 $0x400  }
0x6c: {  	s22 =	simm.s32 @!p0 $0x7A1400;
	s6 =	sor.u32 @!p0 $0x600, s6;
	s16 =	sadd.s32 @!p0 s0, s16  }
0x6d: {  	[tilespmem:s6], [sflag:$0x1] =	stream.strided.gather @!p0 [hbm4b:s16+s21], $0x1000, s22, s21, $0x38;
	[tilespmem:$0x18C00] =	vst v63  }
0x6e: {  	s29 =	simm.s32 $0xF600;
	s6 =	sadd.s32 s1, s26  }
0x6f: {  	[tilespmem:s29], [sflag:$0x2] =	stream.strided.gather [hbm4b:s6+s14], $0x1000, s30, s14, $0x38;
	[tilespmem:$0x18C00] =	vst v63  }
0x70: {  	v18 =	vld [tilespmem:$0x0]  }
0x71: {  	v19 =	vld [tilespmem:$0x200];
	_ =	sdelay $0x2  }
0x72: {  	v41 =	vimm.s32 $0x4  }
0x73: {  	v0 =	vperm.xlane v18, v41  }
0x74: {  	v42 =	vperm.xlane v19, v41  }
0x75: {  	(v2sf) =	vpush v0, $0x0  }
0x76: {  	(v2sf) =	vpush v42, $0x0;
	_ =	sdelay $0xd  }
0x77: {  	p0 =	sne.s32 s17, s19;
	s6 =	simm.s32 $0x1;
	s16 =	spop (v2sf)  }
0x78: {  	s6 =	simm.s32 @!p0 $0x0;
	s19 =	sshra.s32 s16, $0x7;
	s8 =	spop (v2sf)  }
0x79: {  	s4 =	sadd.s32 s6, s4;
	p0 =	seq.s32 s19, s17;
	s9 =	sand.u32 $0xFFFFF80, s8  }
0x7a: {  	s6 =	sshll.u32 @!p0 s4, $0xC;
	s16 =	sand.u32 @!p0 $0xFFFFF80, s16;
	s21 =	simm.s32 @!p0 $0x400  }
0x7b: {  	s22 =	simm.s32 @!p0 $0x7A1400;
	s6 =	sor.u32 @!p0 $0x600, s6;
	s16 =	sadd.s32 @!p0 s0, s16  }
0x7c: {  	[tilespmem:s6], [sflag:$0x1] =	stream.strided.gather @!p0 [hbm4b:s16+s21], $0x1000, s22, s21, $0x38;
	[tilespmem:$0x18C00] =	vst v63  }
0x7d: {  	s10 =	simm.s32 $0x10600;
	s6 =	sadd.s32 s1, s9  }
0x7e: {  	[tilespmem:s10], [sflag:$0x2] =	stream.strided.gather [hbm4b:s6+s14], $0x1000, s30, s14, $0x38;
	[tilespmem:$0x18C00] =	vst v63  }
0x7f: {  	v43 =	vld [tilespmem:$0x0]  }
0x80: {  	v44 =	vld [tilespmem:$0x200];
	_ =	sdelay $0x2  }
0x81: {  	v45 =	vimm.s32 $0x5  }
0x82: {  	v0 =	vperm.xlane v43, v45  }
0x83: {  	v46 =	vperm.xlane v44, v45  }
0x84: {  	(v2sf) =	vpush v0, $0x0  }
0x85: {  	(v2sf) =	vpush v46, $0x0;
	_ =	sdelay $0xd  }
0x86: {  	p0 =	sne.s32 s19, s17;
	s6 =	simm.s32 $0x1;
	s16 =	spop (v2sf)  }
0x87: {  	s6 =	simm.s32 @!p0 $0x0;
	s17 =	sshra.s32 s16, $0x7;
	s13 =	spop (v2sf)  }
0x88: {  	s4 =	sadd.s32 s6, s4;
	p0 =	seq.s32 s17, s19;
	s26 =	sand.u32 $0xFFFFF80, s13  }
0x89: {  	s6 =	sshll.u32 @!p0 s4, $0xC;
	s16 =	sand.u32 @!p0 $0xFFFFF80, s16;
	s21 =	simm.s32 @!p0 $0x400  }
0x8a: {  	s22 =	simm.s32 @!p0 $0x7A1400;
	s6 =	sor.u32 @!p0 $0x600, s6;
	s16 =	sadd.s32 @!p0 s0, s16  }
0x8b: {  	[tilespmem:s6], [sflag:$0x1] =	stream.strided.gather @!p0 [hbm4b:s16+s21], $0x1000, s22, s21, $0x38;
	[tilespmem:$0x18C00] =	vst v63  }
0x8c: {  	s29 =	simm.s32 $0x11600;
	s6 =	sadd.s32 s1, s26  }
0x8d: {  	[tilespmem:s29], [sflag:$0x2] =	stream.strided.gather [hbm4b:s6+s14], $0x1000, s30, s14, $0x38;
	[tilespmem:$0x18C00] =	vst v63  }
0x8e: {  	v47 =	vld [tilespmem:$0x0]  }
0x8f: {  	v48 =	vld [tilespmem:$0x200];
	_ =	sdelay $0x3  }
0x90: {  	v0 =	vperm.xlane v47, v6  }
0x91: {  	v49 =	vperm.xlane v48, v6  }
0x92: {  	(v2sf) =	vpush v0, $0x0  }
0x93: {  	(v2sf) =	vpush v49, $0x0;
	_ =	sdelay $0xd  }
0x94: {  	p0 =	sne.s32 s17, s19;
	s6 =	simm.s32 $0x1;
	s16 =	spop (v2sf)  }
0x95: {  	s6 =	simm.s32 @!p0 $0x0;
	s19 =	sshra.s32 s16, $0x7;
	s8 =	spop (v2sf)  }
0x96: {  	s4 =	sadd.s32 s6, s4;
	p0 =	seq.s32 s19, s17;
	s9 =	sand.u32 $0xFFFFF80, s8  }
0x97: {  	s6 =	sshll.u32 @!p0 s4, $0xC;
	s16 =	sand.u32 @!p0 $0xFFFFF80, s16;
	s21 =	simm.s32 @!p0 $0x400  }
0x98: {  	s22 =	simm.s32 @!p0 $0x7A1400;
	s6 =	sor.u32 @!p0 $0x600, s6;
	s16 =	sadd.s32 @!p0 s0, s16  }
0x99: {  	[tilespmem:s6], [sflag:$0x1] =	stream.strided.gather @!p0 [hbm4b:s16+s21], $0x1000, s22, s21, $0x38;
	[tilespmem:$0x18C00] =	vst v63  }
0x9a: {  	s10 =	simm.s32 $0x12600;
	s6 =	sadd.s32 s1, s9  }
0x9b: {  	[tilespmem:s10], [sflag:$0x2] =	stream.strided.gather [hbm4b:s6+s14], $0x1000, s30, s14, $0x38;
	[tilespmem:$0x18C00] =	vst v63  }
0x9c: {  	v50 =	vld [tilespmem:$0x0]  }
0x9d: {  	v51 =	vld [tilespmem:$0x200];
	_ =	sdelay $0x3  }
0x9e: {  	v0 =	vperm.xlane v50, v7  }
0x9f: {  	v52 =	vperm.xlane v51, v7  }
0xa0: {  	(v2sf) =	vpush v0, $0x0  }
0xa1: {  	(v2sf) =	vpush v52, $0x0;
	_ =	sdelay $0xd  }
0xa2: {  	p0 =	sne.s32 s19, s17;
	s6 =	simm.s32 $0x1;
	s16 =	spop (v2sf)  }
0xa3: {  	s6 =	simm.s32 @!p0 $0x0;
	s17 =	sshra.s32 s16, $0x7;
	s13 =	spop (v2sf)  }
0xa4: {  	s4 =	sadd.s32 s6, s4;
	p0 =	seq.s32 s17, s19;
	s26 =	sand.u32 $0xFFFFF80, s13  }
0xa5: {  	s6 =	sshll.u32 @!p0 s4, $0xC;
	s16 =	sand.u32 @!p0 $0xFFFFF80, s16;
	s21 =	simm.s32 @!p0 $0x400  }
0xa6: {  	s22 =	simm.s32 @!p0 $0x7A1400;
	s6 =	sor.u32 @!p0 $0x600, s6;
	s16 =	sadd.s32 @!p0 s0, s16  }
0xa7: {  	[tilespmem:s6], [sflag:$0x1] =	stream.strided.gather @!p0 [hbm4b:s16+s21], $0x1000, s22, s21, $0x38;
	[tilespmem:$0x18C00] =	vst v63  }
0xa8: {  	s29 =	simm.s32 $0x13600;
	s6 =	sadd.s32 s1, s26  }
0xa9: {  	[tilespmem:s29], [sflag:$0x2] =	stream.strided.gather [hbm4b:s6+s14], $0x1000, s30, s14, $0x38;
	[tilespmem:$0x18C00] =	vst v63  }
0xaa: {  	v53 =	vld [tilespmem:$0x0]  }
0xab: {  	v54 =	vld [tilespmem:$0x200];
	_ =	sdelay $0x3  }
0xac: {  	v0 =	vperm.xlane v53, v9  }
0xad: {  	v55 =	vperm.xlane v54, v9  }
0xae: {  	(v2sf) =	vpush v0, $0x0  }
0xaf: {  	(v2sf) =	vpush v55, $0x0;
	_ =	sdelay $0xd  }
0xb0: {  	p0 =	sne.s32 s17, s19;
	s6 =	simm.s32 $0x1;
	s16 =	spop (v2sf)  }
0xb1: {  	s6 =	simm.s32 @!p0 $0x0;
	s19 =	sshra.s32 s16, $0x7;
	s8 =	spop (v2sf)  }
0xb2: {  	s6 =	sadd.s32 s6, s4;
	p0 =	seq.s32 s19, s17;
	s9 =	sand.u32 $0xFFFFF80, s8  }
0xb3: {  	s4 =	sshll.u32 @!p0 s6, $0xC;
	s16 =	sand.u32 @!p0 $0xFFFFF80, s16;
	s21 =	simm.s32 @!p0 $0x400  }
0xb4: {  	s22 =	simm.s32 @!p0 $0x7A1400;
	s4 =	sor.u32 @!p0 $0x600, s4;
	s16 =	sadd.s32 @!p0 s0, s16  }
0xb5: {  	[tilespmem:s4], [sflag:$0x1] =	stream.strided.gather @!p0 [hbm4b:s16+s21], $0x1000, s22, s21, $0x38;
	[tilespmem:$0x18C00] =	vst v63  }
0xb6: {  	s10 =	simm.s32 $0x14600;
	s4 =	sadd.s32 s1, s9  }
0xb7: {  	[tilespmem:s10], [sflag:$0x2] =	stream.strided.gather [hbm4b:s4+s14], $0x1000, s30, s14, $0x38;
	[tilespmem:$0x18C00] =	vst v63  }
0xb8: {  	v56 =	vld [tilespmem:$0x0]  }
0xb9: {  	v57 =	vld [tilespmem:$0x200];
	_ =	sdelay $0x3  }
0xba: {  	v0 =	vperm.xlane v56, v10  }
0xbb: {  	v58 =	vperm.xlane v57, v10  }
0xbc: {  	(v2sf) =	vpush v0, $0x0  }
0xbd: {  	(v2sf) =	vpush v58, $0x0;
	_ =	sdelay $0xc  }
0xbe: {  	p0 =	sne.s32 s19, s17  }
0xbf: {  	s16 =	simm.s32 $0x1;
	s9 =	simm.s32 $0xA;
	s17 =	spop (v2sf)  }
0xc0: {  	s16 =	simm.s32 @!p0 $0x0;
	s4 =	sshra.s32 s17, $0x7;
	s13 =	spop (v2sf)  }
0xc1: {  	s6 =	sadd.s32 s16, s6;
	p0 =	seq.s32 s4, s19;
	s26 =	sand.u32 $0xFFFFF80, s13  }
0xc2: {  	s16 =	sshll.u32 @!p0 s6, $0xC;
	s17 =	sand.u32 @!p0 $0xFFFFF80, s17;
	s21 =	simm.s32 @!p0 $0x400  }
0xc3: {  	s22 =	simm.s32 @!p0 $0x7A1400;
	s16 =	sor.u32 @!p0 $0x600, s16;
	s17 =	sadd.s32 @!p0 s0, s17  }
0xc4: {  	[tilespmem:s16], [sflag:$0x1] =	stream.strided.gather @!p0 [hbm4b:s17+s21], $0x1000, s22, s21, $0x38;
	[tilespmem:$0x18C00] =	vst v63  }
0xc5: {  	s29 =	simm.s32 $0x15600;
	s10 =	sand.u32 $0x3F0, s9;
	s16 =	sadd.s32 s1, s26  }
0xc6: {  	[tilespmem:s29], [sflag:$0x2] =	stream.strided.gather [hbm4b:s16+s14], $0x1000, s30, s14, $0x38;
	[tilespmem:$0x18C00] =	vst v63  }
0xc7: {  	v59 =	vld [tilespmem:s10+$0x0];
	_ =	sdelay $0x2  }
0xc8: {  	s13 =	sand.u32 $0xF, s9  }
0xc9: {  	v60 =	vmov s13  }
0xca: {  	v0 =	vperm.xlane v59, v60;
	_ =	sdelay $0x1  }
0xcb: {  	(v2sf) =	vpush v0, $0x0;
	_ =	sdelay $0x8  }
0xcc: {  	v61 =	vld [tilespmem:s10+$0x200];
	_ =	sdelay $0x4  }
0xcd: {  	v0 =	vperm.xlane v61, v60  }
0xce: {  	p0 =	sne.s32 s4, s19;
	s19 =	simm.s32 $0x1;
	s20 =	spop (v2sf)  }
0xcf: {  	s19 =	simm.s32 @!p0 $0x0;
	(v2sf) =	vpush v0, $0x0;
	s16 =	sshra.s32 s20, $0x7  }
0xd0: {  	s6 =	sadd.s32 s19, s6;
	p0 =	seq.s32 s16, s4  }
0xd1: {  	s19 =	smulhi.u32 @!p0 $0x2AAAAAAB, s6;
	s21 =	sshra.s32 @!p0 s6, $0x1F  }
0xd2: {  	s21 =	smul.u32 @!p0 $0x2AAAAAAB, s21;
	_ =	sdelay $0x1  }
0xd3: {  	s19 =	sadd.s32 @!p0 s21, s19  }
0xd4: {  	s17 =	smul.u32 $0xAAAB, s9;
	s21 =	sshrl.u32 @!p0 s19, $0x1F;
	s19 =	sshrl.u32 @!p0 s19, $0x1  }
0xd5: {  	s19 =	sadd.s32 @!p0 s21, s19  }
0xd6: {  	s17 =	sshrl.u32 s17, $0x13;
	s19 =	smul.u32 @!p0 $0xC, s19  }
0xd7: {  	s17 =	smul.u32 $0xC, s17  }
0xd8: {  	s19 =	ssub.s32 @!p0 s6, s19  }
0xd9: {  	s17 =	ssub.s32 $0xA, s17;
	s19 =	sshll.u32 @!p0 s19, $0xE  }
0xda: {  	s20 =	sand.u32 @!p0 $0xFFFFF80, s20;
	s22 =	simm.s32 @!p0 $0x400;
	s19 =	sshra.s32 @!p0 s19, $0x2  }
0xdb: {  	s20 =	sadd.s32 @!p0 s0, s20;
	s21 =	simm.s32 @!p0 $0x7A1400;
	s19 =	sor.u32 @!p0 $0x600, s19  }
0xdc: {  	[tilespmem:s19], [sflag:$0x1] =	stream.strided.gather @!p0 [hbm4b:s20+s22], $0x1000, s21, s22, $0x38;
	[tilespmem:$0x18C00] =	vst v63  }
0xdd: {  	s17 =	sand.u32 $0xFFFF, s17;
	s21 =	spop (v2sf)  }
0xde: {  	s17 =	sshll.u32 s17, $0xC;
	s22 =	simm.s32 $0x0;
	s19 =	sand.u32 $0xFFFFF80, s21  }
0xdf: {  	s17 =	sadd.s32 $0xC600, s17;
	s26 =	sand.u32 $0x1F0, s22;
	s19 =	sadd.s32 s1, s19  }
0xe0: {  	[tilespmem:s17], [sflag:$0x2] =	stream.strided.gather [hbm4b:s19+s14], $0x1000, s30, s14, $0x38;
	[tilespmem:$0x18C00] =	vst v63  }
0xe1: {  	v62 =	vld [tilespmem:s26+$0x0]  }
0xe2: {  	v63 =	vld [tilespmem:s26+$0x200]  }
0xe3: {  	s29 =	smul.u32 $0xAAAB, s22  }
0xe4: {  	s28 =	sand.u32 $0xF, s22  }
0xe5: {  	v42 =	vmov s28;
	s17 =	sshrl.u32 s29, $0x13  }
0xe6: {  	s17 =	smul.u32 $0xC, s17;
	v0 =	vperm.xlane v62, v42  }
0xe7: {  	p0 =	sne.s32 s16, s4;
	s4 =	simm.s32 $0x1;
	s20 =	simm.s32 $0xB;
	v1 =	vperm.xlane v63, v42  }
0xe8: {  	s4 =	simm.s32 @!p0 $0x0;
	s21 =	simm.s32 $0x0;
	s17 =	ssub.s32 $0x0, s17;
	(v2sf) =	vpush v0, $0x0  }
0xe9: {  	v41 =	vimm.f32 $0.0e+00;
	s22 =	sadd.s32 s4, s6;
	s19 =	simm.s32 $0xFFFFFFFF;
	s17 =	sand.u32 $0xFFFF, s17;
	(v2sf) =	vpush v1, $0x0  }
.LBB2_2:
0xea: {  	s29 =	smov.u32 s20;
	s20 =	sadd.s32 $0x1, s20;
	s6 =	smov.u32 s16  }
0xeb: {  	s4 =	smov.u32 s22;
	p0 =	sne.s32 s20, $0x200  }
0xec: {  	s16 =	sand.u32 $0x3F0, s29;
	_ =	sdelay $0x3  }
0xed: {  	s13 =	sand.u32 $0xF, s29  }
0xee: {  	v0 =	vmov s13;
	_ =	sdelay $0x5  }
0xef: {  	s13 =	spop (v2sf)  }
0xf0: {  	s8 =	sshra.s32 s13, $0x7  }
0xf1: {  	s17 =	sshll.u32 s17, $0xC;
	s9 =	spop (v2sf);
	p1 =	seq.s32 s8, s19  }
0xf2: {  	p2 =	sne.s32 s8, s19;
	s9 =	sand.u32 $0x7F, s9;
	s19 =	simm.s32 $0x1  }
0xf3: {  	s10 =	simm.s32 @!p1 $0x1;
	s19 =	simm.s32 @!p2 $0x0;
	s9 =	sor.u32 s17, s9  }
0xf4: {  	_ =	swait.ge @!p1 [sflag:s10], $0x1000;
	s21 =	sadd.s32 s19, s21;
	s19 =	smov.u32 s8  }
0xf5: {  	[sflag:s10] =	ssyncset.done @!p1 $0x0;
	s8 =	sadd.s32 $0xFFFFFFFF, s21  }
0xf6: {  	[sflag:s10] =	ssyncadd.s32 @!p1 $0xFFFFF000;
	s10 =	smulhi.u32 $0x2AAAAAAB, s8;
	s17 =	sshra.s32 s8, $0x1F  }
0xf7: {  	s17 =	smul.u32 $0x2AAAAAAB, s17;
	_ =	sdelay $0x1  }
0xf8: {  	s10 =	sadd.s32 s17, s10  }
0xf9: {  	s17 =	sshrl.u32 s10, $0x1F;
	s10 =	sshrl.u32 s10, $0x1  }
0xfa: {  	s10 =	sadd.s32 s17, s10  }
0xfb: {  	s10 =	smul.u32 $0xC, s10;
	_ =	sdelay $0x1  }
0xfc: {  	s8 =	ssub.s32 s8, s10  }
0xfd: {  	v1 =	vor.u32 s9, v11;
	s10 =	sand.u32 $0x7F, s13;
	s8 =	sshll.u32 s8, $0xC  }
0xfe: {  	v2 =	vor.u32 s9, v12;
	s8 =	sor.u32 s10, s8  }
0xff: {  	_ =	swait.ge [sflag:s23], $0x1000;
	v3 =	vor.u32 s8, v11  }
0x100: {  	v4 =	vor.u32 s8, v12;
	[sflag:s23] =	ssyncset.done $0x0  }
0x101: {  	[sflag:s23] =	ssyncadd.s32 $0xFFFFF000  }
0x102: {  	v1 =	vld.idx.msk [tilespmem:v1+s31+$0x0], $0xffff  }
0x103: {  	v2 =	vld.idx.msk [tilespmem:v2+s31+$0x0], $0xffff  }
0x104: {  	v3 =	vld.idx.msk [tilespmem:v3+s24+$0x0], $0xffff  }
0x105: {  	v4 =	vld.idx.msk [tilespmem:v4+s24+$0x0], $0xffff;
	_ =	sdelay $0x4  }
0x106: {  	v1 =	vmul.f32 v1, v3  }
0x107: {  	v2 =	vmul.f32 v2, v4;
	_ =	sdelay $0x1  }
0x108: {  	v1 =	vadd.f32 v2, v1;
	_ =	sdelay $0x1  }
0x109: {  	v2 =	vperm.xlane v1, v13;
	_ =	sdelay $0x1  }
0x10a: {  	v1 =	vadd.f32 v1, v2;
	_ =	sdelay $0x1  }
0x10b: {  	v2 =	vperm.xlane v1, v14;
	_ =	sdelay $0x1  }
0x10c: {  	v1 =	vadd.f32 v1, v2;
	_ =	sdelay $0x1  }
0x10d: {  	v2 =	vperm.xlane v1, v15;
	_ =	sdelay $0x1  }
0x10e: {  	v1 =	vadd.f32 v1, v2;
	_ =	sdelay $0x1  }
0x10f: {  	v2 =	vperm.xlane v1, v23;
	_ =	sdelay $0x1  }
0x110: {  	vm10 =	veq.s32 v42, v8;
	v1 =	vadd.f32 v1, v2;
	_ =	sdelay $0x1  }
0x111: {  	s8 =	smul.u32 $0xAAAB, s29;
	v1 =	vnsel vm10, $0x0, v1  }
0x112: {  	p1 =	sne.s32 s28, $0xF;
	v1 =	vadd.f32 v1, v41  }
0x113: {  	s8 =	sshrl.u32 s8, $0x13  }
0x114: {  	s8 =	smul.u32 $0xC, s8;
	v41 =	vpsel !p1, $0x0, v1;
	[tilespmem:s26+$0x18A00] =	vst @!p1 v1  }
0x115: {  	v1 =	vld [tilespmem:s16+$0x0]  }
0x116: {  	s8 =	ssub.s32 s29, s8  }
0x117: {  	s8 =	sand.u32 $0xFFFF, s8  }
0x118: {  	v2 =	vld [tilespmem:s16+$0x200]  }
0x119: {  	s8 =	sshll.u32 s8, $0xC  }
0x11a: {  	s17 =	sadd.s32 $0xC600, s8;
	v1 =	vperm.xlane v1, v0;
	_ =	sdelay $0x1  }
0x11b: {  	(v2sf) =	vpush v1, $0x0  }
0x11c: {  	v0 =	vperm.xlane v2, v0;
	_ =	sdelay $0x1  }
0x11d: {  	(v2sf) =	vpush v0, $0x0;
	_ =	sdelay $0xb  }
0x11e: {  	s8 =	spop (v2sf)  }
0x11f: {  	s16 =	sshra.s32 s8, $0x7  }
0x120: {  	p2 =	sne.s32 s16, s6;
	p1 =	seq.s32 s16, s6;
	s6 =	simm.s32 $0x1  }
0x121: {  	s6 =	simm.s32 @!p2 $0x0;
	s9 =	spop (v2sf)  }
0x122: {  	s10 =	smulhi.u32 @!p1 $0x2AAAAAAB, s4;
	s13 =	sshra.s32 @!p1 s4, $0x1F;
	s22 =	sadd.s32 s6, s22  }
0x123: {  	s6 =	sand.u32 @!p1 $0xFFFFF80, s8;
	s8 =	smul.u32 @!p1 $0x2AAAAAAB, s13;
	s9 =	sand.u32 $0xFFFFF80, s9  }
0x124: {  	s6 =	sadd.s32 @!p1 s0, s6;
	s9 =	sadd.s32 s1, s9  }
0x125: {  	s8 =	sadd.s32 @!p1 s8, s10  }
0x126: {  	s10 =	sshrl.u32 @!p1 s8, $0x1F;
	s8 =	sshrl.u32 @!p1 s8, $0x1  }
0x127: {  	s8 =	sadd.s32 @!p1 s10, s8  }
0x128: {  	s8 =	smul.u32 @!p1 $0xC, s8;
	_ =	sdelay $0x1  }
0x129: {  	s4 =	ssub.s32 @!p1 s4, s8  }
0x12a: {  	s8 =	simm.s32 @!p1 $0x7A1400;
	s4 =	sshll.u32 @!p1 s4, $0xE  }
0x12b: {  	s4 =	sshra.s32 @!p1 s4, $0x2  }
0x12c: {  	s13 =	simm.s32 @!p1 $0x400;
	s10 =	sadd.s32 $0xFFFFFFF6, s29;
	s4 =	sor.u32 @!p1 $0x600, s4  }
0x12d: {  	[tilespmem:s4], [sflag:$0x1] =	stream.strided.gather @!p1 [hbm4b:s6+s13], $0x1000, s8, s13, $0x38;
	[tilespmem:$0x18C00] =	vst v63  }
0x12e: {  	s26 =	sand.u32 $0x1F0, s10;
	s28 =	sand.u32 $0xF, s10;
	s4 =	smul.u32 $0xAAAB, s10  }
0x12f: {  	v42 =	vmov s28;
	[tilespmem:s17], [sflag:$0x2] =	stream.strided.gather [hbm4b:s9+s14], $0x1000, s30, s14, $0x38;
	[tilespmem:$0x18C00] =	vst v63  }
0x130: {  	s4 =	sshrl.u32 s4, $0x13;
	v0 =	vld [tilespmem:s26+$0x0]  }
0x131: {  	s4 =	smul.u32 $0xC, s4;
	v1 =	vld [tilespmem:s26+$0x200];
	_ =	sdelay $0x1  }
0x132: {  	s4 =	ssub.s32 s10, s4  }
.Ltmp0:
0x133: {  	s17 =	sand.u32 $0xFFFF, s4;
	(pc) =	sbr.rel @p0 .LBB2_2-.Ltmp0, $4  }
0x134: {  	v0 =	vperm.xlane v0, v42  }
0x135: {  	v1 =	vperm.xlane v1, v42  }
0x136: {  	(v2sf) =	vpush v0, $0x0  }
0x137: {  	(v2sf) =	vpush v1, $0x0  }
0x138: {  	_ =	sdelay $0xc  }
0x139: {  	s8 =	spop (v2sf)  }
0x13a: {  	s6 =	sshra.s32 s8, $0x7  }
0x13b: {  	s4 =	simm.s32 $0x1;
	p0 =	sne.s32 s6, s19  }
0x13c: {  	s4 =	simm.s32 @!p0 $0x0  }
0x13d: {  	s4 =	sadd.s32 s4, s21  }
0x13e: {  	s9 =	sadd.s32 $0xFFFFFFFF, s4  }
0x13f: {  	s10 =	smulhi.u32 $0x2AAAAAAB, s9;
	s13 =	sshra.s32 s9, $0x1F  }
0x140: {  	s13 =	smul.u32 $0x2AAAAAAB, s13;
	_ =	sdelay $0x1  }
0x141: {  	s10 =	sadd.s32 s13, s10  }
0x142: {  	s13 =	sshrl.u32 s10, $0x1F;
	s10 =	sshrl.u32 s10, $0x1  }
0x143: {  	s10 =	sadd.s32 s13, s10  }
0x144: {  	s29 =	spop (v2sf);
	p0 =	seq.s32 s6, s19;
	s10 =	smul.u32 $0xC, s10  }
0x145: {  	s16 =	sshll.u32 s17, $0xC;
	s17 =	simm.s32 @!p0 $0x1;
	s13 =	sand.u32 $0x7F, s29  }
0x146: {  	_ =	swait.ge @!p0 [sflag:s17], $0x1000;
	s13 =	sor.u32 s16, s13;
	s9 =	ssub.s32 s9, s10  }
0x147: {  	s8 =	sand.u32 $0x7F, s8;
	[sflag:s17] =	ssyncset.done @!p0 $0x0;
	v0 =	vor.u32 s13, v11;
	s9 =	sshll.u32 s9, $0xC  }
0x148: {  	[sflag:s17] =	ssyncadd.s32 @!p0 $0xFFFFF000;
	v1 =	vor.u32 s13, v12;
	s8 =	sor.u32 s8, s9  }
0x149: {  	_ =	swait.ge [sflag:s23], $0x1000;
	v2 =	vor.u32 s8, v11  }
0x14a: {  	[sflag:s23] =	ssyncset.done $0x0;
	v3 =	vor.u32 s8, v12  }
0x14b: {  	[sflag:s23] =	ssyncadd.s32 $0xFFFFF000  }
0x14c: {  	v0 =	vld.idx.msk [tilespmem:v0+s31+$0x0], $0xffff  }
0x14d: {  	v1 =	vld.idx.msk [tilespmem:v1+s31+$0x0], $0xffff  }
0x14e: {  	v2 =	vld.idx.msk [tilespmem:v2+s24+$0x0], $0xffff  }
0x14f: {  	v3 =	vld.idx.msk [tilespmem:v3+s24+$0x0], $0xffff;
	_ =	sdelay $0x4  }
0x150: {  	v0 =	vmul.f32 v0, v2;
	v1 =	vmul.f32 v1, v3;
	_ =	sdelay $0x1  }
0x151: {  	v0 =	vadd.f32 v1, v0;
	_ =	sdelay $0x1  }
0x152: {  	v1 =	vperm.xlane v0, v13;
	_ =	sdelay $0x1  }
0x153: {  	v0 =	vadd.f32 v0, v1;
	_ =	sdelay $0x1  }
0x154: {  	v1 =	vperm.xlane v0, v14;
	_ =	sdelay $0x1  }
0x155: {  	v0 =	vadd.f32 v0, v1;
	_ =	sdelay $0x1  }
0x156: {  	v1 =	vperm.xlane v0, v15;
	_ =	sdelay $0x1  }
0x157: {  	v0 =	vadd.f32 v0, v1;
	_ =	sdelay $0x1  }
0x158: {  	v1 =	vperm.xlane v0, v23;
	_ =	sdelay $0x1  }
0x159: {  	v0 =	vadd.f32 v0, v1  }
0x15a: {  	vm10 =	veq.s32 v42, v8  }
0x15b: {  	v0 =	vnsel vm10, $0x0, v0  }
0x15c: {  	v41 =	vadd.f32 v0, v41  }
0x15d: {  	p0 =	sne.s32 s28, $0xF  }
0x15e: {  	[tilespmem:s26+$0x18A00] =	vst @!p0 v41  }
0x15f: {  	v43 =	vld [tilespmem:$0x1F0];
	_ =	sdelay $0x2  }
0x160: {  	v42 =	vld [tilespmem:$0x3F0];
	_ =	sdelay $0x1  }
0x161: {  	v0 =	vperm.xlane v43, v6;
	_ =	sdelay $0x1  }
0x162: {  	(v2sf) =	vpush v0, $0x0  }
0x163: {  	v0 =	vperm.xlane v42, v6;
	_ =	sdelay $0x1  }
0x164: {  	(v2sf) =	vpush v0, $0x0;
	_ =	sdelay $0xb  }
0x165: {  	s20 =	spop (v2sf)  }
0x166: {  	s21 =	sshra.s32 s20, $0x7  }
0x167: {  	p1 =	seq.s32 s21, s6  }
0x168: {  	s22 =	spop (v2sf);
	s13 =	simm.s32 @!p1 $0x1  }
0x169: {  	_ =	swait.ge @!p1 [sflag:s13], $0x1000  }
0x16a: {  	[sflag:s13] =	ssyncset.done @!p1 $0x0  }
0x16b: {  	v0 =	vperm.xlane v43, v7;
	p2 =	sne.s32 s21, s6;
	s6 =	simm.s32 $0x1;
	[sflag:s13] =	ssyncadd.s32 @!p1 $0xFFFFF000  }
0x16c: {  	s6 =	simm.s32 @!p2 $0x0;
	_ =	swait.ge [sflag:s23], $0x1000  }
0x16d: {  	s4 =	sadd.s32 s6, s4;
	(v2sf) =	vpush v0, $0x0  }
0x16e: {  	s6 =	sadd.s32 $0xFFFFFFFF, s4;
	v0 =	vperm.xlane v42, v7  }
0x16f: {  	s26 =	smulhi.u32 $0x2AAAAAAB, s6;
	s28 =	sshra.s32 s6, $0x1F  }
0x170: {  	s16 =	smul.u32 $0x2AAAAAAB, s28;
	(v2sf) =	vpush v0, $0x0;
	_ =	sdelay $0x1  }
0x171: {  	s13 =	sadd.s32 s16, s26  }
0x172: {  	v2 =	vld [tilespmem:$0x1FFB0];
	s16 =	sshrl.u32 s13, $0x1F;
	s13 =	sshrl.u32 s13, $0x1  }
0x173: {  	v3 =	vld [tilespmem:$0x1FFC0];
	s13 =	sadd.s32 s16, s13  }
0x174: {  	s13 =	smul.u32 $0xC, s13;
	_ =	sdelay $0x1  }
0x175: {  	s29 =	sand.u32 $0x7F, s22;
	s6 =	ssub.s32 s6, s13  }
0x176: {  	s8 =	sand.u32 $0x7F, s20;
	v2 =	vor.u32 s29, v2;
	s6 =	sshll.u32 s6, $0xC  }
0x177: {  	v3 =	vor.u32 s29, v3;
	s6 =	sor.u32 s8, s6  }
0x178: {  	v0 =	vor.u32 s6, v11  }
0x179: {  	[sflag:s23] =	ssyncset.done $0x0;
	v1 =	vor.u32 s6, v12  }
0x17a: {  	[sflag:s23] =	ssyncadd.s32 $0xFFFFF000;
	s10 =	spop (v2sf)  }
0x17b: {  	v46 =	vld.idx.msk [tilespmem:v2+s31+$0x0], $0xffff;
	s17 =	sshra.s32 s10, $0x7  }
0x17c: {  	v47 =	vld.idx.msk [tilespmem:v3+s31+$0x0], $0xffff;
	p1 =	seq.s32 s17, s21  }
0x17d: {  	v44 =	vld.idx.msk [tilespmem:v0+s24+$0x0], $0xffff;
	s20 =	spop (v2sf);
	s13 =	simm.s32 @!p1 $0x1  }
0x17e: {  	v45 =	vld.idx.msk [tilespmem:v1+s24+$0x0], $0xffff;
	_ =	swait.ge @!p1 [sflag:s13], $0x1000  }
0x17f: {  	[sflag:s13] =	ssyncset.done @!p1 $0x0  }
0x180: {  	s9 =	simm.s32 $0x1;
	v0 =	vperm.xlane v43, v9;
	p2 =	sne.s32 s17, s21;
	[sflag:s13] =	ssyncadd.s32 @!p1 $0xFFFFF000  }
0x181: {  	s9 =	simm.s32 @!p2 $0x0;
	_ =	swait.ge [sflag:s23], $0x1000  }
0x182: {  	s4 =	sadd.s32 s9, s4;
	(v2sf) =	vpush v0, $0x0  }
0x183: {  	s9 =	sadd.s32 $0xFFFFFFFF, s4;
	v0 =	vperm.xlane v42, v9  }
0x184: {  	s21 =	smulhi.u32 $0x2AAAAAAB, s9;
	s22 =	sshra.s32 s9, $0x1F  }
0x185: {  	s16 =	smul.u32 $0x2AAAAAAB, s22;
	(v2sf) =	vpush v0, $0x0;
	_ =	sdelay $0x1  }
0x186: {  	s13 =	sadd.s32 s16, s21  }
0x187: {  	v2 =	vld [tilespmem:$0x1FFD0];
	s16 =	sshrl.u32 s13, $0x1F;
	s13 =	sshrl.u32 s13, $0x1  }
0x188: {  	v3 =	vld [tilespmem:$0x1FFE0];
	s13 =	sadd.s32 s16, s13  }
0x189: {  	s13 =	smul.u32 $0xC, s13;
	_ =	sdelay $0x1  }
0x18a: {  	s26 =	sand.u32 $0x7F, s20;
	s9 =	ssub.s32 s9, s13  }
0x18b: {  	s6 =	sand.u32 $0x7F, s10;
	v2 =	vor.u32 s26, v2;
	s9 =	sshll.u32 s9, $0xC  }
0x18c: {  	v3 =	vor.u32 s26, v3;
	s6 =	sor.u32 s6, s9  }
0x18d: {  	v0 =	vor.u32 s6, v11  }
0x18e: {  	[sflag:s23] =	ssyncset.done $0x0;
	v1 =	vor.u32 s6, v12  }
0x18f: {  	[sflag:s23] =	ssyncadd.s32 $0xFFFFF000;
	s28 =	spop (v2sf)  }
0x190: {  	v50 =	vld.idx.msk [tilespmem:v2+s31+$0x0], $0xffff;
	s29 =	sshra.s32 s28, $0x7  }
0x191: {  	v51 =	vld.idx.msk [tilespmem:v3+s31+$0x0], $0xffff;
	p1 =	seq.s32 s29, s17  }
0x192: {  	v48 =	vld.idx.msk [tilespmem:v0+s24+$0x0], $0xffff;
	s19 =	spop (v2sf);
	s13 =	simm.s32 @!p1 $0x1  }
0x193: {  	v49 =	vld.idx.msk [tilespmem:v1+s24+$0x0], $0xffff;
	_ =	swait.ge @!p1 [sflag:s13], $0x1000  }
0x194: {  	[sflag:s13] =	ssyncset.done @!p1 $0x0  }
0x195: {  	s8 =	simm.s32 $0x1;
	v0 =	vperm.xlane v43, v10;
	p2 =	sne.s32 s29, s17;
	[sflag:s13] =	ssyncadd.s32 @!p1 $0xFFFFF000  }
0x196: {  	s8 =	simm.s32 @!p2 $0x0;
	_ =	swait.ge [sflag:s23], $0x1000  }
0x197: {  	s4 =	sadd.s32 s8, s4;
	(v2sf) =	vpush v0, $0x0  }
0x198: {  	s8 =	sadd.s32 $0xFFFFFFFF, s4;
	v0 =	vperm.xlane v42, v10  }
0x199: {  	s20 =	smulhi.u32 $0x2AAAAAAB, s8;
	s21 =	sshra.s32 s8, $0x1F  }
0x19a: {  	s16 =	smul.u32 $0x2AAAAAAB, s21;
	(v2sf) =	vpush v0, $0x0;
	_ =	sdelay $0x1  }
0x19b: {  	s13 =	sadd.s32 s16, s20  }
0x19c: {  	s16 =	sshrl.u32 s13, $0x1F;
	s13 =	sshrl.u32 s13, $0x1  }
0x19d: {  	s13 =	sadd.s32 s16, s13  }
0x19e: {  	s13 =	smul.u32 $0xC, s13;
	_ =	sdelay $0x1  }
0x19f: {  	s22 =	sand.u32 $0x7F, s19;
	s8 =	ssub.s32 s8, s13  }
0x1a0: {  	s6 =	sand.u32 $0x7F, s28;
	v2 =	vor.u32 s22, v11;
	s8 =	sshll.u32 s8, $0xC  }
0x1a1: {  	v3 =	vor.u32 s22, v12;
	s6 =	sor.u32 s6, s8  }
0x1a2: {  	v0 =	vor.u32 s6, v11  }
0x1a3: {  	[sflag:s23] =	ssyncset.done $0x0;
	v1 =	vor.u32 s6, v12  }
0x1a4: {  	[sflag:s23] =	ssyncadd.s32 $0xFFFFF000;
	s26 =	spop (v2sf)  }
0x1a5: {  	v54 =	vld.idx.msk [tilespmem:v2+s31+$0x0], $0xffff;
	s28 =	sshra.s32 s26, $0x7  }
0x1a6: {  	v55 =	vld.idx.msk [tilespmem:v3+s31+$0x0], $0xffff;
	p1 =	seq.s32 s28, s29  }
0x1a7: {  	v52 =	vld.idx.msk [tilespmem:v0+s24+$0x0], $0xffff;
	s17 =	spop (v2sf);
	s13 =	simm.s32 @!p1 $0x1  }
0x1a8: {  	v53 =	vld.idx.msk [tilespmem:v1+s24+$0x0], $0xffff;
	_ =	swait.ge @!p1 [sflag:s13], $0x1000  }
0x1a9: {  	v1 =	vimm.s32 $0xA;
	[sflag:s13] =	ssyncset.done @!p1 $0x0  }
0x1aa: {  	s9 =	simm.s32 $0x1;
	v0 =	vperm.xlane v43, v1;
	p2 =	sne.s32 s28, s29;
	[sflag:s13] =	ssyncadd.s32 @!p1 $0xFFFFF000  }
0x1ab: {  	s9 =	simm.s32 @!p2 $0x0;
	_ =	swait.ge [sflag:s23], $0x1000  }
0x1ac: {  	s4 =	sadd.s32 s9, s4;
	(v2sf) =	vpush v0, $0x0  }
0x1ad: {  	s9 =	sadd.s32 $0xFFFFFFFF, s4;
	v0 =	vperm.xlane v42, v1  }
0x1ae: {  	s19 =	smulhi.u32 $0x2AAAAAAB, s9;
	s20 =	sshra.s32 s9, $0x1F  }
0x1af: {  	s16 =	smul.u32 $0x2AAAAAAB, s20;
	(v2sf) =	vpush v0, $0x0;
	_ =	sdelay $0x1  }
0x1b0: {  	s13 =	sadd.s32 s16, s19  }
0x1b1: {  	s16 =	sshrl.u32 s13, $0x1F;
	s13 =	sshrl.u32 s13, $0x1  }
0x1b2: {  	v2 =	vld [tilespmem:$0x1FFF0];
	s13 =	sadd.s32 s16, s13  }
0x1b3: {  	s13 =	smul.u32 $0xC, s13;
	_ =	sdelay $0x1  }
0x1b4: {  	s21 =	sand.u32 $0x7F, s17;
	s9 =	ssub.s32 s9, s13  }
0x1b5: {  	s6 =	sand.u32 $0x7F, s26;
	v3 =	vor.u32 s21, v21;
	s9 =	sshll.u32 s9, $0xC  }
0x1b6: {  	v2 =	vor.u32 s21, v2;
	s6 =	sor.u32 s6, s9  }
0x1b7: {  	v0 =	vor.u32 s6, v11  }
0x1b8: {  	[sflag:s23] =	ssyncset.done $0x0;
	v1 =	vor.u32 s6, v12  }
0x1b9: {  	[sflag:s23] =	ssyncadd.s32 $0xFFFFF000;
	s22 =	spop (v2sf)  }
0x1ba: {  	v63 =	vld.idx.msk [tilespmem:v3+s31+$0x0], $0xffff;
	s26 =	sshra.s32 s22, $0x7  }
0x1bb: {  	v62 =	vld.idx.msk [tilespmem:v2+s31+$0x0], $0xffff;
	p1 =	seq.s32 s26, s28  }
0x1bc: {  	v60 =	vld.idx.msk [tilespmem:v0+s24+$0x0], $0xffff;
	s29 =	spop (v2sf);
	s13 =	simm.s32 @!p1 $0x1  }
0x1bd: {  	v61 =	vld.idx.msk [tilespmem:v1+s24+$0x0], $0xffff;
	_ =	swait.ge @!p1 [sflag:s13], $0x1000  }
0x1be: {  	v1 =	vimm.s32 $0xB;
	[sflag:s13] =	ssyncset.done @!p1 $0x0  }
0x1bf: {  	s8 =	simm.s32 $0x1;
	v0 =	vperm.xlane v43, v1;
	p2 =	sne.s32 s26, s28;
	[sflag:s13] =	ssyncadd.s32 @!p1 $0xFFFFF000  }
0x1c0: {  	s8 =	simm.s32 @!p2 $0x0;
	_ =	swait.ge [sflag:s23], $0x1000  }
0x1c1: {  	s4 =	sadd.s32 s8, s4;
	(v2sf) =	vpush v0, $0x0  }
0x1c2: {  	s8 =	sadd.s32 $0xFFFFFFFF, s4;
	v0 =	vperm.xlane v42, v1  }
0x1c3: {  	s17 =	smulhi.u32 $0x2AAAAAAB, s8;
	s19 =	sshra.s32 s8, $0x1F  }
0x1c4: {  	s16 =	smul.u32 $0x2AAAAAAB, s19;
	(v2sf) =	vpush v0, $0x0;
	_ =	sdelay $0x1  }
0x1c5: {  	s13 =	sadd.s32 s16, s17  }
0x1c6: {  	s16 =	sshrl.u32 s13, $0x1F;
	s13 =	sshrl.u32 s13, $0x1  }
0x1c7: {  	s13 =	sadd.s32 s16, s13  }
0x1c8: {  	s13 =	smul.u32 $0xC, s13;
	_ =	sdelay $0x1  }
0x1c9: {  	s20 =	sand.u32 $0x7F, s29;
	s8 =	ssub.s32 s8, s13  }
0x1ca: {  	s6 =	sand.u32 $0x7F, s22;
	v2 =	vor.u32 s20, v24;
	s8 =	sshll.u32 s8, $0xC  }
0x1cb: {  	v3 =	vor.u32 s20, v25;
	s6 =	sor.u32 s6, s8  }
0x1cc: {  	v0 =	vor.u32 s6, v11  }
0x1cd: {  	[sflag:s23] =	ssyncset.done $0x0;
	v1 =	vor.u32 s6, v12  }
0x1ce: {  	[sflag:s23] =	ssyncadd.s32 $0xFFFFF000;
	s21 =	spop (v2sf)  }
0x1cf: {  	v59 =	vld.idx.msk [tilespmem:v2+s31+$0x0], $0xffff;
	s22 =	sshra.s32 s21, $0x7  }
0x1d0: {  	v58 =	vld.idx.msk [tilespmem:v3+s31+$0x0], $0xffff;
	p1 =	seq.s32 s22, s26  }
0x1d1: {  	v57 =	vld.idx.msk [tilespmem:v0+s24+$0x0], $0xffff;
	s28 =	spop (v2sf);
	s13 =	simm.s32 @!p1 $0x1  }
0x1d2: {  	v56 =	vld.idx.msk [tilespmem:v1+s24+$0x0], $0xffff;
	_ =	swait.ge @!p1 [sflag:s13], $0x1000  }
0x1d3: {  	[sflag:s13] =	ssyncset.done @!p1 $0x0  }
0x1d4: {  	s9 =	simm.s32 $0x1;
	v0 =	vperm.xlane v43, v29;
	p2 =	sne.s32 s22, s26;
	[sflag:s13] =	ssyncadd.s32 @!p1 $0xFFFFF000  }
0x1d5: {  	s9 =	simm.s32 @!p2 $0x0;
	_ =	swait.ge [sflag:s23], $0x1000  }
0x1d6: {  	s4 =	sadd.s32 s9, s4;
	(v2sf) =	vpush v0, $0x0  }
0x1d7: {  	s9 =	sadd.s32 $0xFFFFFFFF, s4;
	v0 =	vperm.xlane v42, v29  }
0x1d8: {  	s29 =	smulhi.u32 $0x2AAAAAAB, s9;
	s17 =	sshra.s32 s9, $0x1F  }
0x1d9: {  	s16 =	smul.u32 $0x2AAAAAAB, s17;
	(v2sf) =	vpush v0, $0x0;
	_ =	sdelay $0x1  }
0x1da: {  	s13 =	sadd.s32 s16, s29  }
0x1db: {  	s16 =	sshrl.u32 s13, $0x1F;
	s13 =	sshrl.u32 s13, $0x1  }
0x1dc: {  	s13 =	sadd.s32 s16, s13  }
0x1dd: {  	s13 =	smul.u32 $0xC, s13;
	_ =	sdelay $0x1  }
0x1de: {  	s19 =	sand.u32 $0x7F, s28;
	s9 =	ssub.s32 s9, s13  }
0x1df: {  	s6 =	sand.u32 $0x7F, s21;
	v2 =	vor.u32 s19, v27;
	s9 =	sshll.u32 s9, $0xC  }
0x1e0: {  	v3 =	vor.u32 s19, v28;
	s6 =	sor.u32 s6, s9  }
0x1e1: {  	v0 =	vor.u32 s6, v11  }
0x1e2: {  	[sflag:s23] =	ssyncset.done $0x0;
	v1 =	vor.u32 s6, v12  }
0x1e3: {  	[sflag:s23] =	ssyncadd.s32 $0xFFFFF000;
	s20 =	spop (v2sf)  }
0x1e4: {  	v2 =	vld.idx.msk [tilespmem:v2+s31+$0x0], $0xffff;
	s21 =	sshra.s32 s20, $0x7  }
0x1e5: {  	v3 =	vld.idx.msk [tilespmem:v3+s31+$0x0], $0xffff;
	p1 =	seq.s32 s21, s22  }
0x1e6: {  	v0 =	vld.idx.msk [tilespmem:v0+s24+$0x0], $0xffff;
	s26 =	spop (v2sf);
	s13 =	simm.s32 @!p1 $0x1  }
0x1e7: {  	v1 =	vld.idx.msk [tilespmem:v1+s24+$0x0], $0xffff;
	_ =	swait.ge @!p1 [sflag:s13], $0x1000  }
0x1e8: {  	s8 =	simm.s32 $0x1;
	p2 =	sne.s32 s21, s22;
	[sflag:s13] =	ssyncset.done @!p1 $0x0  }
0x1e9: {  	v4 =	vperm.xlane v43, v32;
	s8 =	simm.s32 @!p2 $0x0;
	[sflag:s13] =	ssyncadd.s32 @!p1 $0xFFFFF000  }
0x1ea: {  	s4 =	sadd.s32 s8, s4;
	_ =	swait.ge [sflag:s23], $0x1000  }
0x1eb: {  	s8 =	sadd.s32 $0xFFFFFFFF, s4;
	(v2sf) =	vpush v4, $0x0  }
0x1ec: {  	s28 =	smulhi.u32 $0x2AAAAAAB, s8;
	s29 =	sshra.s32 s8, $0x1F;
	v4 =	vperm.xlane v42, v32  }
0x1ed: {  	s16 =	smul.u32 $0x2AAAAAAB, s29  }
0x1ee: {  	(v2sf) =	vpush v4, $0x0  }
0x1ef: {  	s13 =	sadd.s32 s16, s28  }
0x1f0: {  	s16 =	sshrl.u32 s13, $0x1F;
	s13 =	sshrl.u32 s13, $0x1  }
0x1f1: {  	s13 =	sadd.s32 s16, s13  }
0x1f2: {  	s13 =	smul.u32 $0xC, s13;
	_ =	sdelay $0x1  }
0x1f3: {  	s8 =	ssub.s32 s8, s13  }
0x1f4: {  	s6 =	sand.u32 $0x7F, s20;
	s17 =	sand.u32 $0x7F, s26;
	s8 =	sshll.u32 s8, $0xC  }
0x1f5: {  	v18 =	vor.u32 s17, v31;
	s6 =	sor.u32 s6, s8  }
0x1f6: {  	v4 =	vor.u32 s6, v11  }
0x1f7: {  	v16 =	vor.u32 s6, v12  }
0x1f8: {  	v17 =	vor.u32 s17, v30;
	[sflag:s23] =	ssyncset.done $0x0  }
0x1f9: {  	[sflag:s23] =	ssyncadd.s32 $0xFFFFF000;
	s19 =	spop (v2sf)  }
0x1fa: {  	v22 =	vld.idx.msk [tilespmem:v18+s31+$0x0], $0xffff;
	s20 =	sshra.s32 s19, $0x7  }
0x1fb: {  	v5 =	vld.idx.msk [tilespmem:v4+s24+$0x0], $0xffff;
	p1 =	seq.s32 s20, s21  }
0x1fc: {  	v4 =	vld.idx.msk [tilespmem:v16+s24+$0x0], $0xffff;
	s22 =	spop (v2sf);
	s13 =	simm.s32 @!p1 $0x1  }
0x1fd: {  	s9 =	simm.s32 $0x1;
	v16 =	vld.idx.msk [tilespmem:v17+s31+$0x0], $0xffff;
	p2 =	sne.s32 s20, s21;
	_ =	swait.ge @!p1 [sflag:s13], $0x1000  }
0x1fe: {  	s9 =	simm.s32 @!p2 $0x0;
	[sflag:s13] =	ssyncset.done @!p1 $0x0  }
0x1ff: {  	v17 =	vperm.xlane v43, v35;
	s9 =	sadd.s32 s9, s4;
	[sflag:s13] =	ssyncadd.s32 @!p1 $0xFFFFF000  }
0x200: {  	s4 =	sadd.s32 $0xFFFFFFFF, s9;
	_ =	swait.ge [sflag:s23], $0x1000  }
0x201: {  	s26 =	smulhi.u32 $0x2AAAAAAB, s4;
	s28 =	sshra.s32 s4, $0x1F;
	(v2sf) =	vpush v17, $0x0  }
0x202: {  	s16 =	smul.u32 $0x2AAAAAAB, s28;
	v17 =	vperm.xlane v42, v35;
	_ =	sdelay $0x1  }
0x203: {  	s13 =	sadd.s32 s16, s26;
	(v2sf) =	vpush v17, $0x0  }
0x204: {  	s16 =	sshrl.u32 s13, $0x1F;
	s13 =	sshrl.u32 s13, $0x1  }
0x205: {  	s13 =	sadd.s32 s16, s13  }
0x206: {  	s13 =	smul.u32 $0xC, s13;
	_ =	sdelay $0x1  }
0x207: {  	s4 =	ssub.s32 s4, s13  }
0x208: {  	s6 =	sand.u32 $0x7F, s19;
	s4 =	sshll.u32 s4, $0xC  }
0x209: {  	s4 =	sor.u32 s6, s4  }
0x20a: {  	v17 =	vor.u32 s4, v11  }
0x20b: {  	s29 =	sand.u32 $0x7F, s22;
	v19 =	vor.u32 s4, v12  }
0x20c: {  	v26 =	vor.u32 s29, v33  }
0x20d: {  	v20 =	vor.u32 s29, v34;
	[sflag:s23] =	ssyncset.done $0x0  }
0x20e: {  	[sflag:s23] =	ssyncadd.s32 $0xFFFFF000;
	s6 =	spop (v2sf)  }
0x20f: {  	v18 =	vld.idx.msk [tilespmem:v17+s24+$0x0], $0xffff;
	s16 =	sshra.s32 s6, $0x7  }
0x210: {  	v17 =	vld.idx.msk [tilespmem:v19+s24+$0x0], $0xffff;
	p1 =	seq.s32 s16, s20  }
0x211: {  	v19 =	vld.idx.msk [tilespmem:v26+s31+$0x0], $0xffff;
	s21 =	spop (v2sf);
	s13 =	simm.s32 @!p1 $0x1  }
0x212: {  	v26 =	vld.idx.msk [tilespmem:v20+s31+$0x0], $0xffff;
	_ =	swait.ge @!p1 [sflag:s13], $0x1000  }
0x213: {  	[sflag:s13] =	ssyncset.done @!p1 $0x0  }
0x214: {  	v20 =	vperm.xlane v43, v38;
	[sflag:s13] =	ssyncadd.s32 @!p1 $0xFFFFF000  }
0x215: {  	_ =	swait.ge [sflag:s23], $0x1000  }
0x216: {  	(v2sf) =	vpush v20, $0x0;
	_ =	sdelay $0x6  }
0x217: {  	s8 =	simm.s32 $0x1;
	v43 =	vmul.f32 v47, v45;
	p1 =	sne.s32 s16, s20;
	v20 =	vmul.f32 v46, v44  }
0x218: {  	s8 =	simm.s32 @!p1 $0x0  }
0x219: {  	s8 =	sadd.s32 s8, s9;
	v20 =	vadd.f32 v43, v20  }
0x21a: {  	v48 =	vmul.f32 v50, v48;
	v50 =	vmul.f32 v51, v49;
	s8 =	sadd.s32 $0xFFFFFFFF, s8  }
0x21b: {  	v42 =	vperm.xlane v42, v38;
	s22 =	smulhi.u32 $0x2AAAAAAB, s8;
	s26 =	sshra.s32 s8, $0x1F;
	v51 =	vperm.xlane v20, v13  }
0x21c: {  	v49 =	vmul.f32 v54, v52;
	v43 =	vadd.f32 v50, v48;
	s13 =	smul.u32 $0x2AAAAAAB, s26  }
0x21d: {  	(v2sf) =	vpush v42, $0x0;
	v50 =	vmul.f32 v55, v53;
	v20 =	vadd.f32 v20, v51  }
0x21e: {  	v48 =	vperm.xlane v43, v13;
	s9 =	sadd.s32 s13, s22  }
0x21f: {  	v44 =	vadd.f32 v50, v49;
	s13 =	sshrl.u32 s9, $0x1F;
	s9 =	sshrl.u32 s9, $0x1;
	v51 =	vperm.xlane v20, v14;
	s28 =	spop (v2sf)  }
0x220: {  	v42 =	vadd.f32 v43, v48;
	s9 =	sadd.s32 s13, s9;
	s29 =	sshra.s32 s28, $0x7  }
0x221: {  	v54 =	vmul.f32 v62, v60;
	s17 =	simm.s32 $0x1;
	v53 =	vperm.xlane v44, v13;
	s9 =	smul.u32 $0xC, s9;
	v20 =	vadd.f32 v20, v51;
	p1 =	sne.s32 s29, s16  }
0x222: {  	s10 =	sand.u32 $0x7F, s6;
	v55 =	vmul.f32 v63, v61;
	v52 =	vperm.xlane v42, v14;
	s17 =	simm.s32 @!p1 $0x0  }
0x223: {  	s6 =	sand.u32 $0x7F, s21;
	v43 =	vadd.f32 v44, v53;
	s9 =	ssub.s32 s8, s9;
	v60 =	vperm.xlane v20, v15;
	s8 =	sadd.s32 s17, s8  }
0x224: {  	v45 =	vadd.f32 v55, v54;
	v42 =	vadd.f32 v42, v52;
	s9 =	sshll.u32 s9, $0xC;
	s19 =	smulhi.u32 $0x2AAAAAAB, s8;
	s17 =	sshra.s32 s8, $0x1F  }
0x225: {  	v53 =	vor.u32 s6, v36;
	v62 =	vperm.xlane v43, v14;
	s9 =	sor.u32 s10, s9;
	v20 =	vadd.f32 v20, v60;
	s17 =	smul.u32 $0x2AAAAAAB, s17  }
0x226: {  	v52 =	vperm.xlane v45, v13;
	v61 =	vperm.xlane v42, v15;
	v46 =	vor.u32 s9, v11  }
0x227: {  	v43 =	vadd.f32 v43, v62;
	v63 =	vor.u32 s9, v12;
	v54 =	vperm.xlane v20, v23;
	s20 =	sadd.s32 s17, s19  }
0x228: {  	[sflag:s23] =	ssyncset.done $0x0;
	v55 =	vor.u32 s6, v37;
	v44 =	vadd.f32 v45, v52;
	s21 =	sshrl.u32 s20, $0x1F;
	s9 =	sshrl.u32 s20, $0x1  }
0x229: {  	[sflag:s23] =	ssyncadd.s32 $0xFFFFF000;
	v42 =	vadd.f32 v42, v61;
	v61 =	vperm.xlane v43, v15;
	v20 =	vadd.f32 v20, v54;
	s6 =	sadd.s32 s21, s9  }
0x22a: {  	v41 =	vpsel !p0, $0x0, v41;
	v49 =	vld.idx.msk [tilespmem:v53+s31+$0x0], $0xffff;
	v62 =	vperm.xlane v44, v14;
	s6 =	smul.u32 $0xC, s6  }
0x22b: {  	v60 =	vperm.xlane v42, v23;
	v43 =	vadd.f32 v43, v61;
	p0 =	seq.s32 s29, s16;
	v46 =	vld.idx.msk [tilespmem:v46+s24+$0x0], $0xffff;
	v20 =	vsel vm0, $0x0, v20  }
0x22c: {  	v57 =	vmul.f32 v59, v57;
	s22 =	spop (v2sf);
	v48 =	vld.idx.msk [tilespmem:v63+s24+$0x0], $0xffff;
	v20 =	vadd.f32 v20, v41;
	v41 =	vadd.f32 v44, v62;
	s26 =	ssub.s32 s8, s6;
	s6 =	simm.s32 @!p0 $0x1  }
0x22d: {  	v0 =	vmul.f32 v2, v0;
	v1 =	vmul.f32 v3, v1;
	s29 =	sand.u32 $0x7F, s22;
	v42 =	vadd.f32 v42, v60;
	v44 =	vld.idx.msk [tilespmem:v55+s31+$0x0], $0xffff;
	_ =	swait.ge @!p0 [sflag:s6], $0x1000  }
0x22e: {  	s28 =	sand.u32 $0x7F, s28;
	v63 =	vperm.xlane v43, v23;
	v54 =	vor.u32 s29, v39;
	v59 =	vperm.xlane v41, v15;
	s4 =	sshll.u32 s26, $0xC;
	[sflag:s6] =	ssyncset.done @!p0 $0x0  }
0x22f: {  	v60 =	vmul.f32 v58, v56;
	v2 =	vor.u32 s29, v40;
	v42 =	vsel vm1, $0x0, v42;
	s4 =	sor.u32 s28, s4;
	[sflag:s6] =	ssyncadd.s32 @!p0 $0xFFFFF000  }
0x230: {  	v62 =	vadd.f32 v43, v63;
	v41 =	vadd.f32 v41, v59;
	v61 =	vor.u32 s4, v11;
	_ =	swait.ge [sflag:s23], $0x1000  }
0x231: {  	v53 =	vadd.f32 v60, v57;
	v20 =	vadd.f32 v42, v20;
	v63 =	vor.u32 s4, v12;
	[sflag:s23] =	ssyncset.done $0x0  }
0x232: {  	v5 =	vmul.f32 v16, v5;
	v3 =	vsel vm2, $0x0, v62;
	v16 =	vperm.xlane v41, v23;
	[sflag:s23] =	ssyncadd.s32 $0xFFFFF000  }
0x233: {  	v4 =	vmul.f32 v22, v4;
	v3 =	vadd.f32 v3, v20;
	v20 =	vperm.xlane v53, v13;
	v55 =	vld.idx.msk [tilespmem:v54+s31+$0x0], $0xffff  }
0x234: {  	v0 =	vadd.f32 v1, v0;
	v16 =	vadd.f32 v41, v16;
	v2 =	vld.idx.msk [tilespmem:v2+s31+$0x0], $0xffff  }
0x235: {  	v4 =	vadd.f32 v4, v5;
	v5 =	vmul.f32 v19, v18;
	v20 =	vadd.f32 v53, v20;
	v22 =	vld.idx.msk [tilespmem:v61+s24+$0x0], $0xffff  }
0x236: {  	v17 =	vmul.f32 v26, v17;
	v56 =	vperm.xlane v0, v13;
	v16 =	vsel vm3, $0x0, v16;
	v1 =	vld.idx.msk [tilespmem:v63+s24+$0x0], $0xffff  }
0x237: {  	v3 =	vadd.f32 v16, v3;
	v16 =	vperm.xlane v20, v14  }
0x238: {  	v5 =	vadd.f32 v17, v5;
	v17 =	vperm.xlane v4, v13;
	v0 =	vadd.f32 v0, v56  }
0x239: {  	v57 =	vmul.f32 v49, v46;
	v16 =	vadd.f32 v20, v16;
	v20 =	vmul.f32 v44, v48  }
0x23a: {  	v4 =	vadd.f32 v4, v17;
	v17 =	vperm.xlane v5, v13;
	v26 =	vperm.xlane v0, v14  }
0x23b: {  	v19 =	vadd.f32 v20, v57;
	v18 =	vmul.f32 v55, v22;
	v1 =	vmul.f32 v2, v1  }
0x23c: {  	v5 =	vadd.f32 v5, v17;
	v0 =	vadd.f32 v0, v26;
	v2 =	vperm.xlane v4, v14  }
0x23d: {  	v17 =	vperm.xlane v16, v15;
	v20 =	vperm.xlane v19, v13;
	v1 =	vadd.f32 v1, v18  }
0x23e: {  	v58 =	vperm.xlane v0, v15;
	v2 =	vadd.f32 v4, v2;
	v4 =	vperm.xlane v5, v14  }
0x23f: {  	v16 =	vadd.f32 v16, v17;
	v17 =	vadd.f32 v19, v20;
	v59 =	vperm.xlane v1, v13  }
0x240: {  	v0 =	vadd.f32 v0, v58;
	v60 =	vperm.xlane v2, v15;
	v4 =	vadd.f32 v5, v4  }
0x241: {  	v20 =	vperm.xlane v17, v14;
	v5 =	vperm.xlane v16, v23;
	v1 =	vadd.f32 v1, v59  }
0x242: {  	v61 =	vperm.xlane v0, v23;
	v2 =	vadd.f32 v2, v60;
	v62 =	vperm.xlane v4, v15  }
0x243: {  	v5 =	vadd.f32 v16, v5;
	v16 =	vadd.f32 v17, v20;
	v17 =	vperm.xlane v1, v14  }
0x244: {  	v0 =	vadd.f32 v0, v61;
	v4 =	vadd.f32 v4, v62;
	v63 =	vperm.xlane v2, v23  }
0x245: {  	v5 =	vsel vm4, $0x0, v5;
	v1 =	vadd.f32 v1, v17;
	v17 =	vperm.xlane v16, v15  }
0x246: {  	v0 =	vsel vm5, $0x0, v0;
	v3 =	vadd.f32 v5, v3;
	v2 =	vadd.f32 v2, v63  }
0x247: {  	v5 =	vperm.xlane v4, v23;
	v16 =	vadd.f32 v16, v17;
	v17 =	vperm.xlane v1, v15  }
0x248: {  	v0 =	vadd.f32 v0, v3;
	v2 =	vsel vm6, $0x0, v2  }
0x249: {  	v3 =	vadd.f32 v4, v5;
	v4 =	vperm.xlane v16, v23;
	v1 =	vadd.f32 v1, v17  }
0x24a: {  	v0 =	vadd.f32 v2, v0  }
0x24b: {  	v2 =	vsel vm7, $0x0, v3;
	v3 =	vadd.f32 v16, v4;
	v4 =	vperm.xlane v1, v23  }
0x24c: {  	v0 =	vadd.f32 v2, v0  }
0x24d: {  	v2 =	vsel vm8, $0x0, v3;
	v1 =	vadd.f32 v1, v4  }
0x24e: {  	v0 =	vadd.f32 v2, v0  }
0x24f: {  	v1 =	vsel vm9, $0x0, v1  }
0x250: {  	v0 =	vadd.f32 v1, v0;
	_ =	sdelay $0x1  }
0x251: {  	[tilespmem:$0x18BF0] =	vst v0  }
0x252: {  	_ =	swait.ge [sflag:s25], $0x80  }
0x253: {  	[sflag:s25] =	ssyncset.done $0x0  }
0x254: {  	[sflag:s25] =	ssyncadd.s32 $0xFFFFFF80  }
0x255: {  	_ =	swait.ge [sflag:s25], $0x80  }
0x256: {  	[sflag:s25] =	ssyncset.done $0x0  }
0x257: {  	[sflag:s25] =	ssyncadd.s32 $0xFFFFFF80  }
0x258: {  	_ =	swait.ge [sflag:s25], $0x80  }
0x259: {  	[sflag:s25] =	ssyncset.done $0x0  }
0x25a: {  	[sflag:s25] =	ssyncadd.s32 $0xFFFFFF80  }
0x25b: {  	_ =	swait.ge [sflag:s25], $0x80  }
0x25c: {  	[sflag:s25] =	ssyncset.done $0x0  }
0x25d: {  	[sflag:s25] =	ssyncadd.s32 $0xFFFFFF80  }
0x25e: {  	_ =	swait.ge [sflag:s25], $0x80  }
0x25f: {  	[sflag:s25] =	ssyncset.done $0x0  }
0x260: {  	[sflag:s25] =	ssyncadd.s32 $0xFFFFFF80  }
0x261: {  	_ =	swait.ge [sflag:s25], $0x80  }
0x262: {  	[sflag:s25] =	ssyncset.done $0x0  }
0x263: {  	[sflag:s25] =	ssyncadd.s32 $0xFFFFFF80  }
0x264: {  	_ =	swait.ge [sflag:s25], $0x80  }
0x265: {  	[sflag:s25] =	ssyncset.done $0x0  }
0x266: {  	[sflag:s25] =	ssyncadd.s32 $0xFFFFFF80  }
0x267: {  	_ =	swait.ge [sflag:s25], $0x80  }
0x268: {  	[sflag:s25] =	ssyncset.done $0x0  }
0x269: {  	s4 =	simm.s32 $0x0;
	[sflag:s25] =	ssyncadd.s32 $0xFFFFFF80  }
0x26a: {  	s6 =	simm.s32 $0x40;
	v0 =	vld [tilespmem:s4+$0x18600]  }
.LBB2_4:
0x26b: {  	p0 =	sne.s32 s6, $0x7C0;
	v1 =	vld [tilespmem:s4+$0x18A00];
	_ =	sdelay $0x1  }
0x26c: {  	v2 =	vld [tilespmem:s4+$0x18800];
	_ =	sdelay $0x2  }
0x26d: {  	v0 =	vadd.f32 v0, v1;
	_ =	sdelay $0x1  }
0x26e: {  	v0 =	vadd.f32 v2, v0;
	_ =	sdelay $0x1  }
0x26f: {  	v0 =	vsub.f32 $0.0e+00, v0;
	_ =	sdelay $0x1  }
0x270: {  	v0 =	vmul.f32 $1.442695020e+00, v0;
	_ =	sdelay $0x1  }
0x271: {  	(erf) = vpow2.f32 v0;
	_ =	sdelay $0x8  }
0x272: {  	v0 =	vpop (erf)  }
0x273: {  	v0 =	vadd.f32 $1.000000000e+00, v0;
	_ =	sdelay $0x1  }
0x274: {  	(erf) = vrcp.f32 v0;
	_ =	sdelay $0x5  }
.Ltmp1:
0x275: {  	(pc) =	sbr.rel @p0 .LBB2_4-.Ltmp1, $3  }
0x276: {  	_ =	sdelay $0x1  }
0x277: {  	s8 =	sshra.s32 s6, $0x2;
	v1 =	vpop (erf)  }
0x278: {  	s6 =	sadd.s32 $0x40, s6;
	v0 =	vld [tilespmem:s8+$0x18600];
	[tilespmem:s4+$0x18A00] =	vst v1;
	s4 =	smov.u32 s8  }
0x279: {  	v1 =	vld [tilespmem:s4+$0x18A00];
	_ =	sdelay $0x1  }
0x27a: {  	v2 =	vld [tilespmem:s4+$0x18800];
	_ =	sdelay $0x2  }
0x27b: {  	v0 =	vadd.f32 v0, v1;
	_ =	sdelay $0x1  }
0x27c: {  	v0 =	vadd.f32 v2, v0;
	_ =	sdelay $0x1  }
0x27d: {  	v0 =	vsub.f32 $0.0e+00, v0;
	_ =	sdelay $0x1  }
0x27e: {  	v0 =	vmul.f32 $1.442695020e+00, v0;
	_ =	sdelay $0x1  }
0x27f: {  	(erf) = vpow2.f32 v0;
	_ =	sdelay $0x8  }
0x280: {  	v0 =	vpop (erf)  }
0x281: {  	v0 =	vadd.f32 $1.000000000e+00, v0;
	_ =	sdelay $0x1  }
0x282: {  	(erf) = vrcp.f32 v0;
	_ =	sdelay $0x8  }
0x283: {  	v0 =	vpop (erf)  }
0x284: {  	s20 =	simm.s32 $0x18A00;
	[tilespmem:s4+$0x18A00] =	vst v0  }
0x285: {  	[hbm4b:s5+s15] =	stream.indirect.scatter [tilespmem:s20], [sflag:$0x3], $0x1, s14, s15, $0xb8;
	[tilespmem:$0x18C00] =	vst v63  }
0x286: {  	s21 =	simm.s32 $0x480;
	s6 =	simm.s32 $0x18A80  }
0x287: {  	[hbm4b:s5+s15] =	stream.indirect.scatter [tilespmem:s6], [sflag:$0x3], $0x1, s21, s15, $0xb8;
	[tilespmem:$0x18C00] =	vst v63  }
0x288: {  	s22 =	simm.s32 $0x500;
	s26 =	simm.s32 $0x18B00  }
0x289: {  	[hbm4b:s5+s15] =	stream.indirect.scatter [tilespmem:s26], [sflag:$0x3], $0x1, s22, s15, $0xb8;
	[tilespmem:$0x18C00] =	vst v63  }
0x28a: {  	s28 =	simm.s32 $0x580;
	s29 =	simm.s32 $0x18B80  }
0x28b: {  	[hbm4b:s5+s15] =	stream.indirect.scatter [tilespmem:s29], [sflag:$0x3], $0x1, s28, s15, $0xb8;
	[tilespmem:$0x18C00] =	vst v63  }
0x28c: {  	_ =	swait.ge [sflag:s25], $0x80  }
0x28d: {  	[sflag:s25] =	ssyncset.done $0x0  }
0x28e: {  	[sflag:s25] =	ssyncadd.s32 $0xFFFFFF80  }
0x28f: {  	_ =	swait.ge [sflag:s25], $0x80  }
0x290: {  	[sflag:s25] =	ssyncset.done $0x0  }
0x291: {  	s18 =	sadd.s32 $0x1, s18;
	[sflag:s25] =	ssyncadd.s32 $0xFFFFFF80  }
0x292: {  	p0 =	sne.s32 s18, s11;
	_ =	swait.ge [sflag:s25], $0x80  }
.Ltmp2:
0x293: {  	[sflag:s25] =	ssyncset.done $0x0;
	(pc) =	sbr.rel @p0 .LBB2_1-.Ltmp2, $4  }
0x294: {  	[sflag:s25] =	ssyncadd.s32 $0xFFFFFF80  }
0x295: {  	_ =	swait.ge [sflag:s25], $0x80  }
0x296: {  	[sflag:s25] =	ssyncset.done $0x0  }
0x297: {  	[sflag:s25] =	ssyncadd.s32 $0xFFFFFF80  }
0x298: {  	_ =	sfence.sel $0x180000  }
0x299: {  	[bflag:$0x0] =	sbarrier.arrive $0xFFFF  }
0x29a: {  	_ =	strace $0x90000047  }
0x29b: {  	s0 =	stileid.u32;
	[bflag:$0x2] =	sbarrier.arrive $0xFFFF  }
0x29c: {  	p0 =	sne.s32 s0, $0x0;
	s0 =	rddreg [dreg:$0x8]  }
0x29d: {  	s0 =	sadd.s32 @!p0 $0x100000, s0  }
0x29e: {  	[sflag:s0] =	ssyncadd.tile.s32 @!p0 $0x1;
	_ =	shalt  }
.Lfunc_end2:
_tile_overlayer_lowered:
.L_overlay_start_2:
0x29f: {  	(tag) =	ssettag $0x2  }
0x2a0: {  	s0 =	rddreg [dreg:$0x0];
	s2 =	stileid.u32  }
0x2a1: {  	s1 =	rddreg [dreg:$0x1];
	p0 =	sne.s32 s2, $0x0  }
0x2a2: {  	s3 =	rddreg [dreg:$0x2];
	[bflag:$0x3] =	sbarrier.arrive $0xFFFF;
	s2 =	simm.s32 @!p0 $0x1C04  }
0x2a3: {  	[timem:s3], [sflag:s2] =	dma.local @!p0 [hbm:s0], s1  }
0x2a4: {  	s0 =	simm.s32 @!p0 $0x4  }
0x2a5: {  	_ =	swait.ge @!p0 [sflag:s0], s1  }
0x2a6: {  	s1 =	ssub.s32 @!p0 $0x0, s1;
	[sflag:s0] =	ssyncset.done @!p0 $0x0  }
0x2a7: {  	[sflag:s0] =	ssyncadd.s32 @!p0 s1  }
0x2a8: {  	[bflag:$0x3] =	sbarrier.arrive $0xFFFF  }
0x2a9: {  	_ =	shalt  }

</sc_bundles>
